<compile_context>
chip_gen: v7x
topology: tpu7x:2x2x1
jax: 0.10.2.dev20260603
libtpu: 0.0.44.dev20260713+nightly
codegen_flags: <defaults>
</compile_context>

<pallas_src>
import functools

import jax
import jax.numpy as jnp
from jax import lax
from jax.experimental import pallas as pl
from jax.experimental.pallas import tpu as pltpu
from jax.experimental.pallas import tpu_sc as plsc

N_A = 5000
N_B = 5000
N = N_A + N_B
D_IN = 128
EMB = 128
HID = 128
NC_OUT = 16
E = 256000

P = 10240
_TILES = 16
_JROWS = 8
_ROWS_SET = 2048
E_PAD = _ROWS_SET * 128
_TROWS = _ROWS_SET // (2 * _TILES)
_NSTEP = _TROWS // _JROWS
_RPT = P // _TILES
_ZCH = 128

_R1 = 1000
_BLK_A = N_A // _R1


def _stage1_body(feat_ref, wproj_ref, w1_ref, b1_ref, out_ref):
    f = feat_ref[...]
    h = jnp.dot(f, wproj_ref[0], preferred_element_type=jnp.float32)
    t = jnp.dot(h, w1_ref[...], preferred_element_type=jnp.float32) + b1_ref[...]
    t = jnp.maximum(t, 0.0)
    mean = jnp.mean(t, axis=1, keepdims=True)
    var = jnp.sum((t - mean) ** 2, axis=1, keepdims=True) / (t.shape[1] - 1)
    y = (t - mean) / jnp.sqrt(var)
    out_ref[...] = jnp.where(jnp.isnan(y), jnp.zeros_like(y), y)


def _stage1(feat, wproj2, w1, b1):
    return pl.pallas_call(
        _stage1_body,
        grid=(N // _R1,),
        in_specs=[
            pl.BlockSpec((_R1, D_IN), lambda i: (i, 0)),
            pl.BlockSpec((1, D_IN, EMB), lambda i: (i // _BLK_A, 0, 0)),
            pl.BlockSpec((EMB, HID), lambda i: (0, 0)),
            pl.BlockSpec((1, HID), lambda i: (0, 0)),
        ],
        out_specs=pl.BlockSpec((_R1, EMB), lambda i: (i, 0)),
        out_shape=jax.ShapeDtypeStruct((P, EMB), jnp.float32),
    )(feat, wproj2, w1, b1)


_R2 = 2000


def _wsum_body(c_ref, x_ref, t1, t2, t3, t4, out_ref):
    out_ref[...] = (c_ref[0, 0] * x_ref[...] + c_ref[0, 1] * t1[0]
                    + c_ref[0, 2] * t2[0] + c_ref[0, 3] * t3[0]
                    + c_ref[0, 4] * t4[0])


def _slab(block, j):
    def imap(i):
        return (j, i, 0)
    return pl.BlockSpec((1, block, EMB), imap)


def _wsum(coef, x, r1, r2):
    plain = pl.BlockSpec((_R2, EMB), lambda i: (i, 0))
    return pl.pallas_call(
        _wsum_body,
        grid=(N // _R2,),
        in_specs=[pl.BlockSpec(memory_space=pltpu.SMEM), plain,
                  _slab(_R2, 0), _slab(_R2, 1), _slab(_R2, 0), _slab(_R2, 1)],
        out_specs=plain,
        out_shape=jax.ShapeDtypeStruct((P, EMB), jnp.float32),
    )(coef.reshape(1, 5), x, r1, r1, r2, r2)


_R3 = 1000


def _final_body(c_ref, w2_ref, b2_ref, y_ref, t1, t2, t3, t4, out_ref):
    z = (c_ref[0, 0] * y_ref[...] + c_ref[0, 1] * t1[0]
         + c_ref[0, 2] * t2[0] + c_ref[0, 3] * t3[0] + c_ref[0, 4] * t4[0])
    out_ref[...] = (jnp.dot(z, w2_ref[...], preferred_element_type=jnp.float32)
                    + b2_ref[...])


def _final(coef, w2, b2, y, r3, r4):
    plain = pl.BlockSpec((_R3, EMB), lambda i: (i, 0))
    return pl.pallas_call(
        _final_body,
        grid=(N // _R3,),
        in_specs=[pl.BlockSpec(memory_space=pltpu.SMEM),
                  pl.BlockSpec((EMB, NC_OUT), lambda i: (0, 0)),
                  pl.BlockSpec((1, NC_OUT), lambda i: (0, 0)),
                  plain, _slab(_R3, 1), _slab(_R3, 0),
                  _slab(_R3, 1), _slab(_R3, 0)],
        out_specs=pl.BlockSpec((_R3, NC_OUT), lambda i: (i, 0)),
        out_shape=jax.ShapeDtypeStruct((N, NC_OUT), jnp.float32),
    )(coef.reshape(1, 5), w2, b2, y, r3, r3, r4, r4)




@functools.lru_cache(maxsize=None)
def _get_spmm():
    mesh = plsc.VectorSubcoreMesh(core_axis_name="c", subcore_axis_name="s")

    nbuf = 2

    @functools.partial(
        pl.kernel,
        out_type=jax.ShapeDtypeStruct((2 * P, EMB), jnp.float32),
        mesh=mesh,
        scratch_types=[
            pltpu.VMEM((_TROWS, 128), jnp.int32),
            pltpu.VMEM((_TROWS, 128), jnp.int32),
            pltpu.VMEM((nbuf, 128, EMB), jnp.float32),
            pltpu.VMEM_SHARED((P, EMB), jnp.float32),
            pltpu.SemaphoreType.DMA,
            pltpu.SemaphoreType.DMA,
            pltpu.SemaphoreType.DMA,
            pltpu.SemaphoreType.DMA,
        ],
    )
    def _spmm(table, dst2d, src2d, out, idxd, idxs, rows, acc, s0, s1, s2, s3):
        c = lax.axis_index("c")
        s = lax.axis_index("s")
        sems = ((s0, s1), (s2, s3))

        def zloop(i, carry):
            for j in range(8):
                rows[0, i, pl.ds(j * 16, 16)] = jnp.zeros((16,), jnp.float32)
            return carry
        lax.fori_loop(0, _ZCH, zloop, 0)
        for m in range(_RPT // _ZCH):
            pltpu.sync_copy(rows.at[0],
                            acc.at[pl.ds(s * _RPT + m * _ZCH, _ZCH)])
        plsc.subcore_barrier()

        def fire(k, m, h):
            pltpu.async_copy(table.at[idxs.at[k, pl.ds(64 * h, 64)]],
                             rows.at[m, pl.ds(64 * h, 64)], sems[m][h])

        def fwait(k, m, h):
            pltpu.make_async_copy(table.at[idxs.at[k, pl.ds(64 * h, 64)]],
                                  rows.at[m, pl.ds(64 * h, 64)],
                                  sems[m][h]).wait()

        for ph in range(2):
            row0 = c * _ROWS_SET + s * (2 * _TROWS) + ph * _TROWS
            pltpu.sync_copy(dst2d.at[pl.ds(row0, _TROWS)], idxd)
            pltpu.sync_copy(src2d.at[pl.ds(row0, _TROWS)], idxs)

            for m in range(nbuf):
                fire(m, m, 0)
                fire(m, m, 1)

            def step(k0, carry):
                for m in range(nbuf):
                    k = k0 * nbuf + m
                    fwait(k, m, 0)
                    fwait(k, m, 1)
                    pltpu.sync_copy(rows.at[m], acc.at[idxd.at[k]], add=True)

                    @pl.when(k + nbuf < _TROWS)
                    def _():
                        fire(k + nbuf, m, 0)
                        fire(k + nbuf, m, 1)
                return carry

            lax.fori_loop(0, _TROWS // nbuf, step, 0)
        plsc.subcore_barrier()

        pltpu.sync_copy(acc.at[pl.ds(s * _RPT, _RPT)],
                        out.at[pl.ds(c * P + s * _RPT, _RPT)])

    return _spmm


def _prep_edges(edge_ab, edge_ba):
    pad = E_PAD - E
    pad_dst = N + (jnp.arange(pad, dtype=jnp.int32) % (P - N))
    zpad = jnp.zeros((pad,), jnp.int32)
    dst = jnp.concatenate([edge_ab[0], pad_dst, edge_ba[0], pad_dst])
    src = jnp.concatenate([edge_ab[1], zpad, edge_ba[1], zpad])
    return dst.reshape(2 * _ROWS_SET, 128), src.reshape(2 * _ROWS_SET, 128)



def kernel(feat_A, feat_B, edge_AB, edge_BA, Wproj_A, Wproj_B,
           lin1_W, lin1_b, lin2_W, lin2_b, Wcoef):
    feat = jnp.concatenate([feat_A, feat_B], axis=0)
    wproj2 = jnp.stack([Wproj_A, Wproj_B])

    x = _stage1(feat, wproj2, lin1_W, lin1_b.reshape(1, HID))

    dst_all, src_all = _prep_edges(edge_AB, edge_BA)

    spmm = _get_spmm()

    def dual(t):
        return spmm(t, dst_all, src_all).reshape(2, P, EMB)

    r1 = dual(x)
    r2 = dual(r1[1])
    y = _wsum(Wcoef, x, r1, r2)

    r3 = dual(y)
    r4 = dual(r3[0])

    return _final(Wcoef, lin2_W, lin2_b.reshape(1, NC_OUT), y, r3, r4)

# --- scband reference (transcript-rebuilt; emitter-appended) ---
"""Pipeline reference for scband-pshgcn-32126355374617 (READ-ONLY COPY).

The authoritative reference and input builder live on the scoring server;
editing this copy changes nothing except your own understanding.
"""

import jax, jax.numpy as jnp
import numpy as np

N_A = 5000
N_B = 5000
N = N_A + N_B
D_IN = 128
EMB = 128
HID = 128
NC = 16
E = 256000


def _init_coef():
    coe_num = 5  # 1 + len(lis[1]) + len(lis[2]) = 1 + 2 + 2
    rng = np.random.RandomState(0)
    bound = np.sqrt(3.0 / coe_num)
    TEMP = rng.uniform(-bound, bound, coe_num)
    TEMP = TEMP / np.sum(np.abs(TEMP))
    return jnp.asarray(TEMP, dtype=jnp.float32)


def setup_inputs(seed: int = 0) -> dict:
    key = jax.random.key(seed)
    ks = jax.random.split(key, 12)
    feat_A = jax.random.normal(ks[0], (N_A, D_IN), dtype=jnp.float32)
    feat_B = jax.random.normal(ks[1], (N_B, D_IN), dtype=jnp.float32)
    edge_AB = jax.random.randint(ks[2], (2, E), 0, N, dtype=jnp.int32)
    edge_BA = jax.random.randint(ks[3], (2, E), 0, N, dtype=jnp.int32)
    Wproj_A = jax.random.normal(ks[4], (D_IN, EMB), dtype=jnp.float32) * (1.0 / np.sqrt(D_IN))
    Wproj_B = jax.random.normal(ks[5], (D_IN, EMB), dtype=jnp.float32) * (1.0 / np.sqrt(D_IN))
    lin1_W = jax.random.normal(ks[6], (EMB, HID), dtype=jnp.float32) * (1.0 / np.sqrt(EMB))
    lin1_b = jnp.zeros((HID,), dtype=jnp.float32)
    lin2_W = jax.random.normal(ks[7], (HID, NC), dtype=jnp.float32) * (1.0 / np.sqrt(HID))
    lin2_b = jnp.zeros((NC,), dtype=jnp.float32)
    Wcoef = _init_coef()
    return {
        'feat_A': feat_A, 'feat_B': feat_B,
        'edge_AB': edge_AB, 'edge_BA': edge_BA,
        'Wproj_A': Wproj_A, 'Wproj_B': Wproj_B,
        'lin1_W': lin1_W, 'lin1_b': lin1_b,
        'lin2_W': lin2_W, 'lin2_b': lin2_b,
        'Wcoef': Wcoef,
    }


def _spmm(edge_index, x, n):
    # out[dst] += x[src]; edge_index[0] = dst (row), edge_index[1] = src (col)
    gathered = jnp.take(x, edge_index[1], axis=0)
    return jax.ops.segment_sum(gathered, edge_index[0], num_segments=n)


def _normalize(x):
    mean = x.mean(axis=1, keepdims=True)
    var = ((x - mean) ** 2).sum(axis=1, keepdims=True) / (x.shape[1] - 1)
    std = jnp.sqrt(var)
    y = (x - mean) / std
    return jnp.where(jnp.isnan(y), jnp.zeros_like(y), y)


def reference(feat_A, feat_B, edge_AB, edge_BA, Wproj_A, Wproj_B,
              lin1_W, lin1_b, lin2_W, lin2_b, Wcoef):
    adjs = {'AB': edge_AB, 'BA': edge_BA}
    lis = [None, ['AB', 'BA'], ['ABBA', 'BABA']]
    lis_t = [None, ['BA', 'AB'], ['BAAB', 'ABAB']]

    hA = feat_A @ Wproj_A
    hB = feat_B @ Wproj_B
    x = jnp.concatenate([hA, hB], axis=0)
    x = jax.nn.relu(x @ lin1_W + lin1_b)
    x = _normalize(x)

    def poly(x, spec):
        ci = 0
        res = Wcoef[ci] * x
        ci += 1
        temp_lst = {}
        for k in (1, 2):
            temp_now = {}
            for j in spec[k]:
                if k == 1:
                    out = _spmm(adjs[j], x, N)
                else:
                    out = _spmm(adjs[j[:2]], temp_lst[j[2:]], N)
                temp_now[j] = out
                res = res + Wcoef[ci] * out
                ci += 1
            temp_lst = temp_now
        return res

    x = poly(x, lis)
    res = poly(x, lis_t)
    return res @ lin2_W + lin2_b

if __name__ == "__main__":
    import jax
    _d = setup_inputs()
    print(jax.jit(kernel)(*tuple(_d.values())))

</pallas_src>

<mosaic_0001>
#map = affine_map<(d0, d1) -> (0, 0)>
module attributes {stable_mosaic.version = 14 : i64} {
  func.func @_spmm(%arg0: i32, %arg1: i32, %arg2: memref<10240x128xf32, #tpu.memory_space<hbm>>, %arg3: memref<4096x128xi32, #tpu.memory_space<hbm>>, %arg4: memref<4096x128xi32, #tpu.memory_space<hbm>>, %arg5: memref<20480x128xf32, #tpu.memory_space<hbm>>, %arg6: memref<64x128xi32, #tpu.memory_space<vmem>>, %arg7: memref<64x128xi32, #tpu.memory_space<vmem>>, %arg8: memref<2x128x128xf32, #tpu.memory_space<vmem>>, %arg9: memref<10240x128xf32, #tpu.memory_space<vmem_shared>>, %arg10: memref<!tpu.dma_semaphore, #tpu.memory_space<semaphore_mem>>, %arg11: memref<!tpu.dma_semaphore, #tpu.memory_space<semaphore_mem>>, %arg12: memref<!tpu.dma_semaphore, #tpu.memory_space<semaphore_mem>>, %arg13: memref<!tpu.dma_semaphore, #tpu.memory_space<semaphore_mem>>) attributes {dimension_semantics = [#tpu.dimension_semantics<core_parallel>, #tpu.dimension_semantics<subcore_parallel>], iteration_bounds = array<i64: 2, 16>, scalar_prefetch = 0 : i64, scratch_operands = 8 : i64, tpu.core_type = #tpu.core_type<sc_vector_subcore>, window_params = [{transform_indices = #map}, {transform_indices = #map}, {transform_indices = #map}, {transform_indices = #map}]} {
    %scan3A = arith.constant 0 : i32
    %scan3A_0 = arith.constant 0 : i32
    %scan3A_1 = arith.constant 128 : i32
    %scan3A_2 = arith.addi %scan3A_0, %scan3A_1 : i32
    %scan3A_3 = arith.constant 1 : i32
    scf.for %scan3A_156 = %scan3A_0 to %scan3A_2 step %scan3A_3  : i32 {
      %broadcast_in_dim3A = arith.constant 0.000000e+00 : f32
      %broadcast_in_dim3A_157 = vector.broadcast %broadcast_in_dim3A : f32 to vector<16xf32>
      %swap3A = arith.constant 0 : i32
      %swap3A_158 = arith.index_cast %swap3A : i32 to index
      %swap3A_159 = arith.index_cast %scan3A_156 : i32 to index
      %swap3A_160 = arith.constant 0 : index
      %swap3A_161 = tpu.vector_load %arg8[%swap3A_158, %swap3A_159, %swap3A_160] {strides = array<i32>} : memref<2x128x128xf32, #tpu.memory_space<vmem>>, vector<1x1x16xf32>,
      %swap3A_162 = vector.shape_cast %swap3A_161 : vector<1x1x16xf32> to vector<16xf32>
      %swap3A_163 = vector.shape_cast %broadcast_in_dim3A_157 : vector<16xf32> to vector<1x1x16xf32>
      tpu.vector_store %arg8[%swap3A_158, %swap3A_159, %swap3A_160], %swap3A_163 {strides = array<i32>} : memref<2x128x128xf32, #tpu.memory_space<vmem>>, vector<1x1x16xf32>,
      %broadcast_in_dim3A_164 = arith.constant 0.000000e+00 : f32
      %broadcast_in_dim3A_165 = vector.broadcast %broadcast_in_dim3A_164 : f32 to vector<16xf32>
      %swap3A_166 = arith.constant 0 : i32
      %swap3A_167 = arith.index_cast %swap3A_166 : i32 to index
      %swap3A_168 = arith.index_cast %scan3A_156 : i32 to index
      %swap3A_169 = arith.constant 16 : index
      %swap3A_170 = tpu.vector_load %arg8[%swap3A_167, %swap3A_168, %swap3A_169] {strides = array<i32>} : memref<2x128x128xf32, #tpu.memory_space<vmem>>, vector<1x1x16xf32>,
      %swap3A_171 = vector.shape_cast %swap3A_170 : vector<1x1x16xf32> to vector<16xf32>
      %swap3A_172 = vector.shape_cast %broadcast_in_dim3A_165 : vector<16xf32> to vector<1x1x16xf32>
      tpu.vector_store %arg8[%swap3A_167, %swap3A_168, %swap3A_169], %swap3A_172 {strides = array<i32>} : memref<2x128x128xf32, #tpu.memory_space<vmem>>, vector<1x1x16xf32>,
      %broadcast_in_dim3A_173 = arith.constant 0.000000e+00 : f32
      %broadcast_in_dim3A_174 = vector.broadcast %broadcast_in_dim3A_173 : f32 to vector<16xf32>
      %swap3A_175 = arith.constant 0 : i32
      %swap3A_176 = arith.index_cast %swap3A_175 : i32 to index
      %swap3A_177 = arith.index_cast %scan3A_156 : i32 to index
      %swap3A_178 = arith.constant 32 : index
      %swap3A_179 = tpu.vector_load %arg8[%swap3A_176, %swap3A_177, %swap3A_178] {strides = array<i32>} : memref<2x128x128xf32, #tpu.memory_space<vmem>>, vector<1x1x16xf32>,
      %swap3A_180 = vector.shape_cast %swap3A_179 : vector<1x1x16xf32> to vector<16xf32>
      %swap3A_181 = vector.shape_cast %broadcast_in_dim3A_174 : vector<16xf32> to vector<1x1x16xf32>
      tpu.vector_store %arg8[%swap3A_176, %swap3A_177, %swap3A_178], %swap3A_181 {strides = array<i32>} : memref<2x128x128xf32, #tpu.memory_space<vmem>>, vector<1x1x16xf32>,
      %broadcast_in_dim3A_182 = arith.constant 0.000000e+00 : f32
      %broadcast_in_dim3A_183 = vector.broadcast %broadcast_in_dim3A_182 : f32 to vector<16xf32>
      %swap3A_184 = arith.constant 0 : i32
      %swap3A_185 = arith.index_cast %swap3A_184 : i32 to index
      %swap3A_186 = arith.index_cast %scan3A_156 : i32 to index
      %swap3A_187 = arith.constant 48 : index
      %swap3A_188 = tpu.vector_load %arg8[%swap3A_185, %swap3A_186, %swap3A_187] {strides = array<i32>} : memref<2x128x128xf32, #tpu.memory_space<vmem>>, vector<1x1x16xf32>,
      %swap3A_189 = vector.shape_cast %swap3A_188 : vector<1x1x16xf32> to vector<16xf32>
      %swap3A_190 = vector.shape_cast %broadcast_in_dim3A_183 : vector<16xf32> to vector<1x1x16xf32>
      tpu.vector_store %arg8[%swap3A_185, %swap3A_186, %swap3A_187], %swap3A_190 {strides = array<i32>} : memref<2x128x128xf32, #tpu.memory_space<vmem>>, vector<1x1x16xf32>,
      %broadcast_in_dim3A_191 = arith.constant 0.000000e+00 : f32
      %broadcast_in_dim3A_192 = vector.broadcast %broadcast_in_dim3A_191 : f32 to vector<16xf32>
      %swap3A_193 = arith.constant 0 : i32
      %swap3A_194 = arith.index_cast %swap3A_193 : i32 to index
      %swap3A_195 = arith.index_cast %scan3A_156 : i32 to index
      %swap3A_196 = arith.constant 64 : index
      %swap3A_197 = tpu.vector_load %arg8[%swap3A_194, %swap3A_195, %swap3A_196] {strides = array<i32>} : memref<2x128x128xf32, #tpu.memory_space<vmem>>, vector<1x1x16xf32>,
      %swap3A_198 = vector.shape_cast %swap3A_197 : vector<1x1x16xf32> to vector<16xf32>
      %swap3A_199 = vector.shape_cast %broadcast_in_dim3A_192 : vector<16xf32> to vector<1x1x16xf32>
      tpu.vector_store %arg8[%swap3A_194, %swap3A_195, %swap3A_196], %swap3A_199 {strides = array<i32>} : memref<2x128x128xf32, #tpu.memory_space<vmem>>, vector<1x1x16xf32>,
      %broadcast_in_dim3A_200 = arith.constant 0.000000e+00 : f32
      %broadcast_in_dim3A_201 = vector.broadcast %broadcast_in_dim3A_200 : f32 to vector<16xf32>
      %swap3A_202 = arith.constant 0 : i32
      %swap3A_203 = arith.index_cast %swap3A_202 : i32 to index
      %swap3A_204 = arith.index_cast %scan3A_156 : i32 to index
      %swap3A_205 = arith.constant 80 : index
      %swap3A_206 = tpu.vector_load %arg8[%swap3A_203, %swap3A_204, %swap3A_205] {strides = array<i32>} : memref<2x128x128xf32, #tpu.memory_space<vmem>>, vector<1x1x16xf32>,
      %swap3A_207 = vector.shape_cast %swap3A_206 : vector<1x1x16xf32> to vector<16xf32>
      %swap3A_208 = vector.shape_cast %broadcast_in_dim3A_201 : vector<16xf32> to vector<1x1x16xf32>
      tpu.vector_store %arg8[%swap3A_203, %swap3A_204, %swap3A_205], %swap3A_208 {strides = array<i32>} : memref<2x128x128xf32, #tpu.memory_space<vmem>>, vector<1x1x16xf32>,
      %broadcast_in_dim3A_209 = arith.constant 0.000000e+00 : f32
      %broadcast_in_dim3A_210 = vector.broadcast %broadcast_in_dim3A_209 : f32 to vector<16xf32>
      %swap3A_211 = arith.constant 0 : i32
      %swap3A_212 = arith.index_cast %swap3A_211 : i32 to index
      %swap3A_213 = arith.index_cast %scan3A_156 : i32 to index
      %swap3A_214 = arith.constant 96 : index
      %swap3A_215 = tpu.vector_load %arg8[%swap3A_212, %swap3A_213, %swap3A_214] {strides = array<i32>} : memref<2x128x128xf32, #tpu.memory_space<vmem>>, vector<1x1x16xf32>,
      %swap3A_216 = vector.shape_cast %swap3A_215 : vector<1x1x16xf32> to vector<16xf32>
      %swap3A_217 = vector.shape_cast %broadcast_in_dim3A_210 : vector<16xf32> to vector<1x1x16xf32>
      tpu.vector_store %arg8[%swap3A_212, %swap3A_213, %swap3A_214], %swap3A_217 {strides = array<i32>} : memref<2x128x128xf32, #tpu.memory_space<vmem>>, vector<1x1x16xf32>,
      %broadcast_in_dim3A_218 = arith.constant 0.000000e+00 : f32
      %broadcast_in_dim3A_219 = vector.broadcast %broadcast_in_dim3A_218 : f32 to vector<16xf32>
      %swap3A_220 = arith.constant 0 : i32
      %swap3A_221 = arith.index_cast %swap3A_220 : i32 to index
      %swap3A_222 = arith.index_cast %scan3A_156 : i32 to index
      %swap3A_223 = arith.constant 112 : index
      %swap3A_224 = tpu.vector_load %arg8[%swap3A_221, %swap3A_222, %swap3A_223] {strides = array<i32>} : memref<2x128x128xf32, #tpu.memory_space<vmem>>, vector<1x1x16xf32>,
      %swap3A_225 = vector.shape_cast %swap3A_224 : vector<1x1x16xf32> to vector<16xf32>
      %swap3A_226 = vector.shape_cast %broadcast_in_dim3A_219 : vector<16xf32> to vector<1x1x16xf32>
      tpu.vector_store %arg8[%swap3A_221, %swap3A_222, %swap3A_223], %swap3A_226 {strides = array<i32>} : memref<2x128x128xf32, #tpu.memory_space<vmem>>, vector<1x1x16xf32>,
    }
    %scan3A_4 = arith.constant 128 : i32
    %mul3A = arith.constant 640 : i32
    %mul3A_5 = arith.muli %arg1, %mul3A : i32
    %add3A = arith.constant 0 : i32
    %add3A_6 = arith.addi %mul3A_5, %add3A : i32
    %run_scoped3A = arith.constant 0 : i32
    "tpu.region"() ({
      %run_scoped3A_156 = tpu.sem_alloc : memref<!tpu.dma_semaphore, #tpu.memory_space<semaphore_mem>>
      %dma_start3A_157 = arith.constant 0 : i32
      %dma_start3A_158 = arith.constant 0 : i32
      %dma_start3A_159 = tpu.memref_slice %arg8[%run_scoped3A, %dma_start3A_157, %dma_start3A_158] : memref<2x128x128xf32, #tpu.memory_space<vmem>> -> memref<1x128x128xf32, #tpu.memory_space<vmem>>
      %dma_start3A_160 = tpu.memref_squeeze %dma_start3A_159 : memref<1x128x128xf32, #tpu.memory_space<vmem>> -> memref<128x128xf32, #tpu.memory_space<vmem>>
      %dma_start3A_161 = arith.constant 0 : i32
      %dma_start3A_162 = tpu.memref_slice %arg9[%add3A_6, %dma_start3A_161] : memref<10240x128xf32, #tpu.memory_space<vmem_shared>> -> memref<128x128xf32, #tpu.memory_space<vmem_shared>>
      %dma_start3A_163 = arith.constant 0 : i32
      %dma_start3A_164 = tpu.memref_slice %arg9[%add3A_6, %dma_start3A_163] : memref<10240x128xf32, #tpu.memory_space<vmem_shared>> -> memref<128x128xf32, #tpu.memory_space<vmem_shared>>
      %dma_start3A_165 = arith.constant 0 : i32
      %dma_start3A_166 = arith.constant 0 : i32
      %dma_start3A_167 = tpu.memref_slice %arg8[%run_scoped3A, %dma_start3A_165, %dma_start3A_166] : memref<2x128x128xf32, #tpu.memory_space<vmem>> -> memref<1x128x128xf32, #tpu.memory_space<vmem>>
      %dma_start3A_168 = tpu.memref_squeeze %dma_start3A_167 : memref<1x128x128xf32, #tpu.memory_space<vmem>> -> memref<128x128xf32, #tpu.memory_space<vmem>>
      tpu.enqueue_dma source(%dma_start3A_168 : memref<128x128xf32, #tpu.memory_space<vmem>>) target(%dma_start3A_164 : memref<128x128xf32, #tpu.memory_space<vmem_shared>>) target_semaphore(%run_scoped3A_156 : memref<!tpu.dma_semaphore, #tpu.memory_space<semaphore_mem>>)
      %dma_wait3A = arith.constant 0 : i32
      %dma_wait3A_169 = arith.constant 0 : i32
      %dma_wait3A_170 = tpu.memref_slice %arg8[%run_scoped3A, %dma_wait3A, %dma_wait3A_169] : memref<2x128x128xf32, #tpu.memory_space<vmem>> -> memref<1x128x128xf32, #tpu.memory_space<vmem>>
      %dma_wait3A_171 = tpu.memref_squeeze %dma_wait3A_170 : memref<1x128x128xf32, #tpu.memory_space<vmem>> -> memref<128x128xf32, #tpu.memory_space<vmem>>
      %dma_wait3A_172 = arith.constant 0 : i32
      %dma_wait3A_173 = tpu.memref_slice %arg9[%add3A_6, %dma_wait3A_172] : memref<10240x128xf32, #tpu.memory_space<vmem_shared>> -> memref<128x128xf32, #tpu.memory_space<vmem_shared>>
      %dma_wait3A_174 = arith.constant 0 : i32
      %dma_wait3A_175 = tpu.memref_slice %arg9[%add3A_6, %dma_wait3A_174] : memref<10240x128xf32, #tpu.memory_space<vmem_shared>> -> memref<128x128xf32, #tpu.memory_space<vmem_shared>>
      %dma_wait3A_176 = arith.constant 0 : i32
      %dma_wait3A_177 = arith.constant 0 : i32
      %dma_wait3A_178 = tpu.memref_slice %arg8[%run_scoped3A, %dma_wait3A_176, %dma_wait3A_177] : memref<2x128x128xf32, #tpu.memory_space<vmem>> -> memref<1x128x128xf32, #tpu.memory_space<vmem>>
      %dma_wait3A_179 = tpu.memref_squeeze %dma_wait3A_178 : memref<1x128x128xf32, #tpu.memory_space<vmem>> -> memref<128x128xf32, #tpu.memory_space<vmem>>
      tpu.wait_dma2 semaphore(%run_scoped3A_156 : memref<!tpu.dma_semaphore, #tpu.memory_space<semaphore_mem>>) src(%dma_wait3A_179 : memref<128x128xf32, #tpu.memory_space<vmem>>) dst(%dma_wait3A_175 : memref<128x128xf32, #tpu.memory_space<vmem_shared>>)
      tpu.yield
    }) : () -> ()
    %mul3A_7 = arith.constant 640 : i32
    %mul3A_8 = arith.muli %arg1, %mul3A_7 : i32
    %add3A_9 = arith.constant 128 : i32
    %add3A_10 = arith.addi %mul3A_8, %add3A_9 : i32
    %run_scoped3A_11 = arith.constant 0 : i32
    "tpu.region"() ({
      %run_scoped3A_156 = tpu.sem_alloc : memref<!tpu.dma_semaphore, #tpu.memory_space<semaphore_mem>>
      %dma_start3A_157 = arith.constant 0 : i32
      %dma_start3A_158 = arith.constant 0 : i32
      %dma_start3A_159 = tpu.memref_slice %arg8[%run_scoped3A_11, %dma_start3A_157, %dma_start3A_158] : memref<2x128x128xf32, #tpu.memory_space<vmem>> -> memref<1x128x128xf32, #tpu.memory_space<vmem>>
      %dma_start3A_160 = tpu.memref_squeeze %dma_start3A_159 : memref<1x128x128xf32, #tpu.memory_space<vmem>> -> memref<128x128xf32, #tpu.memory_space<vmem>>
      %dma_start3A_161 = arith.constant 0 : i32
      %dma_start3A_162 = tpu.memref_slice %arg9[%add3A_10, %dma_start3A_161] : memref<10240x128xf32, #tpu.memory_space<vmem_shared>> -> memref<128x128xf32, #tpu.memory_space<vmem_shared>>
      %dma_start3A_163 = arith.constant 0 : i32
      %dma_start3A_164 = tpu.memref_slice %arg9[%add3A_10, %dma_start3A_163] : memref<10240x128xf32, #tpu.memory_space<vmem_shared>> -> memref<128x128xf32, #tpu.memory_space<vmem_shared>>
      %dma_start3A_165 = arith.constant 0 : i32
      %dma_start3A_166 = arith.constant 0 : i32
      %dma_start3A_167 = tpu.memref_slice %arg8[%run_scoped3A_11, %dma_start3A_165, %dma_start3A_166] : memref<2x128x128xf32, #tpu.memory_space<vmem>> -> memref<1x128x128xf32, #tpu.memory_space<vmem>>
      %dma_start3A_168 = tpu.memref_squeeze %dma_start3A_167 : memref<1x128x128xf32, #tpu.memory_space<vmem>> -> memref<128x128xf32, #tpu.memory_space<vmem>>
      tpu.enqueue_dma source(%dma_start3A_168 : memref<128x128xf32, #tpu.memory_space<vmem>>) target(%dma_start3A_164 : memref<128x128xf32, #tpu.memory_space<vmem_shared>>) target_semaphore(%run_scoped3A_156 : memref<!tpu.dma_semaphore, #tpu.memory_space<semaphore_mem>>)
      %dma_wait3A = arith.constant 0 : i32
      %dma_wait3A_169 = arith.constant 0 : i32
      %dma_wait3A_170 = tpu.memref_slice %arg8[%run_scoped3A_11, %dma_wait3A, %dma_wait3A_169] : memref<2x128x128xf32, #tpu.memory_space<vmem>> -> memref<1x128x128xf32, #tpu.memory_space<vmem>>
      %dma_wait3A_171 = tpu.memref_squeeze %dma_wait3A_170 : memref<1x128x128xf32, #tpu.memory_space<vmem>> -> memref<128x128xf32, #tpu.memory_space<vmem>>
      %dma_wait3A_172 = arith.constant 0 : i32
      %dma_wait3A_173 = tpu.memref_slice %arg9[%add3A_10, %dma_wait3A_172] : memref<10240x128xf32, #tpu.memory_space<vmem_shared>> -> memref<128x128xf32, #tpu.memory_space<vmem_shared>>
      %dma_wait3A_174 = arith.constant 0 : i32
      %dma_wait3A_175 = tpu.memref_slice %arg9[%add3A_10, %dma_wait3A_174] : memref<10240x128xf32, #tpu.memory_space<vmem_shared>> -> memref<128x128xf32, #tpu.memory_space<vmem_shared>>
      %dma_wait3A_176 = arith.constant 0 : i32
      %dma_wait3A_177 = arith.constant 0 : i32
      %dma_wait3A_178 = tpu.memref_slice %arg8[%run_scoped3A_11, %dma_wait3A_176, %dma_wait3A_177] : memref<2x128x128xf32, #tpu.memory_space<vmem>> -> memref<1x128x128xf32, #tpu.memory_space<vmem>>
      %dma_wait3A_179 = tpu.memref_squeeze %dma_wait3A_178 : memref<1x128x128xf32, #tpu.memory_space<vmem>> -> memref<128x128xf32, #tpu.memory_space<vmem>>
      tpu.wait_dma2 semaphore(%run_scoped3A_156 : memref<!tpu.dma_semaphore, #tpu.memory_space<semaphore_mem>>) src(%dma_wait3A_179 : memref<128x128xf32, #tpu.memory_space<vmem>>) dst(%dma_wait3A_175 : memref<128x128xf32, #tpu.memory_space<vmem_shared>>)
      tpu.yield
    }) : () -> ()
    %mul3A_12 = arith.constant 640 : i32
    %mul3A_13 = arith.muli %arg1, %mul3A_12 : i32
    %add3A_14 = arith.constant 256 : i32
    %add3A_15 = arith.addi %mul3A_13, %add3A_14 : i32
    %run_scoped3A_16 = arith.constant 0 : i32
    "tpu.region"() ({
      %run_scoped3A_156 = tpu.sem_alloc : memref<!tpu.dma_semaphore, #tpu.memory_space<semaphore_mem>>
      %dma_start3A_157 = arith.constant 0 : i32
      %dma_start3A_158 = arith.constant 0 : i32
      %dma_start3A_159 = tpu.memref_slice %arg8[%run_scoped3A_16, %dma_start3A_157, %dma_start3A_158] : memref<2x128x128xf32, #tpu.memory_space<vmem>> -> memref<1x128x128xf32, #tpu.memory_space<vmem>>
      %dma_start3A_160 = tpu.memref_squeeze %dma_start3A_159 : memref<1x128x128xf32, #tpu.memory_space<vmem>> -> memref<128x128xf32, #tpu.memory_space<vmem>>
      %dma_start3A_161 = arith.constant 0 : i32
      %dma_start3A_162 = tpu.memref_slice %arg9[%add3A_15, %dma_start3A_161] : memref<10240x128xf32, #tpu.memory_space<vmem_shared>> -> memref<128x128xf32, #tpu.memory_space<vmem_shared>>
      %dma_start3A_163 = arith.constant 0 : i32
      %dma_start3A_164 = tpu.memref_slice %arg9[%add3A_15, %dma_start3A_163] : memref<10240x128xf32, #tpu.memory_space<vmem_shared>> -> memref<128x128xf32, #tpu.memory_space<vmem_shared>>
      %dma_start3A_165 = arith.constant 0 : i32
      %dma_start3A_166 = arith.constant 0 : i32
      %dma_start3A_167 = tpu.memref_slice %arg8[%run_scoped3A_16, %dma_start3A_165, %dma_start3A_166] : memref<2x128x128xf32, #tpu.memory_space<vmem>> -> memref<1x128x128xf32, #tpu.memory_space<vmem>>
      %dma_start3A_168 = tpu.memref_squeeze %dma_start3A_167 : memref<1x128x128xf32, #tpu.memory_space<vmem>> -> memref<128x128xf32, #tpu.memory_space<vmem>>
      tpu.enqueue_dma source(%dma_start3A_168 : memref<128x128xf32, #tpu.memory_space<vmem>>) target(%dma_start3A_164 : memref<128x128xf32, #tpu.memory_space<vmem_shared>>) target_semaphore(%run_scoped3A_156 : memref<!tpu.dma_semaphore, #tpu.memory_space<semaphore_mem>>)
      %dma_wait3A = arith.constant 0 : i32
      %dma_wait3A_169 = arith.constant 0 : i32
      %dma_wait3A_170 = tpu.memref_slice %arg8[%run_scoped3A_16, %dma_wait3A, %dma_wait3A_169] : memref<2x128x128xf32, #tpu.memory_space<vmem>> -> memref<1x128x128xf32, #tpu.memory_space<vmem>>
      %dma_wait3A_171 = tpu.memref_squeeze %dma_wait3A_170 : memref<1x128x128xf32, #tpu.memory_space<vmem>> -> memref<128x128xf32, #tpu.memory_space<vmem>>
      %dma_wait3A_172 = arith.constant 0 : i32
      %dma_wait3A_173 = tpu.memref_slice %arg9[%add3A_15, %dma_wait3A_172] : memref<10240x128xf32, #tpu.memory_space<vmem_shared>> -> memref<128x128xf32, #tpu.memory_space<vmem_shared>>
      %dma_wait3A_174 = arith.constant 0 : i32
      %dma_wait3A_175 = tpu.memref_slice %arg9[%add3A_15, %dma_wait3A_174] : memref<10240x128xf32, #tpu.memory_space<vmem_shared>> -> memref<128x128xf32, #tpu.memory_space<vmem_shared>>
      %dma_wait3A_176 = arith.constant 0 : i32
      %dma_wait3A_177 = arith.constant 0 : i32
      %dma_wait3A_178 = tpu.memref_slice %arg8[%run_scoped3A_16, %dma_wait3A_176, %dma_wait3A_177] : memref<2x128x128xf32, #tpu.memory_space<vmem>> -> memref<1x128x128xf32, #tpu.memory_space<vmem>>
      %dma_wait3A_179 = tpu.memref_squeeze %dma_wait3A_178 : memref<1x128x128xf32, #tpu.memory_space<vmem>> -> memref<128x128xf32, #tpu.memory_space<vmem>>
      tpu.wait_dma2 semaphore(%run_scoped3A_156 : memref<!tpu.dma_semaphore, #tpu.memory_space<semaphore_mem>>) src(%dma_wait3A_179 : memref<128x128xf32, #tpu.memory_space<vmem>>) dst(%dma_wait3A_175 : memref<128x128xf32, #tpu.memory_space<vmem_shared>>)
      tpu.yield
    }) : () -> ()
    %mul3A_17 = arith.constant 640 : i32
    %mul3A_18 = arith.muli %arg1, %mul3A_17 : i32
    %add3A_19 = arith.constant 384 : i32
    %add3A_20 = arith.addi %mul3A_18, %add3A_19 : i32
    %run_scoped3A_21 = arith.constant 0 : i32
    "tpu.region"() ({
      %run_scoped3A_156 = tpu.sem_alloc : memref<!tpu.dma_semaphore, #tpu.memory_space<semaphore_mem>>
      %dma_start3A_157 = arith.constant 0 : i32
      %dma_start3A_158 = arith.constant 0 : i32
      %dma_start3A_159 = tpu.memref_slice %arg8[%run_scoped3A_21, %dma_start3A_157, %dma_start3A_158] : memref<2x128x128xf32, #tpu.memory_space<vmem>> -> memref<1x128x128xf32, #tpu.memory_space<vmem>>
      %dma_start3A_160 = tpu.memref_squeeze %dma_start3A_159 : memref<1x128x128xf32, #tpu.memory_space<vmem>> -> memref<128x128xf32, #tpu.memory_space<vmem>>
      %dma_start3A_161 = arith.constant 0 : i32
      %dma_start3A_162 = tpu.memref_slice %arg9[%add3A_20, %dma_start3A_161] : memref<10240x128xf32, #tpu.memory_space<vmem_shared>> -> memref<128x128xf32, #tpu.memory_space<vmem_shared>>
      %dma_start3A_163 = arith.constant 0 : i32
      %dma_start3A_164 = tpu.memref_slice %arg9[%add3A_20, %dma_start3A_163] : memref<10240x128xf32, #tpu.memory_space<vmem_shared>> -> memref<128x128xf32, #tpu.memory_space<vmem_shared>>
      %dma_start3A_165 = arith.constant 0 : i32
      %dma_start3A_166 = arith.constant 0 : i32
      %dma_start3A_167 = tpu.memref_slice %arg8[%run_scoped3A_21, %dma_start3A_165, %dma_start3A_166] : memref<2x128x128xf32, #tpu.memory_space<vmem>> -> memref<1x128x128xf32, #tpu.memory_space<vmem>>
      %dma_start3A_168 = tpu.memref_squeeze %dma_start3A_167 : memref<1x128x128xf32, #tpu.memory_space<vmem>> -> memref<128x128xf32, #tpu.memory_space<vmem>>
      tpu.enqueue_dma source(%dma_start3A_168 : memref<128x128xf32, #tpu.memory_space<vmem>>) target(%dma_start3A_164 : memref<128x128xf32, #tpu.memory_space<vmem_shared>>) target_semaphore(%run_scoped3A_156 : memref<!tpu.dma_semaphore, #tpu.memory_space<semaphore_mem>>)
      %dma_wait3A = arith.constant 0 : i32
      %dma_wait3A_169 = arith.constant 0 : i32
      %dma_wait3A_170 = tpu.memref_slice %arg8[%run_scoped3A_21, %dma_wait3A, %dma_wait3A_169] : memref<2x128x128xf32, #tpu.memory_space<vmem>> -> memref<1x128x128xf32, #tpu.memory_space<vmem>>
      %dma_wait3A_171 = tpu.memref_squeeze %dma_wait3A_170 : memref<1x128x128xf32, #tpu.memory_space<vmem>> -> memref<128x128xf32, #tpu.memory_space<vmem>>
      %dma_wait3A_172 = arith.constant 0 : i32
      %dma_wait3A_173 = tpu.memref_slice %arg9[%add3A_20, %dma_wait3A_172] : memref<10240x128xf32, #tpu.memory_space<vmem_shared>> -> memref<128x128xf32, #tpu.memory_space<vmem_shared>>
      %dma_wait3A_174 = arith.constant 0 : i32
      %dma_wait3A_175 = tpu.memref_slice %arg9[%add3A_20, %dma_wait3A_174] : memref<10240x128xf32, #tpu.memory_space<vmem_shared>> -> memref<128x128xf32, #tpu.memory_space<vmem_shared>>
      %dma_wait3A_176 = arith.constant 0 : i32
      %dma_wait3A_177 = arith.constant 0 : i32
      %dma_wait3A_178 = tpu.memref_slice %arg8[%run_scoped3A_21, %dma_wait3A_176, %dma_wait3A_177] : memref<2x128x128xf32, #tpu.memory_space<vmem>> -> memref<1x128x128xf32, #tpu.memory_space<vmem>>
      %dma_wait3A_179 = tpu.memref_squeeze %dma_wait3A_178 : memref<1x128x128xf32, #tpu.memory_space<vmem>> -> memref<128x128xf32, #tpu.memory_space<vmem>>
      tpu.wait_dma2 semaphore(%run_scoped3A_156 : memref<!tpu.dma_semaphore, #tpu.memory_space<semaphore_mem>>) src(%dma_wait3A_179 : memref<128x128xf32, #tpu.memory_space<vmem>>) dst(%dma_wait3A_175 : memref<128x128xf32, #tpu.memory_space<vmem_shared>>)
      tpu.yield
    }) : () -> ()
    %mul3A_22 = arith.constant 640 : i32
    %mul3A_23 = arith.muli %arg1, %mul3A_22 : i32
    %add3A_24 = arith.constant 512 : i32
    %add3A_25 = arith.addi %mul3A_23, %add3A_24 : i32
    %run_scoped3A_26 = arith.constant 0 : i32
    "tpu.region"() ({
      %run_scoped3A_156 = tpu.sem_alloc : memref<!tpu.dma_semaphore, #tpu.memory_space<semaphore_mem>>
      %dma_start3A_157 = arith.constant 0 : i32
      %dma_start3A_158 = arith.constant 0 : i32
      %dma_start3A_159 = tpu.memref_slice %arg8[%run_scoped3A_26, %dma_start3A_157, %dma_start3A_158] : memref<2x128x128xf32, #tpu.memory_space<vmem>> -> memref<1x128x128xf32, #tpu.memory_space<vmem>>
      %dma_start3A_160 = tpu.memref_squeeze %dma_start3A_159 : memref<1x128x128xf32, #tpu.memory_space<vmem>> -> memref<128x128xf32, #tpu.memory_space<vmem>>
      %dma_start3A_161 = arith.constant 0 : i32
      %dma_start3A_162 = tpu.memref_slice %arg9[%add3A_25, %dma_start3A_161] : memref<10240x128xf32, #tpu.memory_space<vmem_shared>> -> memref<128x128xf32, #tpu.memory_space<vmem_shared>>
      %dma_start3A_163 = arith.constant 0 : i32
      %dma_start3A_164 = tpu.memref_slice %arg9[%add3A_25, %dma_start3A_163] : memref<10240x128xf32, #tpu.memory_space<vmem_shared>> -> memref<128x128xf32, #tpu.memory_space<vmem_shared>>
      %dma_start3A_165 = arith.constant 0 : i32
      %dma_start3A_166 = arith.constant 0 : i32
      %dma_start3A_167 = tpu.memref_slice %arg8[%run_scoped3A_26, %dma_start3A_165, %dma_start3A_166] : memref<2x128x128xf32, #tpu.memory_space<vmem>> -> memref<1x128x128xf32, #tpu.memory_space<vmem>>
      %dma_start3A_168 = tpu.memref_squeeze %dma_start3A_167 : memref<1x128x128xf32, #tpu.memory_space<vmem>> -> memref<128x128xf32, #tpu.memory_space<vmem>>
      tpu.enqueue_dma source(%dma_start3A_168 : memref<128x128xf32, #tpu.memory_space<vmem>>) target(%dma_start3A_164 : memref<128x128xf32, #tpu.memory_space<vmem_shared>>) target_semaphore(%run_scoped3A_156 : memref<!tpu.dma_semaphore, #tpu.memory_space<semaphore_mem>>)
      %dma_wait3A = arith.constant 0 : i32
      %dma_wait3A_169 = arith.constant 0 : i32
      %dma_wait3A_170 = tpu.memref_slice %arg8[%run_scoped3A_26, %dma_wait3A, %dma_wait3A_169] : memref<2x128x128xf32, #tpu.memory_space<vmem>> -> memref<1x128x128xf32, #tpu.memory_space<vmem>>
      %dma_wait3A_171 = tpu.memref_squeeze %dma_wait3A_170 : memref<1x128x128xf32, #tpu.memory_space<vmem>> -> memref<128x128xf32, #tpu.memory_space<vmem>>
      %dma_wait3A_172 = arith.constant 0 : i32
      %dma_wait3A_173 = tpu.memref_slice %arg9[%add3A_25, %dma_wait3A_172] : memref<10240x128xf32, #tpu.memory_space<vmem_shared>> -> memref<128x128xf32, #tpu.memory_space<vmem_shared>>
      %dma_wait3A_174 = arith.constant 0 : i32
      %dma_wait3A_175 = tpu.memref_slice %arg9[%add3A_25, %dma_wait3A_174] : memref<10240x128xf32, #tpu.memory_space<vmem_shared>> -> memref<128x128xf32, #tpu.memory_space<vmem_shared>>
      %dma_wait3A_176 = arith.constant 0 : i32
      %dma_wait3A_177 = arith.constant 0 : i32
      %dma_wait3A_178 = tpu.memref_slice %arg8[%run_scoped3A_26, %dma_wait3A_176, %dma_wait3A_177] : memref<2x128x128xf32, #tpu.memory_space<vmem>> -> memref<1x128x128xf32, #tpu.memory_space<vmem>>
      %dma_wait3A_179 = tpu.memref_squeeze %dma_wait3A_178 : memref<1x128x128xf32, #tpu.memory_space<vmem>> -> memref<128x128xf32, #tpu.memory_space<vmem>>
      tpu.wait_dma2 semaphore(%run_scoped3A_156 : memref<!tpu.dma_semaphore, #tpu.memory_space<semaphore_mem>>) src(%dma_wait3A_179 : memref<128x128xf32, #tpu.memory_space<vmem>>) dst(%dma_wait3A_175 : memref<128x128xf32, #tpu.memory_space<vmem_shared>>)
      tpu.yield
    }) : () -> ()
    %barrier3A = arith.constant 0 : index
    tpu.barrier barrier_id(%barrier3A)
    %mul3A_27 = arith.constant 2048 : i32
    %mul3A_28 = arith.muli %arg0, %mul3A_27 : i32
    %mul3A_29 = arith.constant 128 : i32
    %mul3A_30 = arith.muli %arg1, %mul3A_29 : i32
    %add3A_31 = arith.addi %mul3A_28, %mul3A_30 : i32
    %add3A_32 = arith.constant 0 : i32
    %add3A_33 = arith.addi %add3A_31, %add3A_32 : i32
    "tpu.region"() ({
      %run_scoped3A_156 = tpu.sem_alloc : memref<!tpu.dma_semaphore, #tpu.memory_space<semaphore_mem>>
      %dma_start3A_157 = arith.constant 0 : i32
      %dma_start3A_158 = tpu.memref_slice %arg3[%add3A_33, %dma_start3A_157] : memref<4096x128xi32, #tpu.memory_space<hbm>> -> memref<64x128xi32, #tpu.memory_space<hbm>>
      %dma_start3A_159 = arith.constant 0 : i32
      %dma_start3A_160 = tpu.memref_slice %arg3[%add3A_33, %dma_start3A_159] : memref<4096x128xi32, #tpu.memory_space<hbm>> -> memref<64x128xi32, #tpu.memory_space<hbm>>
      tpu.enqueue_dma source(%dma_start3A_160 : memref<64x128xi32, #tpu.memory_space<hbm>>) target(%arg6 : memref<64x128xi32, #tpu.memory_space<vmem>>) target_semaphore(%run_scoped3A_156 : memref<!tpu.dma_semaphore, #tpu.memory_space<semaphore_mem>>)
      %dma_wait3A = arith.constant 0 : i32
      %dma_wait3A_161 = tpu.memref_slice %arg3[%add3A_33, %dma_wait3A] : memref<4096x128xi32, #tpu.memory_space<hbm>> -> memref<64x128xi32, #tpu.memory_space<hbm>>
      %dma_wait3A_162 = arith.constant 0 : i32
      %dma_wait3A_163 = tpu.memref_slice %arg3[%add3A_33, %dma_wait3A_162] : memref<4096x128xi32, #tpu.memory_space<hbm>> -> memref<64x128xi32, #tpu.memory_space<hbm>>
      tpu.wait_dma2 semaphore(%run_scoped3A_156 : memref<!tpu.dma_semaphore, #tpu.memory_space<semaphore_mem>>) src(%dma_wait3A_163 : memref<64x128xi32, #tpu.memory_space<hbm>>) dst(%arg6 : memref<64x128xi32, #tpu.memory_space<vmem>>)
      tpu.yield
    }) : () -> ()
    "tpu.region"() ({
      %run_scoped3A_156 = tpu.sem_alloc : memref<!tpu.dma_semaphore, #tpu.memory_space<semaphore_mem>>
      %dma_start3A_157 = arith.constant 0 : i32
      %dma_start3A_158 = tpu.memref_slice %arg4[%add3A_33, %dma_start3A_157] : memref<4096x128xi32, #tpu.memory_space<hbm>> -> memref<64x128xi32, #tpu.memory_space<hbm>>
      %dma_start3A_159 = arith.constant 0 : i32
      %dma_start3A_160 = tpu.memref_slice %arg4[%add3A_33, %dma_start3A_159] : memref<4096x128xi32, #tpu.memory_space<hbm>> -> memref<64x128xi32, #tpu.memory_space<hbm>>
      tpu.enqueue_dma source(%dma_start3A_160 : memref<64x128xi32, #tpu.memory_space<hbm>>) target(%arg7 : memref<64x128xi32, #tpu.memory_space<vmem>>) target_semaphore(%run_scoped3A_156 : memref<!tpu.dma_semaphore, #tpu.memory_space<semaphore_mem>>)
      %dma_wait3A = arith.constant 0 : i32
      %dma_wait3A_161 = tpu.memref_slice %arg4[%add3A_33, %dma_wait3A] : memref<4096x128xi32, #tpu.memory_space<hbm>> -> memref<64x128xi32, #tpu.memory_space<hbm>>
      %dma_wait3A_162 = arith.constant 0 : i32
      %dma_wait3A_163 = tpu.memref_slice %arg4[%add3A_33, %dma_wait3A_162] : memref<4096x128xi32, #tpu.memory_space<hbm>> -> memref<64x128xi32, #tpu.memory_space<hbm>>
      tpu.wait_dma2 semaphore(%run_scoped3A_156 : memref<!tpu.dma_semaphore, #tpu.memory_space<semaphore_mem>>) src(%dma_wait3A_163 : memref<64x128xi32, #tpu.memory_space<hbm>>) dst(%arg7 : memref<64x128xi32, #tpu.memory_space<vmem>>)
      tpu.yield
    }) : () -> ()
    %dma_start3A = arith.constant 0 : i32
    %dma_start3A_34 = arith.constant 0 : i32
    %dma_start3A_35 = arith.constant 0 : i32
    %dma_start3A_36 = arith.constant 0 : i32
    %dma_start3A_37 = tpu.memref_slice %arg8[%dma_start3A_34, %dma_start3A_35, %dma_start3A_36] : memref<2x128x128xf32, #tpu.memory_space<vmem>> -> memref<1x64x128xf32, #tpu.memory_space<vmem>>
    %dma_start3A_38 = tpu.memref_squeeze %dma_start3A_37 : memref<1x64x128xf32, #tpu.memory_space<vmem>> -> memref<64x128xf32, #tpu.memory_space<vmem>>
    %dma_start3A_39 = arith.constant 0 : i32
    %dma_start3A_40 = tpu.memref_slice %arg7[%dma_start3A, %dma_start3A_39] : memref<64x128xi32, #tpu.memory_space<vmem>> -> memref<1x64xi32, #tpu.memory_space<vmem>>
    %dma_start3A_41 = tpu.memref_squeeze %dma_start3A_40 : memref<1x64xi32, #tpu.memory_space<vmem>> -> memref<64xi32, #tpu.memory_space<vmem>>
    %dma_start3A_42 = arith.constant 0 : i32
    %dma_start3A_43 = arith.constant 0 : i32
    %dma_start3A_44 = tpu.memref_slice %arg2[%dma_start3A_42, %dma_start3A_43] : memref<10240x128xf32, #tpu.memory_space<hbm>> -> memref<10240x128xf32, #tpu.memory_space<hbm>>
    tpu.enqueue_indirect_dma source(%dma_start3A_44 : memref<10240x128xf32, #tpu.memory_space<hbm>>) target(%dma_start3A_38 : memref<64x128xf32, #tpu.memory_space<vmem>>) offsets(%dma_start3A_41 : memref<64xi32, #tpu.memory_space<vmem>>) semaphore(%arg10 : memref<!tpu.dma_semaphore, #tpu.memory_space<semaphore_mem>>)
    %dma_start3A_45 = arith.constant 0 : i32
    %dma_start3A_46 = arith.constant 0 : i32
    %dma_start3A_47 = arith.constant 64 : i32
    %dma_start3A_48 = arith.constant 0 : i32
    %dma_start3A_49 = tpu.memref_slice %arg8[%dma_start3A_46, %dma_start3A_47, %dma_start3A_48] : memref<2x128x128xf32, #tpu.memory_space<vmem>> -> memref<1x64x128xf32, #tpu.memory_space<vmem>>
    %dma_start3A_50 = tpu.memref_squeeze %dma_start3A_49 : memref<1x64x128xf32, #tpu.memory_space<vmem>> -> memref<64x128xf32, #tpu.memory_space<vmem>>
    %dma_start3A_51 = arith.constant 64 : i32
    %dma_start3A_52 = tpu.memref_slice %arg7[%dma_start3A_45, %dma_start3A_51] : memref<64x128xi32, #tpu.memory_space<vmem>> -> memref<1x64xi32, #tpu.memory_space<vmem>>
    %dma_start3A_53 = tpu.memref_squeeze %dma_start3A_52 : memref<1x64xi32, #tpu.memory_space<vmem>> -> memref<64xi32, #tpu.memory_space<vmem>>
    %dma_start3A_54 = arith.constant 0 : i32
    %dma_start3A_55 = arith.constant 0 : i32
    %dma_start3A_56 = tpu.memref_slice %arg2[%dma_start3A_54, %dma_start3A_55] : memref<10240x128xf32, #tpu.memory_space<hbm>> -> memref<10240x128xf32, #tpu.memory_space<hbm>>
    tpu.enqueue_indirect_dma source(%dma_start3A_56 : memref<10240x128xf32, #tpu.memory_space<hbm>>) target(%dma_start3A_50 : memref<64x128xf32, #tpu.memory_space<vmem>>) offsets(%dma_start3A_53 : memref<64xi32, #tpu.memory_space<vmem>>) semaphore(%arg11 : memref<!tpu.dma_semaphore, #tpu.memory_space<semaphore_mem>>)
    %dma_start3A_57 = arith.constant 1 : i32
    %dma_start3A_58 = arith.constant 1 : i32
    %dma_start3A_59 = arith.constant 0 : i32
    %dma_start3A_60 = arith.constant 0 : i32
    %dma_start3A_61 = tpu.memref_slice %arg8[%dma_start3A_58, %dma_start3A_59, %dma_start3A_60] : memref<2x128x128xf32, #tpu.memory_space<vmem>> -> memref<1x64x128xf32, #tpu.memory_space<vmem>>
    %dma_start3A_62 = tpu.memref_squeeze %dma_start3A_61 : memref<1x64x128xf32, #tpu.memory_space<vmem>> -> memref<64x128xf32, #tpu.memory_space<vmem>>
    %dma_start3A_63 = arith.constant 0 : i32
    %dma_start3A_64 = tpu.memref_slice %arg7[%dma_start3A_57, %dma_start3A_63] : memref<64x128xi32, #tpu.memory_space<vmem>> -> memref<1x64xi32, #tpu.memory_space<vmem>>
    %dma_start3A_65 = tpu.memref_squeeze %dma_start3A_64 : memref<1x64xi32, #tpu.memory_space<vmem>> -> memref<64xi32, #tpu.memory_space<vmem>>
    %dma_start3A_66 = arith.constant 0 : i32
    %dma_start3A_67 = arith.constant 0 : i32
    %dma_start3A_68 = tpu.memref_slice %arg2[%dma_start3A_66, %dma_start3A_67] : memref<10240x128xf32, #tpu.memory_space<hbm>> -> memref<10240x128xf32, #tpu.memory_space<hbm>>
    tpu.enqueue_indirect_dma source(%dma_start3A_68 : memref<10240x128xf32, #tpu.memory_space<hbm>>) target(%dma_start3A_62 : memref<64x128xf32, #tpu.memory_space<vmem>>) offsets(%dma_start3A_65 : memref<64xi32, #tpu.memory_space<vmem>>) semaphore(%arg12 : memref<!tpu.dma_semaphore, #tpu.memory_space<semaphore_mem>>)
    %dma_start3A_69 = arith.constant 1 : i32
    %dma_start3A_70 = arith.constant 1 : i32
    %dma_start3A_71 = arith.constant 64 : i32
    %dma_start3A_72 = arith.constant 0 : i32
    %dma_start3A_73 = tpu.memref_slice %arg8[%dma_start3A_70, %dma_start3A_71, %dma_start3A_72] : memref<2x128x128xf32, #tpu.memory_space<vmem>> -> memref<1x64x128xf32, #tpu.memory_space<vmem>>
    %dma_start3A_74 = tpu.memref_squeeze %dma_start3A_73 : memref<1x64x128xf32, #tpu.memory_space<vmem>> -> memref<64x128xf32, #tpu.memory_space<vmem>>
    %dma_start3A_75 = arith.constant 64 : i32
    %dma_start3A_76 = tpu.memref_slice %arg7[%dma_start3A_69, %dma_start3A_75] : memref<64x128xi32, #tpu.memory_space<vmem>> -> memref<1x64xi32, #tpu.memory_space<vmem>>
    %dma_start3A_77 = tpu.memref_squeeze %dma_start3A_76 : memref<1x64xi32, #tpu.memory_space<vmem>> -> memref<64xi32, #tpu.memory_space<vmem>>
    %dma_start3A_78 = arith.constant 0 : i32
    %dma_start3A_79 = arith.constant 0 : i32
    %dma_start3A_80 = tpu.memref_slice %arg2[%dma_start3A_78, %dma_start3A_79] : memref<10240x128xf32, #tpu.memory_space<hbm>> -> memref<10240x128xf32, #tpu.memory_space<hbm>>
    tpu.enqueue_indirect_dma source(%dma_start3A_80 : memref<10240x128xf32, #tpu.memory_space<hbm>>) target(%dma_start3A_74 : memref<64x128xf32, #tpu.memory_space<vmem>>) offsets(%dma_start3A_77 : memref<64xi32, #tpu.memory_space<vmem>>) semaphore(%arg13 : memref<!tpu.dma_semaphore, #tpu.memory_space<semaphore_mem>>)
    %scan3A_81 = arith.constant 0 : i32
    %scan3A_82 = arith.constant 0 : i32
    %scan3A_83 = arith.constant 32 : i32
    %scan3A_84 = arith.addi %scan3A_82, %scan3A_83 : i32
    %scan3A_85 = arith.constant 1 : i32
    scf.for %scan3A_156 = %scan3A_82 to %scan3A_84 step %scan3A_85  : i32 {
      %mul3A_157 = arith.constant 2 : i32
      %mul3A_158 = arith.muli %scan3A_156, %mul3A_157 : i32
      %add3A_159 = arith.constant 0 : i32
      %add3A_160 = arith.addi %mul3A_158, %add3A_159 : i32
      %dma_wait3A = arith.constant 0 : i32
      %dma_wait3A_161 = arith.constant 0 : i32
      %dma_wait3A_162 = arith.constant 0 : i32
      %dma_wait3A_163 = tpu.memref_slice %arg8[%dma_wait3A, %dma_wait3A_161, %dma_wait3A_162] : memref<2x128x128xf32, #tpu.memory_space<vmem>> -> memref<1x64x128xf32, #tpu.memory_space<vmem>>
      %dma_wait3A_164 = tpu.memref_squeeze %dma_wait3A_163 : memref<1x64x128xf32, #tpu.memory_space<vmem>> -> memref<64x128xf32, #tpu.memory_space<vmem>>
      %dma_wait3A_165 = arith.constant 0 : i32
      %dma_wait3A_166 = tpu.memref_slice %arg7[%add3A_160, %dma_wait3A_165] : memref<64x128xi32, #tpu.memory_space<vmem>> -> memref<1x64xi32, #tpu.memory_space<vmem>>
      %dma_wait3A_167 = tpu.memref_squeeze %dma_wait3A_166 : memref<1x64xi32, #tpu.memory_space<vmem>> -> memref<64xi32, #tpu.memory_space<vmem>>
      %dma_wait3A_168 = arith.constant 0 : i32
      %dma_wait3A_169 = arith.constant 0 : i32
      %dma_wait3A_170 = tpu.memref_slice %arg2[%dma_wait3A_168, %dma_wait3A_169] : memref<10240x128xf32, #tpu.memory_space<hbm>> -> memref<10240x128xf32, #tpu.memory_space<hbm>>
      tpu.wait_indirect_dma semaphore(%arg10 : memref<!tpu.dma_semaphore, #tpu.memory_space<semaphore_mem>>) src(%dma_wait3A_170 : memref<10240x128xf32, #tpu.memory_space<hbm>>) dst(%dma_wait3A_164 : memref<64x128xf32, #tpu.memory_space<vmem>>)
      %dma_wait3A_171 = arith.constant 0 : i32
      %dma_wait3A_172 = arith.constant 64 : i32
      %dma_wait3A_173 = arith.constant 0 : i32
      %dma_wait3A_174 = tpu.memref_slice %arg8[%dma_wait3A_171, %dma_wait3A_172, %dma_wait3A_173] : memref<2x128x128xf32, #tpu.memory_space<vmem>> -> memref<1x64x128xf32, #tpu.memory_space<vmem>>
      %dma_wait3A_175 = tpu.memref_squeeze %dma_wait3A_174 : memref<1x64x128xf32, #tpu.memory_space<vmem>> -> memref<64x128xf32, #tpu.memory_space<vmem>>
      %dma_wait3A_176 = arith.constant 64 : i32
      %dma_wait3A_177 = tpu.memref_slice %arg7[%add3A_160, %dma_wait3A_176] : memref<64x128xi32, #tpu.memory_space<vmem>> -> memref<1x64xi32, #tpu.memory_space<vmem>>
      %dma_wait3A_178 = tpu.memref_squeeze %dma_wait3A_177 : memref<1x64xi32, #tpu.memory_space<vmem>> -> memref<64xi32, #tpu.memory_space<vmem>>
      %dma_wait3A_179 = arith.constant 0 : i32
      %dma_wait3A_180 = arith.constant 0 : i32
      %dma_wait3A_181 = tpu.memref_slice %arg2[%dma_wait3A_179, %dma_wait3A_180] : memref<10240x128xf32, #tpu.memory_space<hbm>> -> memref<10240x128xf32, #tpu.memory_space<hbm>>
      tpu.wait_indirect_dma semaphore(%arg11 : memref<!tpu.dma_semaphore, #tpu.memory_space<semaphore_mem>>) src(%dma_wait3A_181 : memref<10240x128xf32, #tpu.memory_space<hbm>>) dst(%dma_wait3A_175 : memref<64x128xf32, #tpu.memory_space<vmem>>)
      %run_scoped3A_182 = arith.constant 0 : i32
      "tpu.region"() ({
        %run_scoped3A_221 = tpu.sem_alloc : memref<!tpu.dma_semaphore, #tpu.memory_space<semaphore_mem>>
        %dma_start3A_222 = arith.constant 0 : i32
        %dma_start3A_223 = arith.constant 0 : i32
        %dma_start3A_224 = tpu.memref_slice %arg8[%run_scoped3A_182, %dma_start3A_222, %dma_start3A_223] : memref<2x128x128xf32, #tpu.memory_space<vmem>> -> memref<1x128x128xf32, #tpu.memory_space<vmem>>
        %dma_start3A_225 = tpu.memref_squeeze %dma_start3A_224 : memref<1x128x128xf32, #tpu.memory_space<vmem>> -> memref<128x128xf32, #tpu.memory_space<vmem>>
        %dma_start3A_226 = arith.constant 0 : i32
        %dma_start3A_227 = tpu.memref_slice %arg6[%add3A_160, %dma_start3A_226] : memref<64x128xi32, #tpu.memory_space<vmem>> -> memref<1x128xi32, #tpu.memory_space<vmem>>
        %dma_start3A_228 = tpu.memref_squeeze %dma_start3A_227 : memref<1x128xi32, #tpu.memory_space<vmem>> -> memref<128xi32, #tpu.memory_space<vmem>>
        %dma_start3A_229 = arith.constant 0 : i32
        %dma_start3A_230 = arith.constant 0 : i32
        %dma_start3A_231 = tpu.memref_slice %arg9[%dma_start3A_229, %dma_start3A_230] : memref<10240x128xf32, #tpu.memory_space<vmem_shared>> -> memref<10240x128xf32, #tpu.memory_space<vmem_shared>>
        tpu.enqueue_indirect_dma source(%dma_start3A_225 : memref<128x128xf32, #tpu.memory_space<vmem>>) target(%dma_start3A_231 : memref<10240x128xf32, #tpu.memory_space<vmem_shared>>) offsets(%dma_start3A_228 : memref<128xi32, #tpu.memory_space<vmem>>) semaphore(%run_scoped3A_221 : memref<!tpu.dma_semaphore, #tpu.memory_space<semaphore_mem>>) {add = true}
        %dma_wait3A_232 = arith.constant 0 : i32
        %dma_wait3A_233 = arith.constant 0 : i32
        %dma_wait3A_234 = tpu.memref_slice %arg8[%run_scoped3A_182, %dma_wait3A_232, %dma_wait3A_233] : memref<2x128x128xf32, #tpu.memory_space<vmem>> -> memref<1x128x128xf32, #tpu.memory_space<vmem>>
        %dma_wait3A_235 = tpu.memref_squeeze %dma_wait3A_234 : memref<1x128x128xf32, #tpu.memory_space<vmem>> -> memref<128x128xf32, #tpu.memory_space<vmem>>
        %dma_wait3A_236 = arith.constant 0 : i32
        %dma_wait3A_237 = tpu.memref_slice %arg6[%add3A_160, %dma_wait3A_236] : memref<64x128xi32, #tpu.memory_space<vmem>> -> memref<1x128xi32, #tpu.memory_space<vmem>>
        %dma_wait3A_238 = tpu.memref_squeeze %dma_wait3A_237 : memref<1x128xi32, #tpu.memory_space<vmem>> -> memref<128xi32, #tpu.memory_space<vmem>>
        %dma_wait3A_239 = arith.constant 0 : i32
        %dma_wait3A_240 = arith.constant 0 : i32
        %dma_wait3A_241 = tpu.memref_slice %arg9[%dma_wait3A_239, %dma_wait3A_240] : memref<10240x128xf32, #tpu.memory_space<vmem_shared>> -> memref<10240x128xf32, #tpu.memory_space<vmem_shared>>
        tpu.wait_indirect_dma semaphore(%run_scoped3A_221 : memref<!tpu.dma_semaphore, #tpu.memory_space<semaphore_mem>>) src(%dma_wait3A_235 : memref<128x128xf32, #tpu.memory_space<vmem>>) dst(%dma_wait3A_241 : memref<10240x128xf32, #tpu.memory_space<vmem_shared>>)
        tpu.yield
      }) : () -> ()
      %add3A_183 = arith.constant 2 : i32
      %add3A_184 = arith.addi %add3A_160, %add3A_183 : i32
      %lt3A = arith.constant 64 : i32
      %lt3A_185 = arith.cmpi slt, %add3A_184, %lt3A : i32
      %convert_element_type3A = arith.extui %lt3A_185 : i1 to i32
      %cond3A = arith.constant 0 : i32
      %cond3A_186 = arith.cmpi ne, %convert_element_type3A, %cond3A : i32
      scf.if %cond3A_186 {
        %add3A_221 = arith.constant 2 : i32
        %add3A_222 = arith.addi %add3A_160, %add3A_221 : i32
        %dma_start3A_223 = arith.constant 0 : i32
        %dma_start3A_224 = arith.constant 0 : i32
        %dma_start3A_225 = arith.constant 0 : i32
        %dma_start3A_226 = tpu.memref_slice %arg8[%dma_start3A_223, %dma_start3A_224, %dma_start3A_225] : memref<2x128x128xf32, #tpu.memory_space<vmem>> -> memref<1x64x128xf32, #tpu.memory_space<vmem>>
        %dma_start3A_227 = tpu.memref_squeeze %dma_start3A_226 : memref<1x64x128xf32, #tpu.memory_space<vmem>> -> memref<64x128xf32, #tpu.memory_space<vmem>>
        %dma_start3A_228 = arith.constant 0 : i32
        %dma_start3A_229 = tpu.memref_slice %arg7[%add3A_222, %dma_start3A_228] : memref<64x128xi32, #tpu.memory_space<vmem>> -> memref<1x64xi32, #tpu.memory_space<vmem>>
        %dma_start3A_230 = tpu.memref_squeeze %dma_start3A_229 : memref<1x64xi32, #tpu.memory_space<vmem>> -> memref<64xi32, #tpu.memory_space<vmem>>
        %dma_start3A_231 = arith.constant 0 : i32
        %dma_start3A_232 = arith.constant 0 : i32
        %dma_start3A_233 = tpu.memref_slice %arg2[%dma_start3A_231, %dma_start3A_232] : memref<10240x128xf32, #tpu.memory_space<hbm>> -> memref<10240x128xf32, #tpu.memory_space<hbm>>
        tpu.enqueue_indirect_dma source(%dma_start3A_233 : memref<10240x128xf32, #tpu.memory_space<hbm>>) target(%dma_start3A_227 : memref<64x128xf32, #tpu.memory_space<vmem>>) offsets(%dma_start3A_230 : memref<64xi32, #tpu.memory_space<vmem>>) semaphore(%arg10 : memref<!tpu.dma_semaphore, #tpu.memory_space<semaphore_mem>>)
        %add3A_234 = arith.constant 2 : i32
        %add3A_235 = arith.addi %add3A_160, %add3A_234 : i32
        %dma_start3A_236 = arith.constant 0 : i32
        %dma_start3A_237 = arith.constant 64 : i32
        %dma_start3A_238 = arith.constant 0 : i32
        %dma_start3A_239 = tpu.memref_slice %arg8[%dma_start3A_236, %dma_start3A_237, %dma_start3A_238] : memref<2x128x128xf32, #tpu.memory_space<vmem>> -> memref<1x64x128xf32, #tpu.memory_space<vmem>>
        %dma_start3A_240 = tpu.memref_squeeze %dma_start3A_239 : memref<1x64x128xf32, #tpu.memory_space<vmem>> -> memref<64x128xf32, #tpu.memory_space<vmem>>
        %dma_start3A_241 = arith.constant 64 : i32
        %dma_start3A_242 = tpu.memref_slice %arg7[%add3A_235, %dma_start3A_241] : memref<64x128xi32, #tpu.memory_space<vmem>> -> memref<1x64xi32, #tpu.memory_space<vmem>>
        %dma_start3A_243 = tpu.memref_squeeze %dma_start3A_242 : memref<1x64xi32, #tpu.memory_space<vmem>> -> memref<64xi32, #tpu.memory_space<vmem>>
        %dma_start3A_244 = arith.constant 0 : i32
        %dma_start3A_245 = arith.constant 0 : i32
        %dma_start3A_246 = tpu.memref_slice %arg2[%dma_start3A_244, %dma_start3A_245] : memref<10240x128xf32, #tpu.memory_space<hbm>> -> memref<10240x128xf32, #tpu.memory_space<hbm>>
        tpu.enqueue_indirect_dma source(%dma_start3A_246 : memref<10240x128xf32, #tpu.memory_space<hbm>>) target(%dma_start3A_240 : memref<64x128xf32, #tpu.memory_space<vmem>>) offsets(%dma_start3A_243 : memref<64xi32, #tpu.memory_space<vmem>>) semaphore(%arg11 : memref<!tpu.dma_semaphore, #tpu.memory_space<semaphore_mem>>)
      } else {
      }
      %mul3A_187 = arith.constant 2 : i32
      %mul3A_188 = arith.muli %scan3A_156, %mul3A_187 : i32
      %add3A_189 = arith.constant 1 : i32
      %add3A_190 = arith.addi %mul3A_188, %add3A_189 : i32
      %dma_wait3A_191 = arith.constant 1 : i32
      %dma_wait3A_192 = arith.constant 0 : i32
      %dma_wait3A_193 = arith.constant 0 : i32
      %dma_wait3A_194 = tpu.memref_slice %arg8[%dma_wait3A_191, %dma_wait3A_192, %dma_wait3A_193] : memref<2x128x128xf32, #tpu.memory_space<vmem>> -> memref<1x64x128xf32, #tpu.memory_space<vmem>>
      %dma_wait3A_195 = tpu.memref_squeeze %dma_wait3A_194 : memref<1x64x128xf32, #tpu.memory_space<vmem>> -> memref<64x128xf32, #tpu.memory_space<vmem>>
      %dma_wait3A_196 = arith.constant 0 : i32
      %dma_wait3A_197 = tpu.memref_slice %arg7[%add3A_190, %dma_wait3A_196] : memref<64x128xi32, #tpu.memory_space<vmem>> -> memref<1x64xi32, #tpu.memory_space<vmem>>
      %dma_wait3A_198 = tpu.memref_squeeze %dma_wait3A_197 : memref<1x64xi32, #tpu.memory_space<vmem>> -> memref<64xi32, #tpu.memory_space<vmem>>
      %dma_wait3A_199 = arith.constant 0 : i32
      %dma_wait3A_200 = arith.constant 0 : i32
      %dma_wait3A_201 = tpu.memref_slice %arg2[%dma_wait3A_199, %dma_wait3A_200] : memref<10240x128xf32, #tpu.memory_space<hbm>> -> memref<10240x128xf32, #tpu.memory_space<hbm>>
      tpu.wait_indirect_dma semaphore(%arg12 : memref<!tpu.dma_semaphore, #tpu.memory_space<semaphore_mem>>) src(%dma_wait3A_201 : memref<10240x128xf32, #tpu.memory_space<hbm>>) dst(%dma_wait3A_195 : memref<64x128xf32, #tpu.memory_space<vmem>>)
      %dma_wait3A_202 = arith.constant 1 : i32
      %dma_wait3A_203 = arith.constant 64 : i32
      %dma_wait3A_204 = arith.constant 0 : i32
      %dma_wait3A_205 = tpu.memref_slice %arg8[%dma_wait3A_202, %dma_wait3A_203, %dma_wait3A_204] : memref<2x128x128xf32, #tpu.memory_space<vmem>> -> memref<1x64x128xf32, #tpu.memory_space<vmem>>
      %dma_wait3A_206 = tpu.memref_squeeze %dma_wait3A_205 : memref<1x64x128xf32, #tpu.memory_space<vmem>> -> memref<64x128xf32, #tpu.memory_space<vmem>>
      %dma_wait3A_207 = arith.constant 64 : i32
      %dma_wait3A_208 = tpu.memref_slice %arg7[%add3A_190, %dma_wait3A_207] : memref<64x128xi32, #tpu.memory_space<vmem>> -> memref<1x64xi32, #tpu.memory_space<vmem>>
      %dma_wait3A_209 = tpu.memref_squeeze %dma_wait3A_208 : memref<1x64xi32, #tpu.memory_space<vmem>> -> memref<64xi32, #tpu.memory_space<vmem>>
      %dma_wait3A_210 = arith.constant 0 : i32
      %dma_wait3A_211 = arith.constant 0 : i32
      %dma_wait3A_212 = tpu.memref_slice %arg2[%dma_wait3A_210, %dma_wait3A_211] : memref<10240x128xf32, #tpu.memory_space<hbm>> -> memref<10240x128xf32, #tpu.memory_space<hbm>>
      tpu.wait_indirect_dma semaphore(%arg13 : memref<!tpu.dma_semaphore, #tpu.memory_space<semaphore_mem>>) src(%dma_wait3A_212 : memref<10240x128xf32, #tpu.memory_space<hbm>>) dst(%dma_wait3A_206 : memref<64x128xf32, #tpu.memory_space<vmem>>)
      %run_scoped3A_213 = arith.constant 1 : i32
      "tpu.region"() ({
        %run_scoped3A_221 = tpu.sem_alloc : memref<!tpu.dma_semaphore, #tpu.memory_space<semaphore_mem>>
        %dma_start3A_222 = arith.constant 0 : i32
        %dma_start3A_223 = arith.constant 0 : i32
        %dma_start3A_224 = tpu.memref_slice %arg8[%run_scoped3A_213, %dma_start3A_222, %dma_start3A_223] : memref<2x128x128xf32, #tpu.memory_space<vmem>> -> memref<1x128x128xf32, #tpu.memory_space<vmem>>
        %dma_start3A_225 = tpu.memref_squeeze %dma_start3A_224 : memref<1x128x128xf32, #tpu.memory_space<vmem>> -> memref<128x128xf32, #tpu.memory_space<vmem>>
        %dma_start3A_226 = arith.constant 0 : i32
        %dma_start3A_227 = tpu.memref_slice %arg6[%add3A_190, %dma_start3A_226] : memref<64x128xi32, #tpu.memory_space<vmem>> -> memref<1x128xi32, #tpu.memory_space<vmem>>
        %dma_start3A_228 = tpu.memref_squeeze %dma_start3A_227 : memref<1x128xi32, #tpu.memory_space<vmem>> -> memref<128xi32, #tpu.memory_space<vmem>>
        %dma_start3A_229 = arith.constant 0 : i32
        %dma_start3A_230 = arith.constant 0 : i32
        %dma_start3A_231 = tpu.memref_slice %arg9[%dma_start3A_229, %dma_start3A_230] : memref<10240x128xf32, #tpu.memory_space<vmem_shared>> -> memref<10240x128xf32, #tpu.memory_space<vmem_shared>>
        tpu.enqueue_indirect_dma source(%dma_start3A_225 : memref<128x128xf32, #tpu.memory_space<vmem>>) target(%dma_start3A_231 : memref<10240x128xf32, #tpu.memory_space<vmem_shared>>) offsets(%dma_start3A_228 : memref<128xi32, #tpu.memory_space<vmem>>) semaphore(%run_scoped3A_221 : memref<!tpu.dma_semaphore, #tpu.memory_space<semaphore_mem>>) {add = true}
        %dma_wait3A_232 = arith.constant 0 : i32
        %dma_wait3A_233 = arith.constant 0 : i32
        %dma_wait3A_234 = tpu.memref_slice %arg8[%run_scoped3A_213, %dma_wait3A_232, %dma_wait3A_233] : memref<2x128x128xf32, #tpu.memory_space<vmem>> -> memref<1x128x128xf32, #tpu.memory_space<vmem>>
        %dma_wait3A_235 = tpu.memref_squeeze %dma_wait3A_234 : memref<1x128x128xf32, #tpu.memory_space<vmem>> -> memref<128x128xf32, #tpu.memory_space<vmem>>
        %dma_wait3A_236 = arith.constant 0 : i32
        %dma_wait3A_237 = tpu.memref_slice %arg6[%add3A_190, %dma_wait3A_236] : memref<64x128xi32, #tpu.memory_space<vmem>> -> memref<1x128xi32, #tpu.memory_space<vmem>>
        %dma_wait3A_238 = tpu.memref_squeeze %dma_wait3A_237 : memref<1x128xi32, #tpu.memory_space<vmem>> -> memref<128xi32, #tpu.memory_space<vmem>>
        %dma_wait3A_239 = arith.constant 0 : i32
        %dma_wait3A_240 = arith.constant 0 : i32
        %dma_wait3A_241 = tpu.memref_slice %arg9[%dma_wait3A_239, %dma_wait3A_240] : memref<10240x128xf32, #tpu.memory_space<vmem_shared>> -> memref<10240x128xf32, #tpu.memory_space<vmem_shared>>
        tpu.wait_indirect_dma semaphore(%run_scoped3A_221 : memref<!tpu.dma_semaphore, #tpu.memory_space<semaphore_mem>>) src(%dma_wait3A_235 : memref<128x128xf32, #tpu.memory_space<vmem>>) dst(%dma_wait3A_241 : memref<10240x128xf32, #tpu.memory_space<vmem_shared>>)
        tpu.yield
      }) : () -> ()
      %add3A_214 = arith.constant 2 : i32
      %add3A_215 = arith.addi %add3A_190, %add3A_214 : i32
      %lt3A_216 = arith.constant 64 : i32
      %lt3A_217 = arith.cmpi slt, %add3A_215, %lt3A_216 : i32
      %convert_element_type3A_218 = arith.extui %lt3A_217 : i1 to i32
      %cond3A_219 = arith.constant 0 : i32
      %cond3A_220 = arith.cmpi ne, %convert_element_type3A_218, %cond3A_219 : i32
      scf.if %cond3A_220 {
        %add3A_221 = arith.constant 2 : i32
        %add3A_222 = arith.addi %add3A_190, %add3A_221 : i32
        %dma_start3A_223 = arith.constant 1 : i32
        %dma_start3A_224 = arith.constant 0 : i32
        %dma_start3A_225 = arith.constant 0 : i32
        %dma_start3A_226 = tpu.memref_slice %arg8[%dma_start3A_223, %dma_start3A_224, %dma_start3A_225] : memref<2x128x128xf32, #tpu.memory_space<vmem>> -> memref<1x64x128xf32, #tpu.memory_space<vmem>>
        %dma_start3A_227 = tpu.memref_squeeze %dma_start3A_226 : memref<1x64x128xf32, #tpu.memory_space<vmem>> -> memref<64x128xf32, #tpu.memory_space<vmem>>
        %dma_start3A_228 = arith.constant 0 : i32
        %dma_start3A_229 = tpu.memref_slice %arg7[%add3A_222, %dma_start3A_228] : memref<64x128xi32, #tpu.memory_space<vmem>> -> memref<1x64xi32, #tpu.memory_space<vmem>>
        %dma_start3A_230 = tpu.memref_squeeze %dma_start3A_229 : memref<1x64xi32, #tpu.memory_space<vmem>> -> memref<64xi32, #tpu.memory_space<vmem>>
        %dma_start3A_231 = arith.constant 0 : i32
        %dma_start3A_232 = arith.constant 0 : i32
        %dma_start3A_233 = tpu.memref_slice %arg2[%dma_start3A_231, %dma_start3A_232] : memref<10240x128xf32, #tpu.memory_space<hbm>> -> memref<10240x128xf32, #tpu.memory_space<hbm>>
        tpu.enqueue_indirect_dma source(%dma_start3A_233 : memref<10240x128xf32, #tpu.memory_space<hbm>>) target(%dma_start3A_227 : memref<64x128xf32, #tpu.memory_space<vmem>>) offsets(%dma_start3A_230 : memref<64xi32, #tpu.memory_space<vmem>>) semaphore(%arg12 : memref<!tpu.dma_semaphore, #tpu.memory_space<semaphore_mem>>)
        %add3A_234 = arith.constant 2 : i32
        %add3A_235 = arith.addi %add3A_190, %add3A_234 : i32
        %dma_start3A_236 = arith.constant 1 : i32
        %dma_start3A_237 = arith.constant 64 : i32
        %dma_start3A_238 = arith.constant 0 : i32
        %dma_start3A_239 = tpu.memref_slice %arg8[%dma_start3A_236, %dma_start3A_237, %dma_start3A_238] : memref<2x128x128xf32, #tpu.memory_space<vmem>> -> memref<1x64x128xf32, #tpu.memory_space<vmem>>
        %dma_start3A_240 = tpu.memref_squeeze %dma_start3A_239 : memref<1x64x128xf32, #tpu.memory_space<vmem>> -> memref<64x128xf32, #tpu.memory_space<vmem>>
        %dma_start3A_241 = arith.constant 64 : i32
        %dma_start3A_242 = tpu.memref_slice %arg7[%add3A_235, %dma_start3A_241] : memref<64x128xi32, #tpu.memory_space<vmem>> -> memref<1x64xi32, #tpu.memory_space<vmem>>
        %dma_start3A_243 = tpu.memref_squeeze %dma_start3A_242 : memref<1x64xi32, #tpu.memory_space<vmem>> -> memref<64xi32, #tpu.memory_space<vmem>>
        %dma_start3A_244 = arith.constant 0 : i32
        %dma_start3A_245 = arith.constant 0 : i32
        %dma_start3A_246 = tpu.memref_slice %arg2[%dma_start3A_244, %dma_start3A_245] : memref<10240x128xf32, #tpu.memory_space<hbm>> -> memref<10240x128xf32, #tpu.memory_space<hbm>>
        tpu.enqueue_indirect_dma source(%dma_start3A_246 : memref<10240x128xf32, #tpu.memory_space<hbm>>) target(%dma_start3A_240 : memref<64x128xf32, #tpu.memory_space<vmem>>) offsets(%dma_start3A_243 : memref<64xi32, #tpu.memory_space<vmem>>) semaphore(%arg13 : memref<!tpu.dma_semaphore, #tpu.memory_space<semaphore_mem>>)
      } else {
      }
    }
    %scan3A_86 = arith.constant 32 : i32
    %mul3A_87 = arith.constant 2048 : i32
    %mul3A_88 = arith.muli %arg0, %mul3A_87 : i32
    %mul3A_89 = arith.constant 128 : i32
    %mul3A_90 = arith.muli %arg1, %mul3A_89 : i32
    %add3A_91 = arith.addi %mul3A_88, %mul3A_90 : i32
    %add3A_92 = arith.constant 64 : i32
    %add3A_93 = arith.addi %add3A_91, %add3A_92 : i32
    "tpu.region"() ({
      %run_scoped3A_156 = tpu.sem_alloc : memref<!tpu.dma_semaphore, #tpu.memory_space<semaphore_mem>>
      %dma_start3A_157 = arith.constant 0 : i32
      %dma_start3A_158 = tpu.memref_slice %arg3[%add3A_93, %dma_start3A_157] : memref<4096x128xi32, #tpu.memory_space<hbm>> -> memref<64x128xi32, #tpu.memory_space<hbm>>
      %dma_start3A_159 = arith.constant 0 : i32
      %dma_start3A_160 = tpu.memref_slice %arg3[%add3A_93, %dma_start3A_159] : memref<4096x128xi32, #tpu.memory_space<hbm>> -> memref<64x128xi32, #tpu.memory_space<hbm>>
      tpu.enqueue_dma source(%dma_start3A_160 : memref<64x128xi32, #tpu.memory_space<hbm>>) target(%arg6 : memref<64x128xi32, #tpu.memory_space<vmem>>) target_semaphore(%run_scoped3A_156 : memref<!tpu.dma_semaphore, #tpu.memory_space<semaphore_mem>>)
      %dma_wait3A = arith.constant 0 : i32
      %dma_wait3A_161 = tpu.memref_slice %arg3[%add3A_93, %dma_wait3A] : memref<4096x128xi32, #tpu.memory_space<hbm>> -> memref<64x128xi32, #tpu.memory_space<hbm>>
      %dma_wait3A_162 = arith.constant 0 : i32
      %dma_wait3A_163 = tpu.memref_slice %arg3[%add3A_93, %dma_wait3A_162] : memref<4096x128xi32, #tpu.memory_space<hbm>> -> memref<64x128xi32, #tpu.memory_space<hbm>>
      tpu.wait_dma2 semaphore(%run_scoped3A_156 : memref<!tpu.dma_semaphore, #tpu.memory_space<semaphore_mem>>) src(%dma_wait3A_163 : memref<64x128xi32, #tpu.memory_space<hbm>>) dst(%arg6 : memref<64x128xi32, #tpu.memory_space<vmem>>)
      tpu.yield
    }) : () -> ()
    "tpu.region"() ({
      %run_scoped3A_156 = tpu.sem_alloc : memref<!tpu.dma_semaphore, #tpu.memory_space<semaphore_mem>>
      %dma_start3A_157 = arith.constant 0 : i32
      %dma_start3A_158 = tpu.memref_slice %arg4[%add3A_93, %dma_start3A_157] : memref<4096x128xi32, #tpu.memory_space<hbm>> -> memref<64x128xi32, #tpu.memory_space<hbm>>
      %dma_start3A_159 = arith.constant 0 : i32
      %dma_start3A_160 = tpu.memref_slice %arg4[%add3A_93, %dma_start3A_159] : memref<4096x128xi32, #tpu.memory_space<hbm>> -> memref<64x128xi32, #tpu.memory_space<hbm>>
      tpu.enqueue_dma source(%dma_start3A_160 : memref<64x128xi32, #tpu.memory_space<hbm>>) target(%arg7 : memref<64x128xi32, #tpu.memory_space<vmem>>) target_semaphore(%run_scoped3A_156 : memref<!tpu.dma_semaphore, #tpu.memory_space<semaphore_mem>>)
      %dma_wait3A = arith.constant 0 : i32
      %dma_wait3A_161 = tpu.memref_slice %arg4[%add3A_93, %dma_wait3A] : memref<4096x128xi32, #tpu.memory_space<hbm>> -> memref<64x128xi32, #tpu.memory_space<hbm>>
      %dma_wait3A_162 = arith.constant 0 : i32
      %dma_wait3A_163 = tpu.memref_slice %arg4[%add3A_93, %dma_wait3A_162] : memref<4096x128xi32, #tpu.memory_space<hbm>> -> memref<64x128xi32, #tpu.memory_space<hbm>>
      tpu.wait_dma2 semaphore(%run_scoped3A_156 : memref<!tpu.dma_semaphore, #tpu.memory_space<semaphore_mem>>) src(%dma_wait3A_163 : memref<64x128xi32, #tpu.memory_space<hbm>>) dst(%arg7 : memref<64x128xi32, #tpu.memory_space<vmem>>)
      tpu.yield
    }) : () -> ()
    %dma_start3A_94 = arith.constant 0 : i32
    %dma_start3A_95 = arith.constant 0 : i32
    %dma_start3A_96 = arith.constant 0 : i32
    %dma_start3A_97 = arith.constant 0 : i32
    %dma_start3A_98 = tpu.memref_slice %arg8[%dma_start3A_95, %dma_start3A_96, %dma_start3A_97] : memref<2x128x128xf32, #tpu.memory_space<vmem>> -> memref<1x64x128xf32, #tpu.memory_space<vmem>>
    %dma_start3A_99 = tpu.memref_squeeze %dma_start3A_98 : memref<1x64x128xf32, #tpu.memory_space<vmem>> -> memref<64x128xf32, #tpu.memory_space<vmem>>
    %dma_start3A_100 = arith.constant 0 : i32
    %dma_start3A_101 = tpu.memref_slice %arg7[%dma_start3A_94, %dma_start3A_100] : memref<64x128xi32, #tpu.memory_space<vmem>> -> memref<1x64xi32, #tpu.memory_space<vmem>>
    %dma_start3A_102 = tpu.memref_squeeze %dma_start3A_101 : memref<1x64xi32, #tpu.memory_space<vmem>> -> memref<64xi32, #tpu.memory_space<vmem>>
    %dma_start3A_103 = arith.constant 0 : i32
    %dma_start3A_104 = arith.constant 0 : i32
    %dma_start3A_105 = tpu.memref_slice %arg2[%dma_start3A_103, %dma_start3A_104] : memref<10240x128xf32, #tpu.memory_space<hbm>> -> memref<10240x128xf32, #tpu.memory_space<hbm>>
    tpu.enqueue_indirect_dma source(%dma_start3A_105 : memref<10240x128xf32, #tpu.memory_space<hbm>>) target(%dma_start3A_99 : memref<64x128xf32, #tpu.memory_space<vmem>>) offsets(%dma_start3A_102 : memref<64xi32, #tpu.memory_space<vmem>>) semaphore(%arg10 : memref<!tpu.dma_semaphore, #tpu.memory_space<semaphore_mem>>)
    %dma_start3A_106 = arith.constant 0 : i32
    %dma_start3A_107 = arith.constant 0 : i32
    %dma_start3A_108 = arith.constant 64 : i32
    %dma_start3A_109 = arith.constant 0 : i32
    %dma_start3A_110 = tpu.memref_slice %arg8[%dma_start3A_107, %dma_start3A_108, %dma_start3A_109] : memref<2x128x128xf32, #tpu.memory_space<vmem>> -> memref<1x64x128xf32, #tpu.memory_space<vmem>>
    %dma_start3A_111 = tpu.memref_squeeze %dma_start3A_110 : memref<1x64x128xf32, #tpu.memory_space<vmem>> -> memref<64x128xf32, #tpu.memory_space<vmem>>
    %dma_start3A_112 = arith.constant 64 : i32
    %dma_start3A_113 = tpu.memref_slice %arg7[%dma_start3A_106, %dma_start3A_112] : memref<64x128xi32, #tpu.memory_space<vmem>> -> memref<1x64xi32, #tpu.memory_space<vmem>>
    %dma_start3A_114 = tpu.memref_squeeze %dma_start3A_113 : memref<1x64xi32, #tpu.memory_space<vmem>> -> memref<64xi32, #tpu.memory_space<vmem>>
    %dma_start3A_115 = arith.constant 0 : i32
    %dma_start3A_116 = arith.constant 0 : i32
    %dma_start3A_117 = tpu.memref_slice %arg2[%dma_start3A_115, %dma_start3A_116] : memref<10240x128xf32, #tpu.memory_space<hbm>> -> memref<10240x128xf32, #tpu.memory_space<hbm>>
    tpu.enqueue_indirect_dma source(%dma_start3A_117 : memref<10240x128xf32, #tpu.memory_space<hbm>>) target(%dma_start3A_111 : memref<64x128xf32, #tpu.memory_space<vmem>>) offsets(%dma_start3A_114 : memref<64xi32, #tpu.memory_space<vmem>>) semaphore(%arg11 : memref<!tpu.dma_semaphore, #tpu.memory_space<semaphore_mem>>)
    %dma_start3A_118 = arith.constant 1 : i32
    %dma_start3A_119 = arith.constant 1 : i32
    %dma_start3A_120 = arith.constant 0 : i32
    %dma_start3A_121 = arith.constant 0 : i32
    %dma_start3A_122 = tpu.memref_slice %arg8[%dma_start3A_119, %dma_start3A_120, %dma_start3A_121] : memref<2x128x128xf32, #tpu.memory_space<vmem>> -> memref<1x64x128xf32, #tpu.memory_space<vmem>>
    %dma_start3A_123 = tpu.memref_squeeze %dma_start3A_122 : memref<1x64x128xf32, #tpu.memory_space<vmem>> -> memref<64x128xf32, #tpu.memory_space<vmem>>
    %dma_start3A_124 = arith.constant 0 : i32
    %dma_start3A_125 = tpu.memref_slice %arg7[%dma_start3A_118, %dma_start3A_124] : memref<64x128xi32, #tpu.memory_space<vmem>> -> memref<1x64xi32, #tpu.memory_space<vmem>>
    %dma_start3A_126 = tpu.memref_squeeze %dma_start3A_125 : memref<1x64xi32, #tpu.memory_space<vmem>> -> memref<64xi32, #tpu.memory_space<vmem>>
    %dma_start3A_127 = arith.constant 0 : i32
    %dma_start3A_128 = arith.constant 0 : i32
    %dma_start3A_129 = tpu.memref_slice %arg2[%dma_start3A_127, %dma_start3A_128] : memref<10240x128xf32, #tpu.memory_space<hbm>> -> memref<10240x128xf32, #tpu.memory_space<hbm>>
    tpu.enqueue_indirect_dma source(%dma_start3A_129 : memref<10240x128xf32, #tpu.memory_space<hbm>>) target(%dma_start3A_123 : memref<64x128xf32, #tpu.memory_space<vmem>>) offsets(%dma_start3A_126 : memref<64xi32, #tpu.memory_space<vmem>>) semaphore(%arg12 : memref<!tpu.dma_semaphore, #tpu.memory_space<semaphore_mem>>)
    %dma_start3A_130 = arith.constant 1 : i32
    %dma_start3A_131 = arith.constant 1 : i32
    %dma_start3A_132 = arith.constant 64 : i32
    %dma_start3A_133 = arith.constant 0 : i32
    %dma_start3A_134 = tpu.memref_slice %arg8[%dma_start3A_131, %dma_start3A_132, %dma_start3A_133] : memref<2x128x128xf32, #tpu.memory_space<vmem>> -> memref<1x64x128xf32, #tpu.memory_space<vmem>>
    %dma_start3A_135 = tpu.memref_squeeze %dma_start3A_134 : memref<1x64x128xf32, #tpu.memory_space<vmem>> -> memref<64x128xf32, #tpu.memory_space<vmem>>
    %dma_start3A_136 = arith.constant 64 : i32
    %dma_start3A_137 = tpu.memref_slice %arg7[%dma_start3A_130, %dma_start3A_136] : memref<64x128xi32, #tpu.memory_space<vmem>> -> memref<1x64xi32, #tpu.memory_space<vmem>>
    %dma_start3A_138 = tpu.memref_squeeze %dma_start3A_137 : memref<1x64xi32, #tpu.memory_space<vmem>> -> memref<64xi32, #tpu.memory_space<vmem>>
    %dma_start3A_139 = arith.constant 0 : i32
    %dma_start3A_140 = arith.constant 0 : i32
    %dma_start3A_141 = tpu.memref_slice %arg2[%dma_start3A_139, %dma_start3A_140] : memref<10240x128xf32, #tpu.memory_space<hbm>> -> memref<10240x128xf32, #tpu.memory_space<hbm>>
    tpu.enqueue_indirect_dma source(%dma_start3A_141 : memref<10240x128xf32, #tpu.memory_space<hbm>>) target(%dma_start3A_135 : memref<64x128xf32, #tpu.memory_space<vmem>>) offsets(%dma_start3A_138 : memref<64xi32, #tpu.memory_space<vmem>>) semaphore(%arg13 : memref<!tpu.dma_semaphore, #tpu.memory_space<semaphore_mem>>)
    %scan3A_142 = arith.constant 0 : i32
    %scan3A_143 = arith.constant 0 : i32
    %scan3A_144 = arith.constant 32 : i32
    %scan3A_145 = arith.addi %scan3A_143, %scan3A_144 : i32
    %scan3A_146 = arith.constant 1 : i32
    scf.for %scan3A_156 = %scan3A_143 to %scan3A_145 step %scan3A_146  : i32 {
      %mul3A_157 = arith.constant 2 : i32
      %mul3A_158 = arith.muli %scan3A_156, %mul3A_157 : i32
      %add3A_159 = arith.constant 0 : i32
      %add3A_160 = arith.addi %mul3A_158, %add3A_159 : i32
      %dma_wait3A = arith.constant 0 : i32
      %dma_wait3A_161 = arith.constant 0 : i32
      %dma_wait3A_162 = arith.constant 0 : i32
      %dma_wait3A_163 = tpu.memref_slice %arg8[%dma_wait3A, %dma_wait3A_161, %dma_wait3A_162] : memref<2x128x128xf32, #tpu.memory_space<vmem>> -> memref<1x64x128xf32, #tpu.memory_space<vmem>>
      %dma_wait3A_164 = tpu.memref_squeeze %dma_wait3A_163 : memref<1x64x128xf32, #tpu.memory_space<vmem>> -> memref<64x128xf32, #tpu.memory_space<vmem>>
      %dma_wait3A_165 = arith.constant 0 : i32
      %dma_wait3A_166 = tpu.memref_slice %arg7[%add3A_160, %dma_wait3A_165] : memref<64x128xi32, #tpu.memory_space<vmem>> -> memref<1x64xi32, #tpu.memory_space<vmem>>
      %dma_wait3A_167 = tpu.memref_squeeze %dma_wait3A_166 : memref<1x64xi32, #tpu.memory_space<vmem>> -> memref<64xi32, #tpu.memory_space<vmem>>
      %dma_wait3A_168 = arith.constant 0 : i32
      %dma_wait3A_169 = arith.constant 0 : i32
      %dma_wait3A_170 = tpu.memref_slice %arg2[%dma_wait3A_168, %dma_wait3A_169] : memref<10240x128xf32, #tpu.memory_space<hbm>> -> memref<10240x128xf32, #tpu.memory_space<hbm>>
      tpu.wait_indirect_dma semaphore(%arg10 : memref<!tpu.dma_semaphore, #tpu.memory_space<semaphore_mem>>) src(%dma_wait3A_170 : memref<10240x128xf32, #tpu.memory_space<hbm>>) dst(%dma_wait3A_164 : memref<64x128xf32, #tpu.memory_space<vmem>>)
      %dma_wait3A_171 = arith.constant 0 : i32
      %dma_wait3A_172 = arith.constant 64 : i32
      %dma_wait3A_173 = arith.constant 0 : i32
      %dma_wait3A_174 = tpu.memref_slice %arg8[%dma_wait3A_171, %dma_wait3A_172, %dma_wait3A_173] : memref<2x128x128xf32, #tpu.memory_space<vmem>> -> memref<1x64x128xf32, #tpu.memory_space<vmem>>
      %dma_wait3A_175 = tpu.memref_squeeze %dma_wait3A_174 : memref<1x64x128xf32, #tpu.memory_space<vmem>> -> memref<64x128xf32, #tpu.memory_space<vmem>>
      %dma_wait3A_176 = arith.constant 64 : i32
      %dma_wait3A_177 = tpu.memref_slice %arg7[%add3A_160, %dma_wait3A_176] : memref<64x128xi32, #tpu.memory_space<vmem>> -> memref<1x64xi32, #tpu.memory_space<vmem>>
      %dma_wait3A_178 = tpu.memref_squeeze %dma_wait3A_177 : memref<1x64xi32, #tpu.memory_space<vmem>> -> memref<64xi32, #tpu.memory_space<vmem>>
      %dma_wait3A_179 = arith.constant 0 : i32
      %dma_wait3A_180 = arith.constant 0 : i32
      %dma_wait3A_181 = tpu.memref_slice %arg2[%dma_wait3A_179, %dma_wait3A_180] : memref<10240x128xf32, #tpu.memory_space<hbm>> -> memref<10240x128xf32, #tpu.memory_space<hbm>>
      tpu.wait_indirect_dma semaphore(%arg11 : memref<!tpu.dma_semaphore, #tpu.memory_space<semaphore_mem>>) src(%dma_wait3A_181 : memref<10240x128xf32, #tpu.memory_space<hbm>>) dst(%dma_wait3A_175 : memref<64x128xf32, #tpu.memory_space<vmem>>)
      %run_scoped3A_182 = arith.constant 0 : i32
      "tpu.region"() ({
        %run_scoped3A_221 = tpu.sem_alloc : memref<!tpu.dma_semaphore, #tpu.memory_space<semaphore_mem>>
        %dma_start3A_222 = arith.constant 0 : i32
        %dma_start3A_223 = arith.constant 0 : i32
        %dma_start3A_224 = tpu.memref_slice %arg8[%run_scoped3A_182, %dma_start3A_222, %dma_start3A_223] : memref<2x128x128xf32, #tpu.memory_space<vmem>> -> memref<1x128x128xf32, #tpu.memory_space<vmem>>
        %dma_start3A_225 = tpu.memref_squeeze %dma_start3A_224 : memref<1x128x128xf32, #tpu.memory_space<vmem>> -> memref<128x128xf32, #tpu.memory_space<vmem>>
        %dma_start3A_226 = arith.constant 0 : i32
        %dma_start3A_227 = tpu.memref_slice %arg6[%add3A_160, %dma_start3A_226] : memref<64x128xi32, #tpu.memory_space<vmem>> -> memref<1x128xi32, #tpu.memory_space<vmem>>
        %dma_start3A_228 = tpu.memref_squeeze %dma_start3A_227 : memref<1x128xi32, #tpu.memory_space<vmem>> -> memref<128xi32, #tpu.memory_space<vmem>>
        %dma_start3A_229 = arith.constant 0 : i32
        %dma_start3A_230 = arith.constant 0 : i32
        %dma_start3A_231 = tpu.memref_slice %arg9[%dma_start3A_229, %dma_start3A_230] : memref<10240x128xf32, #tpu.memory_space<vmem_shared>> -> memref<10240x128xf32, #tpu.memory_space<vmem_shared>>
        tpu.enqueue_indirect_dma source(%dma_start3A_225 : memref<128x128xf32, #tpu.memory_space<vmem>>) target(%dma_start3A_231 : memref<10240x128xf32, #tpu.memory_space<vmem_shared>>) offsets(%dma_start3A_228 : memref<128xi32, #tpu.memory_space<vmem>>) semaphore(%run_scoped3A_221 : memref<!tpu.dma_semaphore, #tpu.memory_space<semaphore_mem>>) {add = true}
        %dma_wait3A_232 = arith.constant 0 : i32
        %dma_wait3A_233 = arith.constant 0 : i32
        %dma_wait3A_234 = tpu.memref_slice %arg8[%run_scoped3A_182, %dma_wait3A_232, %dma_wait3A_233] : memref<2x128x128xf32, #tpu.memory_space<vmem>> -> memref<1x128x128xf32, #tpu.memory_space<vmem>>
        %dma_wait3A_235 = tpu.memref_squeeze %dma_wait3A_234 : memref<1x128x128xf32, #tpu.memory_space<vmem>> -> memref<128x128xf32, #tpu.memory_space<vmem>>
        %dma_wait3A_236 = arith.constant 0 : i32
        %dma_wait3A_237 = tpu.memref_slice %arg6[%add3A_160, %dma_wait3A_236] : memref<64x128xi32, #tpu.memory_space<vmem>> -> memref<1x128xi32, #tpu.memory_space<vmem>>
        %dma_wait3A_238 = tpu.memref_squeeze %dma_wait3A_237 : memref<1x128xi32, #tpu.memory_space<vmem>> -> memref<128xi32, #tpu.memory_space<vmem>>
        %dma_wait3A_239 = arith.constant 0 : i32
        %dma_wait3A_240 = arith.constant 0 : i32
        %dma_wait3A_241 = tpu.memref_slice %arg9[%dma_wait3A_239, %dma_wait3A_240] : memref<10240x128xf32, #tpu.memory_space<vmem_shared>> -> memref<10240x128xf32, #tpu.memory_space<vmem_shared>>
        tpu.wait_indirect_dma semaphore(%run_scoped3A_221 : memref<!tpu.dma_semaphore, #tpu.memory_space<semaphore_mem>>) src(%dma_wait3A_235 : memref<128x128xf32, #tpu.memory_space<vmem>>) dst(%dma_wait3A_241 : memref<10240x128xf32, #tpu.memory_space<vmem_shared>>)
        tpu.yield
      }) : () -> ()
      %add3A_183 = arith.constant 2 : i32
      %add3A_184 = arith.addi %add3A_160, %add3A_183 : i32
      %lt3A = arith.constant 64 : i32
      %lt3A_185 = arith.cmpi slt, %add3A_184, %lt3A : i32
      %convert_element_type3A = arith.extui %lt3A_185 : i1 to i32
      %cond3A = arith.constant 0 : i32
      %cond3A_186 = arith.cmpi ne, %convert_element_type3A, %cond3A : i32
      scf.if %cond3A_186 {
        %add3A_221 = arith.constant 2 : i32
        %add3A_222 = arith.addi %add3A_160, %add3A_221 : i32
        %dma_start3A_223 = arith.constant 0 : i32
        %dma_start3A_224 = arith.constant 0 : i32
        %dma_start3A_225 = arith.constant 0 : i32
        %dma_start3A_226 = tpu.memref_slice %arg8[%dma_start3A_223, %dma_start3A_224, %dma_start3A_225] : memref<2x128x128xf32, #tpu.memory_space<vmem>> -> memref<1x64x128xf32, #tpu.memory_space<vmem>>
        %dma_start3A_227 = tpu.memref_squeeze %dma_start3A_226 : memref<1x64x128xf32, #tpu.memory_space<vmem>> -> memref<64x128xf32, #tpu.memory_space<vmem>>
        %dma_start3A_228 = arith.constant 0 : i32
        %dma_start3A_229 = tpu.memref_slice %arg7[%add3A_222, %dma_start3A_228] : memref<64x128xi32, #tpu.memory_space<vmem>> -> memref<1x64xi32, #tpu.memory_space<vmem>>
        %dma_start3A_230 = tpu.memref_squeeze %dma_start3A_229 : memref<1x64xi32, #tpu.memory_space<vmem>> -> memref<64xi32, #tpu.memory_space<vmem>>
        %dma_start3A_231 = arith.constant 0 : i32
        %dma_start3A_232 = arith.constant 0 : i32
        %dma_start3A_233 = tpu.memref_slice %arg2[%dma_start3A_231, %dma_start3A_232] : memref<10240x128xf32, #tpu.memory_space<hbm>> -> memref<10240x128xf32, #tpu.memory_space<hbm>>
        tpu.enqueue_indirect_dma source(%dma_start3A_233 : memref<10240x128xf32, #tpu.memory_space<hbm>>) target(%dma_start3A_227 : memref<64x128xf32, #tpu.memory_space<vmem>>) offsets(%dma_start3A_230 : memref<64xi32, #tpu.memory_space<vmem>>) semaphore(%arg10 : memref<!tpu.dma_semaphore, #tpu.memory_space<semaphore_mem>>)
        %add3A_234 = arith.constant 2 : i32
        %add3A_235 = arith.addi %add3A_160, %add3A_234 : i32
        %dma_start3A_236 = arith.constant 0 : i32
        %dma_start3A_237 = arith.constant 64 : i32
        %dma_start3A_238 = arith.constant 0 : i32
        %dma_start3A_239 = tpu.memref_slice %arg8[%dma_start3A_236, %dma_start3A_237, %dma_start3A_238] : memref<2x128x128xf32, #tpu.memory_space<vmem>> -> memref<1x64x128xf32, #tpu.memory_space<vmem>>
        %dma_start3A_240 = tpu.memref_squeeze %dma_start3A_239 : memref<1x64x128xf32, #tpu.memory_space<vmem>> -> memref<64x128xf32, #tpu.memory_space<vmem>>
        %dma_start3A_241 = arith.constant 64 : i32
        %dma_start3A_242 = tpu.memref_slice %arg7[%add3A_235, %dma_start3A_241] : memref<64x128xi32, #tpu.memory_space<vmem>> -> memref<1x64xi32, #tpu.memory_space<vmem>>
        %dma_start3A_243 = tpu.memref_squeeze %dma_start3A_242 : memref<1x64xi32, #tpu.memory_space<vmem>> -> memref<64xi32, #tpu.memory_space<vmem>>
        %dma_start3A_244 = arith.constant 0 : i32
        %dma_start3A_245 = arith.constant 0 : i32
        %dma_start3A_246 = tpu.memref_slice %arg2[%dma_start3A_244, %dma_start3A_245] : memref<10240x128xf32, #tpu.memory_space<hbm>> -> memref<10240x128xf32, #tpu.memory_space<hbm>>
        tpu.enqueue_indirect_dma source(%dma_start3A_246 : memref<10240x128xf32, #tpu.memory_space<hbm>>) target(%dma_start3A_240 : memref<64x128xf32, #tpu.memory_space<vmem>>) offsets(%dma_start3A_243 : memref<64xi32, #tpu.memory_space<vmem>>) semaphore(%arg11 : memref<!tpu.dma_semaphore, #tpu.memory_space<semaphore_mem>>)
      } else {
      }
      %mul3A_187 = arith.constant 2 : i32
      %mul3A_188 = arith.muli %scan3A_156, %mul3A_187 : i32
      %add3A_189 = arith.constant 1 : i32
      %add3A_190 = arith.addi %mul3A_188, %add3A_189 : i32
      %dma_wait3A_191 = arith.constant 1 : i32
      %dma_wait3A_192 = arith.constant 0 : i32
      %dma_wait3A_193 = arith.constant 0 : i32
      %dma_wait3A_194 = tpu.memref_slice %arg8[%dma_wait3A_191, %dma_wait3A_192, %dma_wait3A_193] : memref<2x128x128xf32, #tpu.memory_space<vmem>> -> memref<1x64x128xf32, #tpu.memory_space<vmem>>
      %dma_wait3A_195 = tpu.memref_squeeze %dma_wait3A_194 : memref<1x64x128xf32, #tpu.memory_space<vmem>> -> memref<64x128xf32, #tpu.memory_space<vmem>>
      %dma_wait3A_196 = arith.constant 0 : i32
      %dma_wait3A_197 = tpu.memref_slice %arg7[%add3A_190, %dma_wait3A_196] : memref<64x128xi32, #tpu.memory_space<vmem>> -> memref<1x64xi32, #tpu.memory_space<vmem>>
      %dma_wait3A_198 = tpu.memref_squeeze %dma_wait3A_197 : memref<1x64xi32, #tpu.memory_space<vmem>> -> memref<64xi32, #tpu.memory_space<vmem>>
      %dma_wait3A_199 = arith.constant 0 : i32
      %dma_wait3A_200 = arith.constant 0 : i32
      %dma_wait3A_201 = tpu.memref_slice %arg2[%dma_wait3A_199, %dma_wait3A_200] : memref<10240x128xf32, #tpu.memory_space<hbm>> -> memref<10240x128xf32, #tpu.memory_space<hbm>>
      tpu.wait_indirect_dma semaphore(%arg12 : memref<!tpu.dma_semaphore, #tpu.memory_space<semaphore_mem>>) src(%dma_wait3A_201 : memref<10240x128xf32, #tpu.memory_space<hbm>>) dst(%dma_wait3A_195 : memref<64x128xf32, #tpu.memory_space<vmem>>)
      %dma_wait3A_202 = arith.constant 1 : i32
      %dma_wait3A_203 = arith.constant 64 : i32
      %dma_wait3A_204 = arith.constant 0 : i32
      %dma_wait3A_205 = tpu.memref_slice %arg8[%dma_wait3A_202, %dma_wait3A_203, %dma_wait3A_204] : memref<2x128x128xf32, #tpu.memory_space<vmem>> -> memref<1x64x128xf32, #tpu.memory_space<vmem>>
      %dma_wait3A_206 = tpu.memref_squeeze %dma_wait3A_205 : memref<1x64x128xf32, #tpu.memory_space<vmem>> -> memref<64x128xf32, #tpu.memory_space<vmem>>
      %dma_wait3A_207 = arith.constant 64 : i32
      %dma_wait3A_208 = tpu.memref_slice %arg7[%add3A_190, %dma_wait3A_207] : memref<64x128xi32, #tpu.memory_space<vmem>> -> memref<1x64xi32, #tpu.memory_space<vmem>>
      %dma_wait3A_209 = tpu.memref_squeeze %dma_wait3A_208 : memref<1x64xi32, #tpu.memory_space<vmem>> -> memref<64xi32, #tpu.memory_space<vmem>>
      %dma_wait3A_210 = arith.constant 0 : i32
      %dma_wait3A_211 = arith.constant 0 : i32
      %dma_wait3A_212 = tpu.memref_slice %arg2[%dma_wait3A_210, %dma_wait3A_211] : memref<10240x128xf32, #tpu.memory_space<hbm>> -> memref<10240x128xf32, #tpu.memory_space<hbm>>
      tpu.wait_indirect_dma semaphore(%arg13 : memref<!tpu.dma_semaphore, #tpu.memory_space<semaphore_mem>>) src(%dma_wait3A_212 : memref<10240x128xf32, #tpu.memory_space<hbm>>) dst(%dma_wait3A_206 : memref<64x128xf32, #tpu.memory_space<vmem>>)
      %run_scoped3A_213 = arith.constant 1 : i32
      "tpu.region"() ({
        %run_scoped3A_221 = tpu.sem_alloc : memref<!tpu.dma_semaphore, #tpu.memory_space<semaphore_mem>>
        %dma_start3A_222 = arith.constant 0 : i32
        %dma_start3A_223 = arith.constant 0 : i32
        %dma_start3A_224 = tpu.memref_slice %arg8[%run_scoped3A_213, %dma_start3A_222, %dma_start3A_223] : memref<2x128x128xf32, #tpu.memory_space<vmem>> -> memref<1x128x128xf32, #tpu.memory_space<vmem>>
        %dma_start3A_225 = tpu.memref_squeeze %dma_start3A_224 : memref<1x128x128xf32, #tpu.memory_space<vmem>> -> memref<128x128xf32, #tpu.memory_space<vmem>>
        %dma_start3A_226 = arith.constant 0 : i32
        %dma_start3A_227 = tpu.memref_slice %arg6[%add3A_190, %dma_start3A_226] : memref<64x128xi32, #tpu.memory_space<vmem>> -> memref<1x128xi32, #tpu.memory_space<vmem>>
        %dma_start3A_228 = tpu.memref_squeeze %dma_start3A_227 : memref<1x128xi32, #tpu.memory_space<vmem>> -> memref<128xi32, #tpu.memory_space<vmem>>
        %dma_start3A_229 = arith.constant 0 : i32
        %dma_start3A_230 = arith.constant 0 : i32
        %dma_start3A_231 = tpu.memref_slice %arg9[%dma_start3A_229, %dma_start3A_230] : memref<10240x128xf32, #tpu.memory_space<vmem_shared>> -> memref<10240x128xf32, #tpu.memory_space<vmem_shared>>
        tpu.enqueue_indirect_dma source(%dma_start3A_225 : memref<128x128xf32, #tpu.memory_space<vmem>>) target(%dma_start3A_231 : memref<10240x128xf32, #tpu.memory_space<vmem_shared>>) offsets(%dma_start3A_228 : memref<128xi32, #tpu.memory_space<vmem>>) semaphore(%run_scoped3A_221 : memref<!tpu.dma_semaphore, #tpu.memory_space<semaphore_mem>>) {add = true}
        %dma_wait3A_232 = arith.constant 0 : i32
        %dma_wait3A_233 = arith.constant 0 : i32
        %dma_wait3A_234 = tpu.memref_slice %arg8[%run_scoped3A_213, %dma_wait3A_232, %dma_wait3A_233] : memref<2x128x128xf32, #tpu.memory_space<vmem>> -> memref<1x128x128xf32, #tpu.memory_space<vmem>>
        %dma_wait3A_235 = tpu.memref_squeeze %dma_wait3A_234 : memref<1x128x128xf32, #tpu.memory_space<vmem>> -> memref<128x128xf32, #tpu.memory_space<vmem>>
        %dma_wait3A_236 = arith.constant 0 : i32
        %dma_wait3A_237 = tpu.memref_slice %arg6[%add3A_190, %dma_wait3A_236] : memref<64x128xi32, #tpu.memory_space<vmem>> -> memref<1x128xi32, #tpu.memory_space<vmem>>
        %dma_wait3A_238 = tpu.memref_squeeze %dma_wait3A_237 : memref<1x128xi32, #tpu.memory_space<vmem>> -> memref<128xi32, #tpu.memory_space<vmem>>
        %dma_wait3A_239 = arith.constant 0 : i32
        %dma_wait3A_240 = arith.constant 0 : i32
        %dma_wait3A_241 = tpu.memref_slice %arg9[%dma_wait3A_239, %dma_wait3A_240] : memref<10240x128xf32, #tpu.memory_space<vmem_shared>> -> memref<10240x128xf32, #tpu.memory_space<vmem_shared>>
        tpu.wait_indirect_dma semaphore(%run_scoped3A_221 : memref<!tpu.dma_semaphore, #tpu.memory_space<semaphore_mem>>) src(%dma_wait3A_235 : memref<128x128xf32, #tpu.memory_space<vmem>>) dst(%dma_wait3A_241 : memref<10240x128xf32, #tpu.memory_space<vmem_shared>>)
        tpu.yield
      }) : () -> ()
      %add3A_214 = arith.constant 2 : i32
      %add3A_215 = arith.addi %add3A_190, %add3A_214 : i32
      %lt3A_216 = arith.constant 64 : i32
      %lt3A_217 = arith.cmpi slt, %add3A_215, %lt3A_216 : i32
      %convert_element_type3A_218 = arith.extui %lt3A_217 : i1 to i32
      %cond3A_219 = arith.constant 0 : i32
      %cond3A_220 = arith.cmpi ne, %convert_element_type3A_218, %cond3A_219 : i32
      scf.if %cond3A_220 {
        %add3A_221 = arith.constant 2 : i32
        %add3A_222 = arith.addi %add3A_190, %add3A_221 : i32
        %dma_start3A_223 = arith.constant 1 : i32
        %dma_start3A_224 = arith.constant 0 : i32
        %dma_start3A_225 = arith.constant 0 : i32
        %dma_start3A_226 = tpu.memref_slice %arg8[%dma_start3A_223, %dma_start3A_224, %dma_start3A_225] : memref<2x128x128xf32, #tpu.memory_space<vmem>> -> memref<1x64x128xf32, #tpu.memory_space<vmem>>
        %dma_start3A_227 = tpu.memref_squeeze %dma_start3A_226 : memref<1x64x128xf32, #tpu.memory_space<vmem>> -> memref<64x128xf32, #tpu.memory_space<vmem>>
        %dma_start3A_228 = arith.constant 0 : i32
        %dma_start3A_229 = tpu.memref_slice %arg7[%add3A_222, %dma_start3A_228] : memref<64x128xi32, #tpu.memory_space<vmem>> -> memref<1x64xi32, #tpu.memory_space<vmem>>
        %dma_start3A_230 = tpu.memref_squeeze %dma_start3A_229 : memref<1x64xi32, #tpu.memory_space<vmem>> -> memref<64xi32, #tpu.memory_space<vmem>>
        %dma_start3A_231 = arith.constant 0 : i32
        %dma_start3A_232 = arith.constant 0 : i32
        %dma_start3A_233 = tpu.memref_slice %arg2[%dma_start3A_231, %dma_start3A_232] : memref<10240x128xf32, #tpu.memory_space<hbm>> -> memref<10240x128xf32, #tpu.memory_space<hbm>>
        tpu.enqueue_indirect_dma source(%dma_start3A_233 : memref<10240x128xf32, #tpu.memory_space<hbm>>) target(%dma_start3A_227 : memref<64x128xf32, #tpu.memory_space<vmem>>) offsets(%dma_start3A_230 : memref<64xi32, #tpu.memory_space<vmem>>) semaphore(%arg12 : memref<!tpu.dma_semaphore, #tpu.memory_space<semaphore_mem>>)
        %add3A_234 = arith.constant 2 : i32
        %add3A_235 = arith.addi %add3A_190, %add3A_234 : i32
        %dma_start3A_236 = arith.constant 1 : i32
        %dma_start3A_237 = arith.constant 64 : i32
        %dma_start3A_238 = arith.constant 0 : i32
        %dma_start3A_239 = tpu.memref_slice %arg8[%dma_start3A_236, %dma_start3A_237, %dma_start3A_238] : memref<2x128x128xf32, #tpu.memory_space<vmem>> -> memref<1x64x128xf32, #tpu.memory_space<vmem>>
        %dma_start3A_240 = tpu.memref_squeeze %dma_start3A_239 : memref<1x64x128xf32, #tpu.memory_space<vmem>> -> memref<64x128xf32, #tpu.memory_space<vmem>>
        %dma_start3A_241 = arith.constant 64 : i32
        %dma_start3A_242 = tpu.memref_slice %arg7[%add3A_235, %dma_start3A_241] : memref<64x128xi32, #tpu.memory_space<vmem>> -> memref<1x64xi32, #tpu.memory_space<vmem>>
        %dma_start3A_243 = tpu.memref_squeeze %dma_start3A_242 : memref<1x64xi32, #tpu.memory_space<vmem>> -> memref<64xi32, #tpu.memory_space<vmem>>
        %dma_start3A_244 = arith.constant 0 : i32
        %dma_start3A_245 = arith.constant 0 : i32
        %dma_start3A_246 = tpu.memref_slice %arg2[%dma_start3A_244, %dma_start3A_245] : memref<10240x128xf32, #tpu.memory_space<hbm>> -> memref<10240x128xf32, #tpu.memory_space<hbm>>
        tpu.enqueue_indirect_dma source(%dma_start3A_246 : memref<10240x128xf32, #tpu.memory_space<hbm>>) target(%dma_start3A_240 : memref<64x128xf32, #tpu.memory_space<vmem>>) offsets(%dma_start3A_243 : memref<64xi32, #tpu.memory_space<vmem>>) semaphore(%arg13 : memref<!tpu.dma_semaphore, #tpu.memory_space<semaphore_mem>>)
      } else {
      }
    }
    %scan3A_147 = arith.constant 32 : i32
    %barrier3A_148 = arith.constant 0 : index
    tpu.barrier barrier_id(%barrier3A_148)
    %mul3A_149 = arith.constant 640 : i32
    %mul3A_150 = arith.muli %arg1, %mul3A_149 : i32
    %mul3A_151 = arith.constant 10240 : i32
    %mul3A_152 = arith.muli %arg0, %mul3A_151 : i32
    %mul3A_153 = arith.constant 640 : i32
    %mul3A_154 = arith.muli %arg1, %mul3A_153 : i32
    %add3A_155 = arith.addi %mul3A_152, %mul3A_154 : i32
    "tpu.region"() ({
      %run_scoped3A_156 = tpu.sem_alloc : memref<!tpu.dma_semaphore, #tpu.memory_space<semaphore_mem>>
      %dma_start3A_157 = arith.constant 0 : i32
      %dma_start3A_158 = tpu.memref_slice %arg5[%add3A_155, %dma_start3A_157] : memref<20480x128xf32, #tpu.memory_space<hbm>> -> memref<640x128xf32, #tpu.memory_space<hbm>>
      %dma_start3A_159 = arith.constant 0 : i32
      %dma_start3A_160 = tpu.memref_slice %arg9[%mul3A_150, %dma_start3A_159] : memref<10240x128xf32, #tpu.memory_space<vmem_shared>> -> memref<640x128xf32, #tpu.memory_space<vmem_shared>>
      tpu.enqueue_dma source(%dma_start3A_160 : memref<640x128xf32, #tpu.memory_space<vmem_shared>>) target(%dma_start3A_158 : memref<640x128xf32, #tpu.memory_space<hbm>>) target_semaphore(%run_scoped3A_156 : memref<!tpu.dma_semaphore, #tpu.memory_space<semaphore_mem>>)
      %dma_wait3A = arith.constant 0 : i32
      %dma_wait3A_161 = tpu.memref_slice %arg5[%add3A_155, %dma_wait3A] : memref<20480x128xf32, #tpu.memory_space<hbm>> -> memref<640x128xf32, #tpu.memory_space<hbm>>
      %dma_wait3A_162 = arith.constant 0 : i32
      %dma_wait3A_163 = tpu.memref_slice %arg9[%mul3A_150, %dma_wait3A_162] : memref<10240x128xf32, #tpu.memory_space<vmem_shared>> -> memref<640x128xf32, #tpu.memory_space<vmem_shared>>
      tpu.wait_dma2 semaphore(%run_scoped3A_156 : memref<!tpu.dma_semaphore, #tpu.memory_space<semaphore_mem>>) src(%dma_wait3A_163 : memref<640x128xf32, #tpu.memory_space<vmem_shared>>) dst(%dma_wait3A_161 : memref<640x128xf32, #tpu.memory_space<hbm>>)
      tpu.yield
    }) : () -> ()
    return
  }
}

#map = affine_map<(d0, d1) -> (0, 0)>
module attributes {stable_mosaic.version = 14 : i64} {
  func.func @_spmm(%arg0: i32, %arg1: i32, %arg2: memref<10240x128xf32, #tpu.memory_space<hbm>>, %arg3: memref<4096x128xi32, #tpu.memory_space<hbm>>, %arg4: memref<4096x128xi32, #tpu.memory_space<hbm>>, %arg5: memref<20480x128xf32, #tpu.memory_space<hbm>>, %arg6: memref<64x128xi32, #tpu.memory_space<vmem>>, %arg7: memref<64x128xi32, #tpu.memory_space<vmem>>, %arg8: memref<2x128x128xf32, #tpu.memory_space<vmem>>, %arg9: memref<10240x128xf32, #tpu.memory_space<vmem_shared>>, %arg10: memref<!tpu.dma_semaphore, #tpu.memory_space<semaphore_mem>>, %arg11: memref<!tpu.dma_semaphore, #tpu.memory_space<semaphore_mem>>, %arg12: memref<!tpu.dma_semaphore, #tpu.memory_space<semaphore_mem>>, %arg13: memref<!tpu.dma_semaphore, #tpu.memory_space<semaphore_mem>>) attributes {dimension_semantics = [#tpu.dimension_semantics<core_parallel>, #tpu.dimension_semantics<subcore_parallel>], iteration_bounds = array<i64: 2, 16>, scalar_prefetch = 0 : i64, scratch_operands = 8 : i64, tpu.core_type = #tpu.core_type<sc_vector_subcore>, window_params = [{transform_indices = #map}, {transform_indices = #map}, {transform_indices = #map}, {transform_indices = #map}]} {
    %scan3A = arith.constant 0 : i32
    %scan3A_0 = arith.constant 0 : i32
    %scan3A_1 = arith.constant 128 : i32
    %scan3A_2 = arith.addi %scan3A_0, %scan3A_1 : i32
    %scan3A_3 = arith.constant 1 : i32
    scf.for %scan3A_156 = %scan3A_0 to %scan3A_2 step %scan3A_3  : i32 {
      %broadcast_in_dim3A = arith.constant 0.000000e+00 : f32
      %broadcast_in_dim3A_157 = vector.broadcast %broadcast_in_dim3A : f32 to vector<16xf32>
      %swap3A = arith.constant 0 : i32
      %swap3A_158 = arith.index_cast %swap3A : i32 to index
      %swap3A_159 = arith.index_cast %scan3A_156 : i32 to index
      %swap3A_160 = arith.constant 0 : index
      %swap3A_161 = tpu.vector_load %arg8[%swap3A_158, %swap3A_159, %swap3A_160] {strides = array<i32>} : memref<2x128x128xf32, #tpu.memory_space<vmem>>, vector<1x1x16xf32>,
      %swap3A_162 = vector.shape_cast %swap3A_161 : vector<1x1x16xf32> to vector<16xf32>
      %swap3A_163 = vector.shape_cast %broadcast_in_dim3A_157 : vector<16xf32> to vector<1x1x16xf32>
      tpu.vector_store %arg8[%swap3A_158, %swap3A_159, %swap3A_160], %swap3A_163 {strides = array<i32>} : memref<2x128x128xf32, #tpu.memory_space<vmem>>, vector<1x1x16xf32>,
      %broadcast_in_dim3A_164 = arith.constant 0.000000e+00 : f32
      %broadcast_in_dim3A_165 = vector.broadcast %broadcast_in_dim3A_164 : f32 to vector<16xf32>
      %swap3A_166 = arith.constant 0 : i32
      %swap3A_167 = arith.index_cast %swap3A_166 : i32 to index
      %swap3A_168 = arith.index_cast %scan3A_156 : i32 to index
      %swap3A_169 = arith.constant 16 : index
      %swap3A_170 = tpu.vector_load %arg8[%swap3A_167, %swap3A_168, %swap3A_169] {strides = array<i32>} : memref<2x128x128xf32, #tpu.memory_space<vmem>>, vector<1x1x16xf32>,
      %swap3A_171 = vector.shape_cast %swap3A_170 : vector<1x1x16xf32> to vector<16xf32>
      %swap3A_172 = vector.shape_cast %broadcast_in_dim3A_165 : vector<16xf32> to vector<1x1x16xf32>
      tpu.vector_store %arg8[%swap3A_167, %swap3A_168, %swap3A_169], %swap3A_172 {strides = array<i32>} : memref<2x128x128xf32, #tpu.memory_space<vmem>>, vector<1x1x16xf32>,
      %broadcast_in_dim3A_173 = arith.constant 0.000000e+00 : f32
      %broadcast_in_dim3A_174 = vector.broadcast %broadcast_in_dim3A_173 : f32 to vector<16xf32>
      %swap3A_175 = arith.constant 0 : i32
      %swap3A_176 = arith.index_cast %swap3A_175 : i32 to index
      %swap3A_177 = arith.index_cast %scan3A_156 : i32 to index
      %swap3A_178 = arith.constant 32 : index
      %swap3A_179 = tpu.vector_load %arg8[%swap3A_176, %swap3A_177, %swap3A_178] {strides = array<i32>} : memref<2x128x128xf32, #tpu.memory_space<vmem>>, vector<1x1x16xf32>,
      %swap3A_180 = vector.shape_cast %swap3A_179 : vector<1x1x16xf32> to vector<16xf32>
      %swap3A_181 = vector.shape_cast %broadcast_in_dim3A_174 : vector<16xf32> to vector<1x1x16xf32>
      tpu.vector_store %arg8[%swap3A_176, %swap3A_177, %swap3A_178], %swap3A_181 {strides = array<i32>} : memref<2x128x128xf32, #tpu.memory_space<vmem>>, vector<1x1x16xf32>,
      %broadcast_in_dim3A_182 = arith.constant 0.000000e+00 : f32
      %broadcast_in_dim3A_183 = vector.broadcast %broadcast_in_dim3A_182 : f32 to vector<16xf32>
      %swap3A_184 = arith.constant 0 : i32
      %swap3A_185 = arith.index_cast %swap3A_184 : i32 to index
      %swap3A_186 = arith.index_cast %scan3A_156 : i32 to index
      %swap3A_187 = arith.constant 48 : index
      %swap3A_188 = tpu.vector_load %arg8[%swap3A_185, %swap3A_186, %swap3A_187] {strides = array<i32>} : memref<2x128x128xf32, #tpu.memory_space<vmem>>, vector<1x1x16xf32>,
      %swap3A_189 = vector.shape_cast %swap3A_188 : vector<1x1x16xf32> to vector<16xf32>
      %swap3A_190 = vector.shape_cast %broadcast_in_dim3A_183 : vector<16xf32> to vector<1x1x16xf32>
      tpu.vector_store %arg8[%swap3A_185, %swap3A_186, %swap3A_187], %swap3A_190 {strides = array<i32>} : memref<2x128x128xf32, #tpu.memory_space<vmem>>, vector<1x1x16xf32>,
      %broadcast_in_dim3A_191 = arith.constant 0.000000e+00 : f32
      %broadcast_in_dim3A_192 = vector.broadcast %broadcast_in_dim3A_191 : f32 to vector<16xf32>
      %swap3A_193 = arith.constant 0 : i32
      %swap3A_194 = arith.index_cast %swap3A_193 : i32 to index
      %swap3A_195 = arith.index_cast %scan3A_156 : i32 to index
      %swap3A_196 = arith.constant 64 : index
      %swap3A_197 = tpu.vector_load %arg8[%swap3A_194, %swap3A_195, %swap3A_196] {strides = array<i32>} : memref<2x128x128xf32, #tpu.memory_space<vmem>>, vector<1x1x16xf32>,
      %swap3A_198 = vector.shape_cast %swap3A_197 : vector<1x1x16xf32> to vector<16xf32>
      %swap3A_199 = vector.shape_cast %broadcast_in_dim3A_192 : vector<16xf32> to vector<1x1x16xf32>
      tpu.vector_store %arg8[%swap3A_194, %swap3A_195, %swap3A_196], %swap3A_199 {strides = array<i32>} : memref<2x128x128xf32, #tpu.memory_space<vmem>>, vector<1x1x16xf32>,
      %broadcast_in_dim3A_200 = arith.constant 0.000000e+00 : f32
      %broadcast_in_dim3A_201 = vector.broadcast %broadcast_in_dim3A_200 : f32 to vector<16xf32>
      %swap3A_202 = arith.constant 0 : i32
      %swap3A_203 = arith.index_cast %swap3A_202 : i32 to index
      %swap3A_204 = arith.index_cast %scan3A_156 : i32 to index
      %swap3A_205 = arith.constant 80 : index
      %swap3A_206 = tpu.vector_load %arg8[%swap3A_203, %swap3A_204, %swap3A_205] {strides = array<i32>} : memref<2x128x128xf32, #tpu.memory_space<vmem>>, vector<1x1x16xf32>,
      %swap3A_207 = vector.shape_cast %swap3A_206 : vector<1x1x16xf32> to vector<16xf32>
      %swap3A_208 = vector.shape_cast %broadcast_in_dim3A_201 : vector<16xf32> to vector<1x1x16xf32>
      tpu.vector_store %arg8[%swap3A_203, %swap3A_204, %swap3A_205], %swap3A_208 {strides = array<i32>} : memref<2x128x128xf32, #tpu.memory_space<vmem>>, vector<1x1x16xf32>,
      %broadcast_in_dim3A_209 = arith.constant 0.000000e+00 : f32
      %broadcast_in_dim3A_210 = vector.broadcast %broadcast_in_dim3A_209 : f32 to vector<16xf32>
      %swap3A_211 = arith.constant 0 : i32
      %swap3A_212 = arith.index_cast %swap3A_211 : i32 to index
      %swap3A_213 = arith.index_cast %scan3A_156 : i32 to index
      %swap3A_214 = arith.constant 96 : index
      %swap3A_215 = tpu.vector_load %arg8[%swap3A_212, %swap3A_213, %swap3A_214] {strides = array<i32>} : memref<2x128x128xf32, #tpu.memory_space<vmem>>, vector<1x1x16xf32>,
      %swap3A_216 = vector.shape_cast %swap3A_215 : vector<1x1x16xf32> to vector<16xf32>
      %swap3A_217 = vector.shape_cast %broadcast_in_dim3A_210 : vector<16xf32> to vector<1x1x16xf32>
      tpu.vector_store %arg8[%swap3A_212, %swap3A_213, %swap3A_214], %swap3A_217 {strides = array<i32>} : memref<2x128x128xf32, #tpu.memory_space<vmem>>, vector<1x1x16xf32>,
      %broadcast_in_dim3A_218 = arith.constant 0.000000e+00 : f32
      %broadcast_in_dim3A_219 = vector.broadcast %broadcast_in_dim3A_218 : f32 to vector<16xf32>
      %swap3A_220 = arith.constant 0 : i32
      %swap3A_221 = arith.index_cast %swap3A_220 : i32 to index
      %swap3A_222 = arith.index_cast %scan3A_156 : i32 to index
      %swap3A_223 = arith.constant 112 : index
      %swap3A_224 = tpu.vector_load %arg8[%swap3A_221, %swap3A_222, %swap3A_223] {strides = array<i32>} : memref<2x128x128xf32, #tpu.memory_space<vmem>>, vector<1x1x16xf32>,
      %swap3A_225 = vector.shape_cast %swap3A_224 : vector<1x1x16xf32> to vector<16xf32>
      %swap3A_226 = vector.shape_cast %broadcast_in_dim3A_219 : vector<16xf32> to vector<1x1x16xf32>
      tpu.vector_store %arg8[%swap3A_221, %swap3A_222, %swap3A_223], %swap3A_226 {strides = array<i32>} : memref<2x128x128xf32, #tpu.memory_space<vmem>>, vector<1x1x16xf32>,
    }
    %scan3A_4 = arith.constant 128 : i32
    %mul3A = arith.constant 640 : i32
    %mul3A_5 = arith.muli %arg1, %mul3A : i32
    %add3A = arith.constant 0 : i32
    %add3A_6 = arith.addi %mul3A_5, %add3A : i32
    %run_scoped3A = arith.constant 0 : i32
    "tpu.region"() ({
      %run_scoped3A_156 = tpu.sem_alloc : memref<!tpu.dma_semaphore, #tpu.memory_space<semaphore_mem>>
      %dma_start3A_157 = arith.constant 0 : i32
      %dma_start3A_158 = arith.constant 0 : i32
      %dma_start3A_159 = tpu.memref_slice %arg8[%run_scoped3A, %dma_start3A_157, %dma_start3A_158] : memref<2x128x128xf32, #tpu.memory_space<vmem>> -> memref<1x128x128xf32, #tpu.memory_space<vmem>>
      %dma_start3A_160 = tpu.memref_squeeze %dma_start3A_159 : memref<1x128x128xf32, #tpu.memory_space<vmem>> -> memref<128x128xf32, #tpu.memory_space<vmem>>
      %dma_start3A_161 = arith.constant 0 : i32
      %dma_start3A_162 = tpu.memref_slice %arg9[%add3A_6, %dma_start3A_161] : memref<10240x128xf32, #tpu.memory_space<vmem_shared>> -> memref<128x128xf32, #tpu.memory_space<vmem_shared>>
      %dma_start3A_163 = arith.constant 0 : i32
      %dma_start3A_164 = tpu.memref_slice %arg9[%add3A_6, %dma_start3A_163] : memref<10240x128xf32, #tpu.memory_space<vmem_shared>> -> memref<128x128xf32, #tpu.memory_space<vmem_shared>>
      %dma_start3A_165 = arith.constant 0 : i32
      %dma_start3A_166 = arith.constant 0 : i32
      %dma_start3A_167 = tpu.memref_slice %arg8[%run_scoped3A, %dma_start3A_165, %dma_start3A_166] : memref<2x128x128xf32, #tpu.memory_space<vmem>> -> memref<1x128x128xf32, #tpu.memory_space<vmem>>
      %dma_start3A_168 = tpu.memref_squeeze %dma_start3A_167 : memref<1x128x128xf32, #tpu.memory_space<vmem>> -> memref<128x128xf32, #tpu.memory_space<vmem>>
      tpu.enqueue_dma source(%dma_start3A_168 : memref<128x128xf32, #tpu.memory_space<vmem>>) target(%dma_start3A_164 : memref<128x128xf32, #tpu.memory_space<vmem_shared>>) target_semaphore(%run_scoped3A_156 : memref<!tpu.dma_semaphore, #tpu.memory_space<semaphore_mem>>)
      %dma_wait3A = arith.constant 0 : i32
      %dma_wait3A_169 = arith.constant 0 : i32
      %dma_wait3A_170 = tpu.memref_slice %arg8[%run_scoped3A, %dma_wait3A, %dma_wait3A_169] : memref<2x128x128xf32, #tpu.memory_space<vmem>> -> memref<1x128x128xf32, #tpu.memory_space<vmem>>
      %dma_wait3A_171 = tpu.memref_squeeze %dma_wait3A_170 : memref<1x128x128xf32, #tpu.memory_space<vmem>> -> memref<128x128xf32, #tpu.memory_space<vmem>>
      %dma_wait3A_172 = arith.constant 0 : i32
      %dma_wait3A_173 = tpu.memref_slice %arg9[%add3A_6, %dma_wait3A_172] : memref<10240x128xf32, #tpu.memory_space<vmem_shared>> -> memref<128x128xf32, #tpu.memory_space<vmem_shared>>
      %dma_wait3A_174 = arith.constant 0 : i32
      %dma_wait3A_175 = tpu.memref_slice %arg9[%add3A_6, %dma_wait3A_174] : memref<10240x128xf32, #tpu.memory_space<vmem_shared>> -> memref<128x128xf32, #tpu.memory_space<vmem_shared>>
      %dma_wait3A_176 = arith.constant 0 : i32
      %dma_wait3A_177 = arith.constant 0 : i32
      %dma_wait3A_178 = tpu.memref_slice %arg8[%run_scoped3A, %dma_wait3A_176, %dma_wait3A_177] : memref<2x128x128xf32, #tpu.memory_space<vmem>> -> memref<1x128x128xf32, #tpu.memory_space<vmem>>
      %dma_wait3A_179 = tpu.memref_squeeze %dma_wait3A_178 : memref<1x128x128xf32, #tpu.memory_space<vmem>> -> memref<128x128xf32, #tpu.memory_space<vmem>>
      tpu.wait_dma2 semaphore(%run_scoped3A_156 : memref<!tpu.dma_semaphore, #tpu.memory_space<semaphore_mem>>) src(%dma_wait3A_179 : memref<128x128xf32, #tpu.memory_space<vmem>>) dst(%dma_wait3A_175 : memref<128x128xf32, #tpu.memory_space<vmem_shared>>)
      tpu.yield
    }) : () -> ()
    %mul3A_7 = arith.constant 640 : i32
    %mul3A_8 = arith.muli %arg1, %mul3A_7 : i32
    %add3A_9 = arith.constant 128 : i32
    %add3A_10 = arith.addi %mul3A_8, %add3A_9 : i32
    %run_scoped3A_11 = arith.constant 0 : i32
    "tpu.region"() ({
      %run_scoped3A_156 = tpu.sem_alloc : memref<!tpu.dma_semaphore, #tpu.memory_space<semaphore_mem>>
      %dma_start3A_157 = arith.constant 0 : i32
      %dma_start3A_158 = arith.constant 0 : i32
      %dma_start3A_159 = tpu.memref_slice %arg8[%run_scoped3A_11, %dma_start3A_157, %dma_start3A_158] : memref<2x128x128xf32, #tpu.memory_space<vmem>> -> memref<1x128x128xf32, #tpu.memory_space<vmem>>
      %dma_start3A_160 = tpu.memref_squeeze %dma_start3A_159 : memref<1x128x128xf32, #tpu.memory_space<vmem>> -> memref<128x128xf32, #tpu.memory_space<vmem>>
      %dma_start3A_161 = arith.constant 0 : i32
      %dma_start3A_162 = tpu.memref_slice %arg9[%add3A_10, %dma_start3A_161] : memref<10240x128xf32, #tpu.memory_space<vmem_shared>> -> memref<128x128xf32, #tpu.memory_space<vmem_shared>>
      %dma_start3A_163 = arith.constant 0 : i32
      %dma_start3A_164 = tpu.memref_slice %arg9[%add3A_10, %dma_start3A_163] : memref<10240x128xf32, #tpu.memory_space<vmem_shared>> -> memref<128x128xf32, #tpu.memory_space<vmem_shared>>
      %dma_start3A_165 = arith.constant 0 : i32
      %dma_start3A_166 = arith.constant 0 : i32
      %dma_start3A_167 = tpu.memref_slice %arg8[%run_scoped3A_11, %dma_start3A_165, %dma_start3A_166] : memref<2x128x128xf32, #tpu.memory_space<vmem>> -> memref<1x128x128xf32, #tpu.memory_space<vmem>>
      %dma_start3A_168 = tpu.memref_squeeze %dma_start3A_167 : memref<1x128x128xf32, #tpu.memory_space<vmem>> -> memref<128x128xf32, #tpu.memory_space<vmem>>
      tpu.enqueue_dma source(%dma_start3A_168 : memref<128x128xf32, #tpu.memory_space<vmem>>) target(%dma_start3A_164 : memref<128x128xf32, #tpu.memory_space<vmem_shared>>) target_semaphore(%run_scoped3A_156 : memref<!tpu.dma_semaphore, #tpu.memory_space<semaphore_mem>>)
      %dma_wait3A = arith.constant 0 : i32
      %dma_wait3A_169 = arith.constant 0 : i32
      %dma_wait3A_170 = tpu.memref_slice %arg8[%run_scoped3A_11, %dma_wait3A, %dma_wait3A_169] : memref<2x128x128xf32, #tpu.memory_space<vmem>> -> memref<1x128x128xf32, #tpu.memory_space<vmem>>
      %dma_wait3A_171 = tpu.memref_squeeze %dma_wait3A_170 : memref<1x128x128xf32, #tpu.memory_space<vmem>> -> memref<128x128xf32, #tpu.memory_space<vmem>>
      %dma_wait3A_172 = arith.constant 0 : i32
      %dma_wait3A_173 = tpu.memref_slice %arg9[%add3A_10, %dma_wait3A_172] : memref<10240x128xf32, #tpu.memory_space<vmem_shared>> -> memref<128x128xf32, #tpu.memory_space<vmem_shared>>
      %dma_wait3A_174 = arith.constant 0 : i32
      %dma_wait3A_175 = tpu.memref_slice %arg9[%add3A_10, %dma_wait3A_174] : memref<10240x128xf32, #tpu.memory_space<vmem_shared>> -> memref<128x128xf32, #tpu.memory_space<vmem_shared>>
      %dma_wait3A_176 = arith.constant 0 : i32
      %dma_wait3A_177 = arith.constant 0 : i32
      %dma_wait3A_178 = tpu.memref_slice %arg8[%run_scoped3A_11, %dma_wait3A_176, %dma_wait3A_177] : memref<2x128x128xf32, #tpu.memory_space<vmem>> -> memref<1x128x128xf32, #tpu.memory_space<vmem>>
      %dma_wait3A_179 = tpu.memref_squeeze %dma_wait3A_178 : memref<1x128x128xf32, #tpu.memory_space<vmem>> -> memref<128x128xf32, #tpu.memory_space<vmem>>
      tpu.wait_dma2 semaphore(%run_scoped3A_156 : memref<!tpu.dma_semaphore, #tpu.memory_space<semaphore_mem>>) src(%dma_wait3A_179 : memref<128x128xf32, #tpu.memory_space<vmem>>) dst(%dma_wait3A_175 : memref<128x128xf32, #tpu.memory_space<vmem_shared>>)
      tpu.yield
    }) : () -> ()
    %mul3A_12 = arith.constant 640 : i32
    %mul3A_13 = arith.muli %arg1, %mul3A_12 : i32
    %add3A_14 = arith.constant 256 : i32
    %add3A_15 = arith.addi %mul3A_13, %add3A_14 : i32
    %run_scoped3A_16 = arith.constant 0 : i32
    "tpu.region"() ({
      %run_scoped3A_156 = tpu.sem_alloc : memref<!tpu.dma_semaphore, #tpu.memory_space<semaphore_mem>>
      %dma_start3A_157 = arith.constant 0 : i32
      %dma_start3A_158 = arith.constant 0 : i32
      %dma_start3A_159 = tpu.memref_slice %arg8[%run_scoped3A_16, %dma_start3A_157, %dma_start3A_158] : memref<2x128x128xf32, #tpu.memory_space<vmem>> -> memref<1x128x128xf32, #tpu.memory_space<vmem>>
      %dma_start3A_160 = tpu.memref_squeeze %dma_start3A_159 : memref<1x128x128xf32, #tpu.memory_space<vmem>> -> memref<128x128xf32, #tpu.memory_space<vmem>>
      %dma_start3A_161 = arith.constant 0 : i32
      %dma_start3A_162 = tpu.memref_slice %arg9[%add3A_15, %dma_start3A_161] : memref<10240x128xf32, #tpu.memory_space<vmem_shared>> -> memref<128x128xf32, #tpu.memory_space<vmem_shared>>
      %dma_start3A_163 = arith.constant 0 : i32
      %dma_start3A_164 = tpu.memref_slice %arg9[%add3A_15, %dma_start3A_163] : memref<10240x128xf32, #tpu.memory_space<vmem_shared>> -> memref<128x128xf32, #tpu.memory_space<vmem_shared>>
      %dma_start3A_165 = arith.constant 0 : i32
      %dma_start3A_166 = arith.constant 0 : i32
      %dma_start3A_167 = tpu.memref_slice %arg8[%run_scoped3A_16, %dma_start3A_165, %dma_start3A_166] : memref<2x128x128xf32, #tpu.memory_space<vmem>> -> memref<1x128x128xf32, #tpu.memory_space<vmem>>
      %dma_start3A_168 = tpu.memref_squeeze %dma_start3A_167 : memref<1x128x128xf32, #tpu.memory_space<vmem>> -> memref<128x128xf32, #tpu.memory_space<vmem>>
      tpu.enqueue_dma source(%dma_start3A_168 : memref<128x128xf32, #tpu.memory_space<vmem>>) target(%dma_start3A_164 : memref<128x128xf32, #tpu.memory_space<vmem_shared>>) target_semaphore(%run_scoped3A_156 : memref<!tpu.dma_semaphore, #tpu.memory_space<semaphore_mem>>)
      %dma_wait3A = arith.constant 0 : i32
      %dma_wait3A_169 = arith.constant 0 : i32
      %dma_wait3A_170 = tpu.memref_slice %arg8[%run_scoped3A_16, %dma_wait3A, %dma_wait3A_169] : memref<2x128x128xf32, #tpu.memory_space<vmem>> -> memref<1x128x128xf32, #tpu.memory_space<vmem>>
      %dma_wait3A_171 = tpu.memref_squeeze %dma_wait3A_170 : memref<1x128x128xf32, #tpu.memory_space<vmem>> -> memref<128x128xf32, #tpu.memory_space<vmem>>
      %dma_wait3A_172 = arith.constant 0 : i32
      %dma_wait3A_173 = tpu.memref_slice %arg9[%add3A_15, %dma_wait3A_172] : memref<10240x128xf32, #tpu.memory_space<vmem_shared>> -> memref<128x128xf32, #tpu.memory_space<vmem_shared>>
      %dma_wait3A_174 = arith.constant 0 : i32
      %dma_wait3A_175 = tpu.memref_slice %arg9[%add3A_15, %dma_wait3A_174] : memref<10240x128xf32, #tpu.memory_space<vmem_shared>> -> memref<128x128xf32, #tpu.memory_space<vmem_shared>>
      %dma_wait3A_176 = arith.constant 0 : i32
      %dma_wait3A_177 = arith.constant 0 : i32
      %dma_wait3A_178 = tpu.memref_slice %arg8[%run_scoped3A_16, %dma_wait3A_176, %dma_wait3A_177] : memref<2x128x128xf32, #tpu.memory_space<vmem>> -> memref<1x128x128xf32, #tpu.memory_space<vmem>>
      %dma_wait3A_179 = tpu.memref_squeeze %dma_wait3A_178 : memref<1x128x128xf32, #tpu.memory_space<vmem>> -> memref<128x128xf32, #tpu.memory_space<vmem>>
      tpu.wait_dma2 semaphore(%run_scoped3A_156 : memref<!tpu.dma_semaphore, #tpu.memory_space<semaphore_mem>>) src(%dma_wait3A_179 : memref<128x128xf32, #tpu.memory_space<vmem>>) dst(%dma_wait3A_175 : memref<128x128xf32, #tpu.memory_space<vmem_shared>>)
      tpu.yield
    }) : () -> ()
    %mul3A_17 = arith.constant 640 : i32
    %mul3A_18 = arith.muli %arg1, %mul3A_17 : i32
    %add3A_19 = arith.constant 384 : i32
    %add3A_20 = arith.addi %mul3A_18, %add3A_19 : i32
    %run_scoped3A_21 = arith.constant 0 : i32
    "tpu.region"() ({
      %run_scoped3A_156 = tpu.sem_alloc : memref<!tpu.dma_semaphore, #tpu.memory_space<semaphore_mem>>
      %dma_start3A_157 = arith.constant 0 : i32
      %dma_start3A_158 = arith.constant 0 : i32
      %dma_start3A_159 = tpu.memref_slice %arg8[%run_scoped3A_21, %dma_start3A_157, %dma_start3A_158] : memref<2x128x128xf32, #tpu.memory_space<vmem>> -> memref<1x128x128xf32, #tpu.memory_space<vmem>>
      %dma_start3A_160 = tpu.memref_squeeze %dma_start3A_159 : memref<1x128x128xf32, #tpu.memory_space<vmem>> -> memref<128x128xf32, #tpu.memory_space<vmem>>
      %dma_start3A_161 = arith.constant 0 : i32
      %dma_start3A_162 = tpu.memref_slice %arg9[%add3A_20, %dma_start3A_161] : memref<10240x128xf32, #tpu.memory_space<vmem_shared>> -> memref<128x128xf32, #tpu.memory_space<vmem_shared>>
      %dma_start3A_163 = arith.constant 0 : i32
      %dma_start3A_164 = tpu.memref_slice %arg9[%add3A_20, %dma_start3A_163] : memref<10240x128xf32, #tpu.memory_space<vmem_shared>> -> memref<128x128xf32, #tpu.memory_space<vmem_shared>>
      %dma_start3A_165 = arith.constant 0 : i32
      %dma_start3A_166 = arith.constant 0 : i32
      %dma_start3A_167 = tpu.memref_slice %arg8[%run_scoped3A_21, %dma_start3A_165, %dma_start3A_166] : memref<2x128x128xf32, #tpu.memory_space<vmem>> -> memref<1x128x128xf32, #tpu.memory_space<vmem>>
      %dma_start3A_168 = tpu.memref_squeeze %dma_start3A_167 : memref<1x128x128xf32, #tpu.memory_space<vmem>> -> memref<128x128xf32, #tpu.memory_space<vmem>>
      tpu.enqueue_dma source(%dma_start3A_168 : memref<128x128xf32, #tpu.memory_space<vmem>>) target(%dma_start3A_164 : memref<128x128xf32, #tpu.memory_space<vmem_shared>>) target_semaphore(%run_scoped3A_156 : memref<!tpu.dma_semaphore, #tpu.memory_space<semaphore_mem>>)
      %dma_wait3A = arith.constant 0 : i32
      %dma_wait3A_169 = arith.constant 0 : i32
      %dma_wait3A_170 = tpu.memref_slice %arg8[%run_scoped3A_21, %dma_wait3A, %dma_wait3A_169] : memref<2x128x128xf32, #tpu.memory_space<vmem>> -> memref<1x128x128xf32, #tpu.memory_space<vmem>>
      %dma_wait3A_171 = tpu.memref_squeeze %dma_wait3A_170 : memref<1x128x128xf32, #tpu.memory_space<vmem>> -> memref<128x128xf32, #tpu.memory_space<vmem>>
      %dma_wait3A_172 = arith.constant 0 : i32
      %dma_wait3A_173 = tpu.memref_slice %arg9[%add3A_20, %dma_wait3A_172] : memref<10240x128xf32, #tpu.memory_space<vmem_shared>> -> memref<128x128xf32, #tpu.memory_space<vmem_shared>>
      %dma_wait3A_174 = arith.constant 0 : i32
      %dma_wait3A_175 = tpu.memref_slice %arg9[%add3A_20, %dma_wait3A_174] : memref<10240x128xf32, #tpu.memory_space<vmem_shared>> -> memref<128x128xf32, #tpu.memory_space<vmem_shared>>
      %dma_wait3A_176 = arith.constant 0 : i32
      %dma_wait3A_177 = arith.constant 0 : i32
      %dma_wait3A_178 = tpu.memref_slice %arg8[%run_scoped3A_21, %dma_wait3A_176, %dma_wait3A_177] : memref<2x128x128xf32, #tpu.memory_space<vmem>> -> memref<1x128x128xf32, #tpu.memory_space<vmem>>
      %dma_wait3A_179 = tpu.memref_squeeze %dma_wait3A_178 : memref<1x128x128xf32, #tpu.memory_space<vmem>> -> memref<128x128xf32, #tpu.memory_space<vmem>>
      tpu.wait_dma2 semaphore(%run_scoped3A_156 : memref<!tpu.dma_semaphore, #tpu.memory_space<semaphore_mem>>) src(%dma_wait3A_179 : memref<128x128xf32, #tpu.memory_space<vmem>>) dst(%dma_wait3A_175 : memref<128x128xf32, #tpu.memory_space<vmem_shared>>)
      tpu.yield
    }) : () -> ()
    %mul3A_22 = arith.constant 640 : i32
    %mul3A_23 = arith.muli %arg1, %mul3A_22 : i32
    %add3A_24 = arith.constant 512 : i32
    %add3A_25 = arith.addi %mul3A_23, %add3A_24 : i32
    %run_scoped3A_26 = arith.constant 0 : i32
    "tpu.region"() ({
      %run_scoped3A_156 = tpu.sem_alloc : memref<!tpu.dma_semaphore, #tpu.memory_space<semaphore_mem>>
      %dma_start3A_157 = arith.constant 0 : i32
      %dma_start3A_158 = arith.constant 0 : i32
      %dma_start3A_159 = tpu.memref_slice %arg8[%run_scoped3A_26, %dma_start3A_157, %dma_start3A_158] : memref<2x128x128xf32, #tpu.memory_space<vmem>> -> memref<1x128x128xf32, #tpu.memory_space<vmem>>
      %dma_start3A_160 = tpu.memref_squeeze %dma_start3A_159 : memref<1x128x128xf32, #tpu.memory_space<vmem>> -> memref<128x128xf32, #tpu.memory_space<vmem>>
      %dma_start3A_161 = arith.constant 0 : i32
      %dma_start3A_162 = tpu.memref_slice %arg9[%add3A_25, %dma_start3A_161] : memref<10240x128xf32, #tpu.memory_space<vmem_shared>> -> memref<128x128xf32, #tpu.memory_space<vmem_shared>>
      %dma_start3A_163 = arith.constant 0 : i32
      %dma_start3A_164 = tpu.memref_slice %arg9[%add3A_25, %dma_start3A_163] : memref<10240x128xf32, #tpu.memory_space<vmem_shared>> -> memref<128x128xf32, #tpu.memory_space<vmem_shared>>
      %dma_start3A_165 = arith.constant 0 : i32
      %dma_start3A_166 = arith.constant 0 : i32
      %dma_start3A_167 = tpu.memref_slice %arg8[%run_scoped3A_26, %dma_start3A_165, %dma_start3A_166] : memref<2x128x128xf32, #tpu.memory_space<vmem>> -> memref<1x128x128xf32, #tpu.memory_space<vmem>>
      %dma_start3A_168 = tpu.memref_squeeze %dma_start3A_167 : memref<1x128x128xf32, #tpu.memory_space<vmem>> -> memref<128x128xf32, #tpu.memory_space<vmem>>
      tpu.enqueue_dma source(%dma_start3A_168 : memref<128x128xf32, #tpu.memory_space<vmem>>) target(%dma_start3A_164 : memref<128x128xf32, #tpu.memory_space<vmem_shared>>) target_semaphore(%run_scoped3A_156 : memref<!tpu.dma_semaphore, #tpu.memory_space<semaphore_mem>>)
      %dma_wait3A = arith.constant 0 : i32
      %dma_wait3A_169 = arith.constant 0 : i32
      %dma_wait3A_170 = tpu.memref_slice %arg8[%run_scoped3A_26, %dma_wait3A, %dma_wait3A_169] : memref<2x128x128xf32, #tpu.memory_space<vmem>> -> memref<1x128x128xf32, #tpu.memory_space<vmem>>
      %dma_wait3A_171 = tpu.memref_squeeze %dma_wait3A_170 : memref<1x128x128xf32, #tpu.memory_space<vmem>> -> memref<128x128xf32, #tpu.memory_space<vmem>>
      %dma_wait3A_172 = arith.constant 0 : i32
      %dma_wait3A_173 = tpu.memref_slice %arg9[%add3A_25, %dma_wait3A_172] : memref<10240x128xf32, #tpu.memory_space<vmem_shared>> -> memref<128x128xf32, #tpu.memory_space<vmem_shared>>
      %dma_wait3A_174 = arith.constant 0 : i32
      %dma_wait3A_175 = tpu.memref_slice %arg9[%add3A_25, %dma_wait3A_174] : memref<10240x128xf32, #tpu.memory_space<vmem_shared>> -> memref<128x128xf32, #tpu.memory_space<vmem_shared>>
      %dma_wait3A_176 = arith.constant 0 : i32
      %dma_wait3A_177 = arith.constant 0 : i32
      %dma_wait3A_178 = tpu.memref_slice %arg8[%run_scoped3A_26, %dma_wait3A_176, %dma_wait3A_177] : memref<2x128x128xf32, #tpu.memory_space<vmem>> -> memref<1x128x128xf32, #tpu.memory_space<vmem>>
      %dma_wait3A_179 = tpu.memref_squeeze %dma_wait3A_178 : memref<1x128x128xf32, #tpu.memory_space<vmem>> -> memref<128x128xf32, #tpu.memory_space<vmem>>
      tpu.wait_dma2 semaphore(%run_scoped3A_156 : memref<!tpu.dma_semaphore, #tpu.memory_space<semaphore_mem>>) src(%dma_wait3A_179 : memref<128x128xf32, #tpu.memory_space<vmem>>) dst(%dma_wait3A_175 : memref<128x128xf32, #tpu.memory_space<vmem_shared>>)
      tpu.yield
    }) : () -> ()
    %barrier3A = arith.constant 0 : index
    tpu.barrier barrier_id(%barrier3A)
    %mul3A_27 = arith.constant 2048 : i32
    %mul3A_28 = arith.muli %arg0, %mul3A_27 : i32
    %mul3A_29 = arith.constant 128 : i32
    %mul3A_30 = arith.muli %arg1, %mul3A_29 : i32
    %add3A_31 = arith.addi %mul3A_28, %mul3A_30 : i32
    %add3A_32 = arith.constant 0 : i32
    %add3A_33 = arith.addi %add3A_31, %add3A_32 : i32
    "tpu.region"() ({
      %run_scoped3A_156 = tpu.sem_alloc : memref<!tpu.dma_semaphore, #tpu.memory_space<semaphore_mem>>
      %dma_start3A_157 = arith.constant 0 : i32
      %dma_start3A_158 = tpu.memref_slice %arg3[%add3A_33, %dma_start3A_157] : memref<4096x128xi32, #tpu.memory_space<hbm>> -> memref<64x128xi32, #tpu.memory_space<hbm>>
      %dma_start3A_159 = arith.constant 0 : i32
      %dma_start3A_160 = tpu.memref_slice %arg3[%add3A_33, %dma_start3A_159] : memref<4096x128xi32, #tpu.memory_space<hbm>> -> memref<64x128xi32, #tpu.memory_space<hbm>>
      tpu.enqueue_dma source(%dma_start3A_160 : memref<64x128xi32, #tpu.memory_space<hbm>>) target(%arg6 : memref<64x128xi32, #tpu.memory_space<vmem>>) target_semaphore(%run_scoped3A_156 : memref<!tpu.dma_semaphore, #tpu.memory_space<semaphore_mem>>)
      %dma_wait3A = arith.constant 0 : i32
      %dma_wait3A_161 = tpu.memref_slice %arg3[%add3A_33, %dma_wait3A] : memref<4096x128xi32, #tpu.memory_space<hbm>> -> memref<64x128xi32, #tpu.memory_space<hbm>>
      %dma_wait3A_162 = arith.constant 0 : i32
      %dma_wait3A_163 = tpu.memref_slice %arg3[%add3A_33, %dma_wait3A_162] : memref<4096x128xi32, #tpu.memory_space<hbm>> -> memref<64x128xi32, #tpu.memory_space<hbm>>
      tpu.wait_dma2 semaphore(%run_scoped3A_156 : memref<!tpu.dma_semaphore, #tpu.memory_space<semaphore_mem>>) src(%dma_wait3A_163 : memref<64x128xi32, #tpu.memory_space<hbm>>) dst(%arg6 : memref<64x128xi32, #tpu.memory_space<vmem>>)
      tpu.yield
    }) : () -> ()
    "tpu.region"() ({
      %run_scoped3A_156 = tpu.sem_alloc : memref<!tpu.dma_semaphore, #tpu.memory_space<semaphore_mem>>
      %dma_start3A_157 = arith.constant 0 : i32
      %dma_start3A_158 = tpu.memref_slice %arg4[%add3A_33, %dma_start3A_157] : memref<4096x128xi32, #tpu.memory_space<hbm>> -> memref<64x128xi32, #tpu.memory_space<hbm>>
      %dma_start3A_159 = arith.constant 0 : i32
      %dma_start3A_160 = tpu.memref_slice %arg4[%add3A_33, %dma_start3A_159] : memref<4096x128xi32, #tpu.memory_space<hbm>> -> memref<64x128xi32, #tpu.memory_space<hbm>>
      tpu.enqueue_dma source(%dma_start3A_160 : memref<64x128xi32, #tpu.memory_space<hbm>>) target(%arg7 : memref<64x128xi32, #tpu.memory_space<vmem>>) target_semaphore(%run_scoped3A_156 : memref<!tpu.dma_semaphore, #tpu.memory_space<semaphore_mem>>)
      %dma_wait3A = arith.constant 0 : i32
      %dma_wait3A_161 = tpu.memref_slice %arg4[%add3A_33, %dma_wait3A] : memref<4096x128xi32, #tpu.memory_space<hbm>> -> memref<64x128xi32, #tpu.memory_space<hbm>>
      %dma_wait3A_162 = arith.constant 0 : i32
      %dma_wait3A_163 = tpu.memref_slice %arg4[%add3A_33, %dma_wait3A_162] : memref<4096x128xi32, #tpu.memory_space<hbm>> -> memref<64x128xi32, #tpu.memory_space<hbm>>
      tpu.wait_dma2 semaphore(%run_scoped3A_156 : memref<!tpu.dma_semaphore, #tpu.memory_space<semaphore_mem>>) src(%dma_wait3A_163 : memref<64x128xi32, #tpu.memory_space<hbm>>) dst(%arg7 : memref<64x128xi32, #tpu.memory_space<vmem>>)
      tpu.yield
    }) : () -> ()
    %dma_start3A = arith.constant 0 : i32
    %dma_start3A_34 = arith.constant 0 : i32
    %dma_start3A_35 = arith.constant 0 : i32
    %dma_start3A_36 = arith.constant 0 : i32
    %dma_start3A_37 = tpu.memref_slice %arg8[%dma_start3A_34, %dma_start3A_35, %dma_start3A_36] : memref<2x128x128xf32, #tpu.memory_space<vmem>> -> memref<1x64x128xf32, #tpu.memory_space<vmem>>
    %dma_start3A_38 = tpu.memref_squeeze %dma_start3A_37 : memref<1x64x128xf32, #tpu.memory_space<vmem>> -> memref<64x128xf32, #tpu.memory_space<vmem>>
    %dma_start3A_39 = arith.constant 0 : i32
    %dma_start3A_40 = tpu.memref_slice %arg7[%dma_start3A, %dma_start3A_39] : memref<64x128xi32, #tpu.memory_space<vmem>> -> memref<1x64xi32, #tpu.memory_space<vmem>>
    %dma_start3A_41 = tpu.memref_squeeze %dma_start3A_40 : memref<1x64xi32, #tpu.memory_space<vmem>> -> memref<64xi32, #tpu.memory_space<vmem>>
    %dma_start3A_42 = arith.constant 0 : i32
    %dma_start3A_43 = arith.constant 0 : i32
    %dma_start3A_44 = tpu.memref_slice %arg2[%dma_start3A_42, %dma_start3A_43] : memref<10240x128xf32, #tpu.memory_space<hbm>> -> memref<10240x128xf32, #tpu.memory_space<hbm>>
    tpu.enqueue_indirect_dma source(%dma_start3A_44 : memref<10240x128xf32, #tpu.memory_space<hbm>>) target(%dma_start3A_38 : memref<64x128xf32, #tpu.memory_space<vmem>>) offsets(%dma_start3A_41 : memref<64xi32, #tpu.memory_space<vmem>>) semaphore(%arg10 : memref<!tpu.dma_semaphore, #tpu.memory_space<semaphore_mem>>)
    %dma_start3A_45 = arith.constant 0 : i32
    %dma_start3A_46 = arith.constant 0 : i32
    %dma_start3A_47 = arith.constant 64 : i32
    %dma_start3A_48 = arith.constant 0 : i32
    %dma_start3A_49 = tpu.memref_slice %arg8[%dma_start3A_46, %dma_start3A_47, %dma_start3A_48] : memref<2x128x128xf32, #tpu.memory_space<vmem>> -> memref<1x64x128xf32, #tpu.memory_space<vmem>>
    %dma_start3A_50 = tpu.memref_squeeze %dma_start3A_49 : memref<1x64x128xf32, #tpu.memory_space<vmem>> -> memref<64x128xf32, #tpu.memory_space<vmem>>
    %dma_start3A_51 = arith.constant 64 : i32
    %dma_start3A_52 = tpu.memref_slice %arg7[%dma_start3A_45, %dma_start3A_51] : memref<64x128xi32, #tpu.memory_space<vmem>> -> memref<1x64xi32, #tpu.memory_space<vmem>>
    %dma_start3A_53 = tpu.memref_squeeze %dma_start3A_52 : memref<1x64xi32, #tpu.memory_space<vmem>> -> memref<64xi32, #tpu.memory_space<vmem>>
    %dma_start3A_54 = arith.constant 0 : i32
    %dma_start3A_55 = arith.constant 0 : i32
    %dma_start3A_56 = tpu.memref_slice %arg2[%dma_start3A_54, %dma_start3A_55] : memref<10240x128xf32, #tpu.memory_space<hbm>> -> memref<10240x128xf32, #tpu.memory_space<hbm>>
    tpu.enqueue_indirect_dma source(%dma_start3A_56 : memref<10240x128xf32, #tpu.memory_space<hbm>>) target(%dma_start3A_50 : memref<64x128xf32, #tpu.memory_space<vmem>>) offsets(%dma_start3A_53 : memref<64xi32, #tpu.memory_space<vmem>>) semaphore(%arg11 : memref<!tpu.dma_semaphore, #tpu.memory_space<semaphore_mem>>)
    %dma_start3A_57 = arith.constant 1 : i32
    %dma_start3A_58 = arith.constant 1 : i32
    %dma_start3A_59 = arith.constant 0 : i32
    %dma_start3A_60 = arith.constant 0 : i32
    %dma_start3A_61 = tpu.memref_slice %arg8[%dma_start3A_58, %dma_start3A_59, %dma_start3A_60] : memref<2x128x128xf32, #tpu.memory_space<vmem>> -> memref<1x64x128xf32, #tpu.memory_space<vmem>>
    %dma_start3A_62 = tpu.memref_squeeze %dma_start3A_61 : memref<1x64x128xf32, #tpu.memory_space<vmem>> -> memref<64x128xf32, #tpu.memory_space<vmem>>
    %dma_start3A_63 = arith.constant 0 : i32
    %dma_start3A_64 = tpu.memref_slice %arg7[%dma_start3A_57, %dma_start3A_63] : memref<64x128xi32, #tpu.memory_space<vmem>> -> memref<1x64xi32, #tpu.memory_space<vmem>>
    %dma_start3A_65 = tpu.memref_squeeze %dma_start3A_64 : memref<1x64xi32, #tpu.memory_space<vmem>> -> memref<64xi32, #tpu.memory_space<vmem>>
    %dma_start3A_66 = arith.constant 0 : i32
    %dma_start3A_67 = arith.constant 0 : i32
    %dma_start3A_68 = tpu.memref_slice %arg2[%dma_start3A_66, %dma_start3A_67] : memref<10240x128xf32, #tpu.memory_space<hbm>> -> memref<10240x128xf32, #tpu.memory_space<hbm>>
    tpu.enqueue_indirect_dma source(%dma_start3A_68 : memref<10240x128xf32, #tpu.memory_space<hbm>>) target(%dma_start3A_62 : memref<64x128xf32, #tpu.memory_space<vmem>>) offsets(%dma_start3A_65 : memref<64xi32, #tpu.memory_space<vmem>>) semaphore(%arg12 : memref<!tpu.dma_semaphore, #tpu.memory_space<semaphore_mem>>)
    %dma_start3A_69 = arith.constant 1 : i32
    %dma_start3A_70 = arith.constant 1 : i32
    %dma_start3A_71 = arith.constant 64 : i32
    %dma_start3A_72 = arith.constant 0 : i32
    %dma_start3A_73 = tpu.memref_slice %arg8[%dma_start3A_70, %dma_start3A_71, %dma_start3A_72] : memref<2x128x128xf32, #tpu.memory_space<vmem>> -> memref<1x64x128xf32, #tpu.memory_space<vmem>>
    %dma_start3A_74 = tpu.memref_squeeze %dma_start3A_73 : memref<1x64x128xf32, #tpu.memory_space<vmem>> -> memref<64x128xf32, #tpu.memory_space<vmem>>
    %dma_start3A_75 = arith.constant 64 : i32
    %dma_start3A_76 = tpu.memref_slice %arg7[%dma_start3A_69, %dma_start3A_75] : memref<64x128xi32, #tpu.memory_space<vmem>> -> memref<1x64xi32, #tpu.memory_space<vmem>>
    %dma_start3A_77 = tpu.memref_squeeze %dma_start3A_76 : memref<1x64xi32, #tpu.memory_space<vmem>> -> memref<64xi32, #tpu.memory_space<vmem>>
    %dma_start3A_78 = arith.constant 0 : i32
    %dma_start3A_79 = arith.constant 0 : i32
    %dma_start3A_80 = tpu.memref_slice %arg2[%dma_start3A_78, %dma_start3A_79] : memref<10240x128xf32, #tpu.memory_space<hbm>> -> memref<10240x128xf32, #tpu.memory_space<hbm>>
    tpu.enqueue_indirect_dma source(%dma_start3A_80 : memref<10240x128xf32, #tpu.memory_space<hbm>>) target(%dma_start3A_74 : memref<64x128xf32, #tpu.memory_space<vmem>>) offsets(%dma_start3A_77 : memref<64xi32, #tpu.memory_space<vmem>>) semaphore(%arg13 : memref<!tpu.dma_semaphore, #tpu.memory_space<semaphore_mem>>)
    %scan3A_81 = arith.constant 0 : i32
    %scan3A_82 = arith.constant 0 : i32
    %scan3A_83 = arith.constant 32 : i32
    %scan3A_84 = arith.addi %scan3A_82, %scan3A_83 : i32
    %scan3A_85 = arith.constant 1 : i32
    scf.for %scan3A_156 = %scan3A_82 to %scan3A_84 step %scan3A_85  : i32 {
      %mul3A_157 = arith.constant 2 : i32
      %mul3A_158 = arith.muli %scan3A_156, %mul3A_157 : i32
      %add3A_159 = arith.constant 0 : i32
      %add3A_160 = arith.addi %mul3A_158, %add3A_159 : i32
      %dma_wait3A = arith.constant 0 : i32
      %dma_wait3A_161 = arith.constant 0 : i32
      %dma_wait3A_162 = arith.constant 0 : i32
      %dma_wait3A_163 = tpu.memref_slice %arg8[%dma_wait3A, %dma_wait3A_161, %dma_wait3A_162] : memref<2x128x128xf32, #tpu.memory_space<vmem>> -> memref<1x64x128xf32, #tpu.memory_space<vmem>>
      %dma_wait3A_164 = tpu.memref_squeeze %dma_wait3A_163 : memref<1x64x128xf32, #tpu.memory_space<vmem>> -> memref<64x128xf32, #tpu.memory_space<vmem>>
      %dma_wait3A_165 = arith.constant 0 : i32
      %dma_wait3A_166 = tpu.memref_slice %arg7[%add3A_160, %dma_wait3A_165] : memref<64x128xi32, #tpu.memory_space<vmem>> -> memref<1x64xi32, #tpu.memory_space<vmem>>
      %dma_wait3A_167 = tpu.memref_squeeze %dma_wait3A_166 : memref<1x64xi32, #tpu.memory_space<vmem>> -> memref<64xi32, #tpu.memory_space<vmem>>
      %dma_wait3A_168 = arith.constant 0 : i32
      %dma_wait3A_169 = arith.constant 0 : i32
      %dma_wait3A_170 = tpu.memref_slice %arg2[%dma_wait3A_168, %dma_wait3A_169] : memref<10240x128xf32, #tpu.memory_space<hbm>> -> memref<10240x128xf32, #tpu.memory_space<hbm>>
      tpu.wait_indirect_dma semaphore(%arg10 : memref<!tpu.dma_semaphore, #tpu.memory_space<semaphore_mem>>) src(%dma_wait3A_170 : memref<10240x128xf32, #tpu.memory_space<hbm>>) dst(%dma_wait3A_164 : memref<64x128xf32, #tpu.memory_space<vmem>>)
      %dma_wait3A_171 = arith.constant 0 : i32
      %dma_wait3A_172 = arith.constant 64 : i32
      %dma_wait3A_173 = arith.constant 0 : i32
      %dma_wait3A_174 = tpu.memref_slice %arg8[%dma_wait3A_171, %dma_wait3A_172, %dma_wait3A_173] : memref<2x128x128xf32, #tpu.memory_space<vmem>> -> memref<1x64x128xf32, #tpu.memory_space<vmem>>
      %dma_wait3A_175 = tpu.memref_squeeze %dma_wait3A_174 : memref<1x64x128xf32, #tpu.memory_space<vmem>> -> memref<64x128xf32, #tpu.memory_space<vmem>>
      %dma_wait3A_176 = arith.constant 64 : i32
      %dma_wait3A_177 = tpu.memref_slice %arg7[%add3A_160, %dma_wait3A_176] : memref<64x128xi32, #tpu.memory_space<vmem>> -> memref<1x64xi32, #tpu.memory_space<vmem>>
      %dma_wait3A_178 = tpu.memref_squeeze %dma_wait3A_177 : memref<1x64xi32, #tpu.memory_space<vmem>> -> memref<64xi32, #tpu.memory_space<vmem>>
      %dma_wait3A_179 = arith.constant 0 : i32
      %dma_wait3A_180 = arith.constant 0 : i32
      %dma_wait3A_181 = tpu.memref_slice %arg2[%dma_wait3A_179, %dma_wait3A_180] : memref<10240x128xf32, #tpu.memory_space<hbm>> -> memref<10240x128xf32, #tpu.memory_space<hbm>>
      tpu.wait_indirect_dma semaphore(%arg11 : memref<!tpu.dma_semaphore, #tpu.memory_space<semaphore_mem>>) src(%dma_wait3A_181 : memref<10240x128xf32, #tpu.memory_space<hbm>>) dst(%dma_wait3A_175 : memref<64x128xf32, #tpu.memory_space<vmem>>)
      %run_scoped3A_182 = arith.constant 0 : i32
      "tpu.region"() ({
        %run_scoped3A_221 = tpu.sem_alloc : memref<!tpu.dma_semaphore, #tpu.memory_space<semaphore_mem>>
        %dma_start3A_222 = arith.constant 0 : i32
        %dma_start3A_223 = arith.constant 0 : i32
        %dma_start3A_224 = tpu.memref_slice %arg8[%run_scoped3A_182, %dma_start3A_222, %dma_start3A_223] : memref<2x128x128xf32, #tpu.memory_space<vmem>> -> memref<1x128x128xf32, #tpu.memory_space<vmem>>
        %dma_start3A_225 = tpu.memref_squeeze %dma_start3A_224 : memref<1x128x128xf32, #tpu.memory_space<vmem>> -> memref<128x128xf32, #tpu.memory_space<vmem>>
        %dma_start3A_226 = arith.constant 0 : i32
        %dma_start3A_227 = tpu.memref_slice %arg6[%add3A_160, %dma_start3A_226] : memref<64x128xi32, #tpu.memory_space<vmem>> -> memref<1x128xi32, #tpu.memory_space<vmem>>
        %dma_start3A_228 = tpu.memref_squeeze %dma_start3A_227 : memref<1x128xi32, #tpu.memory_space<vmem>> -> memref<128xi32, #tpu.memory_space<vmem>>
        %dma_start3A_229 = arith.constant 0 : i32
        %dma_start3A_230 = arith.constant 0 : i32
        %dma_start3A_231 = tpu.memref_slice %arg9[%dma_start3A_229, %dma_start3A_230] : memref<10240x128xf32, #tpu.memory_space<vmem_shared>> -> memref<10240x128xf32, #tpu.memory_space<vmem_shared>>
        tpu.enqueue_indirect_dma source(%dma_start3A_225 : memref<128x128xf32, #tpu.memory_space<vmem>>) target(%dma_start3A_231 : memref<10240x128xf32, #tpu.memory_space<vmem_shared>>) offsets(%dma_start3A_228 : memref<128xi32, #tpu.memory_space<vmem>>) semaphore(%run_scoped3A_221 : memref<!tpu.dma_semaphore, #tpu.memory_space<semaphore_mem>>) {add = true}
        %dma_wait3A_232 = arith.constant 0 : i32
        %dma_wait3A_233 = arith.constant 0 : i32
        %dma_wait3A_234 = tpu.memref_slice %arg8[%run_scoped3A_182, %dma_wait3A_232, %dma_wait3A_233] : memref<2x128x128xf32, #tpu.memory_space<vmem>> -> memref<1x128x128xf32, #tpu.memory_space<vmem>>
        %dma_wait3A_235 = tpu.memref_squeeze %dma_wait3A_234 : memref<1x128x128xf32, #tpu.memory_space<vmem>> -> memref<128x128xf32, #tpu.memory_space<vmem>>
        %dma_wait3A_236 = arith.constant 0 : i32
        %dma_wait3A_237 = tpu.memref_slice %arg6[%add3A_160, %dma_wait3A_236] : memref<64x128xi32, #tpu.memory_space<vmem>> -> memref<1x128xi32, #tpu.memory_space<vmem>>
        %dma_wait3A_238 = tpu.memref_squeeze %dma_wait3A_237 : memref<1x128xi32, #tpu.memory_space<vmem>> -> memref<128xi32, #tpu.memory_space<vmem>>
        %dma_wait3A_239 = arith.constant 0 : i32
        %dma_wait3A_240 = arith.constant 0 : i32
        %dma_wait3A_241 = tpu.memref_slice %arg9[%dma_wait3A_239, %dma_wait3A_240] : memref<10240x128xf32, #tpu.memory_space<vmem_shared>> -> memref<10240x128xf32, #tpu.memory_space<vmem_shared>>
        tpu.wait_indirect_dma semaphore(%run_scoped3A_221 : memref<!tpu.dma_semaphore, #tpu.memory_space<semaphore_mem>>) src(%dma_wait3A_235 : memref<128x128xf32, #tpu.memory_space<vmem>>) dst(%dma_wait3A_241 : memref<10240x128xf32, #tpu.memory_space<vmem_shared>>)
        tpu.yield
      }) : () -> ()
      %add3A_183 = arith.constant 2 : i32
      %add3A_184 = arith.addi %add3A_160, %add3A_183 : i32
      %lt3A = arith.constant 64 : i32
      %lt3A_185 = arith.cmpi slt, %add3A_184, %lt3A : i32
      %convert_element_type3A = arith.extui %lt3A_185 : i1 to i32
      %cond3A = arith.constant 0 : i32
      %cond3A_186 = arith.cmpi ne, %convert_element_type3A, %cond3A : i32
      scf.if %cond3A_186 {
        %add3A_221 = arith.constant 2 : i32
        %add3A_222 = arith.addi %add3A_160, %add3A_221 : i32
        %dma_start3A_223 = arith.constant 0 : i32
        %dma_start3A_224 = arith.constant 0 : i32
        %dma_start3A_225 = arith.constant 0 : i32
        %dma_start3A_226 = tpu.memref_slice %arg8[%dma_start3A_223, %dma_start3A_224, %dma_start3A_225] : memref<2x128x128xf32, #tpu.memory_space<vmem>> -> memref<1x64x128xf32, #tpu.memory_space<vmem>>
        %dma_start3A_227 = tpu.memref_squeeze %dma_start3A_226 : memref<1x64x128xf32, #tpu.memory_space<vmem>> -> memref<64x128xf32, #tpu.memory_space<vmem>>
        %dma_start3A_228 = arith.constant 0 : i32
        %dma_start3A_229 = tpu.memref_slice %arg7[%add3A_222, %dma_start3A_228] : memref<64x128xi32, #tpu.memory_space<vmem>> -> memref<1x64xi32, #tpu.memory_space<vmem>>
        %dma_start3A_230 = tpu.memref_squeeze %dma_start3A_229 : memref<1x64xi32, #tpu.memory_space<vmem>> -> memref<64xi32, #tpu.memory_space<vmem>>
        %dma_start3A_231 = arith.constant 0 : i32
        %dma_start3A_232 = arith.constant 0 : i32
        %dma_start3A_233 = tpu.memref_slice %arg2[%dma_start3A_231, %dma_start3A_232] : memref<10240x128xf32, #tpu.memory_space<hbm>> -> memref<10240x128xf32, #tpu.memory_space<hbm>>
        tpu.enqueue_indirect_dma source(%dma_start3A_233 : memref<10240x128xf32, #tpu.memory_space<hbm>>) target(%dma_start3A_227 : memref<64x128xf32, #tpu.memory_space<vmem>>) offsets(%dma_start3A_230 : memref<64xi32, #tpu.memory_space<vmem>>) semaphore(%arg10 : memref<!tpu.dma_semaphore, #tpu.memory_space<semaphore_mem>>)
        %add3A_234 = arith.constant 2 : i32
        %add3A_235 = arith.addi %add3A_160, %add3A_234 : i32
        %dma_start3A_236 = arith.constant 0 : i32
        %dma_start3A_237 = arith.constant 64 : i32
        %dma_start3A_238 = arith.constant 0 : i32
        %dma_start3A_239 = tpu.memref_slice %arg8[%dma_start3A_236, %dma_start3A_237, %dma_start3A_238] : memref<2x128x128xf32, #tpu.memory_space<vmem>> -> memref<1x64x128xf32, #tpu.memory_space<vmem>>
        %dma_start3A_240 = tpu.memref_squeeze %dma_start3A_239 : memref<1x64x128xf32, #tpu.memory_space<vmem>> -> memref<64x128xf32, #tpu.memory_space<vmem>>
        %dma_start3A_241 = arith.constant 64 : i32
        %dma_start3A_242 = tpu.memref_slice %arg7[%add3A_235, %dma_start3A_241] : memref<64x128xi32, #tpu.memory_space<vmem>> -> memref<1x64xi32, #tpu.memory_space<vmem>>
        %dma_start3A_243 = tpu.memref_squeeze %dma_start3A_242 : memref<1x64xi32, #tpu.memory_space<vmem>> -> memref<64xi32, #tpu.memory_space<vmem>>
        %dma_start3A_244 = arith.constant 0 : i32
        %dma_start3A_245 = arith.constant 0 : i32
        %dma_start3A_246 = tpu.memref_slice %arg2[%dma_start3A_244, %dma_start3A_245] : memref<10240x128xf32, #tpu.memory_space<hbm>> -> memref<10240x128xf32, #tpu.memory_space<hbm>>
        tpu.enqueue_indirect_dma source(%dma_start3A_246 : memref<10240x128xf32, #tpu.memory_space<hbm>>) target(%dma_start3A_240 : memref<64x128xf32, #tpu.memory_space<vmem>>) offsets(%dma_start3A_243 : memref<64xi32, #tpu.memory_space<vmem>>) semaphore(%arg11 : memref<!tpu.dma_semaphore, #tpu.memory_space<semaphore_mem>>)
      } else {
      }
      %mul3A_187 = arith.constant 2 : i32
      %mul3A_188 = arith.muli %scan3A_156, %mul3A_187 : i32
      %add3A_189 = arith.constant 1 : i32
      %add3A_190 = arith.addi %mul3A_188, %add3A_189 : i32
      %dma_wait3A_191 = arith.constant 1 : i32
      %dma_wait3A_192 = arith.constant 0 : i32
      %dma_wait3A_193 = arith.constant 0 : i32
      %dma_wait3A_194 = tpu.memref_slice %arg8[%dma_wait3A_191, %dma_wait3A_192, %dma_wait3A_193] : memref<2x128x128xf32, #tpu.memory_space<vmem>> -> memref<1x64x128xf32, #tpu.memory_space<vmem>>
      %dma_wait3A_195 = tpu.memref_squeeze %dma_wait3A_194 : memref<1x64x128xf32, #tpu.memory_space<vmem>> -> memref<64x128xf32, #tpu.memory_space<vmem>>
      %dma_wait3A_196 = arith.constant 0 : i32
      %dma_wait3A_197 = tpu.memref_slice %arg7[%add3A_190, %dma_wait3A_196] : memref<64x128xi32, #tpu.memory_space<vmem>> -> memref<1x64xi32, #tpu.memory_space<vmem>>
      %dma_wait3A_198 = tpu.memref_squeeze %dma_wait3A_197 : memref<1x64xi32, #tpu.memory_space<vmem>> -> memref<64xi32, #tpu.memory_space<vmem>>
      %dma_wait3A_199 = arith.constant 0 : i32
      %dma_wait3A_200 = arith.constant 0 : i32
      %dma_wait3A_201 = tpu.memref_slice %arg2[%dma_wait3A_199, %dma_wait3A_200] : memref<10240x128xf32, #tpu.memory_space<hbm>> -> memref<10240x128xf32, #tpu.memory_space<hbm>>
      tpu.wait_indirect_dma semaphore(%arg12 : memref<!tpu.dma_semaphore, #tpu.memory_space<semaphore_mem>>) src(%dma_wait3A_201 : memref<10240x128xf32, #tpu.memory_space<hbm>>) dst(%dma_wait3A_195 : memref<64x128xf32, #tpu.memory_space<vmem>>)
      %dma_wait3A_202 = arith.constant 1 : i32
      %dma_wait3A_203 = arith.constant 64 : i32
      %dma_wait3A_204 = arith.constant 0 : i32
      %dma_wait3A_205 = tpu.memref_slice %arg8[%dma_wait3A_202, %dma_wait3A_203, %dma_wait3A_204] : memref<2x128x128xf32, #tpu.memory_space<vmem>> -> memref<1x64x128xf32, #tpu.memory_space<vmem>>
      %dma_wait3A_206 = tpu.memref_squeeze %dma_wait3A_205 : memref<1x64x128xf32, #tpu.memory_space<vmem>> -> memref<64x128xf32, #tpu.memory_space<vmem>>
      %dma_wait3A_207 = arith.constant 64 : i32
      %dma_wait3A_208 = tpu.memref_slice %arg7[%add3A_190, %dma_wait3A_207] : memref<64x128xi32, #tpu.memory_space<vmem>> -> memref<1x64xi32, #tpu.memory_space<vmem>>
      %dma_wait3A_209 = tpu.memref_squeeze %dma_wait3A_208 : memref<1x64xi32, #tpu.memory_space<vmem>> -> memref<64xi32, #tpu.memory_space<vmem>>
      %dma_wait3A_210 = arith.constant 0 : i32
      %dma_wait3A_211 = arith.constant 0 : i32
      %dma_wait3A_212 = tpu.memref_slice %arg2[%dma_wait3A_210, %dma_wait3A_211] : memref<10240x128xf32, #tpu.memory_space<hbm>> -> memref<10240x128xf32, #tpu.memory_space<hbm>>
      tpu.wait_indirect_dma semaphore(%arg13 : memref<!tpu.dma_semaphore, #tpu.memory_space<semaphore_mem>>) src(%dma_wait3A_212 : memref<10240x128xf32, #tpu.memory_space<hbm>>) dst(%dma_wait3A_206 : memref<64x128xf32, #tpu.memory_space<vmem>>)
      %run_scoped3A_213 = arith.constant 1 : i32
      "tpu.region"() ({
        %run_scoped3A_221 = tpu.sem_alloc : memref<!tpu.dma_semaphore, #tpu.memory_space<semaphore_mem>>
        %dma_start3A_222 = arith.constant 0 : i32
        %dma_start3A_223 = arith.constant 0 : i32
        %dma_start3A_224 = tpu.memref_slice %arg8[%run_scoped3A_213, %dma_start3A_222, %dma_start3A_223] : memref<2x128x128xf32, #tpu.memory_space<vmem>> -> memref<1x128x128xf32, #tpu.memory_space<vmem>>
        %dma_start3A_225 = tpu.memref_squeeze %dma_start3A_224 : memref<1x128x128xf32, #tpu.memory_space<vmem>> -> memref<128x128xf32, #tpu.memory_space<vmem>>
        %dma_start3A_226 = arith.constant 0 : i32
        %dma_start3A_227 = tpu.memref_slice %arg6[%add3A_190, %dma_start3A_226] : memref<64x128xi32, #tpu.memory_space<vmem>> -> memref<1x128xi32, #tpu.memory_space<vmem>>
        %dma_start3A_228 = tpu.memref_squeeze %dma_start3A_227 : memref<1x128xi32, #tpu.memory_space<vmem>> -> memref<128xi32, #tpu.memory_space<vmem>>
        %dma_start3A_229 = arith.constant 0 : i32
        %dma_start3A_230 = arith.constant 0 : i32
        %dma_start3A_231 = tpu.memref_slice %arg9[%dma_start3A_229, %dma_start3A_230] : memref<10240x128xf32, #tpu.memory_space<vmem_shared>> -> memref<10240x128xf32, #tpu.memory_space<vmem_shared>>
        tpu.enqueue_indirect_dma source(%dma_start3A_225 : memref<128x128xf32, #tpu.memory_space<vmem>>) target(%dma_start3A_231 : memref<10240x128xf32, #tpu.memory_space<vmem_shared>>) offsets(%dma_start3A_228 : memref<128xi32, #tpu.memory_space<vmem>>) semaphore(%run_scoped3A_221 : memref<!tpu.dma_semaphore, #tpu.memory_space<semaphore_mem>>) {add = true}
        %dma_wait3A_232 = arith.constant 0 : i32
        %dma_wait3A_233 = arith.constant 0 : i32
        %dma_wait3A_234 = tpu.memref_slice %arg8[%run_scoped3A_213, %dma_wait3A_232, %dma_wait3A_233] : memref<2x128x128xf32, #tpu.memory_space<vmem>> -> memref<1x128x128xf32, #tpu.memory_space<vmem>>
        %dma_wait3A_235 = tpu.memref_squeeze %dma_wait3A_234 : memref<1x128x128xf32, #tpu.memory_space<vmem>> -> memref<128x128xf32, #tpu.memory_space<vmem>>
        %dma_wait3A_236 = arith.constant 0 : i32
        %dma_wait3A_237 = tpu.memref_slice %arg6[%add3A_190, %dma_wait3A_236] : memref<64x128xi32, #tpu.memory_space<vmem>> -> memref<1x128xi32, #tpu.memory_space<vmem>>
        %dma_wait3A_238 = tpu.memref_squeeze %dma_wait3A_237 : memref<1x128xi32, #tpu.memory_space<vmem>> -> memref<128xi32, #tpu.memory_space<vmem>>
        %dma_wait3A_239 = arith.constant 0 : i32
        %dma_wait3A_240 = arith.constant 0 : i32
        %dma_wait3A_241 = tpu.memref_slice %arg9[%dma_wait3A_239, %dma_wait3A_240] : memref<10240x128xf32, #tpu.memory_space<vmem_shared>> -> memref<10240x128xf32, #tpu.memory_space<vmem_shared>>
        tpu.wait_indirect_dma semaphore(%run_scoped3A_221 : memref<!tpu.dma_semaphore, #tpu.memory_space<semaphore_mem>>) src(%dma_wait3A_235 : memref<128x128xf32, #tpu.memory_space<vmem>>) dst(%dma_wait3A_241 : memref<10240x128xf32, #tpu.memory_space<vmem_shared>>)
        tpu.yield
      }) : () -> ()
      %add3A_214 = arith.constant 2 : i32
      %add3A_215 = arith.addi %add3A_190, %add3A_214 : i32
      %lt3A_216 = arith.constant 64 : i32
      %lt3A_217 = arith.cmpi slt, %add3A_215, %lt3A_216 : i32
      %convert_element_type3A_218 = arith.extui %lt3A_217 : i1 to i32
      %cond3A_219 = arith.constant 0 : i32
      %cond3A_220 = arith.cmpi ne, %convert_element_type3A_218, %cond3A_219 : i32
      scf.if %cond3A_220 {
        %add3A_221 = arith.constant 2 : i32
        %add3A_222 = arith.addi %add3A_190, %add3A_221 : i32
        %dma_start3A_223 = arith.constant 1 : i32
        %dma_start3A_224 = arith.constant 0 : i32
        %dma_start3A_225 = arith.constant 0 : i32
        %dma_start3A_226 = tpu.memref_slice %arg8[%dma_start3A_223, %dma_start3A_224, %dma_start3A_225] : memref<2x128x128xf32, #tpu.memory_space<vmem>> -> memref<1x64x128xf32, #tpu.memory_space<vmem>>
        %dma_start3A_227 = tpu.memref_squeeze %dma_start3A_226 : memref<1x64x128xf32, #tpu.memory_space<vmem>> -> memref<64x128xf32, #tpu.memory_space<vmem>>
        %dma_start3A_228 = arith.constant 0 : i32
        %dma_start3A_229 = tpu.memref_slice %arg7[%add3A_222, %dma_start3A_228] : memref<64x128xi32, #tpu.memory_space<vmem>> -> memref<1x64xi32, #tpu.memory_space<vmem>>
        %dma_start3A_230 = tpu.memref_squeeze %dma_start3A_229 : memref<1x64xi32, #tpu.memory_space<vmem>> -> memref<64xi32, #tpu.memory_space<vmem>>
        %dma_start3A_231 = arith.constant 0 : i32
        %dma_start3A_232 = arith.constant 0 : i32
        %dma_start3A_233 = tpu.memref_slice %arg2[%dma_start3A_231, %dma_start3A_232] : memref<10240x128xf32, #tpu.memory_space<hbm>> -> memref<10240x128xf32, #tpu.memory_space<hbm>>
        tpu.enqueue_indirect_dma source(%dma_start3A_233 : memref<10240x128xf32, #tpu.memory_space<hbm>>) target(%dma_start3A_227 : memref<64x128xf32, #tpu.memory_space<vmem>>) offsets(%dma_start3A_230 : memref<64xi32, #tpu.memory_space<vmem>>) semaphore(%arg12 : memref<!tpu.dma_semaphore, #tpu.memory_space<semaphore_mem>>)
        %add3A_234 = arith.constant 2 : i32
        %add3A_235 = arith.addi %add3A_190, %add3A_234 : i32
        %dma_start3A_236 = arith.constant 1 : i32
        %dma_start3A_237 = arith.constant 64 : i32
        %dma_start3A_238 = arith.constant 0 : i32
        %dma_start3A_239 = tpu.memref_slice %arg8[%dma_start3A_236, %dma_start3A_237, %dma_start3A_238] : memref<2x128x128xf32, #tpu.memory_space<vmem>> -> memref<1x64x128xf32, #tpu.memory_space<vmem>>
        %dma_start3A_240 = tpu.memref_squeeze %dma_start3A_239 : memref<1x64x128xf32, #tpu.memory_space<vmem>> -> memref<64x128xf32, #tpu.memory_space<vmem>>
        %dma_start3A_241 = arith.constant 64 : i32
        %dma_start3A_242 = tpu.memref_slice %arg7[%add3A_235, %dma_start3A_241] : memref<64x128xi32, #tpu.memory_space<vmem>> -> memref<1x64xi32, #tpu.memory_space<vmem>>
        %dma_start3A_243 = tpu.memref_squeeze %dma_start3A_242 : memref<1x64xi32, #tpu.memory_space<vmem>> -> memref<64xi32, #tpu.memory_space<vmem>>
        %dma_start3A_244 = arith.constant 0 : i32
        %dma_start3A_245 = arith.constant 0 : i32
        %dma_start3A_246 = tpu.memref_slice %arg2[%dma_start3A_244, %dma_start3A_245] : memref<10240x128xf32, #tpu.memory_space<hbm>> -> memref<10240x128xf32, #tpu.memory_space<hbm>>
        tpu.enqueue_indirect_dma source(%dma_start3A_246 : memref<10240x128xf32, #tpu.memory_space<hbm>>) target(%dma_start3A_240 : memref<64x128xf32, #tpu.memory_space<vmem>>) offsets(%dma_start3A_243 : memref<64xi32, #tpu.memory_space<vmem>>) semaphore(%arg13 : memref<!tpu.dma_semaphore, #tpu.memory_space<semaphore_mem>>)
      } else {
      }
    }
    %scan3A_86 = arith.constant 32 : i32
    %mul3A_87 = arith.constant 2048 : i32
    %mul3A_88 = arith.muli %arg0, %mul3A_87 : i32
    %mul3A_89 = arith.constant 128 : i32
    %mul3A_90 = arith.muli %arg1, %mul3A_89 : i32
    %add3A_91 = arith.addi %mul3A_88, %mul3A_90 : i32
    %add3A_92 = arith.constant 64 : i32
    %add3A_93 = arith.addi %add3A_91, %add3A_92 : i32
    "tpu.region"() ({
      %run_scoped3A_156 = tpu.sem_alloc : memref<!tpu.dma_semaphore, #tpu.memory_space<semaphore_mem>>
      %dma_start3A_157 = arith.constant 0 : i32
      %dma_start3A_158 = tpu.memref_slice %arg3[%add3A_93, %dma_start3A_157] : memref<4096x128xi32, #tpu.memory_space<hbm>> -> memref<64x128xi32, #tpu.memory_space<hbm>>
      %dma_start3A_159 = arith.constant 0 : i32
      %dma_start3A_160 = tpu.memref_slice %arg3[%add3A_93, %dma_start3A_159] : memref<4096x128xi32, #tpu.memory_space<hbm>> -> memref<64x128xi32, #tpu.memory_space<hbm>>
      tpu.enqueue_dma source(%dma_start3A_160 : memref<64x128xi32, #tpu.memory_space<hbm>>) target(%arg6 : memref<64x128xi32, #tpu.memory_space<vmem>>) target_semaphore(%run_scoped3A_156 : memref<!tpu.dma_semaphore, #tpu.memory_space<semaphore_mem>>)
      %dma_wait3A = arith.constant 0 : i32
      %dma_wait3A_161 = tpu.memref_slice %arg3[%add3A_93, %dma_wait3A] : memref<4096x128xi32, #tpu.memory_space<hbm>> -> memref<64x128xi32, #tpu.memory_space<hbm>>
      %dma_wait3A_162 = arith.constant 0 : i32
      %dma_wait3A_163 = tpu.memref_slice %arg3[%add3A_93, %dma_wait3A_162] : memref<4096x128xi32, #tpu.memory_space<hbm>> -> memref<64x128xi32, #tpu.memory_space<hbm>>
      tpu.wait_dma2 semaphore(%run_scoped3A_156 : memref<!tpu.dma_semaphore, #tpu.memory_space<semaphore_mem>>) src(%dma_wait3A_163 : memref<64x128xi32, #tpu.memory_space<hbm>>) dst(%arg6 : memref<64x128xi32, #tpu.memory_space<vmem>>)
      tpu.yield
    }) : () -> ()
    "tpu.region"() ({
      %run_scoped3A_156 = tpu.sem_alloc : memref<!tpu.dma_semaphore, #tpu.memory_space<semaphore_mem>>
      %dma_start3A_157 = arith.constant 0 : i32
      %dma_start3A_158 = tpu.memref_slice %arg4[%add3A_93, %dma_start3A_157] : memref<4096x128xi32, #tpu.memory_space<hbm>> -> memref<64x128xi32, #tpu.memory_space<hbm>>
      %dma_start3A_159 = arith.constant 0 : i32
      %dma_start3A_160 = tpu.memref_slice %arg4[%add3A_93, %dma_start3A_159] : memref<4096x128xi32, #tpu.memory_space<hbm>> -> memref<64x128xi32, #tpu.memory_space<hbm>>
      tpu.enqueue_dma source(%dma_start3A_160 : memref<64x128xi32, #tpu.memory_space<hbm>>) target(%arg7 : memref<64x128xi32, #tpu.memory_space<vmem>>) target_semaphore(%run_scoped3A_156 : memref<!tpu.dma_semaphore, #tpu.memory_space<semaphore_mem>>)
      %dma_wait3A = arith.constant 0 : i32
      %dma_wait3A_161 = tpu.memref_slice %arg4[%add3A_93, %dma_wait3A] : memref<4096x128xi32, #tpu.memory_space<hbm>> -> memref<64x128xi32, #tpu.memory_space<hbm>>
      %dma_wait3A_162 = arith.constant 0 : i32
      %dma_wait3A_163 = tpu.memref_slice %arg4[%add3A_93, %dma_wait3A_162] : memref<4096x128xi32, #tpu.memory_space<hbm>> -> memref<64x128xi32, #tpu.memory_space<hbm>>
      tpu.wait_dma2 semaphore(%run_scoped3A_156 : memref<!tpu.dma_semaphore, #tpu.memory_space<semaphore_mem>>) src(%dma_wait3A_163 : memref<64x128xi32, #tpu.memory_space<hbm>>) dst(%arg7 : memref<64x128xi32, #tpu.memory_space<vmem>>)
      tpu.yield
    }) : () -> ()
    %dma_start3A_94 = arith.constant 0 : i32
    %dma_start3A_95 = arith.constant 0 : i32
    %dma_start3A_96 = arith.constant 0 : i32
    %dma_start3A_97 = arith.constant 0 : i32
    %dma_start3A_98 = tpu.memref_slice %arg8[%dma_start3A_95, %dma_start3A_96, %dma_start3A_97] : memref<2x128x128xf32, #tpu.memory_space<vmem>> -> memref<1x64x128xf32, #tpu.memory_space<vmem>>
    %dma_start3A_99 = tpu.memref_squeeze %dma_start3A_98 : memref<1x64x128xf32, #tpu.memory_space<vmem>> -> memref<64x128xf32, #tpu.memory_space<vmem>>
    %dma_start3A_100 = arith.constant 0 : i32
    %dma_start3A_101 = tpu.memref_slice %arg7[%dma_start3A_94, %dma_start3A_100] : memref<64x128xi32, #tpu.memory_space<vmem>> -> memref<1x64xi32, #tpu.memory_space<vmem>>
    %dma_start3A_102 = tpu.memref_squeeze %dma_start3A_101 : memref<1x64xi32, #tpu.memory_space<vmem>> -> memref<64xi32, #tpu.memory_space<vmem>>
    %dma_start3A_103 = arith.constant 0 : i32
    %dma_start3A_104 = arith.constant 0 : i32
    %dma_start3A_105 = tpu.memref_slice %arg2[%dma_start3A_103, %dma_start3A_104] : memref<10240x128xf32, #tpu.memory_space<hbm>> -> memref<10240x128xf32, #tpu.memory_space<hbm>>
    tpu.enqueue_indirect_dma source(%dma_start3A_105 : memref<10240x128xf32, #tpu.memory_space<hbm>>) target(%dma_start3A_99 : memref<64x128xf32, #tpu.memory_space<vmem>>) offsets(%dma_start3A_102 : memref<64xi32, #tpu.memory_space<vmem>>) semaphore(%arg10 : memref<!tpu.dma_semaphore, #tpu.memory_space<semaphore_mem>>)
    %dma_start3A_106 = arith.constant 0 : i32
    %dma_start3A_107 = arith.constant 0 : i32
    %dma_start3A_108 = arith.constant 64 : i32
    %dma_start3A_109 = arith.constant 0 : i32
    %dma_start3A_110 = tpu.memref_slice %arg8[%dma_start3A_107, %dma_start3A_108, %dma_start3A_109] : memref<2x128x128xf32, #tpu.memory_space<vmem>> -> memref<1x64x128xf32, #tpu.memory_space<vmem>>
    %dma_start3A_111 = tpu.memref_squeeze %dma_start3A_110 : memref<1x64x128xf32, #tpu.memory_space<vmem>> -> memref<64x128xf32, #tpu.memory_space<vmem>>
    %dma_start3A_112 = arith.constant 64 : i32
    %dma_start3A_113 = tpu.memref_slice %arg7[%dma_start3A_106, %dma_start3A_112] : memref<64x128xi32, #tpu.memory_space<vmem>> -> memref<1x64xi32, #tpu.memory_space<vmem>>
    %dma_start3A_114 = tpu.memref_squeeze %dma_start3A_113 : memref<1x64xi32, #tpu.memory_space<vmem>> -> memref<64xi32, #tpu.memory_space<vmem>>
    %dma_start3A_115 = arith.constant 0 : i32
    %dma_start3A_116 = arith.constant 0 : i32
    %dma_start3A_117 = tpu.memref_slice %arg2[%dma_start3A_115, %dma_start3A_116] : memref<10240x128xf32, #tpu.memory_space<hbm>> -> memref<10240x128xf32, #tpu.memory_space<hbm>>
    tpu.enqueue_indirect_dma source(%dma_start3A_117 : memref<10240x128xf32, #tpu.memory_space<hbm>>) target(%dma_start3A_111 : memref<64x128xf32, #tpu.memory_space<vmem>>) offsets(%dma_start3A_114 : memref<64xi32, #tpu.memory_space<vmem>>) semaphore(%arg11 : memref<!tpu.dma_semaphore, #tpu.memory_space<semaphore_mem>>)
    %dma_start3A_118 = arith.constant 1 : i32
    %dma_start3A_119 = arith.constant 1 : i32
    %dma_start3A_120 = arith.constant 0 : i32
    %dma_start3A_121 = arith.constant 0 : i32
    %dma_start3A_122 = tpu.memref_slice %arg8[%dma_start3A_119, %dma_start3A_120, %dma_start3A_121] : memref<2x128x128xf32, #tpu.memory_space<vmem>> -> memref<1x64x128xf32, #tpu.memory_space<vmem>>
    %dma_start3A_123 = tpu.memref_squeeze %dma_start3A_122 : memref<1x64x128xf32, #tpu.memory_space<vmem>> -> memref<64x128xf32, #tpu.memory_space<vmem>>
    %dma_start3A_124 = arith.constant 0 : i32
    %dma_start3A_125 = tpu.memref_slice %arg7[%dma_start3A_118, %dma_start3A_124] : memref<64x128xi32, #tpu.memory_space<vmem>> -> memref<1x64xi32, #tpu.memory_space<vmem>>
    %dma_start3A_126 = tpu.memref_squeeze %dma_start3A_125 : memref<1x64xi32, #tpu.memory_space<vmem>> -> memref<64xi32, #tpu.memory_space<vmem>>
    %dma_start3A_127 = arith.constant 0 : i32
    %dma_start3A_128 = arith.constant 0 : i32
    %dma_start3A_129 = tpu.memref_slice %arg2[%dma_start3A_127, %dma_start3A_128] : memref<10240x128xf32, #tpu.memory_space<hbm>> -> memref<10240x128xf32, #tpu.memory_space<hbm>>
    tpu.enqueue_indirect_dma source(%dma_start3A_129 : memref<10240x128xf32, #tpu.memory_space<hbm>>) target(%dma_start3A_123 : memref<64x128xf32, #tpu.memory_space<vmem>>) offsets(%dma_start3A_126 : memref<64xi32, #tpu.memory_space<vmem>>) semaphore(%arg12 : memref<!tpu.dma_semaphore, #tpu.memory_space<semaphore_mem>>)
    %dma_start3A_130 = arith.constant 1 : i32
    %dma_start3A_131 = arith.constant 1 : i32
    %dma_start3A_132 = arith.constant 64 : i32
    %dma_start3A_133 = arith.constant 0 : i32
    %dma_start3A_134 = tpu.memref_slice %arg8[%dma_start3A_131, %dma_start3A_132, %dma_start3A_133] : memref<2x128x128xf32, #tpu.memory_space<vmem>> -> memref<1x64x128xf32, #tpu.memory_space<vmem>>
    %dma_start3A_135 = tpu.memref_squeeze %dma_start3A_134 : memref<1x64x128xf32, #tpu.memory_space<vmem>> -> memref<64x128xf32, #tpu.memory_space<vmem>>
    %dma_start3A_136 = arith.constant 64 : i32
    %dma_start3A_137 = tpu.memref_slice %arg7[%dma_start3A_130, %dma_start3A_136] : memref<64x128xi32, #tpu.memory_space<vmem>> -> memref<1x64xi32, #tpu.memory_space<vmem>>
    %dma_start3A_138 = tpu.memref_squeeze %dma_start3A_137 : memref<1x64xi32, #tpu.memory_space<vmem>> -> memref<64xi32, #tpu.memory_space<vmem>>
    %dma_start3A_139 = arith.constant 0 : i32
    %dma_start3A_140 = arith.constant 0 : i32
    %dma_start3A_141 = tpu.memref_slice %arg2[%dma_start3A_139, %dma_start3A_140] : memref<10240x128xf32, #tpu.memory_space<hbm>> -> memref<10240x128xf32, #tpu.memory_space<hbm>>
    tpu.enqueue_indirect_dma source(%dma_start3A_141 : memref<10240x128xf32, #tpu.memory_space<hbm>>) target(%dma_start3A_135 : memref<64x128xf32, #tpu.memory_space<vmem>>) offsets(%dma_start3A_138 : memref<64xi32, #tpu.memory_space<vmem>>) semaphore(%arg13 : memref<!tpu.dma_semaphore, #tpu.memory_space<semaphore_mem>>)
    %scan3A_142 = arith.constant 0 : i32
    %scan3A_143 = arith.constant 0 : i32
    %scan3A_144 = arith.constant 32 : i32
    %scan3A_145 = arith.addi %scan3A_143, %scan3A_144 : i32
    %scan3A_146 = arith.constant 1 : i32
    scf.for %scan3A_156 = %scan3A_143 to %scan3A_145 step %scan3A_146  : i32 {
      %mul3A_157 = arith.constant 2 : i32
      %mul3A_158 = arith.muli %scan3A_156, %mul3A_157 : i32
      %add3A_159 = arith.constant 0 : i32
      %add3A_160 = arith.addi %mul3A_158, %add3A_159 : i32
      %dma_wait3A = arith.constant 0 : i32
      %dma_wait3A_161 = arith.constant 0 : i32
      %dma_wait3A_162 = arith.constant 0 : i32
      %dma_wait3A_163 = tpu.memref_slice %arg8[%dma_wait3A, %dma_wait3A_161, %dma_wait3A_162] : memref<2x128x128xf32, #tpu.memory_space<vmem>> -> memref<1x64x128xf32, #tpu.memory_space<vmem>>
      %dma_wait3A_164 = tpu.memref_squeeze %dma_wait3A_163 : memref<1x64x128xf32, #tpu.memory_space<vmem>> -> memref<64x128xf32, #tpu.memory_space<vmem>>
      %dma_wait3A_165 = arith.constant 0 : i32
      %dma_wait3A_166 = tpu.memref_slice %arg7[%add3A_160, %dma_wait3A_165] : memref<64x128xi32, #tpu.memory_space<vmem>> -> memref<1x64xi32, #tpu.memory_space<vmem>>
      %dma_wait3A_167 = tpu.memref_squeeze %dma_wait3A_166 : memref<1x64xi32, #tpu.memory_space<vmem>> -> memref<64xi32, #tpu.memory_space<vmem>>
      %dma_wait3A_168 = arith.constant 0 : i32
      %dma_wait3A_169 = arith.constant 0 : i32
      %dma_wait3A_170 = tpu.memref_slice %arg2[%dma_wait3A_168, %dma_wait3A_169] : memref<10240x128xf32, #tpu.memory_space<hbm>> -> memref<10240x128xf32, #tpu.memory_space<hbm>>
      tpu.wait_indirect_dma semaphore(%arg10 : memref<!tpu.dma_semaphore, #tpu.memory_space<semaphore_mem>>) src(%dma_wait3A_170 : memref<10240x128xf32, #tpu.memory_space<hbm>>) dst(%dma_wait3A_164 : memref<64x128xf32, #tpu.memory_space<vmem>>)
      %dma_wait3A_171 = arith.constant 0 : i32
      %dma_wait3A_172 = arith.constant 64 : i32
      %dma_wait3A_173 = arith.constant 0 : i32
      %dma_wait3A_174 = tpu.memref_slice %arg8[%dma_wait3A_171, %dma_wait3A_172, %dma_wait3A_173] : memref<2x128x128xf32, #tpu.memory_space<vmem>> -> memref<1x64x128xf32, #tpu.memory_space<vmem>>
      %dma_wait3A_175 = tpu.memref_squeeze %dma_wait3A_174 : memref<1x64x128xf32, #tpu.memory_space<vmem>> -> memref<64x128xf32, #tpu.memory_space<vmem>>
      %dma_wait3A_176 = arith.constant 64 : i32
      %dma_wait3A_177 = tpu.memref_slice %arg7[%add3A_160, %dma_wait3A_176] : memref<64x128xi32, #tpu.memory_space<vmem>> -> memref<1x64xi32, #tpu.memory_space<vmem>>
      %dma_wait3A_178 = tpu.memref_squeeze %dma_wait3A_177 : memref<1x64xi32, #tpu.memory_space<vmem>> -> memref<64xi32, #tpu.memory_space<vmem>>
      %dma_wait3A_179 = arith.constant 0 : i32
      %dma_wait3A_180 = arith.constant 0 : i32
      %dma_wait3A_181 = tpu.memref_slice %arg2[%dma_wait3A_179, %dma_wait3A_180] : memref<10240x128xf32, #tpu.memory_space<hbm>> -> memref<10240x128xf32, #tpu.memory_space<hbm>>
      tpu.wait_indirect_dma semaphore(%arg11 : memref<!tpu.dma_semaphore, #tpu.memory_space<semaphore_mem>>) src(%dma_wait3A_181 : memref<10240x128xf32, #tpu.memory_space<hbm>>) dst(%dma_wait3A_175 : memref<64x128xf32, #tpu.memory_space<vmem>>)
      %run_scoped3A_182 = arith.constant 0 : i32
      "tpu.region"() ({
        %run_scoped3A_221 = tpu.sem_alloc : memref<!tpu.dma_semaphore, #tpu.memory_space<semaphore_mem>>
        %dma_start3A_222 = arith.constant 0 : i32
        %dma_start3A_223 = arith.constant 0 : i32
        %dma_start3A_224 = tpu.memref_slice %arg8[%run_scoped3A_182, %dma_start3A_222, %dma_start3A_223] : memref<2x128x128xf32, #tpu.memory_space<vmem>> -> memref<1x128x128xf32, #tpu.memory_space<vmem>>
        %dma_start3A_225 = tpu.memref_squeeze %dma_start3A_224 : memref<1x128x128xf32, #tpu.memory_space<vmem>> -> memref<128x128xf32, #tpu.memory_space<vmem>>
        %dma_start3A_226 = arith.constant 0 : i32
        %dma_start3A_227 = tpu.memref_slice %arg6[%add3A_160, %dma_start3A_226] : memref<64x128xi32, #tpu.memory_space<vmem>> -> memref<1x128xi32, #tpu.memory_space<vmem>>
        %dma_start3A_228 = tpu.memref_squeeze %dma_start3A_227 : memref<1x128xi32, #tpu.memory_space<vmem>> -> memref<128xi32, #tpu.memory_space<vmem>>
        %dma_start3A_229 = arith.constant 0 : i32
        %dma_start3A_230 = arith.constant 0 : i32
        %dma_start3A_231 = tpu.memref_slice %arg9[%dma_start3A_229, %dma_start3A_230] : memref<10240x128xf32, #tpu.memory_space<vmem_shared>> -> memref<10240x128xf32, #tpu.memory_space<vmem_shared>>
        tpu.enqueue_indirect_dma source(%dma_start3A_225 : memref<128x128xf32, #tpu.memory_space<vmem>>) target(%dma_start3A_231 : memref<10240x128xf32, #tpu.memory_space<vmem_shared>>) offsets(%dma_start3A_228 : memref<128xi32, #tpu.memory_space<vmem>>) semaphore(%run_scoped3A_221 : memref<!tpu.dma_semaphore, #tpu.memory_space<semaphore_mem>>) {add = true}
        %dma_wait3A_232 = arith.constant 0 : i32
        %dma_wait3A_233 = arith.constant 0 : i32
        %dma_wait3A_234 = tpu.memref_slice %arg8[%run_scoped3A_182, %dma_wait3A_232, %dma_wait3A_233] : memref<2x128x128xf32, #tpu.memory_space<vmem>> -> memref<1x128x128xf32, #tpu.memory_space<vmem>>
        %dma_wait3A_235 = tpu.memref_squeeze %dma_wait3A_234 : memref<1x128x128xf32, #tpu.memory_space<vmem>> -> memref<128x128xf32, #tpu.memory_space<vmem>>
        %dma_wait3A_236 = arith.constant 0 : i32
        %dma_wait3A_237 = tpu.memref_slice %arg6[%add3A_160, %dma_wait3A_236] : memref<64x128xi32, #tpu.memory_space<vmem>> -> memref<1x128xi32, #tpu.memory_space<vmem>>
        %dma_wait3A_238 = tpu.memref_squeeze %dma_wait3A_237 : memref<1x128xi32, #tpu.memory_space<vmem>> -> memref<128xi32, #tpu.memory_space<vmem>>
        %dma_wait3A_239 = arith.constant 0 : i32
        %dma_wait3A_240 = arith.constant 0 : i32
        %dma_wait3A_241 = tpu.memref_slice %arg9[%dma_wait3A_239, %dma_wait3A_240] : memref<10240x128xf32, #tpu.memory_space<vmem_shared>> -> memref<10240x128xf32, #tpu.memory_space<vmem_shared>>
        tpu.wait_indirect_dma semaphore(%run_scoped3A_221 : memref<!tpu.dma_semaphore, #tpu.memory_space<semaphore_mem>>) src(%dma_wait3A_235 : memref<128x128xf32, #tpu.memory_space<vmem>>) dst(%dma_wait3A_241 : memref<10240x128xf32, #tpu.memory_space<vmem_shared>>)
        tpu.yield
      }) : () -> ()
      %add3A_183 = arith.constant 2 : i32
      %add3A_184 = arith.addi %add3A_160, %add3A_183 : i32
      %lt3A = arith.constant 64 : i32
      %lt3A_185 = arith.cmpi slt, %add3A_184, %lt3A : i32
      %convert_element_type3A = arith.extui %lt3A_185 : i1 to i32
      %cond3A = arith.constant 0 : i32
      %cond3A_186 = arith.cmpi ne, %convert_element_type3A, %cond3A : i32
      scf.if %cond3A_186 {
        %add3A_221 = arith.constant 2 : i32
        %add3A_222 = arith.addi %add3A_160, %add3A_221 : i32
        %dma_start3A_223 = arith.constant 0 : i32
        %dma_start3A_224 = arith.constant 0 : i32
        %dma_start3A_225 = arith.constant 0 : i32
        %dma_start3A_226 = tpu.memref_slice %arg8[%dma_start3A_223, %dma_start3A_224, %dma_start3A_225] : memref<2x128x128xf32, #tpu.memory_space<vmem>> -> memref<1x64x128xf32, #tpu.memory_space<vmem>>
        %dma_start3A_227 = tpu.memref_squeeze %dma_start3A_226 : memref<1x64x128xf32, #tpu.memory_space<vmem>> -> memref<64x128xf32, #tpu.memory_space<vmem>>
        %dma_start3A_228 = arith.constant 0 : i32
        %dma_start3A_229 = tpu.memref_slice %arg7[%add3A_222, %dma_start3A_228] : memref<64x128xi32, #tpu.memory_space<vmem>> -> memref<1x64xi32, #tpu.memory_space<vmem>>
        %dma_start3A_230 = tpu.memref_squeeze %dma_start3A_229 : memref<1x64xi32, #tpu.memory_space<vmem>> -> memref<64xi32, #tpu.memory_space<vmem>>
        %dma_start3A_231 = arith.constant 0 : i32
        %dma_start3A_232 = arith.constant 0 : i32
        %dma_start3A_233 = tpu.memref_slice %arg2[%dma_start3A_231, %dma_start3A_232] : memref<10240x128xf32, #tpu.memory_space<hbm>> -> memref<10240x128xf32, #tpu.memory_space<hbm>>
        tpu.enqueue_indirect_dma source(%dma_start3A_233 : memref<10240x128xf32, #tpu.memory_space<hbm>>) target(%dma_start3A_227 : memref<64x128xf32, #tpu.memory_space<vmem>>) offsets(%dma_start3A_230 : memref<64xi32, #tpu.memory_space<vmem>>) semaphore(%arg10 : memref<!tpu.dma_semaphore, #tpu.memory_space<semaphore_mem>>)
        %add3A_234 = arith.constant 2 : i32
        %add3A_235 = arith.addi %add3A_160, %add3A_234 : i32
        %dma_start3A_236 = arith.constant 0 : i32
        %dma_start3A_237 = arith.constant 64 : i32
        %dma_start3A_238 = arith.constant 0 : i32
        %dma_start3A_239 = tpu.memref_slice %arg8[%dma_start3A_236, %dma_start3A_237, %dma_start3A_238] : memref<2x128x128xf32, #tpu.memory_space<vmem>> -> memref<1x64x128xf32, #tpu.memory_space<vmem>>
        %dma_start3A_240 = tpu.memref_squeeze %dma_start3A_239 : memref<1x64x128xf32, #tpu.memory_space<vmem>> -> memref<64x128xf32, #tpu.memory_space<vmem>>
        %dma_start3A_241 = arith.constant 64 : i32
        %dma_start3A_242 = tpu.memref_slice %arg7[%add3A_235, %dma_start3A_241] : memref<64x128xi32, #tpu.memory_space<vmem>> -> memref<1x64xi32, #tpu.memory_space<vmem>>
        %dma_start3A_243 = tpu.memref_squeeze %dma_start3A_242 : memref<1x64xi32, #tpu.memory_space<vmem>> -> memref<64xi32, #tpu.memory_space<vmem>>
        %dma_start3A_244 = arith.constant 0 : i32
        %dma_start3A_245 = arith.constant 0 : i32
        %dma_start3A_246 = tpu.memref_slice %arg2[%dma_start3A_244, %dma_start3A_245] : memref<10240x128xf32, #tpu.memory_space<hbm>> -> memref<10240x128xf32, #tpu.memory_space<hbm>>
        tpu.enqueue_indirect_dma source(%dma_start3A_246 : memref<10240x128xf32, #tpu.memory_space<hbm>>) target(%dma_start3A_240 : memref<64x128xf32, #tpu.memory_space<vmem>>) offsets(%dma_start3A_243 : memref<64xi32, #tpu.memory_space<vmem>>) semaphore(%arg11 : memref<!tpu.dma_semaphore, #tpu.memory_space<semaphore_mem>>)
      } else {
      }
      %mul3A_187 = arith.constant 2 : i32
      %mul3A_188 = arith.muli %scan3A_156, %mul3A_187 : i32
      %add3A_189 = arith.constant 1 : i32
      %add3A_190 = arith.addi %mul3A_188, %add3A_189 : i32
      %dma_wait3A_191 = arith.constant 1 : i32
      %dma_wait3A_192 = arith.constant 0 : i32
      %dma_wait3A_193 = arith.constant 0 : i32
      %dma_wait3A_194 = tpu.memref_slice %arg8[%dma_wait3A_191, %dma_wait3A_192, %dma_wait3A_193] : memref<2x128x128xf32, #tpu.memory_space<vmem>> -> memref<1x64x128xf32, #tpu.memory_space<vmem>>
      %dma_wait3A_195 = tpu.memref_squeeze %dma_wait3A_194 : memref<1x64x128xf32, #tpu.memory_space<vmem>> -> memref<64x128xf32, #tpu.memory_space<vmem>>
      %dma_wait3A_196 = arith.constant 0 : i32
      %dma_wait3A_197 = tpu.memref_slice %arg7[%add3A_190, %dma_wait3A_196] : memref<64x128xi32, #tpu.memory_space<vmem>> -> memref<1x64xi32, #tpu.memory_space<vmem>>
      %dma_wait3A_198 = tpu.memref_squeeze %dma_wait3A_197 : memref<1x64xi32, #tpu.memory_space<vmem>> -> memref<64xi32, #tpu.memory_space<vmem>>
      %dma_wait3A_199 = arith.constant 0 : i32
      %dma_wait3A_200 = arith.constant 0 : i32
      %dma_wait3A_201 = tpu.memref_slice %arg2[%dma_wait3A_199, %dma_wait3A_200] : memref<10240x128xf32, #tpu.memory_space<hbm>> -> memref<10240x128xf32, #tpu.memory_space<hbm>>
      tpu.wait_indirect_dma semaphore(%arg12 : memref<!tpu.dma_semaphore, #tpu.memory_space<semaphore_mem>>) src(%dma_wait3A_201 : memref<10240x128xf32, #tpu.memory_space<hbm>>) dst(%dma_wait3A_195 : memref<64x128xf32, #tpu.memory_space<vmem>>)
      %dma_wait3A_202 = arith.constant 1 : i32
      %dma_wait3A_203 = arith.constant 64 : i32
      %dma_wait3A_204 = arith.constant 0 : i32
      %dma_wait3A_205 = tpu.memref_slice %arg8[%dma_wait3A_202, %dma_wait3A_203, %dma_wait3A_204] : memref<2x128x128xf32, #tpu.memory_space<vmem>> -> memref<1x64x128xf32, #tpu.memory_space<vmem>>
      %dma_wait3A_206 = tpu.memref_squeeze %dma_wait3A_205 : memref<1x64x128xf32, #tpu.memory_space<vmem>> -> memref<64x128xf32, #tpu.memory_space<vmem>>
      %dma_wait3A_207 = arith.constant 64 : i32
      %dma_wait3A_208 = tpu.memref_slice %arg7[%add3A_190, %dma_wait3A_207] : memref<64x128xi32, #tpu.memory_space<vmem>> -> memref<1x64xi32, #tpu.memory_space<vmem>>
      %dma_wait3A_209 = tpu.memref_squeeze %dma_wait3A_208 : memref<1x64xi32, #tpu.memory_space<vmem>> -> memref<64xi32, #tpu.memory_space<vmem>>
      %dma_wait3A_210 = arith.constant 0 : i32
      %dma_wait3A_211 = arith.constant 0 : i32
      %dma_wait3A_212 = tpu.memref_slice %arg2[%dma_wait3A_210, %dma_wait3A_211] : memref<10240x128xf32, #tpu.memory_space<hbm>> -> memref<10240x128xf32, #tpu.memory_space<hbm>>
      tpu.wait_indirect_dma semaphore(%arg13 : memref<!tpu.dma_semaphore, #tpu.memory_space<semaphore_mem>>) src(%dma_wait3A_212 : memref<10240x128xf32, #tpu.memory_space<hbm>>) dst(%dma_wait3A_206 : memref<64x128xf32, #tpu.memory_space<vmem>>)
      %run_scoped3A_213 = arith.constant 1 : i32
      "tpu.region"() ({
        %run_scoped3A_221 = tpu.sem_alloc : memref<!tpu.dma_semaphore, #tpu.memory_space<semaphore_mem>>
        %dma_start3A_222 = arith.constant 0 : i32
        %dma_start3A_223 = arith.constant 0 : i32
        %dma_start3A_224 = tpu.memref_slice %arg8[%run_scoped3A_213, %dma_start3A_222, %dma_start3A_223] : memref<2x128x128xf32, #tpu.memory_space<vmem>> -> memref<1x128x128xf32, #tpu.memory_space<vmem>>
        %dma_start3A_225 = tpu.memref_squeeze %dma_start3A_224 : memref<1x128x128xf32, #tpu.memory_space<vmem>> -> memref<128x128xf32, #tpu.memory_space<vmem>>
        %dma_start3A_226 = arith.constant 0 : i32
        %dma_start3A_227 = tpu.memref_slice %arg6[%add3A_190, %dma_start3A_226] : memref<64x128xi32, #tpu.memory_space<vmem>> -> memref<1x128xi32, #tpu.memory_space<vmem>>
        %dma_start3A_228 = tpu.memref_squeeze %dma_start3A_227 : memref<1x128xi32, #tpu.memory_space<vmem>> -> memref<128xi32, #tpu.memory_space<vmem>>
        %dma_start3A_229 = arith.constant 0 : i32
        %dma_start3A_230 = arith.constant 0 : i32
        %dma_start3A_231 = tpu.memref_slice %arg9[%dma_start3A_229, %dma_start3A_230] : memref<10240x128xf32, #tpu.memory_space<vmem_shared>> -> memref<10240x128xf32, #tpu.memory_space<vmem_shared>>
        tpu.enqueue_indirect_dma source(%dma_start3A_225 : memref<128x128xf32, #tpu.memory_space<vmem>>) target(%dma_start3A_231 : memref<10240x128xf32, #tpu.memory_space<vmem_shared>>) offsets(%dma_start3A_228 : memref<128xi32, #tpu.memory_space<vmem>>) semaphore(%run_scoped3A_221 : memref<!tpu.dma_semaphore, #tpu.memory_space<semaphore_mem>>) {add = true}
        %dma_wait3A_232 = arith.constant 0 : i32
        %dma_wait3A_233 = arith.constant 0 : i32
        %dma_wait3A_234 = tpu.memref_slice %arg8[%run_scoped3A_213, %dma_wait3A_232, %dma_wait3A_233] : memref<2x128x128xf32, #tpu.memory_space<vmem>> -> memref<1x128x128xf32, #tpu.memory_space<vmem>>
        %dma_wait3A_235 = tpu.memref_squeeze %dma_wait3A_234 : memref<1x128x128xf32, #tpu.memory_space<vmem>> -> memref<128x128xf32, #tpu.memory_space<vmem>>
        %dma_wait3A_236 = arith.constant 0 : i32
        %dma_wait3A_237 = tpu.memref_slice %arg6[%add3A_190, %dma_wait3A_236] : memref<64x128xi32, #tpu.memory_space<vmem>> -> memref<1x128xi32, #tpu.memory_space<vmem>>
        %dma_wait3A_238 = tpu.memref_squeeze %dma_wait3A_237 : memref<1x128xi32, #tpu.memory_space<vmem>> -> memref<128xi32, #tpu.memory_space<vmem>>
        %dma_wait3A_239 = arith.constant 0 : i32
        %dma_wait3A_240 = arith.constant 0 : i32
        %dma_wait3A_241 = tpu.memref_slice %arg9[%dma_wait3A_239, %dma_wait3A_240] : memref<10240x128xf32, #tpu.memory_space<vmem_shared>> -> memref<10240x128xf32, #tpu.memory_space<vmem_shared>>
        tpu.wait_indirect_dma semaphore(%run_scoped3A_221 : memref<!tpu.dma_semaphore, #tpu.memory_space<semaphore_mem>>) src(%dma_wait3A_235 : memref<128x128xf32, #tpu.memory_space<vmem>>) dst(%dma_wait3A_241 : memref<10240x128xf32, #tpu.memory_space<vmem_shared>>)
        tpu.yield
      }) : () -> ()
      %add3A_214 = arith.constant 2 : i32
      %add3A_215 = arith.addi %add3A_190, %add3A_214 : i32
      %lt3A_216 = arith.constant 64 : i32
      %lt3A_217 = arith.cmpi slt, %add3A_215, %lt3A_216 : i32
      %convert_element_type3A_218 = arith.extui %lt3A_217 : i1 to i32
      %cond3A_219 = arith.constant 0 : i32
      %cond3A_220 = arith.cmpi ne, %convert_element_type3A_218, %cond3A_219 : i32
      scf.if %cond3A_220 {
        %add3A_221 = arith.constant 2 : i32
        %add3A_222 = arith.addi %add3A_190, %add3A_221 : i32
        %dma_start3A_223 = arith.constant 1 : i32
        %dma_start3A_224 = arith.constant 0 : i32
        %dma_start3A_225 = arith.constant 0 : i32
        %dma_start3A_226 = tpu.memref_slice %arg8[%dma_start3A_223, %dma_start3A_224, %dma_start3A_225] : memref<2x128x128xf32, #tpu.memory_space<vmem>> -> memref<1x64x128xf32, #tpu.memory_space<vmem>>
        %dma_start3A_227 = tpu.memref_squeeze %dma_start3A_226 : memref<1x64x128xf32, #tpu.memory_space<vmem>> -> memref<64x128xf32, #tpu.memory_space<vmem>>
        %dma_start3A_228 = arith.constant 0 : i32
        %dma_start3A_229 = tpu.memref_slice %arg7[%add3A_222, %dma_start3A_228] : memref<64x128xi32, #tpu.memory_space<vmem>> -> memref<1x64xi32, #tpu.memory_space<vmem>>
        %dma_start3A_230 = tpu.memref_squeeze %dma_start3A_229 : memref<1x64xi32, #tpu.memory_space<vmem>> -> memref<64xi32, #tpu.memory_space<vmem>>
        %dma_start3A_231 = arith.constant 0 : i32
        %dma_start3A_232 = arith.constant 0 : i32
        %dma_start3A_233 = tpu.memref_slice %arg2[%dma_start3A_231, %dma_start3A_232] : memref<10240x128xf32, #tpu.memory_space<hbm>> -> memref<10240x128xf32, #tpu.memory_space<hbm>>
        tpu.enqueue_indirect_dma source(%dma_start3A_233 : memref<10240x128xf32, #tpu.memory_space<hbm>>) target(%dma_start3A_227 : memref<64x128xf32, #tpu.memory_space<vmem>>) offsets(%dma_start3A_230 : memref<64xi32, #tpu.memory_space<vmem>>) semaphore(%arg12 : memref<!tpu.dma_semaphore, #tpu.memory_space<semaphore_mem>>)
        %add3A_234 = arith.constant 2 : i32
        %add3A_235 = arith.addi %add3A_190, %add3A_234 : i32
        %dma_start3A_236 = arith.constant 1 : i32
        %dma_start3A_237 = arith.constant 64 : i32
        %dma_start3A_238 = arith.constant 0 : i32
        %dma_start3A_239 = tpu.memref_slice %arg8[%dma_start3A_236, %dma_start3A_237, %dma_start3A_238] : memref<2x128x128xf32, #tpu.memory_space<vmem>> -> memref<1x64x128xf32, #tpu.memory_space<vmem>>
        %dma_start3A_240 = tpu.memref_squeeze %dma_start3A_239 : memref<1x64x128xf32, #tpu.memory_space<vmem>> -> memref<64x128xf32, #tpu.memory_space<vmem>>
        %dma_start3A_241 = arith.constant 64 : i32
        %dma_start3A_242 = tpu.memref_slice %arg7[%add3A_235, %dma_start3A_241] : memref<64x128xi32, #tpu.memory_space<vmem>> -> memref<1x64xi32, #tpu.memory_space<vmem>>
        %dma_start3A_243 = tpu.memref_squeeze %dma_start3A_242 : memref<1x64xi32, #tpu.memory_space<vmem>> -> memref<64xi32, #tpu.memory_space<vmem>>
        %dma_start3A_244 = arith.constant 0 : i32
        %dma_start3A_245 = arith.constant 0 : i32
        %dma_start3A_246 = tpu.memref_slice %arg2[%dma_start3A_244, %dma_start3A_245] : memref<10240x128xf32, #tpu.memory_space<hbm>> -> memref<10240x128xf32, #tpu.memory_space<hbm>>
        tpu.enqueue_indirect_dma source(%dma_start3A_246 : memref<10240x128xf32, #tpu.memory_space<hbm>>) target(%dma_start3A_240 : memref<64x128xf32, #tpu.memory_space<vmem>>) offsets(%dma_start3A_243 : memref<64xi32, #tpu.memory_space<vmem>>) semaphore(%arg13 : memref<!tpu.dma_semaphore, #tpu.memory_space<semaphore_mem>>)
      } else {
      }
    }
    %scan3A_147 = arith.constant 32 : i32
    %barrier3A_148 = arith.constant 0 : index
    tpu.barrier barrier_id(%barrier3A_148)
    %mul3A_149 = arith.constant 640 : i32
    %mul3A_150 = arith.muli %arg1, %mul3A_149 : i32
    %mul3A_151 = arith.constant 10240 : i32
    %mul3A_152 = arith.muli %arg0, %mul3A_151 : i32
    %mul3A_153 = arith.constant 640 : i32
    %mul3A_154 = arith.muli %arg1, %mul3A_153 : i32
    %add3A_155 = arith.addi %mul3A_152, %mul3A_154 : i32
    "tpu.region"() ({
      %run_scoped3A_156 = tpu.sem_alloc : memref<!tpu.dma_semaphore, #tpu.memory_space<semaphore_mem>>
      %dma_start3A_157 = arith.constant 0 : i32
      %dma_start3A_158 = tpu.memref_slice %arg5[%add3A_155, %dma_start3A_157] : memref<20480x128xf32, #tpu.memory_space<hbm>> -> memref<640x128xf32, #tpu.memory_space<hbm>>
      %dma_start3A_159 = arith.constant 0 : i32
      %dma_start3A_160 = tpu.memref_slice %arg9[%mul3A_150, %dma_start3A_159] : memref<10240x128xf32, #tpu.memory_space<vmem_shared>> -> memref<640x128xf32, #tpu.memory_space<vmem_shared>>
      tpu.enqueue_dma source(%dma_start3A_160 : memref<640x128xf32, #tpu.memory_space<vmem_shared>>) target(%dma_start3A_158 : memref<640x128xf32, #tpu.memory_space<hbm>>) target_semaphore(%run_scoped3A_156 : memref<!tpu.dma_semaphore, #tpu.memory_space<semaphore_mem>>)
      %dma_wait3A = arith.constant 0 : i32
      %dma_wait3A_161 = tpu.memref_slice %arg5[%add3A_155, %dma_wait3A] : memref<20480x128xf32, #tpu.memory_space<hbm>> -> memref<640x128xf32, #tpu.memory_space<hbm>>
      %dma_wait3A_162 = arith.constant 0 : i32
      %dma_wait3A_163 = tpu.memref_slice %arg9[%mul3A_150, %dma_wait3A_162] : memref<10240x128xf32, #tpu.memory_space<vmem_shared>> -> memref<640x128xf32, #tpu.memory_space<vmem_shared>>
      tpu.wait_dma2 semaphore(%run_scoped3A_156 : memref<!tpu.dma_semaphore, #tpu.memory_space<semaphore_mem>>) src(%dma_wait3A_163 : memref<640x128xf32, #tpu.memory_space<vmem_shared>>) dst(%dma_wait3A_161 : memref<640x128xf32, #tpu.memory_space<hbm>>)
      tpu.yield
    }) : () -> ()
    return
  }
}

#map = affine_map<(d0, d1) -> (0, 0)>
module attributes {stable_mosaic.version = 14 : i64} {
  func.func @_spmm(%arg0: i32, %arg1: i32, %arg2: memref<10240x128xf32, #tpu.memory_space<hbm>>, %arg3: memref<4096x128xi32, #tpu.memory_space<hbm>>, %arg4: memref<4096x128xi32, #tpu.memory_space<hbm>>, %arg5: memref<20480x128xf32, #tpu.memory_space<hbm>>, %arg6: memref<64x128xi32, #tpu.memory_space<vmem>>, %arg7: memref<64x128xi32, #tpu.memory_space<vmem>>, %arg8: memref<2x128x128xf32, #tpu.memory_space<vmem>>, %arg9: memref<10240x128xf32, #tpu.memory_space<vmem_shared>>, %arg10: memref<!tpu.dma_semaphore, #tpu.memory_space<semaphore_mem>>, %arg11: memref<!tpu.dma_semaphore, #tpu.memory_space<semaphore_mem>>, %arg12: memref<!tpu.dma_semaphore, #tpu.memory_space<semaphore_mem>>, %arg13: memref<!tpu.dma_semaphore, #tpu.memory_space<semaphore_mem>>) attributes {dimension_semantics = [#tpu.dimension_semantics<core_parallel>, #tpu.dimension_semantics<subcore_parallel>], iteration_bounds = array<i64: 2, 16>, scalar_prefetch = 0 : i64, scratch_operands = 8 : i64, tpu.core_type = #tpu.core_type<sc_vector_subcore>, window_params = [{transform_indices = #map}, {transform_indices = #map}, {transform_indices = #map}, {transform_indices = #map}]} {
    %scan3A = arith.constant 0 : i32
    %scan3A_0 = arith.constant 0 : i32
    %scan3A_1 = arith.constant 128 : i32
    %scan3A_2 = arith.addi %scan3A_0, %scan3A_1 : i32
    %scan3A_3 = arith.constant 1 : i32
    scf.for %scan3A_156 = %scan3A_0 to %scan3A_2 step %scan3A_3  : i32 {
      %broadcast_in_dim3A = arith.constant 0.000000e+00 : f32
      %broadcast_in_dim3A_157 = vector.broadcast %broadcast_in_dim3A : f32 to vector<16xf32>
      %swap3A = arith.constant 0 : i32
      %swap3A_158 = arith.index_cast %swap3A : i32 to index
      %swap3A_159 = arith.index_cast %scan3A_156 : i32 to index
      %swap3A_160 = arith.constant 0 : index
      %swap3A_161 = tpu.vector_load %arg8[%swap3A_158, %swap3A_159, %swap3A_160] {strides = array<i32>} : memref<2x128x128xf32, #tpu.memory_space<vmem>>, vector<1x1x16xf32>,
      %swap3A_162 = vector.shape_cast %swap3A_161 : vector<1x1x16xf32> to vector<16xf32>
      %swap3A_163 = vector.shape_cast %broadcast_in_dim3A_157 : vector<16xf32> to vector<1x1x16xf32>
      tpu.vector_store %arg8[%swap3A_158, %swap3A_159, %swap3A_160], %swap3A_163 {strides = array<i32>} : memref<2x128x128xf32, #tpu.memory_space<vmem>>, vector<1x1x16xf32>,
      %broadcast_in_dim3A_164 = arith.constant 0.000000e+00 : f32
      %broadcast_in_dim3A_165 = vector.broadcast %broadcast_in_dim3A_164 : f32 to vector<16xf32>
      %swap3A_166 = arith.constant 0 : i32
      %swap3A_167 = arith.index_cast %swap3A_166 : i32 to index
      %swap3A_168 = arith.index_cast %scan3A_156 : i32 to index
      %swap3A_169 = arith.constant 16 : index
      %swap3A_170 = tpu.vector_load %arg8[%swap3A_167, %swap3A_168, %swap3A_169] {strides = array<i32>} : memref<2x128x128xf32, #tpu.memory_space<vmem>>, vector<1x1x16xf32>,
      %swap3A_171 = vector.shape_cast %swap3A_170 : vector<1x1x16xf32> to vector<16xf32>
      %swap3A_172 = vector.shape_cast %broadcast_in_dim3A_165 : vector<16xf32> to vector<1x1x16xf32>
      tpu.vector_store %arg8[%swap3A_167, %swap3A_168, %swap3A_169], %swap3A_172 {strides = array<i32>} : memref<2x128x128xf32, #tpu.memory_space<vmem>>, vector<1x1x16xf32>,
      %broadcast_in_dim3A_173 = arith.constant 0.000000e+00 : f32
      %broadcast_in_dim3A_174 = vector.broadcast %broadcast_in_dim3A_173 : f32 to vector<16xf32>
      %swap3A_175 = arith.constant 0 : i32
      %swap3A_176 = arith.index_cast %swap3A_175 : i32 to index
      %swap3A_177 = arith.index_cast %scan3A_156 : i32 to index
      %swap3A_178 = arith.constant 32 : index
      %swap3A_179 = tpu.vector_load %arg8[%swap3A_176, %swap3A_177, %swap3A_178] {strides = array<i32>} : memref<2x128x128xf32, #tpu.memory_space<vmem>>, vector<1x1x16xf32>,
      %swap3A_180 = vector.shape_cast %swap3A_179 : vector<1x1x16xf32> to vector<16xf32>
      %swap3A_181 = vector.shape_cast %broadcast_in_dim3A_174 : vector<16xf32> to vector<1x1x16xf32>
      tpu.vector_store %arg8[%swap3A_176, %swap3A_177, %swap3A_178], %swap3A_181 {strides = array<i32>} : memref<2x128x128xf32, #tpu.memory_space<vmem>>, vector<1x1x16xf32>,
      %broadcast_in_dim3A_182 = arith.constant 0.000000e+00 : f32
      %broadcast_in_dim3A_183 = vector.broadcast %broadcast_in_dim3A_182 : f32 to vector<16xf32>
      %swap3A_184 = arith.constant 0 : i32
      %swap3A_185 = arith.index_cast %swap3A_184 : i32 to index
      %swap3A_186 = arith.index_cast %scan3A_156 : i32 to index
      %swap3A_187 = arith.constant 48 : index
      %swap3A_188 = tpu.vector_load %arg8[%swap3A_185, %swap3A_186, %swap3A_187] {strides = array<i32>} : memref<2x128x128xf32, #tpu.memory_space<vmem>>, vector<1x1x16xf32>,
      %swap3A_189 = vector.shape_cast %swap3A_188 : vector<1x1x16xf32> to vector<16xf32>
      %swap3A_190 = vector.shape_cast %broadcast_in_dim3A_183 : vector<16xf32> to vector<1x1x16xf32>
      tpu.vector_store %arg8[%swap3A_185, %swap3A_186, %swap3A_187], %swap3A_190 {strides = array<i32>} : memref<2x128x128xf32, #tpu.memory_space<vmem>>, vector<1x1x16xf32>,
      %broadcast_in_dim3A_191 = arith.constant 0.000000e+00 : f32
      %broadcast_in_dim3A_192 = vector.broadcast %broadcast_in_dim3A_191 : f32 to vector<16xf32>
      %swap3A_193 = arith.constant 0 : i32
      %swap3A_194 = arith.index_cast %swap3A_193 : i32 to index
      %swap3A_195 = arith.index_cast %scan3A_156 : i32 to index
      %swap3A_196 = arith.constant 64 : index
      %swap3A_197 = tpu.vector_load %arg8[%swap3A_194, %swap3A_195, %swap3A_196] {strides = array<i32>} : memref<2x128x128xf32, #tpu.memory_space<vmem>>, vector<1x1x16xf32>,
      %swap3A_198 = vector.shape_cast %swap3A_197 : vector<1x1x16xf32> to vector<16xf32>
      %swap3A_199 = vector.shape_cast %broadcast_in_dim3A_192 : vector<16xf32> to vector<1x1x16xf32>
      tpu.vector_store %arg8[%swap3A_194, %swap3A_195, %swap3A_196], %swap3A_199 {strides = array<i32>} : memref<2x128x128xf32, #tpu.memory_space<vmem>>, vector<1x1x16xf32>,
      %broadcast_in_dim3A_200 = arith.constant 0.000000e+00 : f32
      %broadcast_in_dim3A_201 = vector.broadcast %broadcast_in_dim3A_200 : f32 to vector<16xf32>
      %swap3A_202 = arith.constant 0 : i32
      %swap3A_203 = arith.index_cast %swap3A_202 : i32 to index
      %swap3A_204 = arith.index_cast %scan3A_156 : i32 to index
      %swap3A_205 = arith.constant 80 : index
      %swap3A_206 = tpu.vector_load %arg8[%swap3A_203, %swap3A_204, %swap3A_205] {strides = array<i32>} : memref<2x128x128xf32, #tpu.memory_space<vmem>>, vector<1x1x16xf32>,
      %swap3A_207 = vector.shape_cast %swap3A_206 : vector<1x1x16xf32> to vector<16xf32>
      %swap3A_208 = vector.shape_cast %broadcast_in_dim3A_201 : vector<16xf32> to vector<1x1x16xf32>
      tpu.vector_store %arg8[%swap3A_203, %swap3A_204, %swap3A_205], %swap3A_208 {strides = array<i32>} : memref<2x128x128xf32, #tpu.memory_space<vmem>>, vector<1x1x16xf32>,
      %broadcast_in_dim3A_209 = arith.constant 0.000000e+00 : f32
      %broadcast_in_dim3A_210 = vector.broadcast %broadcast_in_dim3A_209 : f32 to vector<16xf32>
      %swap3A_211 = arith.constant 0 : i32
      %swap3A_212 = arith.index_cast %swap3A_211 : i32 to index
      %swap3A_213 = arith.index_cast %scan3A_156 : i32 to index
      %swap3A_214 = arith.constant 96 : index
      %swap3A_215 = tpu.vector_load %arg8[%swap3A_212, %swap3A_213, %swap3A_214] {strides = array<i32>} : memref<2x128x128xf32, #tpu.memory_space<vmem>>, vector<1x1x16xf32>,
      %swap3A_216 = vector.shape_cast %swap3A_215 : vector<1x1x16xf32> to vector<16xf32>
      %swap3A_217 = vector.shape_cast %broadcast_in_dim3A_210 : vector<16xf32> to vector<1x1x16xf32>
      tpu.vector_store %arg8[%swap3A_212, %swap3A_213, %swap3A_214], %swap3A_217 {strides = array<i32>} : memref<2x128x128xf32, #tpu.memory_space<vmem>>, vector<1x1x16xf32>,
      %broadcast_in_dim3A_218 = arith.constant 0.000000e+00 : f32
      %broadcast_in_dim3A_219 = vector.broadcast %broadcast_in_dim3A_218 : f32 to vector<16xf32>
      %swap3A_220 = arith.constant 0 : i32
      %swap3A_221 = arith.index_cast %swap3A_220 : i32 to index
      %swap3A_222 = arith.index_cast %scan3A_156 : i32 to index
      %swap3A_223 = arith.constant 112 : index
      %swap3A_224 = tpu.vector_load %arg8[%swap3A_221, %swap3A_222, %swap3A_223] {strides = array<i32>} : memref<2x128x128xf32, #tpu.memory_space<vmem>>, vector<1x1x16xf32>,
      %swap3A_225 = vector.shape_cast %swap3A_224 : vector<1x1x16xf32> to vector<16xf32>
      %swap3A_226 = vector.shape_cast %broadcast_in_dim3A_219 : vector<16xf32> to vector<1x1x16xf32>
      tpu.vector_store %arg8[%swap3A_221, %swap3A_222, %swap3A_223], %swap3A_226 {strides = array<i32>} : memref<2x128x128xf32, #tpu.memory_space<vmem>>, vector<1x1x16xf32>,
    }
    %scan3A_4 = arith.constant 128 : i32
    %mul3A = arith.constant 640 : i32
    %mul3A_5 = arith.muli %arg1, %mul3A : i32
    %add3A = arith.constant 0 : i32
    %add3A_6 = arith.addi %mul3A_5, %add3A : i32
    %run_scoped3A = arith.constant 0 : i32
    "tpu.region"() ({
      %run_scoped3A_156 = tpu.sem_alloc : memref<!tpu.dma_semaphore, #tpu.memory_space<semaphore_mem>>
      %dma_start3A_157 = arith.constant 0 : i32
      %dma_start3A_158 = arith.constant 0 : i32
      %dma_start3A_159 = tpu.memref_slice %arg8[%run_scoped3A, %dma_start3A_157, %dma_start3A_158] : memref<2x128x128xf32, #tpu.memory_space<vmem>> -> memref<1x128x128xf32, #tpu.memory_space<vmem>>
      %dma_start3A_160 = tpu.memref_squeeze %dma_start3A_159 : memref<1x128x128xf32, #tpu.memory_space<vmem>> -> memref<128x128xf32, #tpu.memory_space<vmem>>
      %dma_start3A_161 = arith.constant 0 : i32
      %dma_start3A_162 = tpu.memref_slice %arg9[%add3A_6, %dma_start3A_161] : memref<10240x128xf32, #tpu.memory_space<vmem_shared>> -> memref<128x128xf32, #tpu.memory_space<vmem_shared>>
      %dma_start3A_163 = arith.constant 0 : i32
      %dma_start3A_164 = tpu.memref_slice %arg9[%add3A_6, %dma_start3A_163] : memref<10240x128xf32, #tpu.memory_space<vmem_shared>> -> memref<128x128xf32, #tpu.memory_space<vmem_shared>>
      %dma_start3A_165 = arith.constant 0 : i32
      %dma_start3A_166 = arith.constant 0 : i32
      %dma_start3A_167 = tpu.memref_slice %arg8[%run_scoped3A, %dma_start3A_165, %dma_start3A_166] : memref<2x128x128xf32, #tpu.memory_space<vmem>> -> memref<1x128x128xf32, #tpu.memory_space<vmem>>
      %dma_start3A_168 = tpu.memref_squeeze %dma_start3A_167 : memref<1x128x128xf32, #tpu.memory_space<vmem>> -> memref<128x128xf32, #tpu.memory_space<vmem>>
      tpu.enqueue_dma source(%dma_start3A_168 : memref<128x128xf32, #tpu.memory_space<vmem>>) target(%dma_start3A_164 : memref<128x128xf32, #tpu.memory_space<vmem_shared>>) target_semaphore(%run_scoped3A_156 : memref<!tpu.dma_semaphore, #tpu.memory_space<semaphore_mem>>)
      %dma_wait3A = arith.constant 0 : i32
      %dma_wait3A_169 = arith.constant 0 : i32
      %dma_wait3A_170 = tpu.memref_slice %arg8[%run_scoped3A, %dma_wait3A, %dma_wait3A_169] : memref<2x128x128xf32, #tpu.memory_space<vmem>> -> memref<1x128x128xf32, #tpu.memory_space<vmem>>
      %dma_wait3A_171 = tpu.memref_squeeze %dma_wait3A_170 : memref<1x128x128xf32, #tpu.memory_space<vmem>> -> memref<128x128xf32, #tpu.memory_space<vmem>>
      %dma_wait3A_172 = arith.constant 0 : i32
      %dma_wait3A_173 = tpu.memref_slice %arg9[%add3A_6, %dma_wait3A_172] : memref<10240x128xf32, #tpu.memory_space<vmem_shared>> -> memref<128x128xf32, #tpu.memory_space<vmem_shared>>
      %dma_wait3A_174 = arith.constant 0 : i32
      %dma_wait3A_175 = tpu.memref_slice %arg9[%add3A_6, %dma_wait3A_174] : memref<10240x128xf32, #tpu.memory_space<vmem_shared>> -> memref<128x128xf32, #tpu.memory_space<vmem_shared>>
      %dma_wait3A_176 = arith.constant 0 : i32
      %dma_wait3A_177 = arith.constant 0 : i32
      %dma_wait3A_178 = tpu.memref_slice %arg8[%run_scoped3A, %dma_wait3A_176, %dma_wait3A_177] : memref<2x128x128xf32, #tpu.memory_space<vmem>> -> memref<1x128x128xf32, #tpu.memory_space<vmem>>
      %dma_wait3A_179 = tpu.memref_squeeze %dma_wait3A_178 : memref<1x128x128xf32, #tpu.memory_space<vmem>> -> memref<128x128xf32, #tpu.memory_space<vmem>>
      tpu.wait_dma2 semaphore(%run_scoped3A_156 : memref<!tpu.dma_semaphore, #tpu.memory_space<semaphore_mem>>) src(%dma_wait3A_179 : memref<128x128xf32, #tpu.memory_space<vmem>>) dst(%dma_wait3A_175 : memref<128x128xf32, #tpu.memory_space<vmem_shared>>)
      tpu.yield
    }) : () -> ()
    %mul3A_7 = arith.constant 640 : i32
    %mul3A_8 = arith.muli %arg1, %mul3A_7 : i32
    %add3A_9 = arith.constant 128 : i32
    %add3A_10 = arith.addi %mul3A_8, %add3A_9 : i32
    %run_scoped3A_11 = arith.constant 0 : i32
    "tpu.region"() ({
      %run_scoped3A_156 = tpu.sem_alloc : memref<!tpu.dma_semaphore, #tpu.memory_space<semaphore_mem>>
      %dma_start3A_157 = arith.constant 0 : i32
      %dma_start3A_158 = arith.constant 0 : i32
      %dma_start3A_159 = tpu.memref_slice %arg8[%run_scoped3A_11, %dma_start3A_157, %dma_start3A_158] : memref<2x128x128xf32, #tpu.memory_space<vmem>> -> memref<1x128x128xf32, #tpu.memory_space<vmem>>
      %dma_start3A_160 = tpu.memref_squeeze %dma_start3A_159 : memref<1x128x128xf32, #tpu.memory_space<vmem>> -> memref<128x128xf32, #tpu.memory_space<vmem>>
      %dma_start3A_161 = arith.constant 0 : i32
      %dma_start3A_162 = tpu.memref_slice %arg9[%add3A_10, %dma_start3A_161] : memref<10240x128xf32, #tpu.memory_space<vmem_shared>> -> memref<128x128xf32, #tpu.memory_space<vmem_shared>>
      %dma_start3A_163 = arith.constant 0 : i32
      %dma_start3A_164 = tpu.memref_slice %arg9[%add3A_10, %dma_start3A_163] : memref<10240x128xf32, #tpu.memory_space<vmem_shared>> -> memref<128x128xf32, #tpu.memory_space<vmem_shared>>
      %dma_start3A_165 = arith.constant 0 : i32
      %dma_start3A_166 = arith.constant 0 : i32
      %dma_start3A_167 = tpu.memref_slice %arg8[%run_scoped3A_11, %dma_start3A_165, %dma_start3A_166] : memref<2x128x128xf32, #tpu.memory_space<vmem>> -> memref<1x128x128xf32, #tpu.memory_space<vmem>>
      %dma_start3A_168 = tpu.memref_squeeze %dma_start3A_167 : memref<1x128x128xf32, #tpu.memory_space<vmem>> -> memref<128x128xf32, #tpu.memory_space<vmem>>
      tpu.enqueue_dma source(%dma_start3A_168 : memref<128x128xf32, #tpu.memory_space<vmem>>) target(%dma_start3A_164 : memref<128x128xf32, #tpu.memory_space<vmem_shared>>) target_semaphore(%run_scoped3A_156 : memref<!tpu.dma_semaphore, #tpu.memory_space<semaphore_mem>>)
      %dma_wait3A = arith.constant 0 : i32
      %dma_wait3A_169 = arith.constant 0 : i32
      %dma_wait3A_170 = tpu.memref_slice %arg8[%run_scoped3A_11, %dma_wait3A, %dma_wait3A_169] : memref<2x128x128xf32, #tpu.memory_space<vmem>> -> memref<1x128x128xf32, #tpu.memory_space<vmem>>
      %dma_wait3A_171 = tpu.memref_squeeze %dma_wait3A_170 : memref<1x128x128xf32, #tpu.memory_space<vmem>> -> memref<128x128xf32, #tpu.memory_space<vmem>>
      %dma_wait3A_172 = arith.constant 0 : i32
      %dma_wait3A_173 = tpu.memref_slice %arg9[%add3A_10, %dma_wait3A_172] : memref<10240x128xf32, #tpu.memory_space<vmem_shared>> -> memref<128x128xf32, #tpu.memory_space<vmem_shared>>
      %dma_wait3A_174 = arith.constant 0 : i32
      %dma_wait3A_175 = tpu.memref_slice %arg9[%add3A_10, %dma_wait3A_174] : memref<10240x128xf32, #tpu.memory_space<vmem_shared>> -> memref<128x128xf32, #tpu.memory_space<vmem_shared>>
      %dma_wait3A_176 = arith.constant 0 : i32
      %dma_wait3A_177 = arith.constant 0 : i32
      %dma_wait3A_178 = tpu.memref_slice %arg8[%run_scoped3A_11, %dma_wait3A_176, %dma_wait3A_177] : memref<2x128x128xf32, #tpu.memory_space<vmem>> -> memref<1x128x128xf32, #tpu.memory_space<vmem>>
      %dma_wait3A_179 = tpu.memref_squeeze %dma_wait3A_178 : memref<1x128x128xf32, #tpu.memory_space<vmem>> -> memref<128x128xf32, #tpu.memory_space<vmem>>
      tpu.wait_dma2 semaphore(%run_scoped3A_156 : memref<!tpu.dma_semaphore, #tpu.memory_space<semaphore_mem>>) src(%dma_wait3A_179 : memref<128x128xf32, #tpu.memory_space<vmem>>) dst(%dma_wait3A_175 : memref<128x128xf32, #tpu.memory_space<vmem_shared>>)
      tpu.yield
    }) : () -> ()
    %mul3A_12 = arith.constant 640 : i32
    %mul3A_13 = arith.muli %arg1, %mul3A_12 : i32
    %add3A_14 = arith.constant 256 : i32
    %add3A_15 = arith.addi %mul3A_13, %add3A_14 : i32
    %run_scoped3A_16 = arith.constant 0 : i32
    "tpu.region"() ({
      %run_scoped3A_156 = tpu.sem_alloc : memref<!tpu.dma_semaphore, #tpu.memory_space<semaphore_mem>>
      %dma_start3A_157 = arith.constant 0 : i32
      %dma_start3A_158 = arith.constant 0 : i32
      %dma_start3A_159 = tpu.memref_slice %arg8[%run_scoped3A_16, %dma_start3A_157, %dma_start3A_158] : memref<2x128x128xf32, #tpu.memory_space<vmem>> -> memref<1x128x128xf32, #tpu.memory_space<vmem>>
      %dma_start3A_160 = tpu.memref_squeeze %dma_start3A_159 : memref<1x128x128xf32, #tpu.memory_space<vmem>> -> memref<128x128xf32, #tpu.memory_space<vmem>>
      %dma_start3A_161 = arith.constant 0 : i32
      %dma_start3A_162 = tpu.memref_slice %arg9[%add3A_15, %dma_start3A_161] : memref<10240x128xf32, #tpu.memory_space<vmem_shared>> -> memref<128x128xf32, #tpu.memory_space<vmem_shared>>
      %dma_start3A_163 = arith.constant 0 : i32
      %dma_start3A_164 = tpu.memref_slice %arg9[%add3A_15, %dma_start3A_163] : memref<10240x128xf32, #tpu.memory_space<vmem_shared>> -> memref<128x128xf32, #tpu.memory_space<vmem_shared>>
      %dma_start3A_165 = arith.constant 0 : i32
      %dma_start3A_166 = arith.constant 0 : i32
      %dma_start3A_167 = tpu.memref_slice %arg8[%run_scoped3A_16, %dma_start3A_165, %dma_start3A_166] : memref<2x128x128xf32, #tpu.memory_space<vmem>> -> memref<1x128x128xf32, #tpu.memory_space<vmem>>
      %dma_start3A_168 = tpu.memref_squeeze %dma_start3A_167 : memref<1x128x128xf32, #tpu.memory_space<vmem>> -> memref<128x128xf32, #tpu.memory_space<vmem>>
      tpu.enqueue_dma source(%dma_start3A_168 : memref<128x128xf32, #tpu.memory_space<vmem>>) target(%dma_start3A_164 : memref<128x128xf32, #tpu.memory_space<vmem_shared>>) target_semaphore(%run_scoped3A_156 : memref<!tpu.dma_semaphore, #tpu.memory_space<semaphore_mem>>)
      %dma_wait3A = arith.constant 0 : i32
      %dma_wait3A_169 = arith.constant 0 : i32
      %dma_wait3A_170 = tpu.memref_slice %arg8[%run_scoped3A_16, %dma_wait3A, %dma_wait3A_169] : memref<2x128x128xf32, #tpu.memory_space<vmem>> -> memref<1x128x128xf32, #tpu.memory_space<vmem>>
      %dma_wait3A_171 = tpu.memref_squeeze %dma_wait3A_170 : memref<1x128x128xf32, #tpu.memory_space<vmem>> -> memref<128x128xf32, #tpu.memory_space<vmem>>
      %dma_wait3A_172 = arith.constant 0 : i32
      %dma_wait3A_173 = tpu.memref_slice %arg9[%add3A_15, %dma_wait3A_172] : memref<10240x128xf32, #tpu.memory_space<vmem_shared>> -> memref<128x128xf32, #tpu.memory_space<vmem_shared>>
      %dma_wait3A_174 = arith.constant 0 : i32
      %dma_wait3A_175 = tpu.memref_slice %arg9[%add3A_15, %dma_wait3A_174] : memref<10240x128xf32, #tpu.memory_space<vmem_shared>> -> memref<128x128xf32, #tpu.memory_space<vmem_shared>>
      %dma_wait3A_176 = arith.constant 0 : i32
      %dma_wait3A_177 = arith.constant 0 : i32
      %dma_wait3A_178 = tpu.memref_slice %arg8[%run_scoped3A_16, %dma_wait3A_176, %dma_wait3A_177] : memref<2x128x128xf32, #tpu.memory_space<vmem>> -> memref<1x128x128xf32, #tpu.memory_space<vmem>>
      %dma_wait3A_179 = tpu.memref_squeeze %dma_wait3A_178 : memref<1x128x128xf32, #tpu.memory_space<vmem>> -> memref<128x128xf32, #tpu.memory_space<vmem>>
      tpu.wait_dma2 semaphore(%run_scoped3A_156 : memref<!tpu.dma_semaphore, #tpu.memory_space<semaphore_mem>>) src(%dma_wait3A_179 : memref<128x128xf32, #tpu.memory_space<vmem>>) dst(%dma_wait3A_175 : memref<128x128xf32, #tpu.memory_space<vmem_shared>>)
      tpu.yield
    }) : () -> ()
    %mul3A_17 = arith.constant 640 : i32
    %mul3A_18 = arith.muli %arg1, %mul3A_17 : i32
    %add3A_19 = arith.constant 384 : i32
    %add3A_20 = arith.addi %mul3A_18, %add3A_19 : i32
    %run_scoped3A_21 = arith.constant 0 : i32
    "tpu.region"() ({
      %run_scoped3A_156 = tpu.sem_alloc : memref<!tpu.dma_semaphore, #tpu.memory_space<semaphore_mem>>
      %dma_start3A_157 = arith.constant 0 : i32
      %dma_start3A_158 = arith.constant 0 : i32
      %dma_start3A_159 = tpu.memref_slice %arg8[%run_scoped3A_21, %dma_start3A_157, %dma_start3A_158] : memref<2x128x128xf32, #tpu.memory_space<vmem>> -> memref<1x128x128xf32, #tpu.memory_space<vmem>>
      %dma_start3A_160 = tpu.memref_squeeze %dma_start3A_159 : memref<1x128x128xf32, #tpu.memory_space<vmem>> -> memref<128x128xf32, #tpu.memory_space<vmem>>
      %dma_start3A_161 = arith.constant 0 : i32
      %dma_start3A_162 = tpu.memref_slice %arg9[%add3A_20, %dma_start3A_161] : memref<10240x128xf32, #tpu.memory_space<vmem_shared>> -> memref<128x128xf32, #tpu.memory_space<vmem_shared>>
      %dma_start3A_163 = arith.constant 0 : i32
      %dma_start3A_164 = tpu.memref_slice %arg9[%add3A_20, %dma_start3A_163] : memref<10240x128xf32, #tpu.memory_space<vmem_shared>> -> memref<128x128xf32, #tpu.memory_space<vmem_shared>>
      %dma_start3A_165 = arith.constant 0 : i32
      %dma_start3A_166 = arith.constant 0 : i32
      %dma_start3A_167 = tpu.memref_slice %arg8[%run_scoped3A_21, %dma_start3A_165, %dma_start3A_166] : memref<2x128x128xf32, #tpu.memory_space<vmem>> -> memref<1x128x128xf32, #tpu.memory_space<vmem>>
      %dma_start3A_168 = tpu.memref_squeeze %dma_start3A_167 : memref<1x128x128xf32, #tpu.memory_space<vmem>> -> memref<128x128xf32, #tpu.memory_space<vmem>>
      tpu.enqueue_dma source(%dma_start3A_168 : memref<128x128xf32, #tpu.memory_space<vmem>>) target(%dma_start3A_164 : memref<128x128xf32, #tpu.memory_space<vmem_shared>>) target_semaphore(%run_scoped3A_156 : memref<!tpu.dma_semaphore, #tpu.memory_space<semaphore_mem>>)
      %dma_wait3A = arith.constant 0 : i32
      %dma_wait3A_169 = arith.constant 0 : i32
      %dma_wait3A_170 = tpu.memref_slice %arg8[%run_scoped3A_21, %dma_wait3A, %dma_wait3A_169] : memref<2x128x128xf32, #tpu.memory_space<vmem>> -> memref<1x128x128xf32, #tpu.memory_space<vmem>>
      %dma_wait3A_171 = tpu.memref_squeeze %dma_wait3A_170 : memref<1x128x128xf32, #tpu.memory_space<vmem>> -> memref<128x128xf32, #tpu.memory_space<vmem>>
      %dma_wait3A_172 = arith.constant 0 : i32
      %dma_wait3A_173 = tpu.memref_slice %arg9[%add3A_20, %dma_wait3A_172] : memref<10240x128xf32, #tpu.memory_space<vmem_shared>> -> memref<128x128xf32, #tpu.memory_space<vmem_shared>>
      %dma_wait3A_174 = arith.constant 0 : i32
      %dma_wait3A_175 = tpu.memref_slice %arg9[%add3A_20, %dma_wait3A_174] : memref<10240x128xf32, #tpu.memory_space<vmem_shared>> -> memref<128x128xf32, #tpu.memory_space<vmem_shared>>
      %dma_wait3A_176 = arith.constant 0 : i32
      %dma_wait3A_177 = arith.constant 0 : i32
      %dma_wait3A_178 = tpu.memref_slice %arg8[%run_scoped3A_21, %dma_wait3A_176, %dma_wait3A_177] : memref<2x128x128xf32, #tpu.memory_space<vmem>> -> memref<1x128x128xf32, #tpu.memory_space<vmem>>
      %dma_wait3A_179 = tpu.memref_squeeze %dma_wait3A_178 : memref<1x128x128xf32, #tpu.memory_space<vmem>> -> memref<128x128xf32, #tpu.memory_space<vmem>>
      tpu.wait_dma2 semaphore(%run_scoped3A_156 : memref<!tpu.dma_semaphore, #tpu.memory_space<semaphore_mem>>) src(%dma_wait3A_179 : memref<128x128xf32, #tpu.memory_space<vmem>>) dst(%dma_wait3A_175 : memref<128x128xf32, #tpu.memory_space<vmem_shared>>)
      tpu.yield
    }) : () -> ()
    %mul3A_22 = arith.constant 640 : i32
    %mul3A_23 = arith.muli %arg1, %mul3A_22 : i32
    %add3A_24 = arith.constant 512 : i32
    %add3A_25 = arith.addi %mul3A_23, %add3A_24 : i32
    %run_scoped3A_26 = arith.constant 0 : i32
    "tpu.region"() ({
      %run_scoped3A_156 = tpu.sem_alloc : memref<!tpu.dma_semaphore, #tpu.memory_space<semaphore_mem>>
      %dma_start3A_157 = arith.constant 0 : i32
      %dma_start3A_158 = arith.constant 0 : i32
      %dma_start3A_159 = tpu.memref_slice %arg8[%run_scoped3A_26, %dma_start3A_157, %dma_start3A_158] : memref<2x128x128xf32, #tpu.memory_space<vmem>> -> memref<1x128x128xf32, #tpu.memory_space<vmem>>
      %dma_start3A_160 = tpu.memref_squeeze %dma_start3A_159 : memref<1x128x128xf32, #tpu.memory_space<vmem>> -> memref<128x128xf32, #tpu.memory_space<vmem>>
      %dma_start3A_161 = arith.constant 0 : i32
      %dma_start3A_162 = tpu.memref_slice %arg9[%add3A_25, %dma_start3A_161] : memref<10240x128xf32, #tpu.memory_space<vmem_shared>> -> memref<128x128xf32, #tpu.memory_space<vmem_shared>>
      %dma_start3A_163 = arith.constant 0 : i32
      %dma_start3A_164 = tpu.memref_slice %arg9[%add3A_25, %dma_start3A_163] : memref<10240x128xf32, #tpu.memory_space<vmem_shared>> -> memref<128x128xf32, #tpu.memory_space<vmem_shared>>
      %dma_start3A_165 = arith.constant 0 : i32
      %dma_start3A_166 = arith.constant 0 : i32
      %dma_start3A_167 = tpu.memref_slice %arg8[%run_scoped3A_26, %dma_start3A_165, %dma_start3A_166] : memref<2x128x128xf32, #tpu.memory_space<vmem>> -> memref<1x128x128xf32, #tpu.memory_space<vmem>>
      %dma_start3A_168 = tpu.memref_squeeze %dma_start3A_167 : memref<1x128x128xf32, #tpu.memory_space<vmem>> -> memref<128x128xf32, #tpu.memory_space<vmem>>
      tpu.enqueue_dma source(%dma_start3A_168 : memref<128x128xf32, #tpu.memory_space<vmem>>) target(%dma_start3A_164 : memref<128x128xf32, #tpu.memory_space<vmem_shared>>) target_semaphore(%run_scoped3A_156 : memref<!tpu.dma_semaphore, #tpu.memory_space<semaphore_mem>>)
      %dma_wait3A = arith.constant 0 : i32
      %dma_wait3A_169 = arith.constant 0 : i32
      %dma_wait3A_170 = tpu.memref_slice %arg8[%run_scoped3A_26, %dma_wait3A, %dma_wait3A_169] : memref<2x128x128xf32, #tpu.memory_space<vmem>> -> memref<1x128x128xf32, #tpu.memory_space<vmem>>
      %dma_wait3A_171 = tpu.memref_squeeze %dma_wait3A_170 : memref<1x128x128xf32, #tpu.memory_space<vmem>> -> memref<128x128xf32, #tpu.memory_space<vmem>>
      %dma_wait3A_172 = arith.constant 0 : i32
      %dma_wait3A_173 = tpu.memref_slice %arg9[%add3A_25, %dma_wait3A_172] : memref<10240x128xf32, #tpu.memory_space<vmem_shared>> -> memref<128x128xf32, #tpu.memory_space<vmem_shared>>
      %dma_wait3A_174 = arith.constant 0 : i32
      %dma_wait3A_175 = tpu.memref_slice %arg9[%add3A_25, %dma_wait3A_174] : memref<10240x128xf32, #tpu.memory_space<vmem_shared>> -> memref<128x128xf32, #tpu.memory_space<vmem_shared>>
      %dma_wait3A_176 = arith.constant 0 : i32
      %dma_wait3A_177 = arith.constant 0 : i32
      %dma_wait3A_178 = tpu.memref_slice %arg8[%run_scoped3A_26, %dma_wait3A_176, %dma_wait3A_177] : memref<2x128x128xf32, #tpu.memory_space<vmem>> -> memref<1x128x128xf32, #tpu.memory_space<vmem>>
      %dma_wait3A_179 = tpu.memref_squeeze %dma_wait3A_178 : memref<1x128x128xf32, #tpu.memory_space<vmem>> -> memref<128x128xf32, #tpu.memory_space<vmem>>
      tpu.wait_dma2 semaphore(%run_scoped3A_156 : memref<!tpu.dma_semaphore, #tpu.memory_space<semaphore_mem>>) src(%dma_wait3A_179 : memref<128x128xf32, #tpu.memory_space<vmem>>) dst(%dma_wait3A_175 : memref<128x128xf32, #tpu.memory_space<vmem_shared>>)
      tpu.yield
    }) : () -> ()
    %barrier3A = arith.constant 0 : index
    tpu.barrier barrier_id(%barrier3A)
    %mul3A_27 = arith.constant 2048 : i32
    %mul3A_28 = arith.muli %arg0, %mul3A_27 : i32
    %mul3A_29 = arith.constant 128 : i32
    %mul3A_30 = arith.muli %arg1, %mul3A_29 : i32
    %add3A_31 = arith.addi %mul3A_28, %mul3A_30 : i32
    %add3A_32 = arith.constant 0 : i32
    %add3A_33 = arith.addi %add3A_31, %add3A_32 : i32
    "tpu.region"() ({
      %run_scoped3A_156 = tpu.sem_alloc : memref<!tpu.dma_semaphore, #tpu.memory_space<semaphore_mem>>
      %dma_start3A_157 = arith.constant 0 : i32
      %dma_start3A_158 = tpu.memref_slice %arg3[%add3A_33, %dma_start3A_157] : memref<4096x128xi32, #tpu.memory_space<hbm>> -> memref<64x128xi32, #tpu.memory_space<hbm>>
      %dma_start3A_159 = arith.constant 0 : i32
      %dma_start3A_160 = tpu.memref_slice %arg3[%add3A_33, %dma_start3A_159] : memref<4096x128xi32, #tpu.memory_space<hbm>> -> memref<64x128xi32, #tpu.memory_space<hbm>>
      tpu.enqueue_dma source(%dma_start3A_160 : memref<64x128xi32, #tpu.memory_space<hbm>>) target(%arg6 : memref<64x128xi32, #tpu.memory_space<vmem>>) target_semaphore(%run_scoped3A_156 : memref<!tpu.dma_semaphore, #tpu.memory_space<semaphore_mem>>)
      %dma_wait3A = arith.constant 0 : i32
      %dma_wait3A_161 = tpu.memref_slice %arg3[%add3A_33, %dma_wait3A] : memref<4096x128xi32, #tpu.memory_space<hbm>> -> memref<64x128xi32, #tpu.memory_space<hbm>>
      %dma_wait3A_162 = arith.constant 0 : i32
      %dma_wait3A_163 = tpu.memref_slice %arg3[%add3A_33, %dma_wait3A_162] : memref<4096x128xi32, #tpu.memory_space<hbm>> -> memref<64x128xi32, #tpu.memory_space<hbm>>
      tpu.wait_dma2 semaphore(%run_scoped3A_156 : memref<!tpu.dma_semaphore, #tpu.memory_space<semaphore_mem>>) src(%dma_wait3A_163 : memref<64x128xi32, #tpu.memory_space<hbm>>) dst(%arg6 : memref<64x128xi32, #tpu.memory_space<vmem>>)
      tpu.yield
    }) : () -> ()
    "tpu.region"() ({
      %run_scoped3A_156 = tpu.sem_alloc : memref<!tpu.dma_semaphore, #tpu.memory_space<semaphore_mem>>
      %dma_start3A_157 = arith.constant 0 : i32
      %dma_start3A_158 = tpu.memref_slice %arg4[%add3A_33, %dma_start3A_157] : memref<4096x128xi32, #tpu.memory_space<hbm>> -> memref<64x128xi32, #tpu.memory_space<hbm>>
      %dma_start3A_159 = arith.constant 0 : i32
      %dma_start3A_160 = tpu.memref_slice %arg4[%add3A_33, %dma_start3A_159] : memref<4096x128xi32, #tpu.memory_space<hbm>> -> memref<64x128xi32, #tpu.memory_space<hbm>>
      tpu.enqueue_dma source(%dma_start3A_160 : memref<64x128xi32, #tpu.memory_space<hbm>>) target(%arg7 : memref<64x128xi32, #tpu.memory_space<vmem>>) target_semaphore(%run_scoped3A_156 : memref<!tpu.dma_semaphore, #tpu.memory_space<semaphore_mem>>)
      %dma_wait3A = arith.constant 0 : i32
      %dma_wait3A_161 = tpu.memref_slice %arg4[%add3A_33, %dma_wait3A] : memref<4096x128xi32, #tpu.memory_space<hbm>> -> memref<64x128xi32, #tpu.memory_space<hbm>>
      %dma_wait3A_162 = arith.constant 0 : i32
      %dma_wait3A_163 = tpu.memref_slice %arg4[%add3A_33, %dma_wait3A_162] : memref<4096x128xi32, #tpu.memory_space<hbm>> -> memref<64x128xi32, #tpu.memory_space<hbm>>
      tpu.wait_dma2 semaphore(%run_scoped3A_156 : memref<!tpu.dma_semaphore, #tpu.memory_space<semaphore_mem>>) src(%dma_wait3A_163 : memref<64x128xi32, #tpu.memory_space<hbm>>) dst(%arg7 : memref<64x128xi32, #tpu.memory_space<vmem>>)
      tpu.yield
    }) : () -> ()
    %dma_start3A = arith.constant 0 : i32
    %dma_start3A_34 = arith.constant 0 : i32
    %dma_start3A_35 = arith.constant 0 : i32
    %dma_start3A_36 = arith.constant 0 : i32
    %dma_start3A_37 = tpu.memref_slice %arg8[%dma_start3A_34, %dma_start3A_35, %dma_start3A_36] : memref<2x128x128xf32, #tpu.memory_space<vmem>> -> memref<1x64x128xf32, #tpu.memory_space<vmem>>
    %dma_start3A_38 = tpu.memref_squeeze %dma_start3A_37 : memref<1x64x128xf32, #tpu.memory_space<vmem>> -> memref<64x128xf32, #tpu.memory_space<vmem>>
    %dma_start3A_39 = arith.constant 0 : i32
    %dma_start3A_40 = tpu.memref_slice %arg7[%dma_start3A, %dma_start3A_39] : memref<64x128xi32, #tpu.memory_space<vmem>> -> memref<1x64xi32, #tpu.memory_space<vmem>>
    %dma_start3A_41 = tpu.memref_squeeze %dma_start3A_40 : memref<1x64xi32, #tpu.memory_space<vmem>> -> memref<64xi32, #tpu.memory_space<vmem>>
    %dma_start3A_42 = arith.constant 0 : i32
    %dma_start3A_43 = arith.constant 0 : i32
    %dma_start3A_44 = tpu.memref_slice %arg2[%dma_start3A_42, %dma_start3A_43] : memref<10240x128xf32, #tpu.memory_space<hbm>> -> memref<10240x128xf32, #tpu.memory_space<hbm>>
    tpu.enqueue_indirect_dma source(%dma_start3A_44 : memref<10240x128xf32, #tpu.memory_space<hbm>>) target(%dma_start3A_38 : memref<64x128xf32, #tpu.memory_space<vmem>>) offsets(%dma_start3A_41 : memref<64xi32, #tpu.memory_space<vmem>>) semaphore(%arg10 : memref<!tpu.dma_semaphore, #tpu.memory_space<semaphore_mem>>)
    %dma_start3A_45 = arith.constant 0 : i32
    %dma_start3A_46 = arith.constant 0 : i32
    %dma_start3A_47 = arith.constant 64 : i32
    %dma_start3A_48 = arith.constant 0 : i32
    %dma_start3A_49 = tpu.memref_slice %arg8[%dma_start3A_46, %dma_start3A_47, %dma_start3A_48] : memref<2x128x128xf32, #tpu.memory_space<vmem>> -> memref<1x64x128xf32, #tpu.memory_space<vmem>>
    %dma_start3A_50 = tpu.memref_squeeze %dma_start3A_49 : memref<1x64x128xf32, #tpu.memory_space<vmem>> -> memref<64x128xf32, #tpu.memory_space<vmem>>
    %dma_start3A_51 = arith.constant 64 : i32
    %dma_start3A_52 = tpu.memref_slice %arg7[%dma_start3A_45, %dma_start3A_51] : memref<64x128xi32, #tpu.memory_space<vmem>> -> memref<1x64xi32, #tpu.memory_space<vmem>>
    %dma_start3A_53 = tpu.memref_squeeze %dma_start3A_52 : memref<1x64xi32, #tpu.memory_space<vmem>> -> memref<64xi32, #tpu.memory_space<vmem>>
    %dma_start3A_54 = arith.constant 0 : i32
    %dma_start3A_55 = arith.constant 0 : i32
    %dma_start3A_56 = tpu.memref_slice %arg2[%dma_start3A_54, %dma_start3A_55] : memref<10240x128xf32, #tpu.memory_space<hbm>> -> memref<10240x128xf32, #tpu.memory_space<hbm>>
    tpu.enqueue_indirect_dma source(%dma_start3A_56 : memref<10240x128xf32, #tpu.memory_space<hbm>>) target(%dma_start3A_50 : memref<64x128xf32, #tpu.memory_space<vmem>>) offsets(%dma_start3A_53 : memref<64xi32, #tpu.memory_space<vmem>>) semaphore(%arg11 : memref<!tpu.dma_semaphore, #tpu.memory_space<semaphore_mem>>)
    %dma_start3A_57 = arith.constant 1 : i32
    %dma_start3A_58 = arith.constant 1 : i32
    %dma_start3A_59 = arith.constant 0 : i32
    %dma_start3A_60 = arith.constant 0 : i32
    %dma_start3A_61 = tpu.memref_slice %arg8[%dma_start3A_58, %dma_start3A_59, %dma_start3A_60] : memref<2x128x128xf32, #tpu.memory_space<vmem>> -> memref<1x64x128xf32, #tpu.memory_space<vmem>>
    %dma_start3A_62 = tpu.memref_squeeze %dma_start3A_61 : memref<1x64x128xf32, #tpu.memory_space<vmem>> -> memref<64x128xf32, #tpu.memory_space<vmem>>
    %dma_start3A_63 = arith.constant 0 : i32
    %dma_start3A_64 = tpu.memref_slice %arg7[%dma_start3A_57, %dma_start3A_63] : memref<64x128xi32, #tpu.memory_space<vmem>> -> memref<1x64xi32, #tpu.memory_space<vmem>>
    %dma_start3A_65 = tpu.memref_squeeze %dma_start3A_64 : memref<1x64xi32, #tpu.memory_space<vmem>> -> memref<64xi32, #tpu.memory_space<vmem>>
    %dma_start3A_66 = arith.constant 0 : i32
    %dma_start3A_67 = arith.constant 0 : i32
    %dma_start3A_68 = tpu.memref_slice %arg2[%dma_start3A_66, %dma_start3A_67] : memref<10240x128xf32, #tpu.memory_space<hbm>> -> memref<10240x128xf32, #tpu.memory_space<hbm>>
    tpu.enqueue_indirect_dma source(%dma_start3A_68 : memref<10240x128xf32, #tpu.memory_space<hbm>>) target(%dma_start3A_62 : memref<64x128xf32, #tpu.memory_space<vmem>>) offsets(%dma_start3A_65 : memref<64xi32, #tpu.memory_space<vmem>>) semaphore(%arg12 : memref<!tpu.dma_semaphore, #tpu.memory_space<semaphore_mem>>)
    %dma_start3A_69 = arith.constant 1 : i32
    %dma_start3A_70 = arith.constant 1 : i32
    %dma_start3A_71 = arith.constant 64 : i32
    %dma_start3A_72 = arith.constant 0 : i32
    %dma_start3A_73 = tpu.memref_slice %arg8[%dma_start3A_70, %dma_start3A_71, %dma_start3A_72] : memref<2x128x128xf32, #tpu.memory_space<vmem>> -> memref<1x64x128xf32, #tpu.memory_space<vmem>>
    %dma_start3A_74 = tpu.memref_squeeze %dma_start3A_73 : memref<1x64x128xf32, #tpu.memory_space<vmem>> -> memref<64x128xf32, #tpu.memory_space<vmem>>
    %dma_start3A_75 = arith.constant 64 : i32
    %dma_start3A_76 = tpu.memref_slice %arg7[%dma_start3A_69, %dma_start3A_75] : memref<64x128xi32, #tpu.memory_space<vmem>> -> memref<1x64xi32, #tpu.memory_space<vmem>>
    %dma_start3A_77 = tpu.memref_squeeze %dma_start3A_76 : memref<1x64xi32, #tpu.memory_space<vmem>> -> memref<64xi32, #tpu.memory_space<vmem>>
    %dma_start3A_78 = arith.constant 0 : i32
    %dma_start3A_79 = arith.constant 0 : i32
    %dma_start3A_80 = tpu.memref_slice %arg2[%dma_start3A_78, %dma_start3A_79] : memref<10240x128xf32, #tpu.memory_space<hbm>> -> memref<10240x128xf32, #tpu.memory_space<hbm>>
    tpu.enqueue_indirect_dma source(%dma_start3A_80 : memref<10240x128xf32, #tpu.memory_space<hbm>>) target(%dma_start3A_74 : memref<64x128xf32, #tpu.memory_space<vmem>>) offsets(%dma_start3A_77 : memref<64xi32, #tpu.memory_space<vmem>>) semaphore(%arg13 : memref<!tpu.dma_semaphore, #tpu.memory_space<semaphore_mem>>)
    %scan3A_81 = arith.constant 0 : i32
    %scan3A_82 = arith.constant 0 : i32
    %scan3A_83 = arith.constant 32 : i32
    %scan3A_84 = arith.addi %scan3A_82, %scan3A_83 : i32
    %scan3A_85 = arith.constant 1 : i32
    scf.for %scan3A_156 = %scan3A_82 to %scan3A_84 step %scan3A_85  : i32 {
      %mul3A_157 = arith.constant 2 : i32
      %mul3A_158 = arith.muli %scan3A_156, %mul3A_157 : i32
      %add3A_159 = arith.constant 0 : i32
      %add3A_160 = arith.addi %mul3A_158, %add3A_159 : i32
      %dma_wait3A = arith.constant 0 : i32
      %dma_wait3A_161 = arith.constant 0 : i32
      %dma_wait3A_162 = arith.constant 0 : i32
      %dma_wait3A_163 = tpu.memref_slice %arg8[%dma_wait3A, %dma_wait3A_161, %dma_wait3A_162] : memref<2x128x128xf32, #tpu.memory_space<vmem>> -> memref<1x64x128xf32, #tpu.memory_space<vmem>>
      %dma_wait3A_164 = tpu.memref_squeeze %dma_wait3A_163 : memref<1x64x128xf32, #tpu.memory_space<vmem>> -> memref<64x128xf32, #tpu.memory_space<vmem>>
      %dma_wait3A_165 = arith.constant 0 : i32
      %dma_wait3A_166 = tpu.memref_slice %arg7[%add3A_160, %dma_wait3A_165] : memref<64x128xi32, #tpu.memory_space<vmem>> -> memref<1x64xi32, #tpu.memory_space<vmem>>
      %dma_wait3A_167 = tpu.memref_squeeze %dma_wait3A_166 : memref<1x64xi32, #tpu.memory_space<vmem>> -> memref<64xi32, #tpu.memory_space<vmem>>
      %dma_wait3A_168 = arith.constant 0 : i32
      %dma_wait3A_169 = arith.constant 0 : i32
      %dma_wait3A_170 = tpu.memref_slice %arg2[%dma_wait3A_168, %dma_wait3A_169] : memref<10240x128xf32, #tpu.memory_space<hbm>> -> memref<10240x128xf32, #tpu.memory_space<hbm>>
      tpu.wait_indirect_dma semaphore(%arg10 : memref<!tpu.dma_semaphore, #tpu.memory_space<semaphore_mem>>) src(%dma_wait3A_170 : memref<10240x128xf32, #tpu.memory_space<hbm>>) dst(%dma_wait3A_164 : memref<64x128xf32, #tpu.memory_space<vmem>>)
      %dma_wait3A_171 = arith.constant 0 : i32
      %dma_wait3A_172 = arith.constant 64 : i32
      %dma_wait3A_173 = arith.constant 0 : i32
      %dma_wait3A_174 = tpu.memref_slice %arg8[%dma_wait3A_171, %dma_wait3A_172, %dma_wait3A_173] : memref<2x128x128xf32, #tpu.memory_space<vmem>> -> memref<1x64x128xf32, #tpu.memory_space<vmem>>
      %dma_wait3A_175 = tpu.memref_squeeze %dma_wait3A_174 : memref<1x64x128xf32, #tpu.memory_space<vmem>> -> memref<64x128xf32, #tpu.memory_space<vmem>>
      %dma_wait3A_176 = arith.constant 64 : i32
      %dma_wait3A_177 = tpu.memref_slice %arg7[%add3A_160, %dma_wait3A_176] : memref<64x128xi32, #tpu.memory_space<vmem>> -> memref<1x64xi32, #tpu.memory_space<vmem>>
      %dma_wait3A_178 = tpu.memref_squeeze %dma_wait3A_177 : memref<1x64xi32, #tpu.memory_space<vmem>> -> memref<64xi32, #tpu.memory_space<vmem>>
      %dma_wait3A_179 = arith.constant 0 : i32
      %dma_wait3A_180 = arith.constant 0 : i32
      %dma_wait3A_181 = tpu.memref_slice %arg2[%dma_wait3A_179, %dma_wait3A_180] : memref<10240x128xf32, #tpu.memory_space<hbm>> -> memref<10240x128xf32, #tpu.memory_space<hbm>>
      tpu.wait_indirect_dma semaphore(%arg11 : memref<!tpu.dma_semaphore, #tpu.memory_space<semaphore_mem>>) src(%dma_wait3A_181 : memref<10240x128xf32, #tpu.memory_space<hbm>>) dst(%dma_wait3A_175 : memref<64x128xf32, #tpu.memory_space<vmem>>)
      %run_scoped3A_182 = arith.constant 0 : i32
      "tpu.region"() ({
        %run_scoped3A_221 = tpu.sem_alloc : memref<!tpu.dma_semaphore, #tpu.memory_space<semaphore_mem>>
        %dma_start3A_222 = arith.constant 0 : i32
        %dma_start3A_223 = arith.constant 0 : i32
        %dma_start3A_224 = tpu.memref_slice %arg8[%run_scoped3A_182, %dma_start3A_222, %dma_start3A_223] : memref<2x128x128xf32, #tpu.memory_space<vmem>> -> memref<1x128x128xf32, #tpu.memory_space<vmem>>
        %dma_start3A_225 = tpu.memref_squeeze %dma_start3A_224 : memref<1x128x128xf32, #tpu.memory_space<vmem>> -> memref<128x128xf32, #tpu.memory_space<vmem>>
        %dma_start3A_226 = arith.constant 0 : i32
        %dma_start3A_227 = tpu.memref_slice %arg6[%add3A_160, %dma_start3A_226] : memref<64x128xi32, #tpu.memory_space<vmem>> -> memref<1x128xi32, #tpu.memory_space<vmem>>
        %dma_start3A_228 = tpu.memref_squeeze %dma_start3A_227 : memref<1x128xi32, #tpu.memory_space<vmem>> -> memref<128xi32, #tpu.memory_space<vmem>>
        %dma_start3A_229 = arith.constant 0 : i32
        %dma_start3A_230 = arith.constant 0 : i32
        %dma_start3A_231 = tpu.memref_slice %arg9[%dma_start3A_229, %dma_start3A_230] : memref<10240x128xf32, #tpu.memory_space<vmem_shared>> -> memref<10240x128xf32, #tpu.memory_space<vmem_shared>>
        tpu.enqueue_indirect_dma source(%dma_start3A_225 : memref<128x128xf32, #tpu.memory_space<vmem>>) target(%dma_start3A_231 : memref<10240x128xf32, #tpu.memory_space<vmem_shared>>) offsets(%dma_start3A_228 : memref<128xi32, #tpu.memory_space<vmem>>) semaphore(%run_scoped3A_221 : memref<!tpu.dma_semaphore, #tpu.memory_space<semaphore_mem>>) {add = true}
        %dma_wait3A_232 = arith.constant 0 : i32
        %dma_wait3A_233 = arith.constant 0 : i32
        %dma_wait3A_234 = tpu.memref_slice %arg8[%run_scoped3A_182, %dma_wait3A_232, %dma_wait3A_233] : memref<2x128x128xf32, #tpu.memory_space<vmem>> -> memref<1x128x128xf32, #tpu.memory_space<vmem>>
        %dma_wait3A_235 = tpu.memref_squeeze %dma_wait3A_234 : memref<1x128x128xf32, #tpu.memory_space<vmem>> -> memref<128x128xf32, #tpu.memory_space<vmem>>
        %dma_wait3A_236 = arith.constant 0 : i32
        %dma_wait3A_237 = tpu.memref_slice %arg6[%add3A_160, %dma_wait3A_236] : memref<64x128xi32, #tpu.memory_space<vmem>> -> memref<1x128xi32, #tpu.memory_space<vmem>>
        %dma_wait3A_238 = tpu.memref_squeeze %dma_wait3A_237 : memref<1x128xi32, #tpu.memory_space<vmem>> -> memref<128xi32, #tpu.memory_space<vmem>>
        %dma_wait3A_239 = arith.constant 0 : i32
        %dma_wait3A_240 = arith.constant 0 : i32
        %dma_wait3A_241 = tpu.memref_slice %arg9[%dma_wait3A_239, %dma_wait3A_240] : memref<10240x128xf32, #tpu.memory_space<vmem_shared>> -> memref<10240x128xf32, #tpu.memory_space<vmem_shared>>
        tpu.wait_indirect_dma semaphore(%run_scoped3A_221 : memref<!tpu.dma_semaphore, #tpu.memory_space<semaphore_mem>>) src(%dma_wait3A_235 : memref<128x128xf32, #tpu.memory_space<vmem>>) dst(%dma_wait3A_241 : memref<10240x128xf32, #tpu.memory_space<vmem_shared>>)
        tpu.yield
      }) : () -> ()
      %add3A_183 = arith.constant 2 : i32
      %add3A_184 = arith.addi %add3A_160, %add3A_183 : i32
      %lt3A = arith.constant 64 : i32
      %lt3A_185 = arith.cmpi slt, %add3A_184, %lt3A : i32
      %convert_element_type3A = arith.extui %lt3A_185 : i1 to i32
      %cond3A = arith.constant 0 : i32
      %cond3A_186 = arith.cmpi ne, %convert_element_type3A, %cond3A : i32
      scf.if %cond3A_186 {
        %add3A_221 = arith.constant 2 : i32
        %add3A_222 = arith.addi %add3A_160, %add3A_221 : i32
        %dma_start3A_223 = arith.constant 0 : i32
        %dma_start3A_224 = arith.constant 0 : i32
        %dma_start3A_225 = arith.constant 0 : i32
        %dma_start3A_226 = tpu.memref_slice %arg8[%dma_start3A_223, %dma_start3A_224, %dma_start3A_225] : memref<2x128x128xf32, #tpu.memory_space<vmem>> -> memref<1x64x128xf32, #tpu.memory_space<vmem>>
        %dma_start3A_227 = tpu.memref_squeeze %dma_start3A_226 : memref<1x64x128xf32, #tpu.memory_space<vmem>> -> memref<64x128xf32, #tpu.memory_space<vmem>>
        %dma_start3A_228 = arith.constant 0 : i32
        %dma_start3A_229 = tpu.memref_slice %arg7[%add3A_222, %dma_start3A_228] : memref<64x128xi32, #tpu.memory_space<vmem>> -> memref<1x64xi32, #tpu.memory_space<vmem>>
        %dma_start3A_230 = tpu.memref_squeeze %dma_start3A_229 : memref<1x64xi32, #tpu.memory_space<vmem>> -> memref<64xi32, #tpu.memory_space<vmem>>
        %dma_start3A_231 = arith.constant 0 : i32
        %dma_start3A_232 = arith.constant 0 : i32
        %dma_start3A_233 = tpu.memref_slice %arg2[%dma_start3A_231, %dma_start3A_232] : memref<10240x128xf32, #tpu.memory_space<hbm>> -> memref<10240x128xf32, #tpu.memory_space<hbm>>
        tpu.enqueue_indirect_dma source(%dma_start3A_233 : memref<10240x128xf32, #tpu.memory_space<hbm>>) target(%dma_start3A_227 : memref<64x128xf32, #tpu.memory_space<vmem>>) offsets(%dma_start3A_230 : memref<64xi32, #tpu.memory_space<vmem>>) semaphore(%arg10 : memref<!tpu.dma_semaphore, #tpu.memory_space<semaphore_mem>>)
        %add3A_234 = arith.constant 2 : i32
        %add3A_235 = arith.addi %add3A_160, %add3A_234 : i32
        %dma_start3A_236 = arith.constant 0 : i32
        %dma_start3A_237 = arith.constant 64 : i32
        %dma_start3A_238 = arith.constant 0 : i32
        %dma_start3A_239 = tpu.memref_slice %arg8[%dma_start3A_236, %dma_start3A_237, %dma_start3A_238] : memref<2x128x128xf32, #tpu.memory_space<vmem>> -> memref<1x64x128xf32, #tpu.memory_space<vmem>>
        %dma_start3A_240 = tpu.memref_squeeze %dma_start3A_239 : memref<1x64x128xf32, #tpu.memory_space<vmem>> -> memref<64x128xf32, #tpu.memory_space<vmem>>
        %dma_start3A_241 = arith.constant 64 : i32
        %dma_start3A_242 = tpu.memref_slice %arg7[%add3A_235, %dma_start3A_241] : memref<64x128xi32, #tpu.memory_space<vmem>> -> memref<1x64xi32, #tpu.memory_space<vmem>>
        %dma_start3A_243 = tpu.memref_squeeze %dma_start3A_242 : memref<1x64xi32, #tpu.memory_space<vmem>> -> memref<64xi32, #tpu.memory_space<vmem>>
        %dma_start3A_244 = arith.constant 0 : i32
        %dma_start3A_245 = arith.constant 0 : i32
        %dma_start3A_246 = tpu.memref_slice %arg2[%dma_start3A_244, %dma_start3A_245] : memref<10240x128xf32, #tpu.memory_space<hbm>> -> memref<10240x128xf32, #tpu.memory_space<hbm>>
        tpu.enqueue_indirect_dma source(%dma_start3A_246 : memref<10240x128xf32, #tpu.memory_space<hbm>>) target(%dma_start3A_240 : memref<64x128xf32, #tpu.memory_space<vmem>>) offsets(%dma_start3A_243 : memref<64xi32, #tpu.memory_space<vmem>>) semaphore(%arg11 : memref<!tpu.dma_semaphore, #tpu.memory_space<semaphore_mem>>)
      } else {
      }
      %mul3A_187 = arith.constant 2 : i32
      %mul3A_188 = arith.muli %scan3A_156, %mul3A_187 : i32
      %add3A_189 = arith.constant 1 : i32
      %add3A_190 = arith.addi %mul3A_188, %add3A_189 : i32
      %dma_wait3A_191 = arith.constant 1 : i32
      %dma_wait3A_192 = arith.constant 0 : i32
      %dma_wait3A_193 = arith.constant 0 : i32
      %dma_wait3A_194 = tpu.memref_slice %arg8[%dma_wait3A_191, %dma_wait3A_192, %dma_wait3A_193] : memref<2x128x128xf32, #tpu.memory_space<vmem>> -> memref<1x64x128xf32, #tpu.memory_space<vmem>>
      %dma_wait3A_195 = tpu.memref_squeeze %dma_wait3A_194 : memref<1x64x128xf32, #tpu.memory_space<vmem>> -> memref<64x128xf32, #tpu.memory_space<vmem>>
      %dma_wait3A_196 = arith.constant 0 : i32
      %dma_wait3A_197 = tpu.memref_slice %arg7[%add3A_190, %dma_wait3A_196] : memref<64x128xi32, #tpu.memory_space<vmem>> -> memref<1x64xi32, #tpu.memory_space<vmem>>
      %dma_wait3A_198 = tpu.memref_squeeze %dma_wait3A_197 : memref<1x64xi32, #tpu.memory_space<vmem>> -> memref<64xi32, #tpu.memory_space<vmem>>
      %dma_wait3A_199 = arith.constant 0 : i32
      %dma_wait3A_200 = arith.constant 0 : i32
      %dma_wait3A_201 = tpu.memref_slice %arg2[%dma_wait3A_199, %dma_wait3A_200] : memref<10240x128xf32, #tpu.memory_space<hbm>> -> memref<10240x128xf32, #tpu.memory_space<hbm>>
      tpu.wait_indirect_dma semaphore(%arg12 : memref<!tpu.dma_semaphore, #tpu.memory_space<semaphore_mem>>) src(%dma_wait3A_201 : memref<10240x128xf32, #tpu.memory_space<hbm>>) dst(%dma_wait3A_195 : memref<64x128xf32, #tpu.memory_space<vmem>>)
      %dma_wait3A_202 = arith.constant 1 : i32
      %dma_wait3A_203 = arith.constant 64 : i32
      %dma_wait3A_204 = arith.constant 0 : i32
      %dma_wait3A_205 = tpu.memref_slice %arg8[%dma_wait3A_202, %dma_wait3A_203, %dma_wait3A_204] : memref<2x128x128xf32, #tpu.memory_space<vmem>> -> memref<1x64x128xf32, #tpu.memory_space<vmem>>
      %dma_wait3A_206 = tpu.memref_squeeze %dma_wait3A_205 : memref<1x64x128xf32, #tpu.memory_space<vmem>> -> memref<64x128xf32, #tpu.memory_space<vmem>>
      %dma_wait3A_207 = arith.constant 64 : i32
      %dma_wait3A_208 = tpu.memref_slice %arg7[%add3A_190, %dma_wait3A_207] : memref<64x128xi32, #tpu.memory_space<vmem>> -> memref<1x64xi32, #tpu.memory_space<vmem>>
      %dma_wait3A_209 = tpu.memref_squeeze %dma_wait3A_208 : memref<1x64xi32, #tpu.memory_space<vmem>> -> memref<64xi32, #tpu.memory_space<vmem>>
      %dma_wait3A_210 = arith.constant 0 : i32
      %dma_wait3A_211 = arith.constant 0 : i32
      %dma_wait3A_212 = tpu.memref_slice %arg2[%dma_wait3A_210, %dma_wait3A_211] : memref<10240x128xf32, #tpu.memory_space<hbm>> -> memref<10240x128xf32, #tpu.memory_space<hbm>>
      tpu.wait_indirect_dma semaphore(%arg13 : memref<!tpu.dma_semaphore, #tpu.memory_space<semaphore_mem>>) src(%dma_wait3A_212 : memref<10240x128xf32, #tpu.memory_space<hbm>>) dst(%dma_wait3A_206 : memref<64x128xf32, #tpu.memory_space<vmem>>)
      %run_scoped3A_213 = arith.constant 1 : i32
      "tpu.region"() ({
        %run_scoped3A_221 = tpu.sem_alloc : memref<!tpu.dma_semaphore, #tpu.memory_space<semaphore_mem>>
        %dma_start3A_222 = arith.constant 0 : i32
        %dma_start3A_223 = arith.constant 0 : i32
        %dma_start3A_224 = tpu.memref_slice %arg8[%run_scoped3A_213, %dma_start3A_222, %dma_start3A_223] : memref<2x128x128xf32, #tpu.memory_space<vmem>> -> memref<1x128x128xf32, #tpu.memory_space<vmem>>
        %dma_start3A_225 = tpu.memref_squeeze %dma_start3A_224 : memref<1x128x128xf32, #tpu.memory_space<vmem>> -> memref<128x128xf32, #tpu.memory_space<vmem>>
        %dma_start3A_226 = arith.constant 0 : i32
        %dma_start3A_227 = tpu.memref_slice %arg6[%add3A_190, %dma_start3A_226] : memref<64x128xi32, #tpu.memory_space<vmem>> -> memref<1x128xi32, #tpu.memory_space<vmem>>
        %dma_start3A_228 = tpu.memref_squeeze %dma_start3A_227 : memref<1x128xi32, #tpu.memory_space<vmem>> -> memref<128xi32, #tpu.memory_space<vmem>>
        %dma_start3A_229 = arith.constant 0 : i32
        %dma_start3A_230 = arith.constant 0 : i32
        %dma_start3A_231 = tpu.memref_slice %arg9[%dma_start3A_229, %dma_start3A_230] : memref<10240x128xf32, #tpu.memory_space<vmem_shared>> -> memref<10240x128xf32, #tpu.memory_space<vmem_shared>>
        tpu.enqueue_indirect_dma source(%dma_start3A_225 : memref<128x128xf32, #tpu.memory_space<vmem>>) target(%dma_start3A_231 : memref<10240x128xf32, #tpu.memory_space<vmem_shared>>) offsets(%dma_start3A_228 : memref<128xi32, #tpu.memory_space<vmem>>) semaphore(%run_scoped3A_221 : memref<!tpu.dma_semaphore, #tpu.memory_space<semaphore_mem>>) {add = true}
        %dma_wait3A_232 = arith.constant 0 : i32
        %dma_wait3A_233 = arith.constant 0 : i32
        %dma_wait3A_234 = tpu.memref_slice %arg8[%run_scoped3A_213, %dma_wait3A_232, %dma_wait3A_233] : memref<2x128x128xf32, #tpu.memory_space<vmem>> -> memref<1x128x128xf32, #tpu.memory_space<vmem>>
        %dma_wait3A_235 = tpu.memref_squeeze %dma_wait3A_234 : memref<1x128x128xf32, #tpu.memory_space<vmem>> -> memref<128x128xf32, #tpu.memory_space<vmem>>
        %dma_wait3A_236 = arith.constant 0 : i32
        %dma_wait3A_237 = tpu.memref_slice %arg6[%add3A_190, %dma_wait3A_236] : memref<64x128xi32, #tpu.memory_space<vmem>> -> memref<1x128xi32, #tpu.memory_space<vmem>>
        %dma_wait3A_238 = tpu.memref_squeeze %dma_wait3A_237 : memref<1x128xi32, #tpu.memory_space<vmem>> -> memref<128xi32, #tpu.memory_space<vmem>>
        %dma_wait3A_239 = arith.constant 0 : i32
        %dma_wait3A_240 = arith.constant 0 : i32
        %dma_wait3A_241 = tpu.memref_slice %arg9[%dma_wait3A_239, %dma_wait3A_240] : memref<10240x128xf32, #tpu.memory_space<vmem_shared>> -> memref<10240x128xf32, #tpu.memory_space<vmem_shared>>
        tpu.wait_indirect_dma semaphore(%run_scoped3A_221 : memref<!tpu.dma_semaphore, #tpu.memory_space<semaphore_mem>>) src(%dma_wait3A_235 : memref<128x128xf32, #tpu.memory_space<vmem>>) dst(%dma_wait3A_241 : memref<10240x128xf32, #tpu.memory_space<vmem_shared>>)
        tpu.yield
      }) : () -> ()
      %add3A_214 = arith.constant 2 : i32
      %add3A_215 = arith.addi %add3A_190, %add3A_214 : i32
      %lt3A_216 = arith.constant 64 : i32
      %lt3A_217 = arith.cmpi slt, %add3A_215, %lt3A_216 : i32
      %convert_element_type3A_218 = arith.extui %lt3A_217 : i1 to i32
      %cond3A_219 = arith.constant 0 : i32
      %cond3A_220 = arith.cmpi ne, %convert_element_type3A_218, %cond3A_219 : i32
      scf.if %cond3A_220 {
        %add3A_221 = arith.constant 2 : i32
        %add3A_222 = arith.addi %add3A_190, %add3A_221 : i32
        %dma_start3A_223 = arith.constant 1 : i32
        %dma_start3A_224 = arith.constant 0 : i32
        %dma_start3A_225 = arith.constant 0 : i32
        %dma_start3A_226 = tpu.memref_slice %arg8[%dma_start3A_223, %dma_start3A_224, %dma_start3A_225] : memref<2x128x128xf32, #tpu.memory_space<vmem>> -> memref<1x64x128xf32, #tpu.memory_space<vmem>>
        %dma_start3A_227 = tpu.memref_squeeze %dma_start3A_226 : memref<1x64x128xf32, #tpu.memory_space<vmem>> -> memref<64x128xf32, #tpu.memory_space<vmem>>
        %dma_start3A_228 = arith.constant 0 : i32
        %dma_start3A_229 = tpu.memref_slice %arg7[%add3A_222, %dma_start3A_228] : memref<64x128xi32, #tpu.memory_space<vmem>> -> memref<1x64xi32, #tpu.memory_space<vmem>>
        %dma_start3A_230 = tpu.memref_squeeze %dma_start3A_229 : memref<1x64xi32, #tpu.memory_space<vmem>> -> memref<64xi32, #tpu.memory_space<vmem>>
        %dma_start3A_231 = arith.constant 0 : i32
        %dma_start3A_232 = arith.constant 0 : i32
        %dma_start3A_233 = tpu.memref_slice %arg2[%dma_start3A_231, %dma_start3A_232] : memref<10240x128xf32, #tpu.memory_space<hbm>> -> memref<10240x128xf32, #tpu.memory_space<hbm>>
        tpu.enqueue_indirect_dma source(%dma_start3A_233 : memref<10240x128xf32, #tpu.memory_space<hbm>>) target(%dma_start3A_227 : memref<64x128xf32, #tpu.memory_space<vmem>>) offsets(%dma_start3A_230 : memref<64xi32, #tpu.memory_space<vmem>>) semaphore(%arg12 : memref<!tpu.dma_semaphore, #tpu.memory_space<semaphore_mem>>)
        %add3A_234 = arith.constant 2 : i32
        %add3A_235 = arith.addi %add3A_190, %add3A_234 : i32
        %dma_start3A_236 = arith.constant 1 : i32
        %dma_start3A_237 = arith.constant 64 : i32
        %dma_start3A_238 = arith.constant 0 : i32
        %dma_start3A_239 = tpu.memref_slice %arg8[%dma_start3A_236, %dma_start3A_237, %dma_start3A_238] : memref<2x128x128xf32, #tpu.memory_space<vmem>> -> memref<1x64x128xf32, #tpu.memory_space<vmem>>
        %dma_start3A_240 = tpu.memref_squeeze %dma_start3A_239 : memref<1x64x128xf32, #tpu.memory_space<vmem>> -> memref<64x128xf32, #tpu.memory_space<vmem>>
        %dma_start3A_241 = arith.constant 64 : i32
        %dma_start3A_242 = tpu.memref_slice %arg7[%add3A_235, %dma_start3A_241] : memref<64x128xi32, #tpu.memory_space<vmem>> -> memref<1x64xi32, #tpu.memory_space<vmem>>
        %dma_start3A_243 = tpu.memref_squeeze %dma_start3A_242 : memref<1x64xi32, #tpu.memory_space<vmem>> -> memref<64xi32, #tpu.memory_space<vmem>>
        %dma_start3A_244 = arith.constant 0 : i32
        %dma_start3A_245 = arith.constant 0 : i32
        %dma_start3A_246 = tpu.memref_slice %arg2[%dma_start3A_244, %dma_start3A_245] : memref<10240x128xf32, #tpu.memory_space<hbm>> -> memref<10240x128xf32, #tpu.memory_space<hbm>>
        tpu.enqueue_indirect_dma source(%dma_start3A_246 : memref<10240x128xf32, #tpu.memory_space<hbm>>) target(%dma_start3A_240 : memref<64x128xf32, #tpu.memory_space<vmem>>) offsets(%dma_start3A_243 : memref<64xi32, #tpu.memory_space<vmem>>) semaphore(%arg13 : memref<!tpu.dma_semaphore, #tpu.memory_space<semaphore_mem>>)
      } else {
      }
    }
    %scan3A_86 = arith.constant 32 : i32
    %mul3A_87 = arith.constant 2048 : i32
    %mul3A_88 = arith.muli %arg0, %mul3A_87 : i32
    %mul3A_89 = arith.constant 128 : i32
    %mul3A_90 = arith.muli %arg1, %mul3A_89 : i32
    %add3A_91 = arith.addi %mul3A_88, %mul3A_90 : i32
    %add3A_92 = arith.constant 64 : i32
    %add3A_93 = arith.addi %add3A_91, %add3A_92 : i32
    "tpu.region"() ({
      %run_scoped3A_156 = tpu.sem_alloc : memref<!tpu.dma_semaphore, #tpu.memory_space<semaphore_mem>>
      %dma_start3A_157 = arith.constant 0 : i32
      %dma_start3A_158 = tpu.memref_slice %arg3[%add3A_93, %dma_start3A_157] : memref<4096x128xi32, #tpu.memory_space<hbm>> -> memref<64x128xi32, #tpu.memory_space<hbm>>
      %dma_start3A_159 = arith.constant 0 : i32
      %dma_start3A_160 = tpu.memref_slice %arg3[%add3A_93, %dma_start3A_159] : memref<4096x128xi32, #tpu.memory_space<hbm>> -> memref<64x128xi32, #tpu.memory_space<hbm>>
      tpu.enqueue_dma source(%dma_start3A_160 : memref<64x128xi32, #tpu.memory_space<hbm>>) target(%arg6 : memref<64x128xi32, #tpu.memory_space<vmem>>) target_semaphore(%run_scoped3A_156 : memref<!tpu.dma_semaphore, #tpu.memory_space<semaphore_mem>>)
      %dma_wait3A = arith.constant 0 : i32
      %dma_wait3A_161 = tpu.memref_slice %arg3[%add3A_93, %dma_wait3A] : memref<4096x128xi32, #tpu.memory_space<hbm>> -> memref<64x128xi32, #tpu.memory_space<hbm>>
      %dma_wait3A_162 = arith.constant 0 : i32
      %dma_wait3A_163 = tpu.memref_slice %arg3[%add3A_93, %dma_wait3A_162] : memref<4096x128xi32, #tpu.memory_space<hbm>> -> memref<64x128xi32, #tpu.memory_space<hbm>>
      tpu.wait_dma2 semaphore(%run_scoped3A_156 : memref<!tpu.dma_semaphore, #tpu.memory_space<semaphore_mem>>) src(%dma_wait3A_163 : memref<64x128xi32, #tpu.memory_space<hbm>>) dst(%arg6 : memref<64x128xi32, #tpu.memory_space<vmem>>)
      tpu.yield
    }) : () -> ()
    "tpu.region"() ({
      %run_scoped3A_156 = tpu.sem_alloc : memref<!tpu.dma_semaphore, #tpu.memory_space<semaphore_mem>>
      %dma_start3A_157 = arith.constant 0 : i32
      %dma_start3A_158 = tpu.memref_slice %arg4[%add3A_93, %dma_start3A_157] : memref<4096x128xi32, #tpu.memory_space<hbm>> -> memref<64x128xi32, #tpu.memory_space<hbm>>
      %dma_start3A_159 = arith.constant 0 : i32
      %dma_start3A_160 = tpu.memref_slice %arg4[%add3A_93, %dma_start3A_159] : memref<4096x128xi32, #tpu.memory_space<hbm>> -> memref<64x128xi32, #tpu.memory_space<hbm>>
      tpu.enqueue_dma source(%dma_start3A_160 : memref<64x128xi32, #tpu.memory_space<hbm>>) target(%arg7 : memref<64x128xi32, #tpu.memory_space<vmem>>) target_semaphore(%run_scoped3A_156 : memref<!tpu.dma_semaphore, #tpu.memory_space<semaphore_mem>>)
      %dma_wait3A = arith.constant 0 : i32
      %dma_wait3A_161 = tpu.memref_slice %arg4[%add3A_93, %dma_wait3A] : memref<4096x128xi32, #tpu.memory_space<hbm>> -> memref<64x128xi32, #tpu.memory_space<hbm>>
      %dma_wait3A_162 = arith.constant 0 : i32
      %dma_wait3A_163 = tpu.memref_slice %arg4[%add3A_93, %dma_wait3A_162] : memref<4096x128xi32, #tpu.memory_space<hbm>> -> memref<64x128xi32, #tpu.memory_space<hbm>>
      tpu.wait_dma2 semaphore(%run_scoped3A_156 : memref<!tpu.dma_semaphore, #tpu.memory_space<semaphore_mem>>) src(%dma_wait3A_163 : memref<64x128xi32, #tpu.memory_space<hbm>>) dst(%arg7 : memref<64x128xi32, #tpu.memory_space<vmem>>)
      tpu.yield
    }) : () -> ()
    %dma_start3A_94 = arith.constant 0 : i32
    %dma_start3A_95 = arith.constant 0 : i32
    %dma_start3A_96 = arith.constant 0 : i32
    %dma_start3A_97 = arith.constant 0 : i32
    %dma_start3A_98 = tpu.memref_slice %arg8[%dma_start3A_95, %dma_start3A_96, %dma_start3A_97] : memref<2x128x128xf32, #tpu.memory_space<vmem>> -> memref<1x64x128xf32, #tpu.memory_space<vmem>>
    %dma_start3A_99 = tpu.memref_squeeze %dma_start3A_98 : memref<1x64x128xf32, #tpu.memory_space<vmem>> -> memref<64x128xf32, #tpu.memory_space<vmem>>
    %dma_start3A_100 = arith.constant 0 : i32
    %dma_start3A_101 = tpu.memref_slice %arg7[%dma_start3A_94, %dma_start3A_100] : memref<64x128xi32, #tpu.memory_space<vmem>> -> memref<1x64xi32, #tpu.memory_space<vmem>>
    %dma_start3A_102 = tpu.memref_squeeze %dma_start3A_101 : memref<1x64xi32, #tpu.memory_space<vmem>> -> memref<64xi32, #tpu.memory_space<vmem>>
    %dma_start3A_103 = arith.constant 0 : i32
    %dma_start3A_104 = arith.constant 0 : i32
    %dma_start3A_105 = tpu.memref_slice %arg2[%dma_start3A_103, %dma_start3A_104] : memref<10240x128xf32, #tpu.memory_space<hbm>> -> memref<10240x128xf32, #tpu.memory_space<hbm>>
    tpu.enqueue_indirect_dma source(%dma_start3A_105 : memref<10240x128xf32, #tpu.memory_space<hbm>>) target(%dma_start3A_99 : memref<64x128xf32, #tpu.memory_space<vmem>>) offsets(%dma_start3A_102 : memref<64xi32, #tpu.memory_space<vmem>>) semaphore(%arg10 : memref<!tpu.dma_semaphore, #tpu.memory_space<semaphore_mem>>)
    %dma_start3A_106 = arith.constant 0 : i32
    %dma_start3A_107 = arith.constant 0 : i32
    %dma_start3A_108 = arith.constant 64 : i32
    %dma_start3A_109 = arith.constant 0 : i32
    %dma_start3A_110 = tpu.memref_slice %arg8[%dma_start3A_107, %dma_start3A_108, %dma_start3A_109] : memref<2x128x128xf32, #tpu.memory_space<vmem>> -> memref<1x64x128xf32, #tpu.memory_space<vmem>>
    %dma_start3A_111 = tpu.memref_squeeze %dma_start3A_110 : memref<1x64x128xf32, #tpu.memory_space<vmem>> -> memref<64x128xf32, #tpu.memory_space<vmem>>
    %dma_start3A_112 = arith.constant 64 : i32
    %dma_start3A_113 = tpu.memref_slice %arg7[%dma_start3A_106, %dma_start3A_112] : memref<64x128xi32, #tpu.memory_space<vmem>> -> memref<1x64xi32, #tpu.memory_space<vmem>>
    %dma_start3A_114 = tpu.memref_squeeze %dma_start3A_113 : memref<1x64xi32, #tpu.memory_space<vmem>> -> memref<64xi32, #tpu.memory_space<vmem>>
    %dma_start3A_115 = arith.constant 0 : i32
    %dma_start3A_116 = arith.constant 0 : i32
    %dma_start3A_117 = tpu.memref_slice %arg2[%dma_start3A_115, %dma_start3A_116] : memref<10240x128xf32, #tpu.memory_space<hbm>> -> memref<10240x128xf32, #tpu.memory_space<hbm>>
    tpu.enqueue_indirect_dma source(%dma_start3A_117 : memref<10240x128xf32, #tpu.memory_space<hbm>>) target(%dma_start3A_111 : memref<64x128xf32, #tpu.memory_space<vmem>>) offsets(%dma_start3A_114 : memref<64xi32, #tpu.memory_space<vmem>>) semaphore(%arg11 : memref<!tpu.dma_semaphore, #tpu.memory_space<semaphore_mem>>)
    %dma_start3A_118 = arith.constant 1 : i32
    %dma_start3A_119 = arith.constant 1 : i32
    %dma_start3A_120 = arith.constant 0 : i32
    %dma_start3A_121 = arith.constant 0 : i32
    %dma_start3A_122 = tpu.memref_slice %arg8[%dma_start3A_119, %dma_start3A_120, %dma_start3A_121] : memref<2x128x128xf32, #tpu.memory_space<vmem>> -> memref<1x64x128xf32, #tpu.memory_space<vmem>>
    %dma_start3A_123 = tpu.memref_squeeze %dma_start3A_122 : memref<1x64x128xf32, #tpu.memory_space<vmem>> -> memref<64x128xf32, #tpu.memory_space<vmem>>
    %dma_start3A_124 = arith.constant 0 : i32
    %dma_start3A_125 = tpu.memref_slice %arg7[%dma_start3A_118, %dma_start3A_124] : memref<64x128xi32, #tpu.memory_space<vmem>> -> memref<1x64xi32, #tpu.memory_space<vmem>>
    %dma_start3A_126 = tpu.memref_squeeze %dma_start3A_125 : memref<1x64xi32, #tpu.memory_space<vmem>> -> memref<64xi32, #tpu.memory_space<vmem>>
    %dma_start3A_127 = arith.constant 0 : i32
    %dma_start3A_128 = arith.constant 0 : i32
    %dma_start3A_129 = tpu.memref_slice %arg2[%dma_start3A_127, %dma_start3A_128] : memref<10240x128xf32, #tpu.memory_space<hbm>> -> memref<10240x128xf32, #tpu.memory_space<hbm>>
    tpu.enqueue_indirect_dma source(%dma_start3A_129 : memref<10240x128xf32, #tpu.memory_space<hbm>>) target(%dma_start3A_123 : memref<64x128xf32, #tpu.memory_space<vmem>>) offsets(%dma_start3A_126 : memref<64xi32, #tpu.memory_space<vmem>>) semaphore(%arg12 : memref<!tpu.dma_semaphore, #tpu.memory_space<semaphore_mem>>)
    %dma_start3A_130 = arith.constant 1 : i32
    %dma_start3A_131 = arith.constant 1 : i32
    %dma_start3A_132 = arith.constant 64 : i32
    %dma_start3A_133 = arith.constant 0 : i32
    %dma_start3A_134 = tpu.memref_slice %arg8[%dma_start3A_131, %dma_start3A_132, %dma_start3A_133] : memref<2x128x128xf32, #tpu.memory_space<vmem>> -> memref<1x64x128xf32, #tpu.memory_space<vmem>>
    %dma_start3A_135 = tpu.memref_squeeze %dma_start3A_134 : memref<1x64x128xf32, #tpu.memory_space<vmem>> -> memref<64x128xf32, #tpu.memory_space<vmem>>
    %dma_start3A_136 = arith.constant 64 : i32
    %dma_start3A_137 = tpu.memref_slice %arg7[%dma_start3A_130, %dma_start3A_136] : memref<64x128xi32, #tpu.memory_space<vmem>> -> memref<1x64xi32, #tpu.memory_space<vmem>>
    %dma_start3A_138 = tpu.memref_squeeze %dma_start3A_137 : memref<1x64xi32, #tpu.memory_space<vmem>> -> memref<64xi32, #tpu.memory_space<vmem>>
    %dma_start3A_139 = arith.constant 0 : i32
    %dma_start3A_140 = arith.constant 0 : i32
    %dma_start3A_141 = tpu.memref_slice %arg2[%dma_start3A_139, %dma_start3A_140] : memref<10240x128xf32, #tpu.memory_space<hbm>> -> memref<10240x128xf32, #tpu.memory_space<hbm>>
    tpu.enqueue_indirect_dma source(%dma_start3A_141 : memref<10240x128xf32, #tpu.memory_space<hbm>>) target(%dma_start3A_135 : memref<64x128xf32, #tpu.memory_space<vmem>>) offsets(%dma_start3A_138 : memref<64xi32, #tpu.memory_space<vmem>>) semaphore(%arg13 : memref<!tpu.dma_semaphore, #tpu.memory_space<semaphore_mem>>)
    %scan3A_142 = arith.constant 0 : i32
    %scan3A_143 = arith.constant 0 : i32
    %scan3A_144 = arith.constant 32 : i32
    %scan3A_145 = arith.addi %scan3A_143, %scan3A_144 : i32
    %scan3A_146 = arith.constant 1 : i32
    scf.for %scan3A_156 = %scan3A_143 to %scan3A_145 step %scan3A_146  : i32 {
      %mul3A_157 = arith.constant 2 : i32
      %mul3A_158 = arith.muli %scan3A_156, %mul3A_157 : i32
      %add3A_159 = arith.constant 0 : i32
      %add3A_160 = arith.addi %mul3A_158, %add3A_159 : i32
      %dma_wait3A = arith.constant 0 : i32
      %dma_wait3A_161 = arith.constant 0 : i32
      %dma_wait3A_162 = arith.constant 0 : i32
      %dma_wait3A_163 = tpu.memref_slice %arg8[%dma_wait3A, %dma_wait3A_161, %dma_wait3A_162] : memref<2x128x128xf32, #tpu.memory_space<vmem>> -> memref<1x64x128xf32, #tpu.memory_space<vmem>>
      %dma_wait3A_164 = tpu.memref_squeeze %dma_wait3A_163 : memref<1x64x128xf32, #tpu.memory_space<vmem>> -> memref<64x128xf32, #tpu.memory_space<vmem>>
      %dma_wait3A_165 = arith.constant 0 : i32
      %dma_wait3A_166 = tpu.memref_slice %arg7[%add3A_160, %dma_wait3A_165] : memref<64x128xi32, #tpu.memory_space<vmem>> -> memref<1x64xi32, #tpu.memory_space<vmem>>
      %dma_wait3A_167 = tpu.memref_squeeze %dma_wait3A_166 : memref<1x64xi32, #tpu.memory_space<vmem>> -> memref<64xi32, #tpu.memory_space<vmem>>
      %dma_wait3A_168 = arith.constant 0 : i32
      %dma_wait3A_169 = arith.constant 0 : i32
      %dma_wait3A_170 = tpu.memref_slice %arg2[%dma_wait3A_168, %dma_wait3A_169] : memref<10240x128xf32, #tpu.memory_space<hbm>> -> memref<10240x128xf32, #tpu.memory_space<hbm>>
      tpu.wait_indirect_dma semaphore(%arg10 : memref<!tpu.dma_semaphore, #tpu.memory_space<semaphore_mem>>) src(%dma_wait3A_170 : memref<10240x128xf32, #tpu.memory_space<hbm>>) dst(%dma_wait3A_164 : memref<64x128xf32, #tpu.memory_space<vmem>>)
      %dma_wait3A_171 = arith.constant 0 : i32
      %dma_wait3A_172 = arith.constant 64 : i32
      %dma_wait3A_173 = arith.constant 0 : i32
      %dma_wait3A_174 = tpu.memref_slice %arg8[%dma_wait3A_171, %dma_wait3A_172, %dma_wait3A_173] : memref<2x128x128xf32, #tpu.memory_space<vmem>> -> memref<1x64x128xf32, #tpu.memory_space<vmem>>
      %dma_wait3A_175 = tpu.memref_squeeze %dma_wait3A_174 : memref<1x64x128xf32, #tpu.memory_space<vmem>> -> memref<64x128xf32, #tpu.memory_space<vmem>>
      %dma_wait3A_176 = arith.constant 64 : i32
      %dma_wait3A_177 = tpu.memref_slice %arg7[%add3A_160, %dma_wait3A_176] : memref<64x128xi32, #tpu.memory_space<vmem>> -> memref<1x64xi32, #tpu.memory_space<vmem>>
      %dma_wait3A_178 = tpu.memref_squeeze %dma_wait3A_177 : memref<1x64xi32, #tpu.memory_space<vmem>> -> memref<64xi32, #tpu.memory_space<vmem>>
      %dma_wait3A_179 = arith.constant 0 : i32
      %dma_wait3A_180 = arith.constant 0 : i32
      %dma_wait3A_181 = tpu.memref_slice %arg2[%dma_wait3A_179, %dma_wait3A_180] : memref<10240x128xf32, #tpu.memory_space<hbm>> -> memref<10240x128xf32, #tpu.memory_space<hbm>>
      tpu.wait_indirect_dma semaphore(%arg11 : memref<!tpu.dma_semaphore, #tpu.memory_space<semaphore_mem>>) src(%dma_wait3A_181 : memref<10240x128xf32, #tpu.memory_space<hbm>>) dst(%dma_wait3A_175 : memref<64x128xf32, #tpu.memory_space<vmem>>)
      %run_scoped3A_182 = arith.constant 0 : i32
      "tpu.region"() ({
        %run_scoped3A_221 = tpu.sem_alloc : memref<!tpu.dma_semaphore, #tpu.memory_space<semaphore_mem>>
        %dma_start3A_222 = arith.constant 0 : i32
        %dma_start3A_223 = arith.constant 0 : i32
        %dma_start3A_224 = tpu.memref_slice %arg8[%run_scoped3A_182, %dma_start3A_222, %dma_start3A_223] : memref<2x128x128xf32, #tpu.memory_space<vmem>> -> memref<1x128x128xf32, #tpu.memory_space<vmem>>
        %dma_start3A_225 = tpu.memref_squeeze %dma_start3A_224 : memref<1x128x128xf32, #tpu.memory_space<vmem>> -> memref<128x128xf32, #tpu.memory_space<vmem>>
        %dma_start3A_226 = arith.constant 0 : i32
        %dma_start3A_227 = tpu.memref_slice %arg6[%add3A_160, %dma_start3A_226] : memref<64x128xi32, #tpu.memory_space<vmem>> -> memref<1x128xi32, #tpu.memory_space<vmem>>
        %dma_start3A_228 = tpu.memref_squeeze %dma_start3A_227 : memref<1x128xi32, #tpu.memory_space<vmem>> -> memref<128xi32, #tpu.memory_space<vmem>>
        %dma_start3A_229 = arith.constant 0 : i32
        %dma_start3A_230 = arith.constant 0 : i32
        %dma_start3A_231 = tpu.memref_slice %arg9[%dma_start3A_229, %dma_start3A_230] : memref<10240x128xf32, #tpu.memory_space<vmem_shared>> -> memref<10240x128xf32, #tpu.memory_space<vmem_shared>>
        tpu.enqueue_indirect_dma source(%dma_start3A_225 : memref<128x128xf32, #tpu.memory_space<vmem>>) target(%dma_start3A_231 : memref<10240x128xf32, #tpu.memory_space<vmem_shared>>) offsets(%dma_start3A_228 : memref<128xi32, #tpu.memory_space<vmem>>) semaphore(%run_scoped3A_221 : memref<!tpu.dma_semaphore, #tpu.memory_space<semaphore_mem>>) {add = true}
        %dma_wait3A_232 = arith.constant 0 : i32
        %dma_wait3A_233 = arith.constant 0 : i32
        %dma_wait3A_234 = tpu.memref_slice %arg8[%run_scoped3A_182, %dma_wait3A_232, %dma_wait3A_233] : memref<2x128x128xf32, #tpu.memory_space<vmem>> -> memref<1x128x128xf32, #tpu.memory_space<vmem>>
        %dma_wait3A_235 = tpu.memref_squeeze %dma_wait3A_234 : memref<1x128x128xf32, #tpu.memory_space<vmem>> -> memref<128x128xf32, #tpu.memory_space<vmem>>
        %dma_wait3A_236 = arith.constant 0 : i32
        %dma_wait3A_237 = tpu.memref_slice %arg6[%add3A_160, %dma_wait3A_236] : memref<64x128xi32, #tpu.memory_space<vmem>> -> memref<1x128xi32, #tpu.memory_space<vmem>>
        %dma_wait3A_238 = tpu.memref_squeeze %dma_wait3A_237 : memref<1x128xi32, #tpu.memory_space<vmem>> -> memref<128xi32, #tpu.memory_space<vmem>>
        %dma_wait3A_239 = arith.constant 0 : i32
        %dma_wait3A_240 = arith.constant 0 : i32
        %dma_wait3A_241 = tpu.memref_slice %arg9[%dma_wait3A_239, %dma_wait3A_240] : memref<10240x128xf32, #tpu.memory_space<vmem_shared>> -> memref<10240x128xf32, #tpu.memory_space<vmem_shared>>
        tpu.wait_indirect_dma semaphore(%run_scoped3A_221 : memref<!tpu.dma_semaphore, #tpu.memory_space<semaphore_mem>>) src(%dma_wait3A_235 : memref<128x128xf32, #tpu.memory_space<vmem>>) dst(%dma_wait3A_241 : memref<10240x128xf32, #tpu.memory_space<vmem_shared>>)
        tpu.yield
      }) : () -> ()
      %add3A_183 = arith.constant 2 : i32
      %add3A_184 = arith.addi %add3A_160, %add3A_183 : i32
      %lt3A = arith.constant 64 : i32
      %lt3A_185 = arith.cmpi slt, %add3A_184, %lt3A : i32
      %convert_element_type3A = arith.extui %lt3A_185 : i1 to i32
      %cond3A = arith.constant 0 : i32
      %cond3A_186 = arith.cmpi ne, %convert_element_type3A, %cond3A : i32
      scf.if %cond3A_186 {
        %add3A_221 = arith.constant 2 : i32
        %add3A_222 = arith.addi %add3A_160, %add3A_221 : i32
        %dma_start3A_223 = arith.constant 0 : i32
        %dma_start3A_224 = arith.constant 0 : i32
        %dma_start3A_225 = arith.constant 0 : i32
        %dma_start3A_226 = tpu.memref_slice %arg8[%dma_start3A_223, %dma_start3A_224, %dma_start3A_225] : memref<2x128x128xf32, #tpu.memory_space<vmem>> -> memref<1x64x128xf32, #tpu.memory_space<vmem>>
        %dma_start3A_227 = tpu.memref_squeeze %dma_start3A_226 : memref<1x64x128xf32, #tpu.memory_space<vmem>> -> memref<64x128xf32, #tpu.memory_space<vmem>>
        %dma_start3A_228 = arith.constant 0 : i32
        %dma_start3A_229 = tpu.memref_slice %arg7[%add3A_222, %dma_start3A_228] : memref<64x128xi32, #tpu.memory_space<vmem>> -> memref<1x64xi32, #tpu.memory_space<vmem>>
        %dma_start3A_230 = tpu.memref_squeeze %dma_start3A_229 : memref<1x64xi32, #tpu.memory_space<vmem>> -> memref<64xi32, #tpu.memory_space<vmem>>
        %dma_start3A_231 = arith.constant 0 : i32
        %dma_start3A_232 = arith.constant 0 : i32
        %dma_start3A_233 = tpu.memref_slice %arg2[%dma_start3A_231, %dma_start3A_232] : memref<10240x128xf32, #tpu.memory_space<hbm>> -> memref<10240x128xf32, #tpu.memory_space<hbm>>
        tpu.enqueue_indirect_dma source(%dma_start3A_233 : memref<10240x128xf32, #tpu.memory_space<hbm>>) target(%dma_start3A_227 : memref<64x128xf32, #tpu.memory_space<vmem>>) offsets(%dma_start3A_230 : memref<64xi32, #tpu.memory_space<vmem>>) semaphore(%arg10 : memref<!tpu.dma_semaphore, #tpu.memory_space<semaphore_mem>>)
        %add3A_234 = arith.constant 2 : i32
        %add3A_235 = arith.addi %add3A_160, %add3A_234 : i32
        %dma_start3A_236 = arith.constant 0 : i32
        %dma_start3A_237 = arith.constant 64 : i32
        %dma_start3A_238 = arith.constant 0 : i32
        %dma_start3A_239 = tpu.memref_slice %arg8[%dma_start3A_236, %dma_start3A_237, %dma_start3A_238] : memref<2x128x128xf32, #tpu.memory_space<vmem>> -> memref<1x64x128xf32, #tpu.memory_space<vmem>>
        %dma_start3A_240 = tpu.memref_squeeze %dma_start3A_239 : memref<1x64x128xf32, #tpu.memory_space<vmem>> -> memref<64x128xf32, #tpu.memory_space<vmem>>
        %dma_start3A_241 = arith.constant 64 : i32
        %dma_start3A_242 = tpu.memref_slice %arg7[%add3A_235, %dma_start3A_241] : memref<64x128xi32, #tpu.memory_space<vmem>> -> memref<1x64xi32, #tpu.memory_space<vmem>>
        %dma_start3A_243 = tpu.memref_squeeze %dma_start3A_242 : memref<1x64xi32, #tpu.memory_space<vmem>> -> memref<64xi32, #tpu.memory_space<vmem>>
        %dma_start3A_244 = arith.constant 0 : i32
        %dma_start3A_245 = arith.constant 0 : i32
        %dma_start3A_246 = tpu.memref_slice %arg2[%dma_start3A_244, %dma_start3A_245] : memref<10240x128xf32, #tpu.memory_space<hbm>> -> memref<10240x128xf32, #tpu.memory_space<hbm>>
        tpu.enqueue_indirect_dma source(%dma_start3A_246 : memref<10240x128xf32, #tpu.memory_space<hbm>>) target(%dma_start3A_240 : memref<64x128xf32, #tpu.memory_space<vmem>>) offsets(%dma_start3A_243 : memref<64xi32, #tpu.memory_space<vmem>>) semaphore(%arg11 : memref<!tpu.dma_semaphore, #tpu.memory_space<semaphore_mem>>)
      } else {
      }
      %mul3A_187 = arith.constant 2 : i32
      %mul3A_188 = arith.muli %scan3A_156, %mul3A_187 : i32
      %add3A_189 = arith.constant 1 : i32
      %add3A_190 = arith.addi %mul3A_188, %add3A_189 : i32
      %dma_wait3A_191 = arith.constant 1 : i32
      %dma_wait3A_192 = arith.constant 0 : i32
      %dma_wait3A_193 = arith.constant 0 : i32
      %dma_wait3A_194 = tpu.memref_slice %arg8[%dma_wait3A_191, %dma_wait3A_192, %dma_wait3A_193] : memref<2x128x128xf32, #tpu.memory_space<vmem>> -> memref<1x64x128xf32, #tpu.memory_space<vmem>>
      %dma_wait3A_195 = tpu.memref_squeeze %dma_wait3A_194 : memref<1x64x128xf32, #tpu.memory_space<vmem>> -> memref<64x128xf32, #tpu.memory_space<vmem>>
      %dma_wait3A_196 = arith.constant 0 : i32
      %dma_wait3A_197 = tpu.memref_slice %arg7[%add3A_190, %dma_wait3A_196] : memref<64x128xi32, #tpu.memory_space<vmem>> -> memref<1x64xi32, #tpu.memory_space<vmem>>
      %dma_wait3A_198 = tpu.memref_squeeze %dma_wait3A_197 : memref<1x64xi32, #tpu.memory_space<vmem>> -> memref<64xi32, #tpu.memory_space<vmem>>
      %dma_wait3A_199 = arith.constant 0 : i32
      %dma_wait3A_200 = arith.constant 0 : i32
      %dma_wait3A_201 = tpu.memref_slice %arg2[%dma_wait3A_199, %dma_wait3A_200] : memref<10240x128xf32, #tpu.memory_space<hbm>> -> memref<10240x128xf32, #tpu.memory_space<hbm>>
      tpu.wait_indirect_dma semaphore(%arg12 : memref<!tpu.dma_semaphore, #tpu.memory_space<semaphore_mem>>) src(%dma_wait3A_201 : memref<10240x128xf32, #tpu.memory_space<hbm>>) dst(%dma_wait3A_195 : memref<64x128xf32, #tpu.memory_space<vmem>>)
      %dma_wait3A_202 = arith.constant 1 : i32
      %dma_wait3A_203 = arith.constant 64 : i32
      %dma_wait3A_204 = arith.constant 0 : i32
      %dma_wait3A_205 = tpu.memref_slice %arg8[%dma_wait3A_202, %dma_wait3A_203, %dma_wait3A_204] : memref<2x128x128xf32, #tpu.memory_space<vmem>> -> memref<1x64x128xf32, #tpu.memory_space<vmem>>
      %dma_wait3A_206 = tpu.memref_squeeze %dma_wait3A_205 : memref<1x64x128xf32, #tpu.memory_space<vmem>> -> memref<64x128xf32, #tpu.memory_space<vmem>>
      %dma_wait3A_207 = arith.constant 64 : i32
      %dma_wait3A_208 = tpu.memref_slice %arg7[%add3A_190, %dma_wait3A_207] : memref<64x128xi32, #tpu.memory_space<vmem>> -> memref<1x64xi32, #tpu.memory_space<vmem>>
      %dma_wait3A_209 = tpu.memref_squeeze %dma_wait3A_208 : memref<1x64xi32, #tpu.memory_space<vmem>> -> memref<64xi32, #tpu.memory_space<vmem>>
      %dma_wait3A_210 = arith.constant 0 : i32
      %dma_wait3A_211 = arith.constant 0 : i32
      %dma_wait3A_212 = tpu.memref_slice %arg2[%dma_wait3A_210, %dma_wait3A_211] : memref<10240x128xf32, #tpu.memory_space<hbm>> -> memref<10240x128xf32, #tpu.memory_space<hbm>>
      tpu.wait_indirect_dma semaphore(%arg13 : memref<!tpu.dma_semaphore, #tpu.memory_space<semaphore_mem>>) src(%dma_wait3A_212 : memref<10240x128xf32, #tpu.memory_space<hbm>>) dst(%dma_wait3A_206 : memref<64x128xf32, #tpu.memory_space<vmem>>)
      %run_scoped3A_213 = arith.constant 1 : i32
      "tpu.region"() ({
        %run_scoped3A_221 = tpu.sem_alloc : memref<!tpu.dma_semaphore, #tpu.memory_space<semaphore_mem>>
        %dma_start3A_222 = arith.constant 0 : i32
        %dma_start3A_223 = arith.constant 0 : i32
        %dma_start3A_224 = tpu.memref_slice %arg8[%run_scoped3A_213, %dma_start3A_222, %dma_start3A_223] : memref<2x128x128xf32, #tpu.memory_space<vmem>> -> memref<1x128x128xf32, #tpu.memory_space<vmem>>
        %dma_start3A_225 = tpu.memref_squeeze %dma_start3A_224 : memref<1x128x128xf32, #tpu.memory_space<vmem>> -> memref<128x128xf32, #tpu.memory_space<vmem>>
        %dma_start3A_226 = arith.constant 0 : i32
        %dma_start3A_227 = tpu.memref_slice %arg6[%add3A_190, %dma_start3A_226] : memref<64x128xi32, #tpu.memory_space<vmem>> -> memref<1x128xi32, #tpu.memory_space<vmem>>
        %dma_start3A_228 = tpu.memref_squeeze %dma_start3A_227 : memref<1x128xi32, #tpu.memory_space<vmem>> -> memref<128xi32, #tpu.memory_space<vmem>>
        %dma_start3A_229 = arith.constant 0 : i32
        %dma_start3A_230 = arith.constant 0 : i32
        %dma_start3A_231 = tpu.memref_slice %arg9[%dma_start3A_229, %dma_start3A_230] : memref<10240x128xf32, #tpu.memory_space<vmem_shared>> -> memref<10240x128xf32, #tpu.memory_space<vmem_shared>>
        tpu.enqueue_indirect_dma source(%dma_start3A_225 : memref<128x128xf32, #tpu.memory_space<vmem>>) target(%dma_start3A_231 : memref<10240x128xf32, #tpu.memory_space<vmem_shared>>) offsets(%dma_start3A_228 : memref<128xi32, #tpu.memory_space<vmem>>) semaphore(%run_scoped3A_221 : memref<!tpu.dma_semaphore, #tpu.memory_space<semaphore_mem>>) {add = true}
        %dma_wait3A_232 = arith.constant 0 : i32
        %dma_wait3A_233 = arith.constant 0 : i32
        %dma_wait3A_234 = tpu.memref_slice %arg8[%run_scoped3A_213, %dma_wait3A_232, %dma_wait3A_233] : memref<2x128x128xf32, #tpu.memory_space<vmem>> -> memref<1x128x128xf32, #tpu.memory_space<vmem>>
        %dma_wait3A_235 = tpu.memref_squeeze %dma_wait3A_234 : memref<1x128x128xf32, #tpu.memory_space<vmem>> -> memref<128x128xf32, #tpu.memory_space<vmem>>
        %dma_wait3A_236 = arith.constant 0 : i32
        %dma_wait3A_237 = tpu.memref_slice %arg6[%add3A_190, %dma_wait3A_236] : memref<64x128xi32, #tpu.memory_space<vmem>> -> memref<1x128xi32, #tpu.memory_space<vmem>>
        %dma_wait3A_238 = tpu.memref_squeeze %dma_wait3A_237 : memref<1x128xi32, #tpu.memory_space<vmem>> -> memref<128xi32, #tpu.memory_space<vmem>>
        %dma_wait3A_239 = arith.constant 0 : i32
        %dma_wait3A_240 = arith.constant 0 : i32
        %dma_wait3A_241 = tpu.memref_slice %arg9[%dma_wait3A_239, %dma_wait3A_240] : memref<10240x128xf32, #tpu.memory_space<vmem_shared>> -> memref<10240x128xf32, #tpu.memory_space<vmem_shared>>
        tpu.wait_indirect_dma semaphore(%run_scoped3A_221 : memref<!tpu.dma_semaphore, #tpu.memory_space<semaphore_mem>>) src(%dma_wait3A_235 : memref<128x128xf32, #tpu.memory_space<vmem>>) dst(%dma_wait3A_241 : memref<10240x128xf32, #tpu.memory_space<vmem_shared>>)
        tpu.yield
      }) : () -> ()
      %add3A_214 = arith.constant 2 : i32
      %add3A_215 = arith.addi %add3A_190, %add3A_214 : i32
      %lt3A_216 = arith.constant 64 : i32
      %lt3A_217 = arith.cmpi slt, %add3A_215, %lt3A_216 : i32
      %convert_element_type3A_218 = arith.extui %lt3A_217 : i1 to i32
      %cond3A_219 = arith.constant 0 : i32
      %cond3A_220 = arith.cmpi ne, %convert_element_type3A_218, %cond3A_219 : i32
      scf.if %cond3A_220 {
        %add3A_221 = arith.constant 2 : i32
        %add3A_222 = arith.addi %add3A_190, %add3A_221 : i32
        %dma_start3A_223 = arith.constant 1 : i32
        %dma_start3A_224 = arith.constant 0 : i32
        %dma_start3A_225 = arith.constant 0 : i32
        %dma_start3A_226 = tpu.memref_slice %arg8[%dma_start3A_223, %dma_start3A_224, %dma_start3A_225] : memref<2x128x128xf32, #tpu.memory_space<vmem>> -> memref<1x64x128xf32, #tpu.memory_space<vmem>>
        %dma_start3A_227 = tpu.memref_squeeze %dma_start3A_226 : memref<1x64x128xf32, #tpu.memory_space<vmem>> -> memref<64x128xf32, #tpu.memory_space<vmem>>
        %dma_start3A_228 = arith.constant 0 : i32
        %dma_start3A_229 = tpu.memref_slice %arg7[%add3A_222, %dma_start3A_228] : memref<64x128xi32, #tpu.memory_space<vmem>> -> memref<1x64xi32, #tpu.memory_space<vmem>>
        %dma_start3A_230 = tpu.memref_squeeze %dma_start3A_229 : memref<1x64xi32, #tpu.memory_space<vmem>> -> memref<64xi32, #tpu.memory_space<vmem>>
        %dma_start3A_231 = arith.constant 0 : i32
        %dma_start3A_232 = arith.constant 0 : i32
        %dma_start3A_233 = tpu.memref_slice %arg2[%dma_start3A_231, %dma_start3A_232] : memref<10240x128xf32, #tpu.memory_space<hbm>> -> memref<10240x128xf32, #tpu.memory_space<hbm>>
        tpu.enqueue_indirect_dma source(%dma_start3A_233 : memref<10240x128xf32, #tpu.memory_space<hbm>>) target(%dma_start3A_227 : memref<64x128xf32, #tpu.memory_space<vmem>>) offsets(%dma_start3A_230 : memref<64xi32, #tpu.memory_space<vmem>>) semaphore(%arg12 : memref<!tpu.dma_semaphore, #tpu.memory_space<semaphore_mem>>)
        %add3A_234 = arith.constant 2 : i32
        %add3A_235 = arith.addi %add3A_190, %add3A_234 : i32
        %dma_start3A_236 = arith.constant 1 : i32
        %dma_start3A_237 = arith.constant 64 : i32
        %dma_start3A_238 = arith.constant 0 : i32
        %dma_start3A_239 = tpu.memref_slice %arg8[%dma_start3A_236, %dma_start3A_237, %dma_start3A_238] : memref<2x128x128xf32, #tpu.memory_space<vmem>> -> memref<1x64x128xf32, #tpu.memory_space<vmem>>
        %dma_start3A_240 = tpu.memref_squeeze %dma_start3A_239 : memref<1x64x128xf32, #tpu.memory_space<vmem>> -> memref<64x128xf32, #tpu.memory_space<vmem>>
        %dma_start3A_241 = arith.constant 64 : i32
        %dma_start3A_242 = tpu.memref_slice %arg7[%add3A_235, %dma_start3A_241] : memref<64x128xi32, #tpu.memory_space<vmem>> -> memref<1x64xi32, #tpu.memory_space<vmem>>
        %dma_start3A_243 = tpu.memref_squeeze %dma_start3A_242 : memref<1x64xi32, #tpu.memory_space<vmem>> -> memref<64xi32, #tpu.memory_space<vmem>>
        %dma_start3A_244 = arith.constant 0 : i32
        %dma_start3A_245 = arith.constant 0 : i32
        %dma_start3A_246 = tpu.memref_slice %arg2[%dma_start3A_244, %dma_start3A_245] : memref<10240x128xf32, #tpu.memory_space<hbm>> -> memref<10240x128xf32, #tpu.memory_space<hbm>>
        tpu.enqueue_indirect_dma source(%dma_start3A_246 : memref<10240x128xf32, #tpu.memory_space<hbm>>) target(%dma_start3A_240 : memref<64x128xf32, #tpu.memory_space<vmem>>) offsets(%dma_start3A_243 : memref<64xi32, #tpu.memory_space<vmem>>) semaphore(%arg13 : memref<!tpu.dma_semaphore, #tpu.memory_space<semaphore_mem>>)
      } else {
      }
    }
    %scan3A_147 = arith.constant 32 : i32
    %barrier3A_148 = arith.constant 0 : index
    tpu.barrier barrier_id(%barrier3A_148)
    %mul3A_149 = arith.constant 640 : i32
    %mul3A_150 = arith.muli %arg1, %mul3A_149 : i32
    %mul3A_151 = arith.constant 10240 : i32
    %mul3A_152 = arith.muli %arg0, %mul3A_151 : i32
    %mul3A_153 = arith.constant 640 : i32
    %mul3A_154 = arith.muli %arg1, %mul3A_153 : i32
    %add3A_155 = arith.addi %mul3A_152, %mul3A_154 : i32
    "tpu.region"() ({
      %run_scoped3A_156 = tpu.sem_alloc : memref<!tpu.dma_semaphore, #tpu.memory_space<semaphore_mem>>
      %dma_start3A_157 = arith.constant 0 : i32
      %dma_start3A_158 = tpu.memref_slice %arg5[%add3A_155, %dma_start3A_157] : memref<20480x128xf32, #tpu.memory_space<hbm>> -> memref<640x128xf32, #tpu.memory_space<hbm>>
      %dma_start3A_159 = arith.constant 0 : i32
      %dma_start3A_160 = tpu.memref_slice %arg9[%mul3A_150, %dma_start3A_159] : memref<10240x128xf32, #tpu.memory_space<vmem_shared>> -> memref<640x128xf32, #tpu.memory_space<vmem_shared>>
      tpu.enqueue_dma source(%dma_start3A_160 : memref<640x128xf32, #tpu.memory_space<vmem_shared>>) target(%dma_start3A_158 : memref<640x128xf32, #tpu.memory_space<hbm>>) target_semaphore(%run_scoped3A_156 : memref<!tpu.dma_semaphore, #tpu.memory_space<semaphore_mem>>)
      %dma_wait3A = arith.constant 0 : i32
      %dma_wait3A_161 = tpu.memref_slice %arg5[%add3A_155, %dma_wait3A] : memref<20480x128xf32, #tpu.memory_space<hbm>> -> memref<640x128xf32, #tpu.memory_space<hbm>>
      %dma_wait3A_162 = arith.constant 0 : i32
      %dma_wait3A_163 = tpu.memref_slice %arg9[%mul3A_150, %dma_wait3A_162] : memref<10240x128xf32, #tpu.memory_space<vmem_shared>> -> memref<640x128xf32, #tpu.memory_space<vmem_shared>>
      tpu.wait_dma2 semaphore(%run_scoped3A_156 : memref<!tpu.dma_semaphore, #tpu.memory_space<semaphore_mem>>) src(%dma_wait3A_163 : memref<640x128xf32, #tpu.memory_space<vmem_shared>>) dst(%dma_wait3A_161 : memref<640x128xf32, #tpu.memory_space<hbm>>)
      tpu.yield
    }) : () -> ()
    return
  }
}

#map = affine_map<(d0, d1) -> (0, 0)>
module attributes {stable_mosaic.version = 14 : i64} {
  func.func @_spmm(%arg0: i32, %arg1: i32, %arg2: memref<10240x128xf32, #tpu.memory_space<hbm>>, %arg3: memref<4096x128xi32, #tpu.memory_space<hbm>>, %arg4: memref<4096x128xi32, #tpu.memory_space<hbm>>, %arg5: memref<20480x128xf32, #tpu.memory_space<hbm>>, %arg6: memref<64x128xi32, #tpu.memory_space<vmem>>, %arg7: memref<64x128xi32, #tpu.memory_space<vmem>>, %arg8: memref<2x128x128xf32, #tpu.memory_space<vmem>>, %arg9: memref<10240x128xf32, #tpu.memory_space<vmem_shared>>, %arg10: memref<!tpu.dma_semaphore, #tpu.memory_space<semaphore_mem>>, %arg11: memref<!tpu.dma_semaphore, #tpu.memory_space<semaphore_mem>>, %arg12: memref<!tpu.dma_semaphore, #tpu.memory_space<semaphore_mem>>, %arg13: memref<!tpu.dma_semaphore, #tpu.memory_space<semaphore_mem>>) attributes {dimension_semantics = [#tpu.dimension_semantics<core_parallel>, #tpu.dimension_semantics<subcore_parallel>], iteration_bounds = array<i64: 2, 16>, scalar_prefetch = 0 : i64, scratch_operands = 8 : i64, tpu.core_type = #tpu.core_type<sc_vector_subcore>, window_params = [{transform_indices = #map}, {transform_indices = #map}, {transform_indices = #map}, {transform_indices = #map}]} {
    %scan3A = arith.constant 0 : i32
    %scan3A_0 = arith.constant 0 : i32
    %scan3A_1 = arith.constant 128 : i32
    %scan3A_2 = arith.addi %scan3A_0, %scan3A_1 : i32
    %scan3A_3 = arith.constant 1 : i32
    scf.for %scan3A_156 = %scan3A_0 to %scan3A_2 step %scan3A_3  : i32 {
      %broadcast_in_dim3A = arith.constant 0.000000e+00 : f32
      %broadcast_in_dim3A_157 = vector.broadcast %broadcast_in_dim3A : f32 to vector<16xf32>
      %swap3A = arith.constant 0 : i32
      %swap3A_158 = arith.index_cast %swap3A : i32 to index
      %swap3A_159 = arith.index_cast %scan3A_156 : i32 to index
      %swap3A_160 = arith.constant 0 : index
      %swap3A_161 = tpu.vector_load %arg8[%swap3A_158, %swap3A_159, %swap3A_160] {strides = array<i32>} : memref<2x128x128xf32, #tpu.memory_space<vmem>>, vector<1x1x16xf32>,
      %swap3A_162 = vector.shape_cast %swap3A_161 : vector<1x1x16xf32> to vector<16xf32>
      %swap3A_163 = vector.shape_cast %broadcast_in_dim3A_157 : vector<16xf32> to vector<1x1x16xf32>
      tpu.vector_store %arg8[%swap3A_158, %swap3A_159, %swap3A_160], %swap3A_163 {strides = array<i32>} : memref<2x128x128xf32, #tpu.memory_space<vmem>>, vector<1x1x16xf32>,
      %broadcast_in_dim3A_164 = arith.constant 0.000000e+00 : f32
      %broadcast_in_dim3A_165 = vector.broadcast %broadcast_in_dim3A_164 : f32 to vector<16xf32>
      %swap3A_166 = arith.constant 0 : i32
      %swap3A_167 = arith.index_cast %swap3A_166 : i32 to index
      %swap3A_168 = arith.index_cast %scan3A_156 : i32 to index
      %swap3A_169 = arith.constant 16 : index
      %swap3A_170 = tpu.vector_load %arg8[%swap3A_167, %swap3A_168, %swap3A_169] {strides = array<i32>} : memref<2x128x128xf32, #tpu.memory_space<vmem>>, vector<1x1x16xf32>,
      %swap3A_171 = vector.shape_cast %swap3A_170 : vector<1x1x16xf32> to vector<16xf32>
      %swap3A_172 = vector.shape_cast %broadcast_in_dim3A_165 : vector<16xf32> to vector<1x1x16xf32>
      tpu.vector_store %arg8[%swap3A_167, %swap3A_168, %swap3A_169], %swap3A_172 {strides = array<i32>} : memref<2x128x128xf32, #tpu.memory_space<vmem>>, vector<1x1x16xf32>,
      %broadcast_in_dim3A_173 = arith.constant 0.000000e+00 : f32
      %broadcast_in_dim3A_174 = vector.broadcast %broadcast_in_dim3A_173 : f32 to vector<16xf32>
      %swap3A_175 = arith.constant 0 : i32
      %swap3A_176 = arith.index_cast %swap3A_175 : i32 to index
      %swap3A_177 = arith.index_cast %scan3A_156 : i32 to index
      %swap3A_178 = arith.constant 32 : index
      %swap3A_179 = tpu.vector_load %arg8[%swap3A_176, %swap3A_177, %swap3A_178] {strides = array<i32>} : memref<2x128x128xf32, #tpu.memory_space<vmem>>, vector<1x1x16xf32>,
      %swap3A_180 = vector.shape_cast %swap3A_179 : vector<1x1x16xf32> to vector<16xf32>
      %swap3A_181 = vector.shape_cast %broadcast_in_dim3A_174 : vector<16xf32> to vector<1x1x16xf32>
      tpu.vector_store %arg8[%swap3A_176, %swap3A_177, %swap3A_178], %swap3A_181 {strides = array<i32>} : memref<2x128x128xf32, #tpu.memory_space<vmem>>, vector<1x1x16xf32>,
      %broadcast_in_dim3A_182 = arith.constant 0.000000e+00 : f32
      %broadcast_in_dim3A_183 = vector.broadcast %broadcast_in_dim3A_182 : f32 to vector<16xf32>
      %swap3A_184 = arith.constant 0 : i32
      %swap3A_185 = arith.index_cast %swap3A_184 : i32 to index
      %swap3A_186 = arith.index_cast %scan3A_156 : i32 to index
      %swap3A_187 = arith.constant 48 : index
      %swap3A_188 = tpu.vector_load %arg8[%swap3A_185, %swap3A_186, %swap3A_187] {strides = array<i32>} : memref<2x128x128xf32, #tpu.memory_space<vmem>>, vector<1x1x16xf32>,
      %swap3A_189 = vector.shape_cast %swap3A_188 : vector<1x1x16xf32> to vector<16xf32>
      %swap3A_190 = vector.shape_cast %broadcast_in_dim3A_183 : vector<16xf32> to vector<1x1x16xf32>
      tpu.vector_store %arg8[%swap3A_185, %swap3A_186, %swap3A_187], %swap3A_190 {strides = array<i32>} : memref<2x128x128xf32, #tpu.memory_space<vmem>>, vector<1x1x16xf32>,
      %broadcast_in_dim3A_191 = arith.constant 0.000000e+00 : f32
      %broadcast_in_dim3A_192 = vector.broadcast %broadcast_in_dim3A_191 : f32 to vector<16xf32>
      %swap3A_193 = arith.constant 0 : i32
      %swap3A_194 = arith.index_cast %swap3A_193 : i32 to index
      %swap3A_195 = arith.index_cast %scan3A_156 : i32 to index
      %swap3A_196 = arith.constant 64 : index
      %swap3A_197 = tpu.vector_load %arg8[%swap3A_194, %swap3A_195, %swap3A_196] {strides = array<i32>} : memref<2x128x128xf32, #tpu.memory_space<vmem>>, vector<1x1x16xf32>,
      %swap3A_198 = vector.shape_cast %swap3A_197 : vector<1x1x16xf32> to vector<16xf32>
      %swap3A_199 = vector.shape_cast %broadcast_in_dim3A_192 : vector<16xf32> to vector<1x1x16xf32>
      tpu.vector_store %arg8[%swap3A_194, %swap3A_195, %swap3A_196], %swap3A_199 {strides = array<i32>} : memref<2x128x128xf32, #tpu.memory_space<vmem>>, vector<1x1x16xf32>,
      %broadcast_in_dim3A_200 = arith.constant 0.000000e+00 : f32
      %broadcast_in_dim3A_201 = vector.broadcast %broadcast_in_dim3A_200 : f32 to vector<16xf32>
      %swap3A_202 = arith.constant 0 : i32
      %swap3A_203 = arith.index_cast %swap3A_202 : i32 to index
      %swap3A_204 = arith.index_cast %scan3A_156 : i32 to index
      %swap3A_205 = arith.constant 80 : index
      %swap3A_206 = tpu.vector_load %arg8[%swap3A_203, %swap3A_204, %swap3A_205] {strides = array<i32>} : memref<2x128x128xf32, #tpu.memory_space<vmem>>, vector<1x1x16xf32>,
      %swap3A_207 = vector.shape_cast %swap3A_206 : vector<1x1x16xf32> to vector<16xf32>
      %swap3A_208 = vector.shape_cast %broadcast_in_dim3A_201 : vector<16xf32> to vector<1x1x16xf32>
      tpu.vector_store %arg8[%swap3A_203, %swap3A_204, %swap3A_205], %swap3A_208 {strides = array<i32>} : memref<2x128x128xf32, #tpu.memory_space<vmem>>, vector<1x1x16xf32>,
      %broadcast_in_dim3A_209 = arith.constant 0.000000e+00 : f32
      %broadcast_in_dim3A_210 = vector.broadcast %broadcast_in_dim3A_209 : f32 to vector<16xf32>
      %swap3A_211 = arith.constant 0 : i32
      %swap3A_212 = arith.index_cast %swap3A_211 : i32 to index
      %swap3A_213 = arith.index_cast %scan3A_156 : i32 to index
      %swap3A_214 = arith.constant 96 : index
      %swap3A_215 = tpu.vector_load %arg8[%swap3A_212, %swap3A_213, %swap3A_214] {strides = array<i32>} : memref<2x128x128xf32, #tpu.memory_space<vmem>>, vector<1x1x16xf32>,
      %swap3A_216 = vector.shape_cast %swap3A_215 : vector<1x1x16xf32> to vector<16xf32>
      %swap3A_217 = vector.shape_cast %broadcast_in_dim3A_210 : vector<16xf32> to vector<1x1x16xf32>
      tpu.vector_store %arg8[%swap3A_212, %swap3A_213, %swap3A_214], %swap3A_217 {strides = array<i32>} : memref<2x128x128xf32, #tpu.memory_space<vmem>>, vector<1x1x16xf32>,
      %broadcast_in_dim3A_218 = arith.constant 0.000000e+00 : f32
      %broadcast_in_dim3A_219 = vector.broadcast %broadcast_in_dim3A_218 : f32 to vector<16xf32>
      %swap3A_220 = arith.constant 0 : i32
      %swap3A_221 = arith.index_cast %swap3A_220 : i32 to index
      %swap3A_222 = arith.index_cast %scan3A_156 : i32 to index
      %swap3A_223 = arith.constant 112 : index
      %swap3A_224 = tpu.vector_load %arg8[%swap3A_221, %swap3A_222, %swap3A_223] {strides = array<i32>} : memref<2x128x128xf32, #tpu.memory_space<vmem>>, vector<1x1x16xf32>,
      %swap3A_225 = vector.shape_cast %swap3A_224 : vector<1x1x16xf32> to vector<16xf32>
      %swap3A_226 = vector.shape_cast %broadcast_in_dim3A_219 : vector<16xf32> to vector<1x1x16xf32>
      tpu.vector_store %arg8[%swap3A_221, %swap3A_222, %swap3A_223], %swap3A_226 {strides = array<i32>} : memref<2x128x128xf32, #tpu.memory_space<vmem>>, vector<1x1x16xf32>,
    }
    %scan3A_4 = arith.constant 128 : i32
    %mul3A = arith.constant 640 : i32
    %mul3A_5 = arith.muli %arg1, %mul3A : i32
    %add3A = arith.constant 0 : i32
    %add3A_6 = arith.addi %mul3A_5, %add3A : i32
    %run_scoped3A = arith.constant 0 : i32
    "tpu.region"() ({
      %run_scoped3A_156 = tpu.sem_alloc : memref<!tpu.dma_semaphore, #tpu.memory_space<semaphore_mem>>
      %dma_start3A_157 = arith.constant 0 : i32
      %dma_start3A_158 = arith.constant 0 : i32
      %dma_start3A_159 = tpu.memref_slice %arg8[%run_scoped3A, %dma_start3A_157, %dma_start3A_158] : memref<2x128x128xf32, #tpu.memory_space<vmem>> -> memref<1x128x128xf32, #tpu.memory_space<vmem>>
      %dma_start3A_160 = tpu.memref_squeeze %dma_start3A_159 : memref<1x128x128xf32, #tpu.memory_space<vmem>> -> memref<128x128xf32, #tpu.memory_space<vmem>>
      %dma_start3A_161 = arith.constant 0 : i32
      %dma_start3A_162 = tpu.memref_slice %arg9[%add3A_6, %dma_start3A_161] : memref<10240x128xf32, #tpu.memory_space<vmem_shared>> -> memref<128x128xf32, #tpu.memory_space<vmem_shared>>
      %dma_start3A_163 = arith.constant 0 : i32
      %dma_start3A_164 = tpu.memref_slice %arg9[%add3A_6, %dma_start3A_163] : memref<10240x128xf32, #tpu.memory_space<vmem_shared>> -> memref<128x128xf32, #tpu.memory_space<vmem_shared>>
      %dma_start3A_165 = arith.constant 0 : i32
      %dma_start3A_166 = arith.constant 0 : i32
      %dma_start3A_167 = tpu.memref_slice %arg8[%run_scoped3A, %dma_start3A_165, %dma_start3A_166] : memref<2x128x128xf32, #tpu.memory_space<vmem>> -> memref<1x128x128xf32, #tpu.memory_space<vmem>>
      %dma_start3A_168 = tpu.memref_squeeze %dma_start3A_167 : memref<1x128x128xf32, #tpu.memory_space<vmem>> -> memref<128x128xf32, #tpu.memory_space<vmem>>
      tpu.enqueue_dma source(%dma_start3A_168 : memref<128x128xf32, #tpu.memory_space<vmem>>) target(%dma_start3A_164 : memref<128x128xf32, #tpu.memory_space<vmem_shared>>) target_semaphore(%run_scoped3A_156 : memref<!tpu.dma_semaphore, #tpu.memory_space<semaphore_mem>>)
      %dma_wait3A = arith.constant 0 : i32
      %dma_wait3A_169 = arith.constant 0 : i32
      %dma_wait3A_170 = tpu.memref_slice %arg8[%run_scoped3A, %dma_wait3A, %dma_wait3A_169] : memref<2x128x128xf32, #tpu.memory_space<vmem>> -> memref<1x128x128xf32, #tpu.memory_space<vmem>>
      %dma_wait3A_171 = tpu.memref_squeeze %dma_wait3A_170 : memref<1x128x128xf32, #tpu.memory_space<vmem>> -> memref<128x128xf32, #tpu.memory_space<vmem>>
      %dma_wait3A_172 = arith.constant 0 : i32
      %dma_wait3A_173 = tpu.memref_slice %arg9[%add3A_6, %dma_wait3A_172] : memref<10240x128xf32, #tpu.memory_space<vmem_shared>> -> memref<128x128xf32, #tpu.memory_space<vmem_shared>>
      %dma_wait3A_174 = arith.constant 0 : i32
      %dma_wait3A_175 = tpu.memref_slice %arg9[%add3A_6, %dma_wait3A_174] : memref<10240x128xf32, #tpu.memory_space<vmem_shared>> -> memref<128x128xf32, #tpu.memory_space<vmem_shared>>
      %dma_wait3A_176 = arith.constant 0 : i32
      %dma_wait3A_177 = arith.constant 0 : i32
      %dma_wait3A_178 = tpu.memref_slice %arg8[%run_scoped3A, %dma_wait3A_176, %dma_wait3A_177] : memref<2x128x128xf32, #tpu.memory_space<vmem>> -> memref<1x128x128xf32, #tpu.memory_space<vmem>>
      %dma_wait3A_179 = tpu.memref_squeeze %dma_wait3A_178 : memref<1x128x128xf32, #tpu.memory_space<vmem>> -> memref<128x128xf32, #tpu.memory_space<vmem>>
      tpu.wait_dma2 semaphore(%run_scoped3A_156 : memref<!tpu.dma_semaphore, #tpu.memory_space<semaphore_mem>>) src(%dma_wait3A_179 : memref<128x128xf32, #tpu.memory_space<vmem>>) dst(%dma_wait3A_175 : memref<128x128xf32, #tpu.memory_space<vmem_shared>>)
      tpu.yield
    }) : () -> ()
    %mul3A_7 = arith.constant 640 : i32
    %mul3A_8 = arith.muli %arg1, %mul3A_7 : i32
    %add3A_9 = arith.constant 128 : i32
    %add3A_10 = arith.addi %mul3A_8, %add3A_9 : i32
    %run_scoped3A_11 = arith.constant 0 : i32
    "tpu.region"() ({
      %run_scoped3A_156 = tpu.sem_alloc : memref<!tpu.dma_semaphore, #tpu.memory_space<semaphore_mem>>
      %dma_start3A_157 = arith.constant 0 : i32
      %dma_start3A_158 = arith.constant 0 : i32
      %dma_start3A_159 = tpu.memref_slice %arg8[%run_scoped3A_11, %dma_start3A_157, %dma_start3A_158] : memref<2x128x128xf32, #tpu.memory_space<vmem>> -> memref<1x128x128xf32, #tpu.memory_space<vmem>>
      %dma_start3A_160 = tpu.memref_squeeze %dma_start3A_159 : memref<1x128x128xf32, #tpu.memory_space<vmem>> -> memref<128x128xf32, #tpu.memory_space<vmem>>
      %dma_start3A_161 = arith.constant 0 : i32
      %dma_start3A_162 = tpu.memref_slice %arg9[%add3A_10, %dma_start3A_161] : memref<10240x128xf32, #tpu.memory_space<vmem_shared>> -> memref<128x128xf32, #tpu.memory_space<vmem_shared>>
      %dma_start3A_163 = arith.constant 0 : i32
      %dma_start3A_164 = tpu.memref_slice %arg9[%add3A_10, %dma_start3A_163] : memref<10240x128xf32, #tpu.memory_space<vmem_shared>> -> memref<128x128xf32, #tpu.memory_space<vmem_shared>>
      %dma_start3A_165 = arith.constant 0 : i32
      %dma_start3A_166 = arith.constant 0 : i32
      %dma_start3A_167 = tpu.memref_slice %arg8[%run_scoped3A_11, %dma_start3A_165, %dma_start3A_166] : memref<2x128x128xf32, #tpu.memory_space<vmem>> -> memref<1x128x128xf32, #tpu.memory_space<vmem>>
      %dma_start3A_168 = tpu.memref_squeeze %dma_start3A_167 : memref<1x128x128xf32, #tpu.memory_space<vmem>> -> memref<128x128xf32, #tpu.memory_space<vmem>>
      tpu.enqueue_dma source(%dma_start3A_168 : memref<128x128xf32, #tpu.memory_space<vmem>>) target(%dma_start3A_164 : memref<128x128xf32, #tpu.memory_space<vmem_shared>>) target_semaphore(%run_scoped3A_156 : memref<!tpu.dma_semaphore, #tpu.memory_space<semaphore_mem>>)
      %dma_wait3A = arith.constant 0 : i32
      %dma_wait3A_169 = arith.constant 0 : i32
      %dma_wait3A_170 = tpu.memref_slice %arg8[%run_scoped3A_11, %dma_wait3A, %dma_wait3A_169] : memref<2x128x128xf32, #tpu.memory_space<vmem>> -> memref<1x128x128xf32, #tpu.memory_space<vmem>>
      %dma_wait3A_171 = tpu.memref_squeeze %dma_wait3A_170 : memref<1x128x128xf32, #tpu.memory_space<vmem>> -> memref<128x128xf32, #tpu.memory_space<vmem>>
      %dma_wait3A_172 = arith.constant 0 : i32
      %dma_wait3A_173 = tpu.memref_slice %arg9[%add3A_10, %dma_wait3A_172] : memref<10240x128xf32, #tpu.memory_space<vmem_shared>> -> memref<128x128xf32, #tpu.memory_space<vmem_shared>>
      %dma_wait3A_174 = arith.constant 0 : i32
      %dma_wait3A_175 = tpu.memref_slice %arg9[%add3A_10, %dma_wait3A_174] : memref<10240x128xf32, #tpu.memory_space<vmem_shared>> -> memref<128x128xf32, #tpu.memory_space<vmem_shared>>
      %dma_wait3A_176 = arith.constant 0 : i32
      %dma_wait3A_177 = arith.constant 0 : i32
      %dma_wait3A_178 = tpu.memref_slice %arg8[%run_scoped3A_11, %dma_wait3A_176, %dma_wait3A_177] : memref<2x128x128xf32, #tpu.memory_space<vmem>> -> memref<1x128x128xf32, #tpu.memory_space<vmem>>
      %dma_wait3A_179 = tpu.memref_squeeze %dma_wait3A_178 : memref<1x128x128xf32, #tpu.memory_space<vmem>> -> memref<128x128xf32, #tpu.memory_space<vmem>>
      tpu.wait_dma2 semaphore(%run_scoped3A_156 : memref<!tpu.dma_semaphore, #tpu.memory_space<semaphore_mem>>) src(%dma_wait3A_179 : memref<128x128xf32, #tpu.memory_space<vmem>>) dst(%dma_wait3A_175 : memref<128x128xf32, #tpu.memory_space<vmem_shared>>)
      tpu.yield
    }) : () -> ()
    %mul3A_12 = arith.constant 640 : i32
    %mul3A_13 = arith.muli %arg1, %mul3A_12 : i32
    %add3A_14 = arith.constant 256 : i32
    %add3A_15 = arith.addi %mul3A_13, %add3A_14 : i32
    %run_scoped3A_16 = arith.constant 0 : i32
    "tpu.region"() ({
      %run_scoped3A_156 = tpu.sem_alloc : memref<!tpu.dma_semaphore, #tpu.memory_space<semaphore_mem>>
      %dma_start3A_157 = arith.constant 0 : i32
      %dma_start3A_158 = arith.constant 0 : i32
      %dma_start3A_159 = tpu.memref_slice %arg8[%run_scoped3A_16, %dma_start3A_157, %dma_start3A_158] : memref<2x128x128xf32, #tpu.memory_space<vmem>> -> memref<1x128x128xf32, #tpu.memory_space<vmem>>
      %dma_start3A_160 = tpu.memref_squeeze %dma_start3A_159 : memref<1x128x128xf32, #tpu.memory_space<vmem>> -> memref<128x128xf32, #tpu.memory_space<vmem>>
      %dma_start3A_161 = arith.constant 0 : i32
      %dma_start3A_162 = tpu.memref_slice %arg9[%add3A_15, %dma_start3A_161] : memref<10240x128xf32, #tpu.memory_space<vmem_shared>> -> memref<128x128xf32, #tpu.memory_space<vmem_shared>>
      %dma_start3A_163 = arith.constant 0 : i32
      %dma_start3A_164 = tpu.memref_slice %arg9[%add3A_15, %dma_start3A_163] : memref<10240x128xf32, #tpu.memory_space<vmem_shared>> -> memref<128x128xf32, #tpu.memory_space<vmem_shared>>
      %dma_start3A_165 = arith.constant 0 : i32
      %dma_start3A_166 = arith.constant 0 : i32
      %dma_start3A_167 = tpu.memref_slice %arg8[%run_scoped3A_16, %dma_start3A_165, %dma_start3A_166] : memref<2x128x128xf32, #tpu.memory_space<vmem>> -> memref<1x128x128xf32, #tpu.memory_space<vmem>>
      %dma_start3A_168 = tpu.memref_squeeze %dma_start3A_167 : memref<1x128x128xf32, #tpu.memory_space<vmem>> -> memref<128x128xf32, #tpu.memory_space<vmem>>
      tpu.enqueue_dma source(%dma_start3A_168 : memref<128x128xf32, #tpu.memory_space<vmem>>) target(%dma_start3A_164 : memref<128x128xf32, #tpu.memory_space<vmem_shared>>) target_semaphore(%run_scoped3A_156 : memref<!tpu.dma_semaphore, #tpu.memory_space<semaphore_mem>>)
      %dma_wait3A = arith.constant 0 : i32
      %dma_wait3A_169 = arith.constant 0 : i32
      %dma_wait3A_170 = tpu.memref_slice %arg8[%run_scoped3A_16, %dma_wait3A, %dma_wait3A_169] : memref<2x128x128xf32, #tpu.memory_space<vmem>> -> memref<1x128x128xf32, #tpu.memory_space<vmem>>
      %dma_wait3A_171 = tpu.memref_squeeze %dma_wait3A_170 : memref<1x128x128xf32, #tpu.memory_space<vmem>> -> memref<128x128xf32, #tpu.memory_space<vmem>>
      %dma_wait3A_172 = arith.constant 0 : i32
      %dma_wait3A_173 = tpu.memref_slice %arg9[%add3A_15, %dma_wait3A_172] : memref<10240x128xf32, #tpu.memory_space<vmem_shared>> -> memref<128x128xf32, #tpu.memory_space<vmem_shared>>
      %dma_wait3A_174 = arith.constant 0 : i32
      %dma_wait3A_175 = tpu.memref_slice %arg9[%add3A_15, %dma_wait3A_174] : memref<10240x128xf32, #tpu.memory_space<vmem_shared>> -> memref<128x128xf32, #tpu.memory_space<vmem_shared>>
      %dma_wait3A_176 = arith.constant 0 : i32
      %dma_wait3A_177 = arith.constant 0 : i32
      %dma_wait3A_178 = tpu.memref_slice %arg8[%run_scoped3A_16, %dma_wait3A_176, %dma_wait3A_177] : memref<2x128x128xf32, #tpu.memory_space<vmem>> -> memref<1x128x128xf32, #tpu.memory_space<vmem>>
      %dma_wait3A_179 = tpu.memref_squeeze %dma_wait3A_178 : memref<1x128x128xf32, #tpu.memory_space<vmem>> -> memref<128x128xf32, #tpu.memory_space<vmem>>
      tpu.wait_dma2 semaphore(%run_scoped3A_156 : memref<!tpu.dma_semaphore, #tpu.memory_space<semaphore_mem>>) src(%dma_wait3A_179 : memref<128x128xf32, #tpu.memory_space<vmem>>) dst(%dma_wait3A_175 : memref<128x128xf32, #tpu.memory_space<vmem_shared>>)
      tpu.yield
    }) : () -> ()
    %mul3A_17 = arith.constant 640 : i32
    %mul3A_18 = arith.muli %arg1, %mul3A_17 : i32
    %add3A_19 = arith.constant 384 : i32
    %add3A_20 = arith.addi %mul3A_18, %add3A_19 : i32
    %run_scoped3A_21 = arith.constant 0 : i32
    "tpu.region"() ({
      %run_scoped3A_156 = tpu.sem_alloc : memref<!tpu.dma_semaphore, #tpu.memory_space<semaphore_mem>>
      %dma_start3A_157 = arith.constant 0 : i32
      %dma_start3A_158 = arith.constant 0 : i32
      %dma_start3A_159 = tpu.memref_slice %arg8[%run_scoped3A_21, %dma_start3A_157, %dma_start3A_158] : memref<2x128x128xf32, #tpu.memory_space<vmem>> -> memref<1x128x128xf32, #tpu.memory_space<vmem>>
      %dma_start3A_160 = tpu.memref_squeeze %dma_start3A_159 : memref<1x128x128xf32, #tpu.memory_space<vmem>> -> memref<128x128xf32, #tpu.memory_space<vmem>>
      %dma_start3A_161 = arith.constant 0 : i32
      %dma_start3A_162 = tpu.memref_slice %arg9[%add3A_20, %dma_start3A_161] : memref<10240x128xf32, #tpu.memory_space<vmem_shared>> -> memref<128x128xf32, #tpu.memory_space<vmem_shared>>
      %dma_start3A_163 = arith.constant 0 : i32
      %dma_start3A_164 = tpu.memref_slice %arg9[%add3A_20, %dma_start3A_163] : memref<10240x128xf32, #tpu.memory_space<vmem_shared>> -> memref<128x128xf32, #tpu.memory_space<vmem_shared>>
      %dma_start3A_165 = arith.constant 0 : i32
      %dma_start3A_166 = arith.constant 0 : i32
      %dma_start3A_167 = tpu.memref_slice %arg8[%run_scoped3A_21, %dma_start3A_165, %dma_start3A_166] : memref<2x128x128xf32, #tpu.memory_space<vmem>> -> memref<1x128x128xf32, #tpu.memory_space<vmem>>
      %dma_start3A_168 = tpu.memref_squeeze %dma_start3A_167 : memref<1x128x128xf32, #tpu.memory_space<vmem>> -> memref<128x128xf32, #tpu.memory_space<vmem>>
      tpu.enqueue_dma source(%dma_start3A_168 : memref<128x128xf32, #tpu.memory_space<vmem>>) target(%dma_start3A_164 : memref<128x128xf32, #tpu.memory_space<vmem_shared>>) target_semaphore(%run_scoped3A_156 : memref<!tpu.dma_semaphore, #tpu.memory_space<semaphore_mem>>)
      %dma_wait3A = arith.constant 0 : i32
      %dma_wait3A_169 = arith.constant 0 : i32
      %dma_wait3A_170 = tpu.memref_slice %arg8[%run_scoped3A_21, %dma_wait3A, %dma_wait3A_169] : memref<2x128x128xf32, #tpu.memory_space<vmem>> -> memref<1x128x128xf32, #tpu.memory_space<vmem>>
      %dma_wait3A_171 = tpu.memref_squeeze %dma_wait3A_170 : memref<1x128x128xf32, #tpu.memory_space<vmem>> -> memref<128x128xf32, #tpu.memory_space<vmem>>
      %dma_wait3A_172 = arith.constant 0 : i32
      %dma_wait3A_173 = tpu.memref_slice %arg9[%add3A_20, %dma_wait3A_172] : memref<10240x128xf32, #tpu.memory_space<vmem_shared>> -> memref<128x128xf32, #tpu.memory_space<vmem_shared>>
      %dma_wait3A_174 = arith.constant 0 : i32
      %dma_wait3A_175 = tpu.memref_slice %arg9[%add3A_20, %dma_wait3A_174] : memref<10240x128xf32, #tpu.memory_space<vmem_shared>> -> memref<128x128xf32, #tpu.memory_space<vmem_shared>>
      %dma_wait3A_176 = arith.constant 0 : i32
      %dma_wait3A_177 = arith.constant 0 : i32
      %dma_wait3A_178 = tpu.memref_slice %arg8[%run_scoped3A_21, %dma_wait3A_176, %dma_wait3A_177] : memref<2x128x128xf32, #tpu.memory_space<vmem>> -> memref<1x128x128xf32, #tpu.memory_space<vmem>>
      %dma_wait3A_179 = tpu.memref_squeeze %dma_wait3A_178 : memref<1x128x128xf32, #tpu.memory_space<vmem>> -> memref<128x128xf32, #tpu.memory_space<vmem>>
      tpu.wait_dma2 semaphore(%run_scoped3A_156 : memref<!tpu.dma_semaphore, #tpu.memory_space<semaphore_mem>>) src(%dma_wait3A_179 : memref<128x128xf32, #tpu.memory_space<vmem>>) dst(%dma_wait3A_175 : memref<128x128xf32, #tpu.memory_space<vmem_shared>>)
      tpu.yield
    }) : () -> ()
    %mul3A_22 = arith.constant 640 : i32
    %mul3A_23 = arith.muli %arg1, %mul3A_22 : i32
    %add3A_24 = arith.constant 512 : i32
    %add3A_25 = arith.addi %mul3A_23, %add3A_24 : i32
    %run_scoped3A_26 = arith.constant 0 : i32
    "tpu.region"() ({
      %run_scoped3A_156 = tpu.sem_alloc : memref<!tpu.dma_semaphore, #tpu.memory_space<semaphore_mem>>
      %dma_start3A_157 = arith.constant 0 : i32
      %dma_start3A_158 = arith.constant 0 : i32
      %dma_start3A_159 = tpu.memref_slice %arg8[%run_scoped3A_26, %dma_start3A_157, %dma_start3A_158] : memref<2x128x128xf32, #tpu.memory_space<vmem>> -> memref<1x128x128xf32, #tpu.memory_space<vmem>>
      %dma_start3A_160 = tpu.memref_squeeze %dma_start3A_159 : memref<1x128x128xf32, #tpu.memory_space<vmem>> -> memref<128x128xf32, #tpu.memory_space<vmem>>
      %dma_start3A_161 = arith.constant 0 : i32
      %dma_start3A_162 = tpu.memref_slice %arg9[%add3A_25, %dma_start3A_161] : memref<10240x128xf32, #tpu.memory_space<vmem_shared>> -> memref<128x128xf32, #tpu.memory_space<vmem_shared>>
      %dma_start3A_163 = arith.constant 0 : i32
      %dma_start3A_164 = tpu.memref_slice %arg9[%add3A_25, %dma_start3A_163] : memref<10240x128xf32, #tpu.memory_space<vmem_shared>> -> memref<128x128xf32, #tpu.memory_space<vmem_shared>>
      %dma_start3A_165 = arith.constant 0 : i32
      %dma_start3A_166 = arith.constant 0 : i32
      %dma_start3A_167 = tpu.memref_slice %arg8[%run_scoped3A_26, %dma_start3A_165, %dma_start3A_166] : memref<2x128x128xf32, #tpu.memory_space<vmem>> -> memref<1x128x128xf32, #tpu.memory_space<vmem>>
      %dma_start3A_168 = tpu.memref_squeeze %dma_start3A_167 : memref<1x128x128xf32, #tpu.memory_space<vmem>> -> memref<128x128xf32, #tpu.memory_space<vmem>>
      tpu.enqueue_dma source(%dma_start3A_168 : memref<128x128xf32, #tpu.memory_space<vmem>>) target(%dma_start3A_164 : memref<128x128xf32, #tpu.memory_space<vmem_shared>>) target_semaphore(%run_scoped3A_156 : memref<!tpu.dma_semaphore, #tpu.memory_space<semaphore_mem>>)
      %dma_wait3A = arith.constant 0 : i32
      %dma_wait3A_169 = arith.constant 0 : i32
      %dma_wait3A_170 = tpu.memref_slice %arg8[%run_scoped3A_26, %dma_wait3A, %dma_wait3A_169] : memref<2x128x128xf32, #tpu.memory_space<vmem>> -> memref<1x128x128xf32, #tpu.memory_space<vmem>>
      %dma_wait3A_171 = tpu.memref_squeeze %dma_wait3A_170 : memref<1x128x128xf32, #tpu.memory_space<vmem>> -> memref<128x128xf32, #tpu.memory_space<vmem>>
      %dma_wait3A_172 = arith.constant 0 : i32
      %dma_wait3A_173 = tpu.memref_slice %arg9[%add3A_25, %dma_wait3A_172] : memref<10240x128xf32, #tpu.memory_space<vmem_shared>> -> memref<128x128xf32, #tpu.memory_space<vmem_shared>>
      %dma_wait3A_174 = arith.constant 0 : i32
      %dma_wait3A_175 = tpu.memref_slice %arg9[%add3A_25, %dma_wait3A_174] : memref<10240x128xf32, #tpu.memory_space<vmem_shared>> -> memref<128x128xf32, #tpu.memory_space<vmem_shared>>
      %dma_wait3A_176 = arith.constant 0 : i32
      %dma_wait3A_177 = arith.constant 0 : i32
      %dma_wait3A_178 = tpu.memref_slice %arg8[%run_scoped3A_26, %dma_wait3A_176, %dma_wait3A_177] : memref<2x128x128xf32, #tpu.memory_space<vmem>> -> memref<1x128x128xf32, #tpu.memory_space<vmem>>
      %dma_wait3A_179 = tpu.memref_squeeze %dma_wait3A_178 : memref<1x128x128xf32, #tpu.memory_space<vmem>> -> memref<128x128xf32, #tpu.memory_space<vmem>>
      tpu.wait_dma2 semaphore(%run_scoped3A_156 : memref<!tpu.dma_semaphore, #tpu.memory_space<semaphore_mem>>) src(%dma_wait3A_179 : memref<128x128xf32, #tpu.memory_space<vmem>>) dst(%dma_wait3A_175 : memref<128x128xf32, #tpu.memory_space<vmem_shared>>)
      tpu.yield
    }) : () -> ()
    %barrier3A = arith.constant 0 : index
    tpu.barrier barrier_id(%barrier3A)
    %mul3A_27 = arith.constant 2048 : i32
    %mul3A_28 = arith.muli %arg0, %mul3A_27 : i32
    %mul3A_29 = arith.constant 128 : i32
    %mul3A_30 = arith.muli %arg1, %mul3A_29 : i32
    %add3A_31 = arith.addi %mul3A_28, %mul3A_30 : i32
    %add3A_32 = arith.constant 0 : i32
    %add3A_33 = arith.addi %add3A_31, %add3A_32 : i32
    "tpu.region"() ({
      %run_scoped3A_156 = tpu.sem_alloc : memref<!tpu.dma_semaphore, #tpu.memory_space<semaphore_mem>>
      %dma_start3A_157 = arith.constant 0 : i32
      %dma_start3A_158 = tpu.memref_slice %arg3[%add3A_33, %dma_start3A_157] : memref<4096x128xi32, #tpu.memory_space<hbm>> -> memref<64x128xi32, #tpu.memory_space<hbm>>
      %dma_start3A_159 = arith.constant 0 : i32
      %dma_start3A_160 = tpu.memref_slice %arg3[%add3A_33, %dma_start3A_159] : memref<4096x128xi32, #tpu.memory_space<hbm>> -> memref<64x128xi32, #tpu.memory_space<hbm>>
      tpu.enqueue_dma source(%dma_start3A_160 : memref<64x128xi32, #tpu.memory_space<hbm>>) target(%arg6 : memref<64x128xi32, #tpu.memory_space<vmem>>) target_semaphore(%run_scoped3A_156 : memref<!tpu.dma_semaphore, #tpu.memory_space<semaphore_mem>>)
      %dma_wait3A = arith.constant 0 : i32
      %dma_wait3A_161 = tpu.memref_slice %arg3[%add3A_33, %dma_wait3A] : memref<4096x128xi32, #tpu.memory_space<hbm>> -> memref<64x128xi32, #tpu.memory_space<hbm>>
      %dma_wait3A_162 = arith.constant 0 : i32
      %dma_wait3A_163 = tpu.memref_slice %arg3[%add3A_33, %dma_wait3A_162] : memref<4096x128xi32, #tpu.memory_space<hbm>> -> memref<64x128xi32, #tpu.memory_space<hbm>>
      tpu.wait_dma2 semaphore(%run_scoped3A_156 : memref<!tpu.dma_semaphore, #tpu.memory_space<semaphore_mem>>) src(%dma_wait3A_163 : memref<64x128xi32, #tpu.memory_space<hbm>>) dst(%arg6 : memref<64x128xi32, #tpu.memory_space<vmem>>)
      tpu.yield
    }) : () -> ()
    "tpu.region"() ({
      %run_scoped3A_156 = tpu.sem_alloc : memref<!tpu.dma_semaphore, #tpu.memory_space<semaphore_mem>>
      %dma_start3A_157 = arith.constant 0 : i32
      %dma_start3A_158 = tpu.memref_slice %arg4[%add3A_33, %dma_start3A_157] : memref<4096x128xi32, #tpu.memory_space<hbm>> -> memref<64x128xi32, #tpu.memory_space<hbm>>
      %dma_start3A_159 = arith.constant 0 : i32
      %dma_start3A_160 = tpu.memref_slice %arg4[%add3A_33, %dma_start3A_159] : memref<4096x128xi32, #tpu.memory_space<hbm>> -> memref<64x128xi32, #tpu.memory_space<hbm>>
      tpu.enqueue_dma source(%dma_start3A_160 : memref<64x128xi32, #tpu.memory_space<hbm>>) target(%arg7 : memref<64x128xi32, #tpu.memory_space<vmem>>) target_semaphore(%run_scoped3A_156 : memref<!tpu.dma_semaphore, #tpu.memory_space<semaphore_mem>>)
      %dma_wait3A = arith.constant 0 : i32
      %dma_wait3A_161 = tpu.memref_slice %arg4[%add3A_33, %dma_wait3A] : memref<4096x128xi32, #tpu.memory_space<hbm>> -> memref<64x128xi32, #tpu.memory_space<hbm>>
      %dma_wait3A_162 = arith.constant 0 : i32
      %dma_wait3A_163 = tpu.memref_slice %arg4[%add3A_33, %dma_wait3A_162] : memref<4096x128xi32, #tpu.memory_space<hbm>> -> memref<64x128xi32, #tpu.memory_space<hbm>>
      tpu.wait_dma2 semaphore(%run_scoped3A_156 : memref<!tpu.dma_semaphore, #tpu.memory_space<semaphore_mem>>) src(%dma_wait3A_163 : memref<64x128xi32, #tpu.memory_space<hbm>>) dst(%arg7 : memref<64x128xi32, #tpu.memory_space<vmem>>)
      tpu.yield
    }) : () -> ()
    %dma_start3A = arith.constant 0 : i32
    %dma_start3A_34 = arith.constant 0 : i32
    %dma_start3A_35 = arith.constant 0 : i32
    %dma_start3A_36 = arith.constant 0 : i32
    %dma_start3A_37 = tpu.memref_slice %arg8[%dma_start3A_34, %dma_start3A_35, %dma_start3A_36] : memref<2x128x128xf32, #tpu.memory_space<vmem>> -> memref<1x64x128xf32, #tpu.memory_space<vmem>>
    %dma_start3A_38 = tpu.memref_squeeze %dma_start3A_37 : memref<1x64x128xf32, #tpu.memory_space<vmem>> -> memref<64x128xf32, #tpu.memory_space<vmem>>
    %dma_start3A_39 = arith.constant 0 : i32
    %dma_start3A_40 = tpu.memref_slice %arg7[%dma_start3A, %dma_start3A_39] : memref<64x128xi32, #tpu.memory_space<vmem>> -> memref<1x64xi32, #tpu.memory_space<vmem>>
    %dma_start3A_41 = tpu.memref_squeeze %dma_start3A_40 : memref<1x64xi32, #tpu.memory_space<vmem>> -> memref<64xi32, #tpu.memory_space<vmem>>
    %dma_start3A_42 = arith.constant 0 : i32
    %dma_start3A_43 = arith.constant 0 : i32
    %dma_start3A_44 = tpu.memref_slice %arg2[%dma_start3A_42, %dma_start3A_43] : memref<10240x128xf32, #tpu.memory_space<hbm>> -> memref<10240x128xf32, #tpu.memory_space<hbm>>
    tpu.enqueue_indirect_dma source(%dma_start3A_44 : memref<10240x128xf32, #tpu.memory_space<hbm>>) target(%dma_start3A_38 : memref<64x128xf32, #tpu.memory_space<vmem>>) offsets(%dma_start3A_41 : memref<64xi32, #tpu.memory_space<vmem>>) semaphore(%arg10 : memref<!tpu.dma_semaphore, #tpu.memory_space<semaphore_mem>>)
    %dma_start3A_45 = arith.constant 0 : i32
    %dma_start3A_46 = arith.constant 0 : i32
    %dma_start3A_47 = arith.constant 64 : i32
    %dma_start3A_48 = arith.constant 0 : i32
    %dma_start3A_49 = tpu.memref_slice %arg8[%dma_start3A_46, %dma_start3A_47, %dma_start3A_48] : memref<2x128x128xf32, #tpu.memory_space<vmem>> -> memref<1x64x128xf32, #tpu.memory_space<vmem>>
    %dma_start3A_50 = tpu.memref_squeeze %dma_start3A_49 : memref<1x64x128xf32, #tpu.memory_space<vmem>> -> memref<64x128xf32, #tpu.memory_space<vmem>>
    %dma_start3A_51 = arith.constant 64 : i32
    %dma_start3A_52 = tpu.memref_slice %arg7[%dma_start3A_45, %dma_start3A_51] : memref<64x128xi32, #tpu.memory_space<vmem>> -> memref<1x64xi32, #tpu.memory_space<vmem>>
    %dma_start3A_53 = tpu.memref_squeeze %dma_start3A_52 : memref<1x64xi32, #tpu.memory_space<vmem>> -> memref<64xi32, #tpu.memory_space<vmem>>
    %dma_start3A_54 = arith.constant 0 : i32
    %dma_start3A_55 = arith.constant 0 : i32
    %dma_start3A_56 = tpu.memref_slice %arg2[%dma_start3A_54, %dma_start3A_55] : memref<10240x128xf32, #tpu.memory_space<hbm>> -> memref<10240x128xf32, #tpu.memory_space<hbm>>
    tpu.enqueue_indirect_dma source(%dma_start3A_56 : memref<10240x128xf32, #tpu.memory_space<hbm>>) target(%dma_start3A_50 : memref<64x128xf32, #tpu.memory_space<vmem>>) offsets(%dma_start3A_53 : memref<64xi32, #tpu.memory_space<vmem>>) semaphore(%arg11 : memref<!tpu.dma_semaphore, #tpu.memory_space<semaphore_mem>>)
    %dma_start3A_57 = arith.constant 1 : i32
    %dma_start3A_58 = arith.constant 1 : i32
    %dma_start3A_59 = arith.constant 0 : i32
    %dma_start3A_60 = arith.constant 0 : i32
    %dma_start3A_61 = tpu.memref_slice %arg8[%dma_start3A_58, %dma_start3A_59, %dma_start3A_60] : memref<2x128x128xf32, #tpu.memory_space<vmem>> -> memref<1x64x128xf32, #tpu.memory_space<vmem>>
    %dma_start3A_62 = tpu.memref_squeeze %dma_start3A_61 : memref<1x64x128xf32, #tpu.memory_space<vmem>> -> memref<64x128xf32, #tpu.memory_space<vmem>>
    %dma_start3A_63 = arith.constant 0 : i32
    %dma_start3A_64 = tpu.memref_slice %arg7[%dma_start3A_57, %dma_start3A_63] : memref<64x128xi32, #tpu.memory_space<vmem>> -> memref<1x64xi32, #tpu.memory_space<vmem>>
    %dma_start3A_65 = tpu.memref_squeeze %dma_start3A_64 : memref<1x64xi32, #tpu.memory_space<vmem>> -> memref<64xi32, #tpu.memory_space<vmem>>
    %dma_start3A_66 = arith.constant 0 : i32
    %dma_start3A_67 = arith.constant 0 : i32
    %dma_start3A_68 = tpu.memref_slice %arg2[%dma_start3A_66, %dma_start3A_67] : memref<10240x128xf32, #tpu.memory_space<hbm>> -> memref<10240x128xf32, #tpu.memory_space<hbm>>
    tpu.enqueue_indirect_dma source(%dma_start3A_68 : memref<10240x128xf32, #tpu.memory_space<hbm>>) target(%dma_start3A_62 : memref<64x128xf32, #tpu.memory_space<vmem>>) offsets(%dma_start3A_65 : memref<64xi32, #tpu.memory_space<vmem>>) semaphore(%arg12 : memref<!tpu.dma_semaphore, #tpu.memory_space<semaphore_mem>>)
    %dma_start3A_69 = arith.constant 1 : i32
    %dma_start3A_70 = arith.constant 1 : i32
    %dma_start3A_71 = arith.constant 64 : i32
    %dma_start3A_72 = arith.constant 0 : i32
    %dma_start3A_73 = tpu.memref_slice %arg8[%dma_start3A_70, %dma_start3A_71, %dma_start3A_72] : memref<2x128x128xf32, #tpu.memory_space<vmem>> -> memref<1x64x128xf32, #tpu.memory_space<vmem>>
    %dma_start3A_74 = tpu.memref_squeeze %dma_start3A_73 : memref<1x64x128xf32, #tpu.memory_space<vmem>> -> memref<64x128xf32, #tpu.memory_space<vmem>>
    %dma_start3A_75 = arith.constant 64 : i32
    %dma_start3A_76 = tpu.memref_slice %arg7[%dma_start3A_69, %dma_start3A_75] : memref<64x128xi32, #tpu.memory_space<vmem>> -> memref<1x64xi32, #tpu.memory_space<vmem>>
    %dma_start3A_77 = tpu.memref_squeeze %dma_start3A_76 : memref<1x64xi32, #tpu.memory_space<vmem>> -> memref<64xi32, #tpu.memory_space<vmem>>
    %dma_start3A_78 = arith.constant 0 : i32
    %dma_start3A_79 = arith.constant 0 : i32
    %dma_start3A_80 = tpu.memref_slice %arg2[%dma_start3A_78, %dma_start3A_79] : memref<10240x128xf32, #tpu.memory_space<hbm>> -> memref<10240x128xf32, #tpu.memory_space<hbm>>
    tpu.enqueue_indirect_dma source(%dma_start3A_80 : memref<10240x128xf32, #tpu.memory_space<hbm>>) target(%dma_start3A_74 : memref<64x128xf32, #tpu.memory_space<vmem>>) offsets(%dma_start3A_77 : memref<64xi32, #tpu.memory_space<vmem>>) semaphore(%arg13 : memref<!tpu.dma_semaphore, #tpu.memory_space<semaphore_mem>>)
    %scan3A_81 = arith.constant 0 : i32
    %scan3A_82 = arith.constant 0 : i32
    %scan3A_83 = arith.constant 32 : i32
    %scan3A_84 = arith.addi %scan3A_82, %scan3A_83 : i32
    %scan3A_85 = arith.constant 1 : i32
    scf.for %scan3A_156 = %scan3A_82 to %scan3A_84 step %scan3A_85  : i32 {
      %mul3A_157 = arith.constant 2 : i32
      %mul3A_158 = arith.muli %scan3A_156, %mul3A_157 : i32
      %add3A_159 = arith.constant 0 : i32
      %add3A_160 = arith.addi %mul3A_158, %add3A_159 : i32
      %dma_wait3A = arith.constant 0 : i32
      %dma_wait3A_161 = arith.constant 0 : i32
      %dma_wait3A_162 = arith.constant 0 : i32
      %dma_wait3A_163 = tpu.memref_slice %arg8[%dma_wait3A, %dma_wait3A_161, %dma_wait3A_162] : memref<2x128x128xf32, #tpu.memory_space<vmem>> -> memref<1x64x128xf32, #tpu.memory_space<vmem>>
      %dma_wait3A_164 = tpu.memref_squeeze %dma_wait3A_163 : memref<1x64x128xf32, #tpu.memory_space<vmem>> -> memref<64x128xf32, #tpu.memory_space<vmem>>
      %dma_wait3A_165 = arith.constant 0 : i32
      %dma_wait3A_166 = tpu.memref_slice %arg7[%add3A_160, %dma_wait3A_165] : memref<64x128xi32, #tpu.memory_space<vmem>> -> memref<1x64xi32, #tpu.memory_space<vmem>>
      %dma_wait3A_167 = tpu.memref_squeeze %dma_wait3A_166 : memref<1x64xi32, #tpu.memory_space<vmem>> -> memref<64xi32, #tpu.memory_space<vmem>>
      %dma_wait3A_168 = arith.constant 0 : i32
      %dma_wait3A_169 = arith.constant 0 : i32
      %dma_wait3A_170 = tpu.memref_slice %arg2[%dma_wait3A_168, %dma_wait3A_169] : memref<10240x128xf32, #tpu.memory_space<hbm>> -> memref<10240x128xf32, #tpu.memory_space<hbm>>
      tpu.wait_indirect_dma semaphore(%arg10 : memref<!tpu.dma_semaphore, #tpu.memory_space<semaphore_mem>>) src(%dma_wait3A_170 : memref<10240x128xf32, #tpu.memory_space<hbm>>) dst(%dma_wait3A_164 : memref<64x128xf32, #tpu.memory_space<vmem>>)
      %dma_wait3A_171 = arith.constant 0 : i32
      %dma_wait3A_172 = arith.constant 64 : i32
      %dma_wait3A_173 = arith.constant 0 : i32
      %dma_wait3A_174 = tpu.memref_slice %arg8[%dma_wait3A_171, %dma_wait3A_172, %dma_wait3A_173] : memref<2x128x128xf32, #tpu.memory_space<vmem>> -> memref<1x64x128xf32, #tpu.memory_space<vmem>>
      %dma_wait3A_175 = tpu.memref_squeeze %dma_wait3A_174 : memref<1x64x128xf32, #tpu.memory_space<vmem>> -> memref<64x128xf32, #tpu.memory_space<vmem>>
      %dma_wait3A_176 = arith.constant 64 : i32
      %dma_wait3A_177 = tpu.memref_slice %arg7[%add3A_160, %dma_wait3A_176] : memref<64x128xi32, #tpu.memory_space<vmem>> -> memref<1x64xi32, #tpu.memory_space<vmem>>
      %dma_wait3A_178 = tpu.memref_squeeze %dma_wait3A_177 : memref<1x64xi32, #tpu.memory_space<vmem>> -> memref<64xi32, #tpu.memory_space<vmem>>
      %dma_wait3A_179 = arith.constant 0 : i32
      %dma_wait3A_180 = arith.constant 0 : i32
      %dma_wait3A_181 = tpu.memref_slice %arg2[%dma_wait3A_179, %dma_wait3A_180] : memref<10240x128xf32, #tpu.memory_space<hbm>> -> memref<10240x128xf32, #tpu.memory_space<hbm>>
      tpu.wait_indirect_dma semaphore(%arg11 : memref<!tpu.dma_semaphore, #tpu.memory_space<semaphore_mem>>) src(%dma_wait3A_181 : memref<10240x128xf32, #tpu.memory_space<hbm>>) dst(%dma_wait3A_175 : memref<64x128xf32, #tpu.memory_space<vmem>>)
      %run_scoped3A_182 = arith.constant 0 : i32
      "tpu.region"() ({
        %run_scoped3A_221 = tpu.sem_alloc : memref<!tpu.dma_semaphore, #tpu.memory_space<semaphore_mem>>
        %dma_start3A_222 = arith.constant 0 : i32
        %dma_start3A_223 = arith.constant 0 : i32
        %dma_start3A_224 = tpu.memref_slice %arg8[%run_scoped3A_182, %dma_start3A_222, %dma_start3A_223] : memref<2x128x128xf32, #tpu.memory_space<vmem>> -> memref<1x128x128xf32, #tpu.memory_space<vmem>>
        %dma_start3A_225 = tpu.memref_squeeze %dma_start3A_224 : memref<1x128x128xf32, #tpu.memory_space<vmem>> -> memref<128x128xf32, #tpu.memory_space<vmem>>
        %dma_start3A_226 = arith.constant 0 : i32
        %dma_start3A_227 = tpu.memref_slice %arg6[%add3A_160, %dma_start3A_226] : memref<64x128xi32, #tpu.memory_space<vmem>> -> memref<1x128xi32, #tpu.memory_space<vmem>>
        %dma_start3A_228 = tpu.memref_squeeze %dma_start3A_227 : memref<1x128xi32, #tpu.memory_space<vmem>> -> memref<128xi32, #tpu.memory_space<vmem>>
        %dma_start3A_229 = arith.constant 0 : i32
        %dma_start3A_230 = arith.constant 0 : i32
        %dma_start3A_231 = tpu.memref_slice %arg9[%dma_start3A_229, %dma_start3A_230] : memref<10240x128xf32, #tpu.memory_space<vmem_shared>> -> memref<10240x128xf32, #tpu.memory_space<vmem_shared>>
        tpu.enqueue_indirect_dma source(%dma_start3A_225 : memref<128x128xf32, #tpu.memory_space<vmem>>) target(%dma_start3A_231 : memref<10240x128xf32, #tpu.memory_space<vmem_shared>>) offsets(%dma_start3A_228 : memref<128xi32, #tpu.memory_space<vmem>>) semaphore(%run_scoped3A_221 : memref<!tpu.dma_semaphore, #tpu.memory_space<semaphore_mem>>) {add = true}
        %dma_wait3A_232 = arith.constant 0 : i32
        %dma_wait3A_233 = arith.constant 0 : i32
        %dma_wait3A_234 = tpu.memref_slice %arg8[%run_scoped3A_182, %dma_wait3A_232, %dma_wait3A_233] : memref<2x128x128xf32, #tpu.memory_space<vmem>> -> memref<1x128x128xf32, #tpu.memory_space<vmem>>
        %dma_wait3A_235 = tpu.memref_squeeze %dma_wait3A_234 : memref<1x128x128xf32, #tpu.memory_space<vmem>> -> memref<128x128xf32, #tpu.memory_space<vmem>>
        %dma_wait3A_236 = arith.constant 0 : i32
        %dma_wait3A_237 = tpu.memref_slice %arg6[%add3A_160, %dma_wait3A_236] : memref<64x128xi32, #tpu.memory_space<vmem>> -> memref<1x128xi32, #tpu.memory_space<vmem>>
        %dma_wait3A_238 = tpu.memref_squeeze %dma_wait3A_237 : memref<1x128xi32, #tpu.memory_space<vmem>> -> memref<128xi32, #tpu.memory_space<vmem>>
        %dma_wait3A_239 = arith.constant 0 : i32
        %dma_wait3A_240 = arith.constant 0 : i32
        %dma_wait3A_241 = tpu.memref_slice %arg9[%dma_wait3A_239, %dma_wait3A_240] : memref<10240x128xf32, #tpu.memory_space<vmem_shared>> -> memref<10240x128xf32, #tpu.memory_space<vmem_shared>>
        tpu.wait_indirect_dma semaphore(%run_scoped3A_221 : memref<!tpu.dma_semaphore, #tpu.memory_space<semaphore_mem>>) src(%dma_wait3A_235 : memref<128x128xf32, #tpu.memory_space<vmem>>) dst(%dma_wait3A_241 : memref<10240x128xf32, #tpu.memory_space<vmem_shared>>)
        tpu.yield
      }) : () -> ()
      %add3A_183 = arith.constant 2 : i32
      %add3A_184 = arith.addi %add3A_160, %add3A_183 : i32
      %lt3A = arith.constant 64 : i32
      %lt3A_185 = arith.cmpi slt, %add3A_184, %lt3A : i32
      %convert_element_type3A = arith.extui %lt3A_185 : i1 to i32
      %cond3A = arith.constant 0 : i32
      %cond3A_186 = arith.cmpi ne, %convert_element_type3A, %cond3A : i32
      scf.if %cond3A_186 {
        %add3A_221 = arith.constant 2 : i32
        %add3A_222 = arith.addi %add3A_160, %add3A_221 : i32
        %dma_start3A_223 = arith.constant 0 : i32
        %dma_start3A_224 = arith.constant 0 : i32
        %dma_start3A_225 = arith.constant 0 : i32
        %dma_start3A_226 = tpu.memref_slice %arg8[%dma_start3A_223, %dma_start3A_224, %dma_start3A_225] : memref<2x128x128xf32, #tpu.memory_space<vmem>> -> memref<1x64x128xf32, #tpu.memory_space<vmem>>
        %dma_start3A_227 = tpu.memref_squeeze %dma_start3A_226 : memref<1x64x128xf32, #tpu.memory_space<vmem>> -> memref<64x128xf32, #tpu.memory_space<vmem>>
        %dma_start3A_228 = arith.constant 0 : i32
        %dma_start3A_229 = tpu.memref_slice %arg7[%add3A_222, %dma_start3A_228] : memref<64x128xi32, #tpu.memory_space<vmem>> -> memref<1x64xi32, #tpu.memory_space<vmem>>
        %dma_start3A_230 = tpu.memref_squeeze %dma_start3A_229 : memref<1x64xi32, #tpu.memory_space<vmem>> -> memref<64xi32, #tpu.memory_space<vmem>>
        %dma_start3A_231 = arith.constant 0 : i32
        %dma_start3A_232 = arith.constant 0 : i32
        %dma_start3A_233 = tpu.memref_slice %arg2[%dma_start3A_231, %dma_start3A_232] : memref<10240x128xf32, #tpu.memory_space<hbm>> -> memref<10240x128xf32, #tpu.memory_space<hbm>>
        tpu.enqueue_indirect_dma source(%dma_start3A_233 : memref<10240x128xf32, #tpu.memory_space<hbm>>) target(%dma_start3A_227 : memref<64x128xf32, #tpu.memory_space<vmem>>) offsets(%dma_start3A_230 : memref<64xi32, #tpu.memory_space<vmem>>) semaphore(%arg10 : memref<!tpu.dma_semaphore, #tpu.memory_space<semaphore_mem>>)
        %add3A_234 = arith.constant 2 : i32
        %add3A_235 = arith.addi %add3A_160, %add3A_234 : i32
        %dma_start3A_236 = arith.constant 0 : i32
        %dma_start3A_237 = arith.constant 64 : i32
        %dma_start3A_238 = arith.constant 0 : i32
        %dma_start3A_239 = tpu.memref_slice %arg8[%dma_start3A_236, %dma_start3A_237, %dma_start3A_238] : memref<2x128x128xf32, #tpu.memory_space<vmem>> -> memref<1x64x128xf32, #tpu.memory_space<vmem>>
        %dma_start3A_240 = tpu.memref_squeeze %dma_start3A_239 : memref<1x64x128xf32, #tpu.memory_space<vmem>> -> memref<64x128xf32, #tpu.memory_space<vmem>>
        %dma_start3A_241 = arith.constant 64 : i32
        %dma_start3A_242 = tpu.memref_slice %arg7[%add3A_235, %dma_start3A_241] : memref<64x128xi32, #tpu.memory_space<vmem>> -> memref<1x64xi32, #tpu.memory_space<vmem>>
        %dma_start3A_243 = tpu.memref_squeeze %dma_start3A_242 : memref<1x64xi32, #tpu.memory_space<vmem>> -> memref<64xi32, #tpu.memory_space<vmem>>
        %dma_start3A_244 = arith.constant 0 : i32
        %dma_start3A_245 = arith.constant 0 : i32
        %dma_start3A_246 = tpu.memref_slice %arg2[%dma_start3A_244, %dma_start3A_245] : memref<10240x128xf32, #tpu.memory_space<hbm>> -> memref<10240x128xf32, #tpu.memory_space<hbm>>
        tpu.enqueue_indirect_dma source(%dma_start3A_246 : memref<10240x128xf32, #tpu.memory_space<hbm>>) target(%dma_start3A_240 : memref<64x128xf32, #tpu.memory_space<vmem>>) offsets(%dma_start3A_243 : memref<64xi32, #tpu.memory_space<vmem>>) semaphore(%arg11 : memref<!tpu.dma_semaphore, #tpu.memory_space<semaphore_mem>>)
      } else {
      }
      %mul3A_187 = arith.constant 2 : i32
      %mul3A_188 = arith.muli %scan3A_156, %mul3A_187 : i32
      %add3A_189 = arith.constant 1 : i32
      %add3A_190 = arith.addi %mul3A_188, %add3A_189 : i32
      %dma_wait3A_191 = arith.constant 1 : i32
      %dma_wait3A_192 = arith.constant 0 : i32
      %dma_wait3A_193 = arith.constant 0 : i32
      %dma_wait3A_194 = tpu.memref_slice %arg8[%dma_wait3A_191, %dma_wait3A_192, %dma_wait3A_193] : memref<2x128x128xf32, #tpu.memory_space<vmem>> -> memref<1x64x128xf32, #tpu.memory_space<vmem>>
      %dma_wait3A_195 = tpu.memref_squeeze %dma_wait3A_194 : memref<1x64x128xf32, #tpu.memory_space<vmem>> -> memref<64x128xf32, #tpu.memory_space<vmem>>
      %dma_wait3A_196 = arith.constant 0 : i32
      %dma_wait3A_197 = tpu.memref_slice %arg7[%add3A_190, %dma_wait3A_196] : memref<64x128xi32, #tpu.memory_space<vmem>> -> memref<1x64xi32, #tpu.memory_space<vmem>>
      %dma_wait3A_198 = tpu.memref_squeeze %dma_wait3A_197 : memref<1x64xi32, #tpu.memory_space<vmem>> -> memref<64xi32, #tpu.memory_space<vmem>>
      %dma_wait3A_199 = arith.constant 0 : i32
      %dma_wait3A_200 = arith.constant 0 : i32
      %dma_wait3A_201 = tpu.memref_slice %arg2[%dma_wait3A_199, %dma_wait3A_200] : memref<10240x128xf32, #tpu.memory_space<hbm>> -> memref<10240x128xf32, #tpu.memory_space<hbm>>
      tpu.wait_indirect_dma semaphore(%arg12 : memref<!tpu.dma_semaphore, #tpu.memory_space<semaphore_mem>>) src(%dma_wait3A_201 : memref<10240x128xf32, #tpu.memory_space<hbm>>) dst(%dma_wait3A_195 : memref<64x128xf32, #tpu.memory_space<vmem>>)
      %dma_wait3A_202 = arith.constant 1 : i32
      %dma_wait3A_203 = arith.constant 64 : i32
      %dma_wait3A_204 = arith.constant 0 : i32
      %dma_wait3A_205 = tpu.memref_slice %arg8[%dma_wait3A_202, %dma_wait3A_203, %dma_wait3A_204] : memref<2x128x128xf32, #tpu.memory_space<vmem>> -> memref<1x64x128xf32, #tpu.memory_space<vmem>>
      %dma_wait3A_206 = tpu.memref_squeeze %dma_wait3A_205 : memref<1x64x128xf32, #tpu.memory_space<vmem>> -> memref<64x128xf32, #tpu.memory_space<vmem>>
      %dma_wait3A_207 = arith.constant 64 : i32
      %dma_wait3A_208 = tpu.memref_slice %arg7[%add3A_190, %dma_wait3A_207] : memref<64x128xi32, #tpu.memory_space<vmem>> -> memref<1x64xi32, #tpu.memory_space<vmem>>
      %dma_wait3A_209 = tpu.memref_squeeze %dma_wait3A_208 : memref<1x64xi32, #tpu.memory_space<vmem>> -> memref<64xi32, #tpu.memory_space<vmem>>
      %dma_wait3A_210 = arith.constant 0 : i32
      %dma_wait3A_211 = arith.constant 0 : i32
      %dma_wait3A_212 = tpu.memref_slice %arg2[%dma_wait3A_210, %dma_wait3A_211] : memref<10240x128xf32, #tpu.memory_space<hbm>> -> memref<10240x128xf32, #tpu.memory_space<hbm>>
      tpu.wait_indirect_dma semaphore(%arg13 : memref<!tpu.dma_semaphore, #tpu.memory_space<semaphore_mem>>) src(%dma_wait3A_212 : memref<10240x128xf32, #tpu.memory_space<hbm>>) dst(%dma_wait3A_206 : memref<64x128xf32, #tpu.memory_space<vmem>>)
      %run_scoped3A_213 = arith.constant 1 : i32
      "tpu.region"() ({
        %run_scoped3A_221 = tpu.sem_alloc : memref<!tpu.dma_semaphore, #tpu.memory_space<semaphore_mem>>
        %dma_start3A_222 = arith.constant 0 : i32
        %dma_start3A_223 = arith.constant 0 : i32
        %dma_start3A_224 = tpu.memref_slice %arg8[%run_scoped3A_213, %dma_start3A_222, %dma_start3A_223] : memref<2x128x128xf32, #tpu.memory_space<vmem>> -> memref<1x128x128xf32, #tpu.memory_space<vmem>>
        %dma_start3A_225 = tpu.memref_squeeze %dma_start3A_224 : memref<1x128x128xf32, #tpu.memory_space<vmem>> -> memref<128x128xf32, #tpu.memory_space<vmem>>
        %dma_start3A_226 = arith.constant 0 : i32
        %dma_start3A_227 = tpu.memref_slice %arg6[%add3A_190, %dma_start3A_226] : memref<64x128xi32, #tpu.memory_space<vmem>> -> memref<1x128xi32, #tpu.memory_space<vmem>>
        %dma_start3A_228 = tpu.memref_squeeze %dma_start3A_227 : memref<1x128xi32, #tpu.memory_space<vmem>> -> memref<128xi32, #tpu.memory_space<vmem>>
        %dma_start3A_229 = arith.constant 0 : i32
        %dma_start3A_230 = arith.constant 0 : i32
        %dma_start3A_231 = tpu.memref_slice %arg9[%dma_start3A_229, %dma_start3A_230] : memref<10240x128xf32, #tpu.memory_space<vmem_shared>> -> memref<10240x128xf32, #tpu.memory_space<vmem_shared>>
        tpu.enqueue_indirect_dma source(%dma_start3A_225 : memref<128x128xf32, #tpu.memory_space<vmem>>) target(%dma_start3A_231 : memref<10240x128xf32, #tpu.memory_space<vmem_shared>>) offsets(%dma_start3A_228 : memref<128xi32, #tpu.memory_space<vmem>>) semaphore(%run_scoped3A_221 : memref<!tpu.dma_semaphore, #tpu.memory_space<semaphore_mem>>) {add = true}
        %dma_wait3A_232 = arith.constant 0 : i32
        %dma_wait3A_233 = arith.constant 0 : i32
        %dma_wait3A_234 = tpu.memref_slice %arg8[%run_scoped3A_213, %dma_wait3A_232, %dma_wait3A_233] : memref<2x128x128xf32, #tpu.memory_space<vmem>> -> memref<1x128x128xf32, #tpu.memory_space<vmem>>
        %dma_wait3A_235 = tpu.memref_squeeze %dma_wait3A_234 : memref<1x128x128xf32, #tpu.memory_space<vmem>> -> memref<128x128xf32, #tpu.memory_space<vmem>>
        %dma_wait3A_236 = arith.constant 0 : i32
        %dma_wait3A_237 = tpu.memref_slice %arg6[%add3A_190, %dma_wait3A_236] : memref<64x128xi32, #tpu.memory_space<vmem>> -> memref<1x128xi32, #tpu.memory_space<vmem>>
        %dma_wait3A_238 = tpu.memref_squeeze %dma_wait3A_237 : memref<1x128xi32, #tpu.memory_space<vmem>> -> memref<128xi32, #tpu.memory_space<vmem>>
        %dma_wait3A_239 = arith.constant 0 : i32
        %dma_wait3A_240 = arith.constant 0 : i32
        %dma_wait3A_241 = tpu.memref_slice %arg9[%dma_wait3A_239, %dma_wait3A_240] : memref<10240x128xf32, #tpu.memory_space<vmem_shared>> -> memref<10240x128xf32, #tpu.memory_space<vmem_shared>>
        tpu.wait_indirect_dma semaphore(%run_scoped3A_221 : memref<!tpu.dma_semaphore, #tpu.memory_space<semaphore_mem>>) src(%dma_wait3A_235 : memref<128x128xf32, #tpu.memory_space<vmem>>) dst(%dma_wait3A_241 : memref<10240x128xf32, #tpu.memory_space<vmem_shared>>)
        tpu.yield
      }) : () -> ()
      %add3A_214 = arith.constant 2 : i32
      %add3A_215 = arith.addi %add3A_190, %add3A_214 : i32
      %lt3A_216 = arith.constant 64 : i32
      %lt3A_217 = arith.cmpi slt, %add3A_215, %lt3A_216 : i32
      %convert_element_type3A_218 = arith.extui %lt3A_217 : i1 to i32
      %cond3A_219 = arith.constant 0 : i32
      %cond3A_220 = arith.cmpi ne, %convert_element_type3A_218, %cond3A_219 : i32
      scf.if %cond3A_220 {
        %add3A_221 = arith.constant 2 : i32
        %add3A_222 = arith.addi %add3A_190, %add3A_221 : i32
        %dma_start3A_223 = arith.constant 1 : i32
        %dma_start3A_224 = arith.constant 0 : i32
        %dma_start3A_225 = arith.constant 0 : i32
        %dma_start3A_226 = tpu.memref_slice %arg8[%dma_start3A_223, %dma_start3A_224, %dma_start3A_225] : memref<2x128x128xf32, #tpu.memory_space<vmem>> -> memref<1x64x128xf32, #tpu.memory_space<vmem>>
        %dma_start3A_227 = tpu.memref_squeeze %dma_start3A_226 : memref<1x64x128xf32, #tpu.memory_space<vmem>> -> memref<64x128xf32, #tpu.memory_space<vmem>>
        %dma_start3A_228 = arith.constant 0 : i32
        %dma_start3A_229 = tpu.memref_slice %arg7[%add3A_222, %dma_start3A_228] : memref<64x128xi32, #tpu.memory_space<vmem>> -> memref<1x64xi32, #tpu.memory_space<vmem>>
        %dma_start3A_230 = tpu.memref_squeeze %dma_start3A_229 : memref<1x64xi32, #tpu.memory_space<vmem>> -> memref<64xi32, #tpu.memory_space<vmem>>
        %dma_start3A_231 = arith.constant 0 : i32
        %dma_start3A_232 = arith.constant 0 : i32
        %dma_start3A_233 = tpu.memref_slice %arg2[%dma_start3A_231, %dma_start3A_232] : memref<10240x128xf32, #tpu.memory_space<hbm>> -> memref<10240x128xf32, #tpu.memory_space<hbm>>
        tpu.enqueue_indirect_dma source(%dma_start3A_233 : memref<10240x128xf32, #tpu.memory_space<hbm>>) target(%dma_start3A_227 : memref<64x128xf32, #tpu.memory_space<vmem>>) offsets(%dma_start3A_230 : memref<64xi32, #tpu.memory_space<vmem>>) semaphore(%arg12 : memref<!tpu.dma_semaphore, #tpu.memory_space<semaphore_mem>>)
        %add3A_234 = arith.constant 2 : i32
        %add3A_235 = arith.addi %add3A_190, %add3A_234 : i32
        %dma_start3A_236 = arith.constant 1 : i32
        %dma_start3A_237 = arith.constant 64 : i32
        %dma_start3A_238 = arith.constant 0 : i32
        %dma_start3A_239 = tpu.memref_slice %arg8[%dma_start3A_236, %dma_start3A_237, %dma_start3A_238] : memref<2x128x128xf32, #tpu.memory_space<vmem>> -> memref<1x64x128xf32, #tpu.memory_space<vmem>>
        %dma_start3A_240 = tpu.memref_squeeze %dma_start3A_239 : memref<1x64x128xf32, #tpu.memory_space<vmem>> -> memref<64x128xf32, #tpu.memory_space<vmem>>
        %dma_start3A_241 = arith.constant 64 : i32
        %dma_start3A_242 = tpu.memref_slice %arg7[%add3A_235, %dma_start3A_241] : memref<64x128xi32, #tpu.memory_space<vmem>> -> memref<1x64xi32, #tpu.memory_space<vmem>>
        %dma_start3A_243 = tpu.memref_squeeze %dma_start3A_242 : memref<1x64xi32, #tpu.memory_space<vmem>> -> memref<64xi32, #tpu.memory_space<vmem>>
        %dma_start3A_244 = arith.constant 0 : i32
        %dma_start3A_245 = arith.constant 0 : i32
        %dma_start3A_246 = tpu.memref_slice %arg2[%dma_start3A_244, %dma_start3A_245] : memref<10240x128xf32, #tpu.memory_space<hbm>> -> memref<10240x128xf32, #tpu.memory_space<hbm>>
        tpu.enqueue_indirect_dma source(%dma_start3A_246 : memref<10240x128xf32, #tpu.memory_space<hbm>>) target(%dma_start3A_240 : memref<64x128xf32, #tpu.memory_space<vmem>>) offsets(%dma_start3A_243 : memref<64xi32, #tpu.memory_space<vmem>>) semaphore(%arg13 : memref<!tpu.dma_semaphore, #tpu.memory_space<semaphore_mem>>)
      } else {
      }
    }
    %scan3A_86 = arith.constant 32 : i32
    %mul3A_87 = arith.constant 2048 : i32
    %mul3A_88 = arith.muli %arg0, %mul3A_87 : i32
    %mul3A_89 = arith.constant 128 : i32
    %mul3A_90 = arith.muli %arg1, %mul3A_89 : i32
    %add3A_91 = arith.addi %mul3A_88, %mul3A_90 : i32
    %add3A_92 = arith.constant 64 : i32
    %add3A_93 = arith.addi %add3A_91, %add3A_92 : i32
    "tpu.region"() ({
      %run_scoped3A_156 = tpu.sem_alloc : memref<!tpu.dma_semaphore, #tpu.memory_space<semaphore_mem>>
      %dma_start3A_157 = arith.constant 0 : i32
      %dma_start3A_158 = tpu.memref_slice %arg3[%add3A_93, %dma_start3A_157] : memref<4096x128xi32, #tpu.memory_space<hbm>> -> memref<64x128xi32, #tpu.memory_space<hbm>>
      %dma_start3A_159 = arith.constant 0 : i32
      %dma_start3A_160 = tpu.memref_slice %arg3[%add3A_93, %dma_start3A_159] : memref<4096x128xi32, #tpu.memory_space<hbm>> -> memref<64x128xi32, #tpu.memory_space<hbm>>
      tpu.enqueue_dma source(%dma_start3A_160 : memref<64x128xi32, #tpu.memory_space<hbm>>) target(%arg6 : memref<64x128xi32, #tpu.memory_space<vmem>>) target_semaphore(%run_scoped3A_156 : memref<!tpu.dma_semaphore, #tpu.memory_space<semaphore_mem>>)
      %dma_wait3A = arith.constant 0 : i32
      %dma_wait3A_161 = tpu.memref_slice %arg3[%add3A_93, %dma_wait3A] : memref<4096x128xi32, #tpu.memory_space<hbm>> -> memref<64x128xi32, #tpu.memory_space<hbm>>
      %dma_wait3A_162 = arith.constant 0 : i32
      %dma_wait3A_163 = tpu.memref_slice %arg3[%add3A_93, %dma_wait3A_162] : memref<4096x128xi32, #tpu.memory_space<hbm>> -> memref<64x128xi32, #tpu.memory_space<hbm>>
      tpu.wait_dma2 semaphore(%run_scoped3A_156 : memref<!tpu.dma_semaphore, #tpu.memory_space<semaphore_mem>>) src(%dma_wait3A_163 : memref<64x128xi32, #tpu.memory_space<hbm>>) dst(%arg6 : memref<64x128xi32, #tpu.memory_space<vmem>>)
      tpu.yield
    }) : () -> ()
    "tpu.region"() ({
      %run_scoped3A_156 = tpu.sem_alloc : memref<!tpu.dma_semaphore, #tpu.memory_space<semaphore_mem>>
      %dma_start3A_157 = arith.constant 0 : i32
      %dma_start3A_158 = tpu.memref_slice %arg4[%add3A_93, %dma_start3A_157] : memref<4096x128xi32, #tpu.memory_space<hbm>> -> memref<64x128xi32, #tpu.memory_space<hbm>>
      %dma_start3A_159 = arith.constant 0 : i32
      %dma_start3A_160 = tpu.memref_slice %arg4[%add3A_93, %dma_start3A_159] : memref<4096x128xi32, #tpu.memory_space<hbm>> -> memref<64x128xi32, #tpu.memory_space<hbm>>
      tpu.enqueue_dma source(%dma_start3A_160 : memref<64x128xi32, #tpu.memory_space<hbm>>) target(%arg7 : memref<64x128xi32, #tpu.memory_space<vmem>>) target_semaphore(%run_scoped3A_156 : memref<!tpu.dma_semaphore, #tpu.memory_space<semaphore_mem>>)
      %dma_wait3A = arith.constant 0 : i32
      %dma_wait3A_161 = tpu.memref_slice %arg4[%add3A_93, %dma_wait3A] : memref<4096x128xi32, #tpu.memory_space<hbm>> -> memref<64x128xi32, #tpu.memory_space<hbm>>
      %dma_wait3A_162 = arith.constant 0 : i32
      %dma_wait3A_163 = tpu.memref_slice %arg4[%add3A_93, %dma_wait3A_162] : memref<4096x128xi32, #tpu.memory_space<hbm>> -> memref<64x128xi32, #tpu.memory_space<hbm>>
      tpu.wait_dma2 semaphore(%run_scoped3A_156 : memref<!tpu.dma_semaphore, #tpu.memory_space<semaphore_mem>>) src(%dma_wait3A_163 : memref<64x128xi32, #tpu.memory_space<hbm>>) dst(%arg7 : memref<64x128xi32, #tpu.memory_space<vmem>>)
      tpu.yield
    }) : () -> ()
    %dma_start3A_94 = arith.constant 0 : i32
    %dma_start3A_95 = arith.constant 0 : i32
    %dma_start3A_96 = arith.constant 0 : i32
    %dma_start3A_97 = arith.constant 0 : i32
    %dma_start3A_98 = tpu.memref_slice %arg8[%dma_start3A_95, %dma_start3A_96, %dma_start3A_97] : memref<2x128x128xf32, #tpu.memory_space<vmem>> -> memref<1x64x128xf32, #tpu.memory_space<vmem>>
    %dma_start3A_99 = tpu.memref_squeeze %dma_start3A_98 : memref<1x64x128xf32, #tpu.memory_space<vmem>> -> memref<64x128xf32, #tpu.memory_space<vmem>>
    %dma_start3A_100 = arith.constant 0 : i32
    %dma_start3A_101 = tpu.memref_slice %arg7[%dma_start3A_94, %dma_start3A_100] : memref<64x128xi32, #tpu.memory_space<vmem>> -> memref<1x64xi32, #tpu.memory_space<vmem>>
    %dma_start3A_102 = tpu.memref_squeeze %dma_start3A_101 : memref<1x64xi32, #tpu.memory_space<vmem>> -> memref<64xi32, #tpu.memory_space<vmem>>
    %dma_start3A_103 = arith.constant 0 : i32
    %dma_start3A_104 = arith.constant 0 : i32
    %dma_start3A_105 = tpu.memref_slice %arg2[%dma_start3A_103, %dma_start3A_104] : memref<10240x128xf32, #tpu.memory_space<hbm>> -> memref<10240x128xf32, #tpu.memory_space<hbm>>
    tpu.enqueue_indirect_dma source(%dma_start3A_105 : memref<10240x128xf32, #tpu.memory_space<hbm>>) target(%dma_start3A_99 : memref<64x128xf32, #tpu.memory_space<vmem>>) offsets(%dma_start3A_102 : memref<64xi32, #tpu.memory_space<vmem>>) semaphore(%arg10 : memref<!tpu.dma_semaphore, #tpu.memory_space<semaphore_mem>>)
    %dma_start3A_106 = arith.constant 0 : i32
    %dma_start3A_107 = arith.constant 0 : i32
    %dma_start3A_108 = arith.constant 64 : i32
    %dma_start3A_109 = arith.constant 0 : i32
    %dma_start3A_110 = tpu.memref_slice %arg8[%dma_start3A_107, %dma_start3A_108, %dma_start3A_109] : memref<2x128x128xf32, #tpu.memory_space<vmem>> -> memref<1x64x128xf32, #tpu.memory_space<vmem>>
    %dma_start3A_111 = tpu.memref_squeeze %dma_start3A_110 : memref<1x64x128xf32, #tpu.memory_space<vmem>> -> memref<64x128xf32, #tpu.memory_space<vmem>>
    %dma_start3A_112 = arith.constant 64 : i32
    %dma_start3A_113 = tpu.memref_slice %arg7[%dma_start3A_106, %dma_start3A_112] : memref<64x128xi32, #tpu.memory_space<vmem>> -> memref<1x64xi32, #tpu.memory_space<vmem>>
    %dma_start3A_114 = tpu.memref_squeeze %dma_start3A_113 : memref<1x64xi32, #tpu.memory_space<vmem>> -> memref<64xi32, #tpu.memory_space<vmem>>
    %dma_start3A_115 = arith.constant 0 : i32
    %dma_start3A_116 = arith.constant 0 : i32
    %dma_start3A_117 = tpu.memref_slice %arg2[%dma_start3A_115, %dma_start3A_116] : memref<10240x128xf32, #tpu.memory_space<hbm>> -> memref<10240x128xf32, #tpu.memory_space<hbm>>
    tpu.enqueue_indirect_dma source(%dma_start3A_117 : memref<10240x128xf32, #tpu.memory_space<hbm>>) target(%dma_start3A_111 : memref<64x128xf32, #tpu.memory_space<vmem>>) offsets(%dma_start3A_114 : memref<64xi32, #tpu.memory_space<vmem>>) semaphore(%arg11 : memref<!tpu.dma_semaphore, #tpu.memory_space<semaphore_mem>>)
    %dma_start3A_118 = arith.constant 1 : i32
    %dma_start3A_119 = arith.constant 1 : i32
    %dma_start3A_120 = arith.constant 0 : i32
    %dma_start3A_121 = arith.constant 0 : i32
    %dma_start3A_122 = tpu.memref_slice %arg8[%dma_start3A_119, %dma_start3A_120, %dma_start3A_121] : memref<2x128x128xf32, #tpu.memory_space<vmem>> -> memref<1x64x128xf32, #tpu.memory_space<vmem>>
    %dma_start3A_123 = tpu.memref_squeeze %dma_start3A_122 : memref<1x64x128xf32, #tpu.memory_space<vmem>> -> memref<64x128xf32, #tpu.memory_space<vmem>>
    %dma_start3A_124 = arith.constant 0 : i32
    %dma_start3A_125 = tpu.memref_slice %arg7[%dma_start3A_118, %dma_start3A_124] : memref<64x128xi32, #tpu.memory_space<vmem>> -> memref<1x64xi32, #tpu.memory_space<vmem>>
    %dma_start3A_126 = tpu.memref_squeeze %dma_start3A_125 : memref<1x64xi32, #tpu.memory_space<vmem>> -> memref<64xi32, #tpu.memory_space<vmem>>
    %dma_start3A_127 = arith.constant 0 : i32
    %dma_start3A_128 = arith.constant 0 : i32
    %dma_start3A_129 = tpu.memref_slice %arg2[%dma_start3A_127, %dma_start3A_128] : memref<10240x128xf32, #tpu.memory_space<hbm>> -> memref<10240x128xf32, #tpu.memory_space<hbm>>
    tpu.enqueue_indirect_dma source(%dma_start3A_129 : memref<10240x128xf32, #tpu.memory_space<hbm>>) target(%dma_start3A_123 : memref<64x128xf32, #tpu.memory_space<vmem>>) offsets(%dma_start3A_126 : memref<64xi32, #tpu.memory_space<vmem>>) semaphore(%arg12 : memref<!tpu.dma_semaphore, #tpu.memory_space<semaphore_mem>>)
    %dma_start3A_130 = arith.constant 1 : i32
    %dma_start3A_131 = arith.constant 1 : i32
    %dma_start3A_132 = arith.constant 64 : i32
    %dma_start3A_133 = arith.constant 0 : i32
    %dma_start3A_134 = tpu.memref_slice %arg8[%dma_start3A_131, %dma_start3A_132, %dma_start3A_133] : memref<2x128x128xf32, #tpu.memory_space<vmem>> -> memref<1x64x128xf32, #tpu.memory_space<vmem>>
    %dma_start3A_135 = tpu.memref_squeeze %dma_start3A_134 : memref<1x64x128xf32, #tpu.memory_space<vmem>> -> memref<64x128xf32, #tpu.memory_space<vmem>>
    %dma_start3A_136 = arith.constant 64 : i32
    %dma_start3A_137 = tpu.memref_slice %arg7[%dma_start3A_130, %dma_start3A_136] : memref<64x128xi32, #tpu.memory_space<vmem>> -> memref<1x64xi32, #tpu.memory_space<vmem>>
    %dma_start3A_138 = tpu.memref_squeeze %dma_start3A_137 : memref<1x64xi32, #tpu.memory_space<vmem>> -> memref<64xi32, #tpu.memory_space<vmem>>
    %dma_start3A_139 = arith.constant 0 : i32
    %dma_start3A_140 = arith.constant 0 : i32
    %dma_start3A_141 = tpu.memref_slice %arg2[%dma_start3A_139, %dma_start3A_140] : memref<10240x128xf32, #tpu.memory_space<hbm>> -> memref<10240x128xf32, #tpu.memory_space<hbm>>
    tpu.enqueue_indirect_dma source(%dma_start3A_141 : memref<10240x128xf32, #tpu.memory_space<hbm>>) target(%dma_start3A_135 : memref<64x128xf32, #tpu.memory_space<vmem>>) offsets(%dma_start3A_138 : memref<64xi32, #tpu.memory_space<vmem>>) semaphore(%arg13 : memref<!tpu.dma_semaphore, #tpu.memory_space<semaphore_mem>>)
    %scan3A_142 = arith.constant 0 : i32
    %scan3A_143 = arith.constant 0 : i32
    %scan3A_144 = arith.constant 32 : i32
    %scan3A_145 = arith.addi %scan3A_143, %scan3A_144 : i32
    %scan3A_146 = arith.constant 1 : i32
    scf.for %scan3A_156 = %scan3A_143 to %scan3A_145 step %scan3A_146  : i32 {
      %mul3A_157 = arith.constant 2 : i32
      %mul3A_158 = arith.muli %scan3A_156, %mul3A_157 : i32
      %add3A_159 = arith.constant 0 : i32
      %add3A_160 = arith.addi %mul3A_158, %add3A_159 : i32
      %dma_wait3A = arith.constant 0 : i32
      %dma_wait3A_161 = arith.constant 0 : i32
      %dma_wait3A_162 = arith.constant 0 : i32
      %dma_wait3A_163 = tpu.memref_slice %arg8[%dma_wait3A, %dma_wait3A_161, %dma_wait3A_162] : memref<2x128x128xf32, #tpu.memory_space<vmem>> -> memref<1x64x128xf32, #tpu.memory_space<vmem>>
      %dma_wait3A_164 = tpu.memref_squeeze %dma_wait3A_163 : memref<1x64x128xf32, #tpu.memory_space<vmem>> -> memref<64x128xf32, #tpu.memory_space<vmem>>
      %dma_wait3A_165 = arith.constant 0 : i32
      %dma_wait3A_166 = tpu.memref_slice %arg7[%add3A_160, %dma_wait3A_165] : memref<64x128xi32, #tpu.memory_space<vmem>> -> memref<1x64xi32, #tpu.memory_space<vmem>>
      %dma_wait3A_167 = tpu.memref_squeeze %dma_wait3A_166 : memref<1x64xi32, #tpu.memory_space<vmem>> -> memref<64xi32, #tpu.memory_space<vmem>>
      %dma_wait3A_168 = arith.constant 0 : i32
      %dma_wait3A_169 = arith.constant 0 : i32
      %dma_wait3A_170 = tpu.memref_slice %arg2[%dma_wait3A_168, %dma_wait3A_169] : memref<10240x128xf32, #tpu.memory_space<hbm>> -> memref<10240x128xf32, #tpu.memory_space<hbm>>
      tpu.wait_indirect_dma semaphore(%arg10 : memref<!tpu.dma_semaphore, #tpu.memory_space<semaphore_mem>>) src(%dma_wait3A_170 : memref<10240x128xf32, #tpu.memory_space<hbm>>) dst(%dma_wait3A_164 : memref<64x128xf32, #tpu.memory_space<vmem>>)
      %dma_wait3A_171 = arith.constant 0 : i32
      %dma_wait3A_172 = arith.constant 64 : i32
      %dma_wait3A_173 = arith.constant 0 : i32
      %dma_wait3A_174 = tpu.memref_slice %arg8[%dma_wait3A_171, %dma_wait3A_172, %dma_wait3A_173] : memref<2x128x128xf32, #tpu.memory_space<vmem>> -> memref<1x64x128xf32, #tpu.memory_space<vmem>>
      %dma_wait3A_175 = tpu.memref_squeeze %dma_wait3A_174 : memref<1x64x128xf32, #tpu.memory_space<vmem>> -> memref<64x128xf32, #tpu.memory_space<vmem>>
      %dma_wait3A_176 = arith.constant 64 : i32
      %dma_wait3A_177 = tpu.memref_slice %arg7[%add3A_160, %dma_wait3A_176] : memref<64x128xi32, #tpu.memory_space<vmem>> -> memref<1x64xi32, #tpu.memory_space<vmem>>
      %dma_wait3A_178 = tpu.memref_squeeze %dma_wait3A_177 : memref<1x64xi32, #tpu.memory_space<vmem>> -> memref<64xi32, #tpu.memory_space<vmem>>
      %dma_wait3A_179 = arith.constant 0 : i32
      %dma_wait3A_180 = arith.constant 0 : i32
      %dma_wait3A_181 = tpu.memref_slice %arg2[%dma_wait3A_179, %dma_wait3A_180] : memref<10240x128xf32, #tpu.memory_space<hbm>> -> memref<10240x128xf32, #tpu.memory_space<hbm>>
      tpu.wait_indirect_dma semaphore(%arg11 : memref<!tpu.dma_semaphore, #tpu.memory_space<semaphore_mem>>) src(%dma_wait3A_181 : memref<10240x128xf32, #tpu.memory_space<hbm>>) dst(%dma_wait3A_175 : memref<64x128xf32, #tpu.memory_space<vmem>>)
      %run_scoped3A_182 = arith.constant 0 : i32
      "tpu.region"() ({
        %run_scoped3A_221 = tpu.sem_alloc : memref<!tpu.dma_semaphore, #tpu.memory_space<semaphore_mem>>
        %dma_start3A_222 = arith.constant 0 : i32
        %dma_start3A_223 = arith.constant 0 : i32
        %dma_start3A_224 = tpu.memref_slice %arg8[%run_scoped3A_182, %dma_start3A_222, %dma_start3A_223] : memref<2x128x128xf32, #tpu.memory_space<vmem>> -> memref<1x128x128xf32, #tpu.memory_space<vmem>>
        %dma_start3A_225 = tpu.memref_squeeze %dma_start3A_224 : memref<1x128x128xf32, #tpu.memory_space<vmem>> -> memref<128x128xf32, #tpu.memory_space<vmem>>
        %dma_start3A_226 = arith.constant 0 : i32
        %dma_start3A_227 = tpu.memref_slice %arg6[%add3A_160, %dma_start3A_226] : memref<64x128xi32, #tpu.memory_space<vmem>> -> memref<1x128xi32, #tpu.memory_space<vmem>>
        %dma_start3A_228 = tpu.memref_squeeze %dma_start3A_227 : memref<1x128xi32, #tpu.memory_space<vmem>> -> memref<128xi32, #tpu.memory_space<vmem>>
        %dma_start3A_229 = arith.constant 0 : i32
        %dma_start3A_230 = arith.constant 0 : i32
        %dma_start3A_231 = tpu.memref_slice %arg9[%dma_start3A_229, %dma_start3A_230] : memref<10240x128xf32, #tpu.memory_space<vmem_shared>> -> memref<10240x128xf32, #tpu.memory_space<vmem_shared>>
        tpu.enqueue_indirect_dma source(%dma_start3A_225 : memref<128x128xf32, #tpu.memory_space<vmem>>) target(%dma_start3A_231 : memref<10240x128xf32, #tpu.memory_space<vmem_shared>>) offsets(%dma_start3A_228 : memref<128xi32, #tpu.memory_space<vmem>>) semaphore(%run_scoped3A_221 : memref<!tpu.dma_semaphore, #tpu.memory_space<semaphore_mem>>) {add = true}
        %dma_wait3A_232 = arith.constant 0 : i32
        %dma_wait3A_233 = arith.constant 0 : i32
        %dma_wait3A_234 = tpu.memref_slice %arg8[%run_scoped3A_182, %dma_wait3A_232, %dma_wait3A_233] : memref<2x128x128xf32, #tpu.memory_space<vmem>> -> memref<1x128x128xf32, #tpu.memory_space<vmem>>
        %dma_wait3A_235 = tpu.memref_squeeze %dma_wait3A_234 : memref<1x128x128xf32, #tpu.memory_space<vmem>> -> memref<128x128xf32, #tpu.memory_space<vmem>>
        %dma_wait3A_236 = arith.constant 0 : i32
        %dma_wait3A_237 = tpu.memref_slice %arg6[%add3A_160, %dma_wait3A_236] : memref<64x128xi32, #tpu.memory_space<vmem>> -> memref<1x128xi32, #tpu.memory_space<vmem>>
        %dma_wait3A_238 = tpu.memref_squeeze %dma_wait3A_237 : memref<1x128xi32, #tpu.memory_space<vmem>> -> memref<128xi32, #tpu.memory_space<vmem>>
        %dma_wait3A_239 = arith.constant 0 : i32
        %dma_wait3A_240 = arith.constant 0 : i32
        %dma_wait3A_241 = tpu.memref_slice %arg9[%dma_wait3A_239, %dma_wait3A_240] : memref<10240x128xf32, #tpu.memory_space<vmem_shared>> -> memref<10240x128xf32, #tpu.memory_space<vmem_shared>>
        tpu.wait_indirect_dma semaphore(%run_scoped3A_221 : memref<!tpu.dma_semaphore, #tpu.memory_space<semaphore_mem>>) src(%dma_wait3A_235 : memref<128x128xf32, #tpu.memory_space<vmem>>) dst(%dma_wait3A_241 : memref<10240x128xf32, #tpu.memory_space<vmem_shared>>)
        tpu.yield
      }) : () -> ()
      %add3A_183 = arith.constant 2 : i32
      %add3A_184 = arith.addi %add3A_160, %add3A_183 : i32
      %lt3A = arith.constant 64 : i32
      %lt3A_185 = arith.cmpi slt, %add3A_184, %lt3A : i32
      %convert_element_type3A = arith.extui %lt3A_185 : i1 to i32
      %cond3A = arith.constant 0 : i32
      %cond3A_186 = arith.cmpi ne, %convert_element_type3A, %cond3A : i32
      scf.if %cond3A_186 {
        %add3A_221 = arith.constant 2 : i32
        %add3A_222 = arith.addi %add3A_160, %add3A_221 : i32
        %dma_start3A_223 = arith.constant 0 : i32
        %dma_start3A_224 = arith.constant 0 : i32
        %dma_start3A_225 = arith.constant 0 : i32
        %dma_start3A_226 = tpu.memref_slice %arg8[%dma_start3A_223, %dma_start3A_224, %dma_start3A_225] : memref<2x128x128xf32, #tpu.memory_space<vmem>> -> memref<1x64x128xf32, #tpu.memory_space<vmem>>
        %dma_start3A_227 = tpu.memref_squeeze %dma_start3A_226 : memref<1x64x128xf32, #tpu.memory_space<vmem>> -> memref<64x128xf32, #tpu.memory_space<vmem>>
        %dma_start3A_228 = arith.constant 0 : i32
        %dma_start3A_229 = tpu.memref_slice %arg7[%add3A_222, %dma_start3A_228] : memref<64x128xi32, #tpu.memory_space<vmem>> -> memref<1x64xi32, #tpu.memory_space<vmem>>
        %dma_start3A_230 = tpu.memref_squeeze %dma_start3A_229 : memref<1x64xi32, #tpu.memory_space<vmem>> -> memref<64xi32, #tpu.memory_space<vmem>>
        %dma_start3A_231 = arith.constant 0 : i32
        %dma_start3A_232 = arith.constant 0 : i32
        %dma_start3A_233 = tpu.memref_slice %arg2[%dma_start3A_231, %dma_start3A_232] : memref<10240x128xf32, #tpu.memory_space<hbm>> -> memref<10240x128xf32, #tpu.memory_space<hbm>>
        tpu.enqueue_indirect_dma source(%dma_start3A_233 : memref<10240x128xf32, #tpu.memory_space<hbm>>) target(%dma_start3A_227 : memref<64x128xf32, #tpu.memory_space<vmem>>) offsets(%dma_start3A_230 : memref<64xi32, #tpu.memory_space<vmem>>) semaphore(%arg10 : memref<!tpu.dma_semaphore, #tpu.memory_space<semaphore_mem>>)
        %add3A_234 = arith.constant 2 : i32
        %add3A_235 = arith.addi %add3A_160, %add3A_234 : i32
        %dma_start3A_236 = arith.constant 0 : i32
        %dma_start3A_237 = arith.constant 64 : i32
        %dma_start3A_238 = arith.constant 0 : i32
        %dma_start3A_239 = tpu.memref_slice %arg8[%dma_start3A_236, %dma_start3A_237, %dma_start3A_238] : memref<2x128x128xf32, #tpu.memory_space<vmem>> -> memref<1x64x128xf32, #tpu.memory_space<vmem>>
        %dma_start3A_240 = tpu.memref_squeeze %dma_start3A_239 : memref<1x64x128xf32, #tpu.memory_space<vmem>> -> memref<64x128xf32, #tpu.memory_space<vmem>>
        %dma_start3A_241 = arith.constant 64 : i32
        %dma_start3A_242 = tpu.memref_slice %arg7[%add3A_235, %dma_start3A_241] : memref<64x128xi32, #tpu.memory_space<vmem>> -> memref<1x64xi32, #tpu.memory_space<vmem>>
        %dma_start3A_243 = tpu.memref_squeeze %dma_start3A_242 : memref<1x64xi32, #tpu.memory_space<vmem>> -> memref<64xi32, #tpu.memory_space<vmem>>
        %dma_start3A_244 = arith.constant 0 : i32
        %dma_start3A_245 = arith.constant 0 : i32
        %dma_start3A_246 = tpu.memref_slice %arg2[%dma_start3A_244, %dma_start3A_245] : memref<10240x128xf32, #tpu.memory_space<hbm>> -> memref<10240x128xf32, #tpu.memory_space<hbm>>
        tpu.enqueue_indirect_dma source(%dma_start3A_246 : memref<10240x128xf32, #tpu.memory_space<hbm>>) target(%dma_start3A_240 : memref<64x128xf32, #tpu.memory_space<vmem>>) offsets(%dma_start3A_243 : memref<64xi32, #tpu.memory_space<vmem>>) semaphore(%arg11 : memref<!tpu.dma_semaphore, #tpu.memory_space<semaphore_mem>>)
      } else {
      }
      %mul3A_187 = arith.constant 2 : i32
      %mul3A_188 = arith.muli %scan3A_156, %mul3A_187 : i32
      %add3A_189 = arith.constant 1 : i32
      %add3A_190 = arith.addi %mul3A_188, %add3A_189 : i32
      %dma_wait3A_191 = arith.constant 1 : i32
      %dma_wait3A_192 = arith.constant 0 : i32
      %dma_wait3A_193 = arith.constant 0 : i32
      %dma_wait3A_194 = tpu.memref_slice %arg8[%dma_wait3A_191, %dma_wait3A_192, %dma_wait3A_193] : memref<2x128x128xf32, #tpu.memory_space<vmem>> -> memref<1x64x128xf32, #tpu.memory_space<vmem>>
      %dma_wait3A_195 = tpu.memref_squeeze %dma_wait3A_194 : memref<1x64x128xf32, #tpu.memory_space<vmem>> -> memref<64x128xf32, #tpu.memory_space<vmem>>
      %dma_wait3A_196 = arith.constant 0 : i32
      %dma_wait3A_197 = tpu.memref_slice %arg7[%add3A_190, %dma_wait3A_196] : memref<64x128xi32, #tpu.memory_space<vmem>> -> memref<1x64xi32, #tpu.memory_space<vmem>>
      %dma_wait3A_198 = tpu.memref_squeeze %dma_wait3A_197 : memref<1x64xi32, #tpu.memory_space<vmem>> -> memref<64xi32, #tpu.memory_space<vmem>>
      %dma_wait3A_199 = arith.constant 0 : i32
      %dma_wait3A_200 = arith.constant 0 : i32
      %dma_wait3A_201 = tpu.memref_slice %arg2[%dma_wait3A_199, %dma_wait3A_200] : memref<10240x128xf32, #tpu.memory_space<hbm>> -> memref<10240x128xf32, #tpu.memory_space<hbm>>
      tpu.wait_indirect_dma semaphore(%arg12 : memref<!tpu.dma_semaphore, #tpu.memory_space<semaphore_mem>>) src(%dma_wait3A_201 : memref<10240x128xf32, #tpu.memory_space<hbm>>) dst(%dma_wait3A_195 : memref<64x128xf32, #tpu.memory_space<vmem>>)
      %dma_wait3A_202 = arith.constant 1 : i32
      %dma_wait3A_203 = arith.constant 64 : i32
      %dma_wait3A_204 = arith.constant 0 : i32
      %dma_wait3A_205 = tpu.memref_slice %arg8[%dma_wait3A_202, %dma_wait3A_203, %dma_wait3A_204] : memref<2x128x128xf32, #tpu.memory_space<vmem>> -> memref<1x64x128xf32, #tpu.memory_space<vmem>>
      %dma_wait3A_206 = tpu.memref_squeeze %dma_wait3A_205 : memref<1x64x128xf32, #tpu.memory_space<vmem>> -> memref<64x128xf32, #tpu.memory_space<vmem>>
      %dma_wait3A_207 = arith.constant 64 : i32
      %dma_wait3A_208 = tpu.memref_slice %arg7[%add3A_190, %dma_wait3A_207] : memref<64x128xi32, #tpu.memory_space<vmem>> -> memref<1x64xi32, #tpu.memory_space<vmem>>
      %dma_wait3A_209 = tpu.memref_squeeze %dma_wait3A_208 : memref<1x64xi32, #tpu.memory_space<vmem>> -> memref<64xi32, #tpu.memory_space<vmem>>
      %dma_wait3A_210 = arith.constant 0 : i32
      %dma_wait3A_211 = arith.constant 0 : i32
      %dma_wait3A_212 = tpu.memref_slice %arg2[%dma_wait3A_210, %dma_wait3A_211] : memref<10240x128xf32, #tpu.memory_space<hbm>> -> memref<10240x128xf32, #tpu.memory_space<hbm>>
      tpu.wait_indirect_dma semaphore(%arg13 : memref<!tpu.dma_semaphore, #tpu.memory_space<semaphore_mem>>) src(%dma_wait3A_212 : memref<10240x128xf32, #tpu.memory_space<hbm>>) dst(%dma_wait3A_206 : memref<64x128xf32, #tpu.memory_space<vmem>>)
      %run_scoped3A_213 = arith.constant 1 : i32
      "tpu.region"() ({
        %run_scoped3A_221 = tpu.sem_alloc : memref<!tpu.dma_semaphore, #tpu.memory_space<semaphore_mem>>
        %dma_start3A_222 = arith.constant 0 : i32
        %dma_start3A_223 = arith.constant 0 : i32
        %dma_start3A_224 = tpu.memref_slice %arg8[%run_scoped3A_213, %dma_start3A_222, %dma_start3A_223] : memref<2x128x128xf32, #tpu.memory_space<vmem>> -> memref<1x128x128xf32, #tpu.memory_space<vmem>>
        %dma_start3A_225 = tpu.memref_squeeze %dma_start3A_224 : memref<1x128x128xf32, #tpu.memory_space<vmem>> -> memref<128x128xf32, #tpu.memory_space<vmem>>
        %dma_start3A_226 = arith.constant 0 : i32
        %dma_start3A_227 = tpu.memref_slice %arg6[%add3A_190, %dma_start3A_226] : memref<64x128xi32, #tpu.memory_space<vmem>> -> memref<1x128xi32, #tpu.memory_space<vmem>>
        %dma_start3A_228 = tpu.memref_squeeze %dma_start3A_227 : memref<1x128xi32, #tpu.memory_space<vmem>> -> memref<128xi32, #tpu.memory_space<vmem>>
        %dma_start3A_229 = arith.constant 0 : i32
        %dma_start3A_230 = arith.constant 0 : i32
        %dma_start3A_231 = tpu.memref_slice %arg9[%dma_start3A_229, %dma_start3A_230] : memref<10240x128xf32, #tpu.memory_space<vmem_shared>> -> memref<10240x128xf32, #tpu.memory_space<vmem_shared>>
        tpu.enqueue_indirect_dma source(%dma_start3A_225 : memref<128x128xf32, #tpu.memory_space<vmem>>) target(%dma_start3A_231 : memref<10240x128xf32, #tpu.memory_space<vmem_shared>>) offsets(%dma_start3A_228 : memref<128xi32, #tpu.memory_space<vmem>>) semaphore(%run_scoped3A_221 : memref<!tpu.dma_semaphore, #tpu.memory_space<semaphore_mem>>) {add = true}
        %dma_wait3A_232 = arith.constant 0 : i32
        %dma_wait3A_233 = arith.constant 0 : i32
        %dma_wait3A_234 = tpu.memref_slice %arg8[%run_scoped3A_213, %dma_wait3A_232, %dma_wait3A_233] : memref<2x128x128xf32, #tpu.memory_space<vmem>> -> memref<1x128x128xf32, #tpu.memory_space<vmem>>
        %dma_wait3A_235 = tpu.memref_squeeze %dma_wait3A_234 : memref<1x128x128xf32, #tpu.memory_space<vmem>> -> memref<128x128xf32, #tpu.memory_space<vmem>>
        %dma_wait3A_236 = arith.constant 0 : i32
        %dma_wait3A_237 = tpu.memref_slice %arg6[%add3A_190, %dma_wait3A_236] : memref<64x128xi32, #tpu.memory_space<vmem>> -> memref<1x128xi32, #tpu.memory_space<vmem>>
        %dma_wait3A_238 = tpu.memref_squeeze %dma_wait3A_237 : memref<1x128xi32, #tpu.memory_space<vmem>> -> memref<128xi32, #tpu.memory_space<vmem>>
        %dma_wait3A_239 = arith.constant 0 : i32
        %dma_wait3A_240 = arith.constant 0 : i32
        %dma_wait3A_241 = tpu.memref_slice %arg9[%dma_wait3A_239, %dma_wait3A_240] : memref<10240x128xf32, #tpu.memory_space<vmem_shared>> -> memref<10240x128xf32, #tpu.memory_space<vmem_shared>>
        tpu.wait_indirect_dma semaphore(%run_scoped3A_221 : memref<!tpu.dma_semaphore, #tpu.memory_space<semaphore_mem>>) src(%dma_wait3A_235 : memref<128x128xf32, #tpu.memory_space<vmem>>) dst(%dma_wait3A_241 : memref<10240x128xf32, #tpu.memory_space<vmem_shared>>)
        tpu.yield
      }) : () -> ()
      %add3A_214 = arith.constant 2 : i32
      %add3A_215 = arith.addi %add3A_190, %add3A_214 : i32
      %lt3A_216 = arith.constant 64 : i32
      %lt3A_217 = arith.cmpi slt, %add3A_215, %lt3A_216 : i32
      %convert_element_type3A_218 = arith.extui %lt3A_217 : i1 to i32
      %cond3A_219 = arith.constant 0 : i32
      %cond3A_220 = arith.cmpi ne, %convert_element_type3A_218, %cond3A_219 : i32
      scf.if %cond3A_220 {
        %add3A_221 = arith.constant 2 : i32
        %add3A_222 = arith.addi %add3A_190, %add3A_221 : i32
        %dma_start3A_223 = arith.constant 1 : i32
        %dma_start3A_224 = arith.constant 0 : i32
        %dma_start3A_225 = arith.constant 0 : i32
        %dma_start3A_226 = tpu.memref_slice %arg8[%dma_start3A_223, %dma_start3A_224, %dma_start3A_225] : memref<2x128x128xf32, #tpu.memory_space<vmem>> -> memref<1x64x128xf32, #tpu.memory_space<vmem>>
        %dma_start3A_227 = tpu.memref_squeeze %dma_start3A_226 : memref<1x64x128xf32, #tpu.memory_space<vmem>> -> memref<64x128xf32, #tpu.memory_space<vmem>>
        %dma_start3A_228 = arith.constant 0 : i32
        %dma_start3A_229 = tpu.memref_slice %arg7[%add3A_222, %dma_start3A_228] : memref<64x128xi32, #tpu.memory_space<vmem>> -> memref<1x64xi32, #tpu.memory_space<vmem>>
        %dma_start3A_230 = tpu.memref_squeeze %dma_start3A_229 : memref<1x64xi32, #tpu.memory_space<vmem>> -> memref<64xi32, #tpu.memory_space<vmem>>
        %dma_start3A_231 = arith.constant 0 : i32
        %dma_start3A_232 = arith.constant 0 : i32
        %dma_start3A_233 = tpu.memref_slice %arg2[%dma_start3A_231, %dma_start3A_232] : memref<10240x128xf32, #tpu.memory_space<hbm>> -> memref<10240x128xf32, #tpu.memory_space<hbm>>
        tpu.enqueue_indirect_dma source(%dma_start3A_233 : memref<10240x128xf32, #tpu.memory_space<hbm>>) target(%dma_start3A_227 : memref<64x128xf32, #tpu.memory_space<vmem>>) offsets(%dma_start3A_230 : memref<64xi32, #tpu.memory_space<vmem>>) semaphore(%arg12 : memref<!tpu.dma_semaphore, #tpu.memory_space<semaphore_mem>>)
        %add3A_234 = arith.constant 2 : i32
        %add3A_235 = arith.addi %add3A_190, %add3A_234 : i32
        %dma_start3A_236 = arith.constant 1 : i32
        %dma_start3A_237 = arith.constant 64 : i32
        %dma_start3A_238 = arith.constant 0 : i32
        %dma_start3A_239 = tpu.memref_slice %arg8[%dma_start3A_236, %dma_start3A_237, %dma_start3A_238] : memref<2x128x128xf32, #tpu.memory_space<vmem>> -> memref<1x64x128xf32, #tpu.memory_space<vmem>>
        %dma_start3A_240 = tpu.memref_squeeze %dma_start3A_239 : memref<1x64x128xf32, #tpu.memory_space<vmem>> -> memref<64x128xf32, #tpu.memory_space<vmem>>
        %dma_start3A_241 = arith.constant 64 : i32
        %dma_start3A_242 = tpu.memref_slice %arg7[%add3A_235, %dma_start3A_241] : memref<64x128xi32, #tpu.memory_space<vmem>> -> memref<1x64xi32, #tpu.memory_space<vmem>>
        %dma_start3A_243 = tpu.memref_squeeze %dma_start3A_242 : memref<1x64xi32, #tpu.memory_space<vmem>> -> memref<64xi32, #tpu.memory_space<vmem>>
        %dma_start3A_244 = arith.constant 0 : i32
        %dma_start3A_245 = arith.constant 0 : i32
        %dma_start3A_246 = tpu.memref_slice %arg2[%dma_start3A_244, %dma_start3A_245] : memref<10240x128xf32, #tpu.memory_space<hbm>> -> memref<10240x128xf32, #tpu.memory_space<hbm>>
        tpu.enqueue_indirect_dma source(%dma_start3A_246 : memref<10240x128xf32, #tpu.memory_space<hbm>>) target(%dma_start3A_240 : memref<64x128xf32, #tpu.memory_space<vmem>>) offsets(%dma_start3A_243 : memref<64xi32, #tpu.memory_space<vmem>>) semaphore(%arg13 : memref<!tpu.dma_semaphore, #tpu.memory_space<semaphore_mem>>)
      } else {
      }
    }
    %scan3A_147 = arith.constant 32 : i32
    %barrier3A_148 = arith.constant 0 : index
    tpu.barrier barrier_id(%barrier3A_148)
    %mul3A_149 = arith.constant 640 : i32
    %mul3A_150 = arith.muli %arg1, %mul3A_149 : i32
    %mul3A_151 = arith.constant 10240 : i32
    %mul3A_152 = arith.muli %arg0, %mul3A_151 : i32
    %mul3A_153 = arith.constant 640 : i32
    %mul3A_154 = arith.muli %arg1, %mul3A_153 : i32
    %add3A_155 = arith.addi %mul3A_152, %mul3A_154 : i32
    "tpu.region"() ({
      %run_scoped3A_156 = tpu.sem_alloc : memref<!tpu.dma_semaphore, #tpu.memory_space<semaphore_mem>>
      %dma_start3A_157 = arith.constant 0 : i32
      %dma_start3A_158 = tpu.memref_slice %arg5[%add3A_155, %dma_start3A_157] : memref<20480x128xf32, #tpu.memory_space<hbm>> -> memref<640x128xf32, #tpu.memory_space<hbm>>
      %dma_start3A_159 = arith.constant 0 : i32
      %dma_start3A_160 = tpu.memref_slice %arg9[%mul3A_150, %dma_start3A_159] : memref<10240x128xf32, #tpu.memory_space<vmem_shared>> -> memref<640x128xf32, #tpu.memory_space<vmem_shared>>
      tpu.enqueue_dma source(%dma_start3A_160 : memref<640x128xf32, #tpu.memory_space<vmem_shared>>) target(%dma_start3A_158 : memref<640x128xf32, #tpu.memory_space<hbm>>) target_semaphore(%run_scoped3A_156 : memref<!tpu.dma_semaphore, #tpu.memory_space<semaphore_mem>>)
      %dma_wait3A = arith.constant 0 : i32
      %dma_wait3A_161 = tpu.memref_slice %arg5[%add3A_155, %dma_wait3A] : memref<20480x128xf32, #tpu.memory_space<hbm>> -> memref<640x128xf32, #tpu.memory_space<hbm>>
      %dma_wait3A_162 = arith.constant 0 : i32
      %dma_wait3A_163 = tpu.memref_slice %arg9[%mul3A_150, %dma_wait3A_162] : memref<10240x128xf32, #tpu.memory_space<vmem_shared>> -> memref<640x128xf32, #tpu.memory_space<vmem_shared>>
      tpu.wait_dma2 semaphore(%run_scoped3A_156 : memref<!tpu.dma_semaphore, #tpu.memory_space<semaphore_mem>>) src(%dma_wait3A_163 : memref<640x128xf32, #tpu.memory_space<vmem_shared>>) dst(%dma_wait3A_161 : memref<640x128xf32, #tpu.memory_space<hbm>>)
      tpu.yield
    }) : () -> ()
    return
  }
}

module attributes {stable_mosaic.version = 14 : i64} {
  func.func @_stage1_body(%arg0: i32, %arg1: memref<1000x128xf32, #tpu.memory_space<vmem>>, %arg2: memref<1x128x128xf32, #tpu.memory_space<vmem>>, %arg3: memref<128x128xf32, #tpu.memory_space<vmem>>, %arg4: memref<1x128xf32, #tpu.memory_space<vmem>>, %arg5: memref<1000x128xf32, #tpu.memory_space<vmem>>) attributes {dimension_semantics = [#tpu.dimension_semantics<arbitrary>], iteration_bounds = array<i64: 10>, scalar_prefetch = 0 : i64, scratch_operands = 0 : i64, tpu.core_type = #tpu.core_type<tc>, window_params = [{transform_indices = @transform_0, window_bounds = array<i64: 1000, 128>}, {transform_indices = @transform_1, window_bounds = array<i64: 1, 128, 128>}, {pipeline_mode = #tpu.pipeline_mode<synchronous>, transform_indices = @transform_2, window_bounds = array<i64: 128, 128>}, {pipeline_mode = #tpu.pipeline_mode<synchronous>, transform_indices = @transform_3, window_bounds = array<i64: 1, 128>}, {transform_indices = @transform_4, window_bounds = array<i64: 1000, 128>}]} {
    %get3A = arith.constant 0 : index
    %get3A_0 = arith.constant 0 : index
    %get3A_1 = vector.load %arg1[%get3A, %get3A_0] : memref<1000x128xf32, #tpu.memory_space<vmem>>, vector<1000x128xf32>
    %get3A_2 = arith.constant 0 : index
    %get3A_3 = arith.constant 0 : index
    %get3A_4 = arith.constant 0 : index
    %get3A_5 = vector.load %arg2[%get3A_2, %get3A_3, %get3A_4] : memref<1x128x128xf32, #tpu.memory_space<vmem>>, vector<1x128x128xf32>
    %get3A_6 = vector.shape_cast %get3A_5 : vector<1x128x128xf32> to vector<128x128xf32>
    %dot_general3A = arith.constant dense<0.000000e+00> : vector<1000x128xf32>
    %dot_general3A_7 = tpu.matmul %get3A_1, %get3A_6, %dot_general3A {dimension_numbers = #tpu.dot_dimension_numbers<[1], [0], [0], [1], [0, 0, 1, 1], [], []>, transpose_lhs_hint = false} : vector<1000x128xf32>, vector<128x128xf32>, vector<1000x128xf32> -> vector<1000x128xf32>
    %get3A_8 = arith.constant 0 : index
    %get3A_9 = arith.constant 0 : index
    %get3A_10 = vector.load %arg3[%get3A_8, %get3A_9] : memref<128x128xf32, #tpu.memory_space<vmem>>, vector<128x128xf32>
    %dot_general3A_11 = arith.constant dense<0.000000e+00> : vector<1000x128xf32>
    %dot_general3A_12 = tpu.matmul %dot_general3A_7, %get3A_10, %dot_general3A_11 {dimension_numbers = #tpu.dot_dimension_numbers<[1], [0], [0], [1], [0, 0, 1, 1], [], []>, transpose_lhs_hint = false} : vector<1000x128xf32>, vector<128x128xf32>, vector<1000x128xf32> -> vector<1000x128xf32>
    %get3A_13 = arith.constant 0 : index
    %get3A_14 = arith.constant 0 : index
    %get3A_15 = vector.load %arg4[%get3A_13, %get3A_14] : memref<1x128xf32, #tpu.memory_space<vmem>>, vector<1x128xf32>
    %add3A = vector.broadcast %get3A_15 : vector<1x128xf32> to vector<1000x128xf32>
    %add3A_16 = arith.addf %dot_general3A_12, %add3A : vector<1000x128xf32>
    %max3A = arith.constant 0.000000e+00 : f32
    %max3A_17 = vector.broadcast %max3A : f32 to vector<1000x128xf32>
    %max3A_18 = arith.maximumf %add3A_16, %max3A_17 : vector<1000x128xf32>
    %reduce_sum3A = arith.constant dense<0.000000e+00> : vector<1000xf32>
    %reduce_sum3A_19 = vector.multi_reduction <add>, %max3A_18, %reduce_sum3A [1] : vector<1000x128xf32> to vector<1000xf32>
    %broadcast_in_dim3A = vector.shape_cast %reduce_sum3A_19 : vector<1000xf32> to vector<1000x1xf32>
    %div3A = arith.constant 1.280000e+02 : f32
    %div3A_20 = vector.broadcast %div3A : f32 to vector<1000x1xf32>
    %div3A_21 = arith.divf %broadcast_in_dim3A, %div3A_20 : vector<1000x1xf32>
    %sub3A = vector.broadcast %div3A_21 : vector<1000x1xf32> to vector<1000x128xf32>
    %sub3A_22 = arith.subf %max3A_18, %sub3A : vector<1000x128xf32>
    %integer_pow3A = arith.mulf %sub3A_22, %sub3A_22 : vector<1000x128xf32>
    %reduce_sum3A_23 = arith.constant dense<0.000000e+00> : vector<1000xf32>
    %reduce_sum3A_24 = vector.multi_reduction <add>, %integer_pow3A, %reduce_sum3A_23 [1] : vector<1000x128xf32> to vector<1000xf32>
    %broadcast_in_dim3A_25 = vector.shape_cast %reduce_sum3A_24 : vector<1000xf32> to vector<1000x1xf32>
    %div3A_26 = arith.constant 1.270000e+02 : f32
    %div3A_27 = vector.broadcast %div3A_26 : f32 to vector<1000x1xf32>
    %div3A_28 = arith.divf %broadcast_in_dim3A_25, %div3A_27 : vector<1000x1xf32>
    %sub3A_29 = vector.broadcast %div3A_21 : vector<1000x1xf32> to vector<1000x128xf32>
    %sub3A_30 = arith.subf %max3A_18, %sub3A_29 : vector<1000x128xf32>
    %sqrt3A = math.sqrt %div3A_28 : vector<1000x1xf32>
    %div3A_31 = vector.broadcast %sqrt3A : vector<1000x1xf32> to vector<1000x128xf32>
    %div3A_32 = arith.divf %sub3A_30, %div3A_31 : vector<1000x128xf32>
    %ne3A = arith.cmpf one, %div3A_32, %div3A_32 : vector<1000x128xf32>
    %broadcast_in_dim3A_33 = arith.constant 0.000000e+00 : f32
    %broadcast_in_dim3A_34 = vector.broadcast %broadcast_in_dim3A_33 : f32 to vector<1000x128xf32>
    %select_n3A = arith.select %ne3A, %broadcast_in_dim3A_34, %div3A_32 : vector<1000x128xi1>, vector<1000x128xf32>
    %swap3A = arith.constant 0 : index
    %swap3A_35 = arith.constant 0 : index
    %swap3A_36 = vector.load %arg5[%swap3A, %swap3A_35] : memref<1000x128xf32, #tpu.memory_space<vmem>>, vector<1000x128xf32>
    tpu.vector_store %arg5[%swap3A, %swap3A_35], %select_n3A {strides = array<i32>} : memref<1000x128xf32, #tpu.memory_space<vmem>>, vector<1000x128xf32>,
    return
  }
  func.func @transform_0(%arg0: i32) -> (i32, i32) {
    %c0_i32 = arith.constant 0 : i32
    %c0_i32_0 = arith.constant 0 : i32
    return %arg0, %c0_i32 : i32, i32
  }
  func.func @transform_1(%arg0: i32) -> (i32, i32, i32) {
    %jit3A = arith.constant 5 : i32
    %div3A = arith.divsi %arg0, %jit3A : i32
    %sign3A = arith.constant 0 : i32
    %sign3A_0 = arith.cmpi sgt, %arg0, %sign3A : i32
    %sign3A_1 = arith.extui %sign3A_0 : i1 to i32
    %sign3A_2 = arith.constant 0 : i32
    %sign3A_3 = arith.cmpi slt, %arg0, %sign3A_2 : i32
    %sign3A_4 = arith.extui %sign3A_3 : i1 to i32
    %sign3A_5 = arith.subi %sign3A_1, %sign3A_4 : i32
    %sign3A_6 = arith.constant 0 : i32
    %sign3A_7 = arith.cmpi sgt, %jit3A, %sign3A_6 : i32
    %sign3A_8 = arith.extui %sign3A_7 : i1 to i32
    %sign3A_9 = arith.constant 0 : i32
    %sign3A_10 = arith.cmpi slt, %jit3A, %sign3A_9 : i32
    %sign3A_11 = arith.extui %sign3A_10 : i1 to i32
    %sign3A_12 = arith.subi %sign3A_8, %sign3A_11 : i32
    %ne3A = arith.cmpi ne, %sign3A_5, %sign3A_12 : i32
    %rem3A = arith.remsi %arg0, %jit3A : i32
    %ne3A_13 = arith.constant 0 : i32
    %ne3A_14 = arith.cmpi ne, %rem3A, %ne3A_13 : i32
    %and3A = arith.andi %ne3A, %ne3A_14 : i1
    %sub3A = arith.constant 1 : i32
    %sub3A_15 = arith.subi %div3A, %sub3A : i32
    %select_n3A = arith.select %and3A, %sub3A_15, %div3A : i32
    %c0_i32 = arith.constant 0 : i32
    %c0_i32_16 = arith.constant 0 : i32
    %c0_i32_17 = arith.constant 0 : i32
    return %select_n3A, %c0_i32, %c0_i32_16 : i32, i32, i32
  }
  func.func @transform_2(%arg0: i32) -> (i32, i32) {
    %c0_i32 = arith.constant 0 : i32
    %c0_i32_0 = arith.constant 0 : i32
    %c0_i32_1 = arith.constant 0 : i32
    return %c0_i32, %c0_i32_0 : i32, i32
  }
  func.func @transform_3(%arg0: i32) -> (i32, i32) {
    %c0_i32 = arith.constant 0 : i32
    %c0_i32_0 = arith.constant 0 : i32
    %c0_i32_1 = arith.constant 0 : i32
    return %c0_i32, %c0_i32_0 : i32, i32
  }
  func.func @transform_4(%arg0: i32) -> (i32, i32) {
    %c0_i32 = arith.constant 0 : i32
    %c0_i32_0 = arith.constant 0 : i32
    return %arg0, %c0_i32 : i32, i32
  }
}

module attributes {stable_mosaic.version = 14 : i64} {
  func.func @_wsum_body(%arg0: i32, %arg1: memref<1x5xf32, #tpu.memory_space<smem>>, %arg2: memref<2000x128xf32, #tpu.memory_space<vmem>>, %arg3: memref<1x2000x128xf32, #tpu.memory_space<vmem>>, %arg4: memref<1x2000x128xf32, #tpu.memory_space<vmem>>, %arg5: memref<1x2000x128xf32, #tpu.memory_space<vmem>>, %arg6: memref<1x2000x128xf32, #tpu.memory_space<vmem>>, %arg7: memref<2000x128xf32, #tpu.memory_space<vmem>>) attributes {dimension_semantics = [#tpu.dimension_semantics<arbitrary>], iteration_bounds = array<i64: 5>, scalar_prefetch = 0 : i64, scratch_operands = 0 : i64, tpu.core_type = #tpu.core_type<tc>, window_params = [{transform_indices = @transform_0, window_bounds = array<i64: 1, 5>}, {transform_indices = @transform_1, window_bounds = array<i64: 2000, 128>}, {transform_indices = @transform_2, window_bounds = array<i64: 1, 2000, 128>}, {transform_indices = @transform_3, window_bounds = array<i64: 1, 2000, 128>}, {transform_indices = @transform_4, window_bounds = array<i64: 1, 2000, 128>}, {transform_indices = @transform_5, window_bounds = array<i64: 1, 2000, 128>}, {transform_indices = @transform_6, window_bounds = array<i64: 2000, 128>}]} {
    %get3A = arith.constant 0 : index
    %get3A_0 = arith.constant 0 : index
    %get3A_1 = memref.load %arg1[%get3A, %get3A_0] : memref<1x5xf32, #tpu.memory_space<smem>>
    %get3A_2 = arith.constant 0 : index
    %get3A_3 = arith.constant 0 : index
    %get3A_4 = vector.load %arg2[%get3A_2, %get3A_3] : memref<2000x128xf32, #tpu.memory_space<vmem>>, vector<2000x128xf32>
    %mul3A = vector.broadcast %get3A_1 : f32 to vector<2000x128xf32>
    %mul3A_5 = arith.mulf %mul3A, %get3A_4 : vector<2000x128xf32>
    %get3A_6 = arith.constant 0 : index
    %get3A_7 = arith.constant 1 : index
    %get3A_8 = memref.load %arg1[%get3A_6, %get3A_7] : memref<1x5xf32, #tpu.memory_space<smem>>
    %get3A_9 = arith.constant 0 : index
    %get3A_10 = arith.constant 0 : index
    %get3A_11 = arith.constant 0 : index
    %get3A_12 = vector.load %arg3[%get3A_9, %get3A_10, %get3A_11] : memref<1x2000x128xf32, #tpu.memory_space<vmem>>, vector<1x2000x128xf32>
    %get3A_13 = vector.shape_cast %get3A_12 : vector<1x2000x128xf32> to vector<2000x128xf32>
    %mul3A_14 = vector.broadcast %get3A_8 : f32 to vector<2000x128xf32>
    %mul3A_15 = arith.mulf %mul3A_14, %get3A_13 : vector<2000x128xf32>
    %add3A = arith.addf %mul3A_5, %mul3A_15 : vector<2000x128xf32>
    %get3A_16 = arith.constant 0 : index
    %get3A_17 = arith.constant 2 : index
    %get3A_18 = memref.load %arg1[%get3A_16, %get3A_17] : memref<1x5xf32, #tpu.memory_space<smem>>
    %get3A_19 = arith.constant 0 : index
    %get3A_20 = arith.constant 0 : index
    %get3A_21 = arith.constant 0 : index
    %get3A_22 = vector.load %arg4[%get3A_19, %get3A_20, %get3A_21] : memref<1x2000x128xf32, #tpu.memory_space<vmem>>, vector<1x2000x128xf32>
    %get3A_23 = vector.shape_cast %get3A_22 : vector<1x2000x128xf32> to vector<2000x128xf32>
    %mul3A_24 = vector.broadcast %get3A_18 : f32 to vector<2000x128xf32>
    %mul3A_25 = arith.mulf %mul3A_24, %get3A_23 : vector<2000x128xf32>
    %add3A_26 = arith.addf %add3A, %mul3A_25 : vector<2000x128xf32>
    %get3A_27 = arith.constant 0 : index
    %get3A_28 = arith.constant 3 : index
    %get3A_29 = memref.load %arg1[%get3A_27, %get3A_28] : memref<1x5xf32, #tpu.memory_space<smem>>
    %get3A_30 = arith.constant 0 : index
    %get3A_31 = arith.constant 0 : index
    %get3A_32 = arith.constant 0 : index
    %get3A_33 = vector.load %arg5[%get3A_30, %get3A_31, %get3A_32] : memref<1x2000x128xf32, #tpu.memory_space<vmem>>, vector<1x2000x128xf32>
    %get3A_34 = vector.shape_cast %get3A_33 : vector<1x2000x128xf32> to vector<2000x128xf32>
    %mul3A_35 = vector.broadcast %get3A_29 : f32 to vector<2000x128xf32>
    %mul3A_36 = arith.mulf %mul3A_35, %get3A_34 : vector<2000x128xf32>
    %add3A_37 = arith.addf %add3A_26, %mul3A_36 : vector<2000x128xf32>
    %get3A_38 = arith.constant 0 : index
    %get3A_39 = arith.constant 4 : index
    %get3A_40 = memref.load %arg1[%get3A_38, %get3A_39] : memref<1x5xf32, #tpu.memory_space<smem>>
    %get3A_41 = arith.constant 0 : index
    %get3A_42 = arith.constant 0 : index
    %get3A_43 = arith.constant 0 : index
    %get3A_44 = vector.load %arg6[%get3A_41, %get3A_42, %get3A_43] : memref<1x2000x128xf32, #tpu.memory_space<vmem>>, vector<1x2000x128xf32>
    %get3A_45 = vector.shape_cast %get3A_44 : vector<1x2000x128xf32> to vector<2000x128xf32>
    %mul3A_46 = vector.broadcast %get3A_40 : f32 to vector<2000x128xf32>
    %mul3A_47 = arith.mulf %mul3A_46, %get3A_45 : vector<2000x128xf32>
    %add3A_48 = arith.addf %add3A_37, %mul3A_47 : vector<2000x128xf32>
    %swap3A = arith.constant 0 : index
    %swap3A_49 = arith.constant 0 : index
    %swap3A_50 = vector.load %arg7[%swap3A, %swap3A_49] : memref<2000x128xf32, #tpu.memory_space<vmem>>, vector<2000x128xf32>
    tpu.vector_store %arg7[%swap3A, %swap3A_49], %add3A_48 {strides = array<i32>} : memref<2000x128xf32, #tpu.memory_space<vmem>>, vector<2000x128xf32>,
    return
  }
  func.func @transform_0(%arg0: i32) -> (i32, i32) {
    %c0_i32 = arith.constant 0 : i32
    %c0_i32_0 = arith.constant 0 : i32
    %c0_i32_1 = arith.constant 0 : i32
    return %c0_i32, %c0_i32_0 : i32, i32
  }
  func.func @transform_1(%arg0: i32) -> (i32, i32) {
    %c0_i32 = arith.constant 0 : i32
    %c0_i32_0 = arith.constant 0 : i32
    return %arg0, %c0_i32 : i32, i32
  }
  func.func @transform_2(%arg0: i32) -> (i32, i32, i32) {
    %c0_i32 = arith.constant 0 : i32
    %c0_i32_0 = arith.constant 0 : i32
    %c0_i32_1 = arith.constant 0 : i32
    return %c0_i32, %arg0, %c0_i32_0 : i32, i32, i32
  }
  func.func @transform_3(%arg0: i32) -> (i32, i32, i32) {
    %c1_i32 = arith.constant 1 : i32
    %c0_i32 = arith.constant 0 : i32
    %c0_i32_0 = arith.constant 0 : i32
    return %c1_i32, %arg0, %c0_i32 : i32, i32, i32
  }
  func.func @transform_4(%arg0: i32) -> (i32, i32, i32) {
    %c0_i32 = arith.constant 0 : i32
    %c0_i32_0 = arith.constant 0 : i32
    %c0_i32_1 = arith.constant 0 : i32
    return %c0_i32, %arg0, %c0_i32_0 : i32, i32, i32
  }
  func.func @transform_5(%arg0: i32) -> (i32, i32, i32) {
    %c1_i32 = arith.constant 1 : i32
    %c0_i32 = arith.constant 0 : i32
    %c0_i32_0 = arith.constant 0 : i32
    return %c1_i32, %arg0, %c0_i32 : i32, i32, i32
  }
  func.func @transform_6(%arg0: i32) -> (i32, i32) {
    %c0_i32 = arith.constant 0 : i32
    %c0_i32_0 = arith.constant 0 : i32
    return %arg0, %c0_i32 : i32, i32
  }
}

module attributes {stable_mosaic.version = 14 : i64} {
  func.func @_final_body(%arg0: i32, %arg1: memref<1x5xf32, #tpu.memory_space<smem>>, %arg2: memref<128x16xf32, #tpu.memory_space<vmem>>, %arg3: memref<1x16xf32, #tpu.memory_space<vmem>>, %arg4: memref<1000x128xf32, #tpu.memory_space<vmem>>, %arg5: memref<1x1000x128xf32, #tpu.memory_space<vmem>>, %arg6: memref<1x1000x128xf32, #tpu.memory_space<vmem>>, %arg7: memref<1x1000x128xf32, #tpu.memory_space<vmem>>, %arg8: memref<1x1000x128xf32, #tpu.memory_space<vmem>>, %arg9: memref<1000x16xf32, #tpu.memory_space<vmem>>) attributes {dimension_semantics = [#tpu.dimension_semantics<arbitrary>], iteration_bounds = array<i64: 10>, scalar_prefetch = 0 : i64, scratch_operands = 0 : i64, tpu.core_type = #tpu.core_type<tc>, window_params = [{transform_indices = @transform_0, window_bounds = array<i64: 1, 5>}, {pipeline_mode = #tpu.pipeline_mode<synchronous>, transform_indices = @transform_1, window_bounds = array<i64: 128, 16>}, {pipeline_mode = #tpu.pipeline_mode<synchronous>, transform_indices = @transform_2, window_bounds = array<i64: 1, 16>}, {transform_indices = @transform_3, window_bounds = array<i64: 1000, 128>}, {transform_indices = @transform_4, window_bounds = array<i64: 1, 1000, 128>}, {transform_indices = @transform_5, window_bounds = array<i64: 1, 1000, 128>}, {transform_indices = @transform_6, window_bounds = array<i64: 1, 1000, 128>}, {transform_indices = @transform_7, window_bounds = array<i64: 1, 1000, 128>}, {transform_indices = @transform_8, window_bounds = array<i64: 1000, 16>}]} {
    %get3A = arith.constant 0 : index
    %get3A_0 = arith.constant 0 : index
    %get3A_1 = memref.load %arg1[%get3A, %get3A_0] : memref<1x5xf32, #tpu.memory_space<smem>>
    %get3A_2 = arith.constant 0 : index
    %get3A_3 = arith.constant 0 : index
    %get3A_4 = vector.load %arg4[%get3A_2, %get3A_3] : memref<1000x128xf32, #tpu.memory_space<vmem>>, vector<1000x128xf32>
    %mul3A = vector.broadcast %get3A_1 : f32 to vector<1000x128xf32>
    %mul3A_5 = arith.mulf %mul3A, %get3A_4 : vector<1000x128xf32>
    %get3A_6 = arith.constant 0 : index
    %get3A_7 = arith.constant 1 : index
    %get3A_8 = memref.load %arg1[%get3A_6, %get3A_7] : memref<1x5xf32, #tpu.memory_space<smem>>
    %get3A_9 = arith.constant 0 : index
    %get3A_10 = arith.constant 0 : index
    %get3A_11 = arith.constant 0 : index
    %get3A_12 = vector.load %arg5[%get3A_9, %get3A_10, %get3A_11] : memref<1x1000x128xf32, #tpu.memory_space<vmem>>, vector<1x1000x128xf32>
    %get3A_13 = vector.shape_cast %get3A_12 : vector<1x1000x128xf32> to vector<1000x128xf32>
    %mul3A_14 = vector.broadcast %get3A_8 : f32 to vector<1000x128xf32>
    %mul3A_15 = arith.mulf %mul3A_14, %get3A_13 : vector<1000x128xf32>
    %add3A = arith.addf %mul3A_5, %mul3A_15 : vector<1000x128xf32>
    %get3A_16 = arith.constant 0 : index
    %get3A_17 = arith.constant 2 : index
    %get3A_18 = memref.load %arg1[%get3A_16, %get3A_17] : memref<1x5xf32, #tpu.memory_space<smem>>
    %get3A_19 = arith.constant 0 : index
    %get3A_20 = arith.constant 0 : index
    %get3A_21 = arith.constant 0 : index
    %get3A_22 = vector.load %arg6[%get3A_19, %get3A_20, %get3A_21] : memref<1x1000x128xf32, #tpu.memory_space<vmem>>, vector<1x1000x128xf32>
    %get3A_23 = vector.shape_cast %get3A_22 : vector<1x1000x128xf32> to vector<1000x128xf32>
    %mul3A_24 = vector.broadcast %get3A_18 : f32 to vector<1000x128xf32>
    %mul3A_25 = arith.mulf %mul3A_24, %get3A_23 : vector<1000x128xf32>
    %add3A_26 = arith.addf %add3A, %mul3A_25 : vector<1000x128xf32>
    %get3A_27 = arith.constant 0 : index
    %get3A_28 = arith.constant 3 : index
    %get3A_29 = memref.load %arg1[%get3A_27, %get3A_28] : memref<1x5xf32, #tpu.memory_space<smem>>
    %get3A_30 = arith.constant 0 : index
    %get3A_31 = arith.constant 0 : index
    %get3A_32 = arith.constant 0 : index
    %get3A_33 = vector.load %arg7[%get3A_30, %get3A_31, %get3A_32] : memref<1x1000x128xf32, #tpu.memory_space<vmem>>, vector<1x1000x128xf32>
    %get3A_34 = vector.shape_cast %get3A_33 : vector<1x1000x128xf32> to vector<1000x128xf32>
    %mul3A_35 = vector.broadcast %get3A_29 : f32 to vector<1000x128xf32>
    %mul3A_36 = arith.mulf %mul3A_35, %get3A_34 : vector<1000x128xf32>
    %add3A_37 = arith.addf %add3A_26, %mul3A_36 : vector<1000x128xf32>
    %get3A_38 = arith.constant 0 : index
    %get3A_39 = arith.constant 4 : index
    %get3A_40 = memref.load %arg1[%get3A_38, %get3A_39] : memref<1x5xf32, #tpu.memory_space<smem>>
    %get3A_41 = arith.constant 0 : index
    %get3A_42 = arith.constant 0 : index
    %get3A_43 = arith.constant 0 : index
    %get3A_44 = vector.load %arg8[%get3A_41, %get3A_42, %get3A_43] : memref<1x1000x128xf32, #tpu.memory_space<vmem>>, vector<1x1000x128xf32>
    %get3A_45 = vector.shape_cast %get3A_44 : vector<1x1000x128xf32> to vector<1000x128xf32>
    %mul3A_46 = vector.broadcast %get3A_40 : f32 to vector<1000x128xf32>
    %mul3A_47 = arith.mulf %mul3A_46, %get3A_45 : vector<1000x128xf32>
    %add3A_48 = arith.addf %add3A_37, %mul3A_47 : vector<1000x128xf32>
    %get3A_49 = arith.constant 0 : index
    %get3A_50 = arith.constant 0 : index
    %get3A_51 = vector.load %arg2[%get3A_49, %get3A_50] : memref<128x16xf32, #tpu.memory_space<vmem>>, vector<128x16xf32>
    %dot_general3A = arith.constant dense<0.000000e+00> : vector<1000x16xf32>
    %dot_general3A_52 = tpu.matmul %add3A_48, %get3A_51, %dot_general3A {dimension_numbers = #tpu.dot_dimension_numbers<[1], [0], [0], [1], [0, 0, 1, 1], [], []>, transpose_lhs_hint = false} : vector<1000x128xf32>, vector<128x16xf32>, vector<1000x16xf32> -> vector<1000x16xf32>
    %get3A_53 = arith.constant 0 : index
    %get3A_54 = arith.constant 0 : index
    %get3A_55 = vector.load %arg3[%get3A_53, %get3A_54] : memref<1x16xf32, #tpu.memory_space<vmem>>, vector<1x16xf32>
    %add3A_56 = vector.broadcast %get3A_55 : vector<1x16xf32> to vector<1000x16xf32>
    %add3A_57 = arith.addf %dot_general3A_52, %add3A_56 : vector<1000x16xf32>
    %swap3A = arith.constant 0 : index
    %swap3A_58 = arith.constant 0 : index
    %swap3A_59 = vector.load %arg9[%swap3A, %swap3A_58] : memref<1000x16xf32, #tpu.memory_space<vmem>>, vector<1000x16xf32>
    tpu.vector_store %arg9[%swap3A, %swap3A_58], %add3A_57 {strides = array<i32>} : memref<1000x16xf32, #tpu.memory_space<vmem>>, vector<1000x16xf32>,
    return
  }
  func.func @transform_0(%arg0: i32) -> (i32, i32) {
    %c0_i32 = arith.constant 0 : i32
    %c0_i32_0 = arith.constant 0 : i32
    %c0_i32_1 = arith.constant 0 : i32
    return %c0_i32, %c0_i32_0 : i32, i32
  }
  func.func @transform_1(%arg0: i32) -> (i32, i32) {
    %c0_i32 = arith.constant 0 : i32
    %c0_i32_0 = arith.constant 0 : i32
    %c0_i32_1 = arith.constant 0 : i32
    return %c0_i32, %c0_i32_0 : i32, i32
  }
  func.func @transform_2(%arg0: i32) -> (i32, i32) {
    %c0_i32 = arith.constant 0 : i32
    %c0_i32_0 = arith.constant 0 : i32
    %c0_i32_1 = arith.constant 0 : i32
    return %c0_i32, %c0_i32_0 : i32, i32
  }
  func.func @transform_3(%arg0: i32) -> (i32, i32) {
    %c0_i32 = arith.constant 0 : i32
    %c0_i32_0 = arith.constant 0 : i32
    return %arg0, %c0_i32 : i32, i32
  }
  func.func @transform_4(%arg0: i32) -> (i32, i32, i32) {
    %c1_i32 = arith.constant 1 : i32
    %c0_i32 = arith.constant 0 : i32
    %c0_i32_0 = arith.constant 0 : i32
    return %c1_i32, %arg0, %c0_i32 : i32, i32, i32
  }
  func.func @transform_5(%arg0: i32) -> (i32, i32, i32) {
    %c0_i32 = arith.constant 0 : i32
    %c0_i32_0 = arith.constant 0 : i32
    %c0_i32_1 = arith.constant 0 : i32
    return %c0_i32, %arg0, %c0_i32_0 : i32, i32, i32
  }
  func.func @transform_6(%arg0: i32) -> (i32, i32, i32) {
    %c1_i32 = arith.constant 1 : i32
    %c0_i32 = arith.constant 0 : i32
    %c0_i32_0 = arith.constant 0 : i32
    return %c1_i32, %arg0, %c0_i32 : i32, i32, i32
  }
  func.func @transform_7(%arg0: i32) -> (i32, i32, i32) {
    %c0_i32 = arith.constant 0 : i32
    %c0_i32_0 = arith.constant 0 : i32
    %c0_i32_1 = arith.constant 0 : i32
    return %c0_i32, %arg0, %c0_i32_0 : i32, i32, i32
  }
  func.func @transform_8(%arg0: i32) -> (i32, i32) {
    %c0_i32 = arith.constant 0 : i32
    %c0_i32_0 = arith.constant 0 : i32
    return %arg0, %c0_i32 : i32, i32
  }
}

</mosaic_0001>

<sc_bundles>
// kernel: kernel.12.cloned.1.call-start
scs
__scs_entry_jumppad:
0x0: {  	(pc) =	sbr.rel $0x88, $3  }
0x1: {  	(tag) =	ssettag $0x0;
	lr =	simm.s32 $0x1  }
0x2: {  	[smem:$0x3F96] =	sst lr;
	_ =	strace $0xD0000000  }
0x3: {  	_ = 	snop  }
0x4: {  	_ = 	snop  }
0x5: {  	_ = 	snop  }
0x6: {  	_ = 	snop  }
0x7: {  	_ = 	snop  }
__scs_overlays_trampoline_lowered:
0x8: {  	[smem:$0x3FA5] =	sst s0  }
0x9: {  	[smem:$0x3FA6] =	sst s1  }
0xa: {  	[smem:$0x3FA7] =	sst s2  }
0xb: {  	[smem:$0x3FA8] =	sst s3  }
0xc: {  	[smem:$0x3FA9] =	sst s4  }
0xd: {  	[smem:$0x3FAA] =	sst s5  }
0xe: {  	[smem:$0x3FAB] =	sst s6  }
0xf: {  	[smem:$0x3FAC] =	sst s7  }
0x10: {  	[smem:$0x3FAD] =	sst s8  }
0x11: {  	[smem:$0x3FAE] =	sst s9;
	s0 =	simm.s32 @!p0 $0x0  }
0x12: {  	s1 =	sld [smem:$0x3F94];
	s0 =	simm.s32 @p0 $0x1  }
0x13: {  	[smem:$0x3FAF] =	sst s0;
	s0 =	simm.s32 @!p1 $0x0  }
0x14: {  	s2 =	sld [smem:$0x3F93];
	s0 =	simm.s32 @p1 $0x1  }
0x15: {  	[smem:$0x3FB0] =	sst s0;
	s0 =	simm.s32 @!p2 $0x0  }
0x16: {  	s3 =	sld [smem:$0x3FDB];
	s0 =	simm.s32 @p2 $0x1  }
0x17: {  	s4 =	simm.s32 $0x1BF5;
	[smem:$0x3FB2] =	sst s0  }
0x18: {  	s0 =	sld [smem:$0x3F95];
	_ =	swait.ge [sflag:s4], $0x0  }
0x19: {  	s7 =	sld [smem:$0x3F96]  }
0x1a: {  	s8 =	sadd.s32 $0xFFFFE003, lr  }
0x1b: {  	s9 =	sadd.s32 $0xFFFFFEF7, lr;
	s5 =	simm.s32 $0xFFFFFFFF;
	p2 =	slt.u32 s8, $0xFFFFF086  }
0x1c: {  	p1 =	slt.u32 s9, $0xF7A;
	s5 =	simm.s32 @!p2 $0x0  }
0x1d: {  	s5 =	simm.s32 @p1 $0x1;
	p0 =	seq.s32 s7, s2  }
0x1e: {  	s7 =	smul.u32 @!p0 $0xF7A, s2;
	p2 =	seq.s32 @!p0 s5, $0x0  }
0x1f: {  	s9 =	smul.u32 $0xF7A, s1;
	s8 =	simm.s32 @!p0 $0x1BF5;
	p2 =	por !p2, p0  }
0x20: {  	[sflag:s8] =	ssyncset.s32 @!p0 $0xFFFFF086;
	s6 =	sadd.s32 @!p0 s3, s7;
	s7 =	simm.s32 @!p0 $0x108  }
0x21: {  	s3 =	sadd.s32 s3, s9;
	s6 =	sadd.s32 @!p0 $0x88, s6;
	s7 =	simm.s32 @p2 $0x1082  }
0x22: {  	[simem:s7], [sflag:s8] =	dma.local @!p0 [hbm:s6], $0xF7A  }
0x23: {  	s9 =	sor.u32 $0xD0000000, s2;
	s6 =	simm.s32 $0x108;
	_ =	swait.ge @!p0 [sflag:s8], $0x0  }
0x24: {  	s3 =	sadd.s32 $0x88, s3;
	s6 =	simm.s32 @!p1 $0x1082;
	[sflag:s4] =	ssyncset.s32 $0xFFFFF086  }
0x25: {  	[simem:s6], [sflag:s4] =	dma.local [hbm:s3], $0xF7A  }
0x26: {  	[smem:$0x3F96] =	sst s1;
	(tag) =	ssettag s2;
	_ =	strace s9  }
0x27: {  	s1 =	sld [smem:$0x3FA6]  }
0x28: {  	s2 =	sld [smem:$0x3FA7]  }
0x29: {  	s4 =	sld [smem:$0x3FA9]  }
0x2a: {  	p0 =	seq.s32 s5, $0x0;
	s5 =	sld [smem:$0x3FAA]  }
0x2b: {  	s6 =	sld [smem:$0x3FAB]  }
0x2c: {  	s7 =	sld [smem:$0x3FAC]  }
0x2d: {  	s3 =	simm.s32 $0x108;
	s8 =	sld [smem:$0x3FAD]  }
0x2e: {  	s3 =	simm.s32 @!p0 $0x1082;
	s9 =	sld [smem:$0x3FAE]  }
0x2f: {  	lr =	sadd.s32 s0, s3;
	s0 =	sld [smem:$0x3FA5]  }
0x30: {  	s3 =	sld [smem:$0x3FA8]  }
0x31: {  	[smem:$0x3FB1] =	sst s10  }
0x32: {  	s10 =	sld [smem:$0x3FAF];
	_ =	sdelay $0x3  }
0x33: {  	p0 =	seq.s32 s10, $0x1;
	s10 =	sld [smem:$0x3FB1];
	_ =	sdelay $0x3  }
0x34: {  	[smem:$0x3FB1] =	sst s10  }
0x35: {  	s10 =	sld [smem:$0x3FB0];
	_ =	sdelay $0x3  }
0x36: {  	p1 =	seq.s32 s10, $0x1;
	s10 =	sld [smem:$0x3FB1];
	_ =	sdelay $0x3  }
0x37: {  	[smem:$0x3FB1] =	sst s10  }
0x38: {  	s10 =	sld [smem:$0x3FB2]  }
0x39: {  	_ = 	snop;
	(pc) =	sbr.ind lr, $3  }
0x3a: {  	_ = 	snop  }
0x3b: {  	_ = 	snop  }
0x3c: {  	p2 =	seq.s32 s10, $0x1;
	s10 =	sld [smem:$0x3FB1]  }
0x3d: {  	_ =	shalt  }
0x3e: {  	_ =	shalt  }
0x3f: {  	_ =	shalt  }
0x40: {  	_ =	shalt  }
0x41: {  	_ =	shalt  }
0x42: {  	_ =	shalt  }
0x43: {  	_ =	shalt  }
0x44: {  	_ =	shalt  }
0x45: {  	_ =	shalt  }
0x46: {  	_ =	shalt  }
0x47: {  	_ =	shalt  }
0x48: {  	_ =	shalt  }
0x49: {  	_ =	shalt  }
0x4a: {  	_ =	shalt  }
0x4b: {  	_ =	shalt  }
0x4c: {  	_ =	shalt  }
0x4d: {  	_ =	shalt  }
0x4e: {  	_ =	shalt  }
0x4f: {  	_ =	shalt  }
0x50: {  	_ =	shalt  }
0x51: {  	_ =	shalt  }
0x52: {  	_ =	shalt  }
0x53: {  	_ =	shalt  }
0x54: {  	_ =	shalt  }
0x55: {  	_ =	shalt  }
0x56: {  	_ =	shalt  }
0x57: {  	_ =	shalt  }
0x58: {  	_ =	shalt  }
0x59: {  	_ =	shalt  }
0x5a: {  	_ =	shalt  }
0x5b: {  	_ =	shalt  }
0x5c: {  	_ =	shalt  }
0x5d: {  	_ =	shalt  }
0x5e: {  	_ =	shalt  }
0x5f: {  	_ =	shalt  }
0x60: {  	_ =	shalt  }
0x61: {  	_ =	shalt  }
0x62: {  	_ =	shalt  }
0x63: {  	_ =	shalt  }
0x64: {  	_ =	shalt  }
0x65: {  	_ =	shalt  }
0x66: {  	_ =	shalt  }
0x67: {  	_ =	shalt  }
0x68: {  	_ =	shalt  }
0x69: {  	_ =	shalt  }
0x6a: {  	_ =	shalt  }
0x6b: {  	_ =	shalt  }
0x6c: {  	_ =	shalt  }
0x6d: {  	_ =	shalt  }
0x6e: {  	_ =	shalt  }
0x6f: {  	_ =	shalt  }
0x70: {  	_ =	shalt  }
0x71: {  	_ =	shalt  }
0x72: {  	_ =	shalt  }
0x73: {  	_ =	shalt  }
0x74: {  	_ =	shalt  }
0x75: {  	_ =	shalt  }
0x76: {  	_ =	shalt  }
0x77: {  	_ =	shalt  }
0x78: {  	_ =	shalt  }
0x79: {  	_ =	shalt  }
0x7a: {  	_ =	shalt  }
0x7b: {  	_ =	shalt  }
0x7c: {  	_ =	shalt  }
0x7d: {  	_ =	shalt  }
0x7e: {  	_ =	shalt  }
0x7f: {  	_ =	shalt  }
0x80: {  	_ =	shalt  }
0x81: {  	_ =	shalt  }
0x82: {  	_ =	shalt  }
0x83: {  	_ =	shalt  }
0x84: {  	_ =	shalt  }
0x85: {  	_ =	shalt  }
0x86: {  	_ =	shalt  }
0x87: {  	_ =	shalt  }
.Lfunc_end0:
.L_simem_size_0:
called_computation.1_lowered:
.L_overlay_start_0:
0x88: {  	s2 =	sld [smem:$0x3FD9]  }
0x89: {  	s3 =	sld [smem:$0x3FFE];
	_ =	sdelay $0x1  }
0x8a: {  	s1 =	srdreg.scid  }
0x8b: {  	s0 =	sand.u32 $0x1, s1  }
0x8c: {  	s16 =	sshll.u32 s0, $0xA;
	s2 =	sadd.s32 s3, s2  }
0x8d: {  	s2 =	sadd.s32 s2, s16  }
0x8e: {  	[smem:$0x3FBD] =	sst s2  }
0x8f: {  	_ = 	snop  }
0x90: {  	(tm) =	ssettm $0x1  }
0x91: {  	s17 =	sld [smem:$0x3FFB];
	_ =	sdelay $0x3  }
0x92: {  	_ =	strace s17  }
0x93: {  	s2 =	sld [smem:$0x3FFC];
	_ =	sdelay $0x3  }
0x94: {  	_ =	strace s2  }
0x95: {  	s2 =	sld [smem:$0x3FFD];
	_ =	sdelay $0x3  }
0x96: {  	_ =	strace s2  }
0x97: {  	_ =	strace $0x8FFFFFFF  }
0x98: {  	s18 =	sld [smem:$0x3FDB];
	_ =	sdelay $0x1  }
0x99: {  	s19 =	simm.s32 $_scs_section_size  }
0x9a: {  	s4 =	simm.s32 $_size__tile_overlayer_lowered;
	s5 =	simm.s32 $_tile_overlayer_lowered  }
0x9b: {  	s22 =	simm.s32 $0x1BFF;
	s21 =	sshll.u32 s5, $0x1;
	s2 =	sadd.s32 s19, s18  }
0x9c: {  	s6 =	simm.s32 $0x0;
	s20 =	sshll.u32 s4, $0x1;
	s4 =	sadd.s32 s21, s2  }
0x9d: {  	[timem:s6], [sflag:s22] =	dma.local [hbm:s4], s20  }
0x9e: {  	_ =	swait.ge [sflag:s22], s20  }
0x9f: {  	s3 =	ssub.s32 $0x0, s20;
	[sflag:s22] =	ssyncset.done $0x0  }
0xa0: {  	[sflag:s22] =	ssyncadd.s32 s3;
	_ =	sdelay $0x1  }
0xa1: {  	s23 =	simm.s32 $0x1B8B  }
0xa2: {  	_ =	swait.ge [sflag:s23], $0x1  }
0xa3: {  	[sflag:s23] =	ssyncset.done $0x0  }
0xa4: {  	s25 =	simm.s32 $0x1B8E;
	s24 =	sld [smem:$0x3FFE];
	[sflag:s23] =	ssyncadd.s32 $0xFFFFFFFF  }
0xa5: {  	s26 =	simm.s32 $execute0_lowered;
	[smem:$0x3FD2] =	sst s25  }
0xa6: {  	s4 =	sshll.u32 s26, $0x1;
	_ =	strace $0x80000049;
	[dreg:$0x1] =	wrdreg $0xFFFFFFFF  }
0xa7: {  	s28 =	simm.s32 $_size_execute0_lowered;
	s2 =	sadd.s32 s2, s4;
	[dreg:$0x0] =	wrdreg $0x0  }
0xa8: {  	s4 =	sshll.u32 s28, $0x1;
	[dreg:$0x2] =	wrdreg s2  }
0xa9: {  	[dreg:$0x3] =	wrdreg s4  }
0xaa: {  	[dreg:$0x4] =	wrdreg $0xC0  }
0xab: {  	_ =	task [dreg:s6], $0x5FFFF  }
0xac: {  	[dreg:$0x1] =	wrdreg $0xFFFFFFFF  }
0xad: {  	[dreg:$0x0] =	wrdreg $0x60  }
0xae: {  	[dreg:$0x2] =	wrdreg s24  }
0xaf: {  	[dreg:$0x3] =	wrdreg $0xC0000  }
0xb0: {  	[dreg:$0x4] =	wrdreg $0x9  }
0xb1: {  	_ =	task.clear_ibuf [dreg:s6], $0x5FFFF;
	_ =	strace $0x90000049  }
0xb2: {  	s29 =	simm.s32 $0x9;
	_ =	strace $0x8000004B  }
0xb3: {  	_ =	swait.ge [sflag:s29], $0x1  }
0xb4: {  	[sflag:s29] =	ssyncadd.s32 $0xFFFFFFFF  }
0xb5: {  	_ =	strace $0x9000004B  }
0xb6: {  	_ =	sfence  }
0xb7: {  	s30 =	sld [smem:$0x0];
	_ =	sdelay $0x2  }
0xb8: {  	s31 =	sshll.u32 s1, $0xD;
	s1 =	sshrl.u32 s1, $0x2  }
0xb9: {  	s3 =	sand.u32 $0x4000, s31;
	s1 =	sadd.s32 s1, s30  }
0xba: {  	s0 =	sor.u32 s3, s0;
	s1 =	sshll.u32 s1, $0x11  }
0xbb: {  	s0 =	sor.u32 s1, s0  }
0xbc: {  	s0 =	sadd.s32 $0x8F2B, s0  }
0xbd: {  	[sflag:s0] =	ssyncadd.remote.s32 $0x1  }
0xbe: {  	_ =	sfence.sel $0xFFFF  }
0xbf: {  	[dreg:$0x0] =	wrdreg $0xFFFFFFFF;
	(pc) =	sbr.abs _section_cstart, $3  }
0xc0: {  	[dreg:$0x1] =	wrdreg $0xFFFFFFFF  }
0xc1: {  	_ =	task.clear_ibuf [dreg:s6], $0x2FFFF;
	_ =	strace $0x9FFFFFFF  }
0xc2: {  	(tm) =	ssettm $0x7FFFFFFF  }
0xc3: {  	_ =	shalt  }
tec
execute0_lowered:
.L_overlay_start_1:
0x0: {  	(tag) =	ssettag $0x1  }
0x1: {  	s0 =	rddreg [dreg:$0x0]  }
0x2: {  	s2 =	rddreg [dreg:$0x1];
	s3 =	simm.s32 $0x0;
	s11 =	stileid.u32  }
0x3: {  	s1 =	srdreg.scid;
	s16 =	simm.s32 $0x4000;
	s17 =	simm.s32 $0x5  }
0x4: {  	s18 =	simm.s32 $0x2000;
	s19 =	simm.s32 $0x40;
	s20 =	simm.s32 $0x2040  }
0x5: {  	s21 =	simm.s32 $0x6000;
	s28 =	simm.s32 $0x2;
	s29 =	simm.s32 $0x80  }
0x6: {  	s30 =	simm.s32 $0x3;
	s31 =	simm.s32 $0x4;
	s5 =	smul.u32 $0x2800, s11  }
0x7: {  	[smem:$0x7FF] =	sst s3;
	s1 =	sand.u32 $0x1, s1;
	s6 =	smul.u32 $0x50000, s11  }
0x8: {  	s4 =	sadd.s32 $0x9D600, s0;
	s7 =	sadd.s32 $0x2D600, s0;
	s13 =	sadd.s32 $0x3D600, s0  }
0x9: {  	s25 =	sshll.u32 s11, $0xB;
	_ =	strace $0x8000004A;
	s8 =	smul.u32 $0x28000, s1  }
0xa: {  	s9 =	ssub.s32 $0x2, s1;
	s1 =	sshll.u32 s1, $0xF;
	s6 =	sshrl.u32 s6, $0x2  }
0xb: {  	s10 =	sshrl.u32 s9, $0x1;
	s1 =	sor.u32 s25, s1;
	s25 =	simm.s32 $0xA000  }
0xc: {  	s8 =	sadd.s32 s5, s8;
	s5 =	sadd.s32 s6, s2;
	s22 =	ssub.s32 s9, s10  }
0xd: {  	s10 =	sadd.s32 s7, s1;
	s11 =	sadd.s32 s13, s1;
	s1 =	sor.u32 $0x400, s1  }
0xe: {  	s0 =	sadd.s32 s8, s0;
	s23 =	sadd.s32 $0x4000, s5;
	s24 =	sadd.s32 $0x8000, s5  }
0xf: {  	s26 =	sadd.s32 $0xC000, s5;
	s9 =	sadd.s32 $0x10000, s5;
	s12 =	sadd.s32 s7, s1  }
0x10: {  	s13 =	sadd.s32 s13, s1;
	s15 =	smax.u32 s22, $0x1;
	[dreg:$0x3] =	wrdreg s23  }
0x11: {  	s22 =	simm.s32 $0x2080;
	s1 =	simm.s32 $0x1F80;
	[dreg:$0x4] =	wrdreg s24  }
0x12: {  	[dreg:$0x5] =	wrdreg s26;
	s14 =	sadd.s32 $0xC5600, s0;
	s23 =	simm.s32 $0x8000  }
0x13: {  	v0 =	vimm.f32 $0.0e+00;
	s24 =	simm.s32 $0x20C0;
	s26 =	simm.s32 $0x1;
	s0 =	simm.s32 $0x1F00  }
.LBB2_1:
0x14: {  	s6 =	simm.s32 $0x0;
	s7 =	simm.s32 $0x200  }
.LBB2_2:
0x15: {  	p0 =	sne.s32 s7, $0xFE00;
	[tilespmem:s6+$0x4070] =	vst v0  }
0x16: {  	[tilespmem:s6+$0x4000] =	vst v0  }
0x17: {  	[tilespmem:s6+$0x4010] =	vst v0  }
.Ltmp0:
0x18: {  	[tilespmem:s6+$0x4020] =	vst v0;
	(pc) =	sbr.rel @p0 .LBB2_2-.Ltmp0, $4  }
0x19: {  	[tilespmem:s6+$0x4030] =	vst v0  }
0x1a: {  	[tilespmem:s6+$0x4040] =	vst v0  }
0x1b: {  	[tilespmem:s6+$0x4050] =	vst v0  }
0x1c: {  	[tilespmem:s6+$0x4060] =	vst v0;
	s6 =	sshra.s32 s7, $0x2;
	s7 =	sadd.s32 $0x200, s7  }
0x1d: {  	[tilespmem:s6+$0x4070] =	vst v0  }
0x1e: {  	[tilespmem:s6+$0x4000] =	vst v0  }
0x1f: {  	[tilespmem:s6+$0x4010] =	vst v0  }
0x20: {  	[tilespmem:s6+$0x4020] =	vst v0  }
0x21: {  	[tilespmem:s6+$0x4030] =	vst v0  }
0x22: {  	[tilespmem:s6+$0x4040] =	vst v0  }
0x23: {  	[tilespmem:s6+$0x4050] =	vst v0  }
0x24: {  	[tilespmem:s6+$0x4060] =	vst v0  }
0x25: {  	[spmem:s5] =	stream.linear.scatter [tilespmem:s16], [sflag:$0x5], $0x4000, $0x38;
	v63 =	vld [tilespmem:$0x0]  }
0x26: {  	_ =	swait.ge [sflag:s17], $0x4000  }
0x27: {  	[sflag:s17] =	ssyncset.done $0x0  }
0x28: {  	s8 =	rddreg [dreg:$0x3];
	[sflag:s17] =	ssyncadd.s32 $0xFFFFC000  }
0x29: {  	[spmem:s8] =	stream.linear.scatter [tilespmem:s16], [sflag:$0x5], $0x4000, $0x38;
	v63 =	vld [tilespmem:$0x0]  }
0x2a: {  	_ =	swait.ge [sflag:s17], $0x4000  }
0x2b: {  	[sflag:s17] =	ssyncset.done $0x0  }
0x2c: {  	s7 =	rddreg [dreg:$0x4];
	[sflag:s17] =	ssyncadd.s32 $0xFFFFC000  }
0x2d: {  	[spmem:s7] =	stream.linear.scatter [tilespmem:s16], [sflag:$0x5], $0x4000, $0x38;
	v63 =	vld [tilespmem:$0x0]  }
0x2e: {  	_ =	swait.ge [sflag:s17], $0x4000  }
0x2f: {  	[sflag:s17] =	ssyncset.done $0x0  }
0x30: {  	s8 =	rddreg [dreg:$0x5];
	[sflag:s17] =	ssyncadd.s32 $0xFFFFC000  }
0x31: {  	[spmem:s8] =	stream.linear.scatter [tilespmem:s16], [sflag:$0x5], $0x4000, $0x38;
	v63 =	vld [tilespmem:$0x0]  }
0x32: {  	_ =	swait.ge [sflag:s17], $0x4000  }
0x33: {  	[sflag:s17] =	ssyncset.done $0x0  }
0x34: {  	[sflag:s17] =	ssyncadd.s32 $0xFFFFC000  }
0x35: {  	[spmem:s9] =	stream.linear.scatter [tilespmem:s16], [sflag:$0x5], $0x4000, $0x38;
	v63 =	vld [tilespmem:$0x0]  }
0x36: {  	_ =	swait.ge [sflag:s17], $0x4000  }
0x37: {  	[sflag:s17] =	ssyncset.done $0x0  }
0x38: {  	[sflag:s17] =	ssyncadd.s32 $0xFFFFC000  }
0x39: {  	s7 =	simm.s32 $0x0;
	[bflag:$0x0] =	sbarrier.arrive $0xFFFF  }
0x3a: {  	[tilespmem:s7], [sflag:$0x5] =	stream.linear.gather [hbm4b:s10+s7], $0x2000, $0x38;
	v63 =	vld [tilespmem:$0x0]  }
0x3b: {  	_ =	swait.ge [sflag:s17], $0x2000  }
0x3c: {  	[sflag:s17] =	ssyncset.done $0x0  }
0x3d: {  	[sflag:s17] =	ssyncadd.s32 $0xFFFFE000  }
0x3e: {  	[tilespmem:s18], [sflag:$0x5] =	stream.linear.gather [hbm4b:s11+s7], $0x2000, $0x38;
	v63 =	vld [tilespmem:$0x0]  }
0x3f: {  	_ =	swait.ge [sflag:s17], $0x2000  }
0x40: {  	[sflag:s17] =	ssyncset.done $0x0  }
0x41: {  	[sflag:s17] =	ssyncadd.s32 $0xFFFFE000  }
0x42: {  	[tilespmem:s16], [sflag:$0x1] =	stream.indirect.gather [hbm4b:s4+s19], $0x80, s18, s19, $0xb8;
	v63 =	vld [tilespmem:$0x0]  }
0x43: {  	_ = 	snop  }
0x44: {  	[tilespmem:s21], [sflag:$0x2] =	stream.indirect.gather [hbm4b:s4+s19], $0x80, s20, s19, $0xb8;
	v63 =	vld [tilespmem:$0x0]  }
0x45: {  	_ = 	snop  }
0x46: {  	[tilespmem:s23], [sflag:$0x3] =	stream.indirect.gather [hbm4b:s4+s19], $0x80, s22, s19, $0xb8;
	v63 =	vld [tilespmem:$0x0]  }
0x47: {  	_ = 	snop  }
0x48: {  	[tilespmem:s25], [sflag:$0x4] =	stream.indirect.gather [hbm4b:s4+s19], $0x80, s24, s19, $0xb8;
	v63 =	vld [tilespmem:$0x0]  }
0x49: {  	_ =	swait.ge [sflag:s26], $0x2000  }
0x4a: {  	[sflag:s26] =	ssyncset.done $0x0  }
0x4b: {  	[sflag:s26] =	ssyncadd.s32 $0xFFFFE000  }
0x4c: {  	_ =	swait.ge [sflag:s28], $0x2000  }
0x4d: {  	[sflag:s28] =	ssyncset.done $0x0  }
0x4e: {  	s8 =	simm.s32 $0x0;
	[sflag:s28] =	ssyncadd.s32 $0xFFFFE000  }
0x4f: {  	[spmem:s2] =	stream.indirect.scatter.add.f32 [tilespmem:s16], [sflag:$0x5], $0x80, s8, s29, $0xb8;
	v63 =	vld [tilespmem:$0x0]  }
0x50: {  	_ =	swait.ge [sflag:s17], $0x4000  }
0x51: {  	[sflag:s17] =	ssyncset.done $0x0  }
0x52: {  	s7 =	simm.s32 $0x2100;
	[sflag:s17] =	ssyncadd.s32 $0xFFFFC000  }
0x53: {  	[tilespmem:s16], [sflag:$0x1] =	stream.indirect.gather [hbm4b:s4+s19], $0x80, s7, s19, $0xb8;
	v63 =	vld [tilespmem:$0x0]  }
0x54: {  	s8 =	simm.s32 $0x2140  }
0x55: {  	[tilespmem:s21], [sflag:$0x2] =	stream.indirect.gather [hbm4b:s4+s19], $0x80, s8, s19, $0xb8;
	v63 =	vld [tilespmem:$0x0]  }
0x56: {  	_ =	swait.ge [sflag:s30], $0x2000  }
0x57: {  	[sflag:s30] =	ssyncset.done $0x0  }
0x58: {  	[sflag:s30] =	ssyncadd.s32 $0xFFFFE000  }
0x59: {  	_ =	swait.ge [sflag:s31], $0x2000  }
0x5a: {  	[sflag:s31] =	ssyncset.done $0x0  }
0x5b: {  	s7 =	simm.s32 $0x80;
	[sflag:s31] =	ssyncadd.s32 $0xFFFFE000  }
0x5c: {  	[spmem:s2] =	stream.indirect.scatter.add.f32 [tilespmem:s23], [sflag:$0x5], $0x80, s7, s29, $0xb8;
	v63 =	vld [tilespmem:$0x0]  }
0x5d: {  	_ =	swait.ge [sflag:s17], $0x4000  }
0x5e: {  	s6 =	simm.s32 $0x400;
	[sflag:s17] =	ssyncset.done $0x0  }
0x5f: {  	s8 =	simm.s32 $0x2180;
	s7 =	simm.s32 $0x21C0;
	[sflag:s17] =	ssyncadd.s32 $0xFFFFC000  }
0x60: {  	[tilespmem:s23], [sflag:$0x3] =	stream.indirect.gather [hbm4b:s4+s19], $0x80, s8, s19, $0xb8;
	v63 =	vld [tilespmem:$0x0]  }
.LBB2_4:
0x61: {  	[tilespmem:s25], [sflag:$0x4] =	stream.indirect.gather [hbm4b:s4+s19], $0x80, s7, s19, $0xb8;
	v63 =	vld [tilespmem:$0x0]  }
0x62: {  	s7 =	smov.u32 s6  }
0x63: {  	p0 =	sne.s32 s6, $0x7800;
	s6 =	sadd.s32 $0x400, s6;
	_ =	swait.ge [sflag:s26], $0x2000  }
0x64: {  	[sflag:s26] =	ssyncset.done $0x0  }
0x65: {  	[sflag:s26] =	ssyncadd.s32 $0xFFFFE000  }
0x66: {  	_ =	swait.ge [sflag:s28], $0x2000  }
0x67: {  	[sflag:s28] =	ssyncset.done $0x0  }
0x68: {  	s7 =	sshra.s32 s7, $0x2;
	[sflag:s28] =	ssyncadd.s32 $0xFFFFE000  }
0x69: {  	[spmem:s2] =	stream.indirect.scatter.add.f32 [tilespmem:s16], [sflag:$0x5], $0x80, s7, s29, $0xb8;
	v63 =	vld [tilespmem:$0x0]  }
0x6a: {  	_ =	swait.ge [sflag:s17], $0x4000  }
0x6b: {  	[sflag:s17] =	ssyncset.done $0x0  }
0x6c: {  	s8 =	sadd.s32 $0x2100, s7;
	[sflag:s17] =	ssyncadd.s32 $0xFFFFC000  }
0x6d: {  	[tilespmem:s16], [sflag:$0x1] =	stream.indirect.gather [hbm4b:s4+s19], $0x80, s8, s19, $0xb8;
	v63 =	vld [tilespmem:$0x0]  }
0x6e: {  	s8 =	sadd.s32 $0x2140, s7  }
0x6f: {  	[tilespmem:s21], [sflag:$0x2] =	stream.indirect.gather [hbm4b:s4+s19], $0x80, s8, s19, $0xb8;
	v63 =	vld [tilespmem:$0x0]  }
0x70: {  	_ =	swait.ge [sflag:s30], $0x2000  }
0x71: {  	[sflag:s30] =	ssyncset.done $0x0  }
0x72: {  	[sflag:s30] =	ssyncadd.s32 $0xFFFFE000  }
0x73: {  	_ =	swait.ge [sflag:s31], $0x2000  }
0x74: {  	[sflag:s31] =	ssyncset.done $0x0  }
0x75: {  	s8 =	sadd.s32 $0x80, s7;
	[sflag:s31] =	ssyncadd.s32 $0xFFFFE000  }
0x76: {  	[spmem:s2] =	stream.indirect.scatter.add.f32 [tilespmem:s23], [sflag:$0x5], $0x80, s8, s29, $0xb8;
	v63 =	vld [tilespmem:$0x0]  }
.Ltmp1:
0x77: {  	_ =	swait.ge [sflag:s17], $0x4000;
	(pc) =	sbr.rel @p0 .LBB2_4-.Ltmp1, $4  }
0x78: {  	[sflag:s17] =	ssyncset.done $0x0  }
0x79: {  	s8 =	sadd.s32 $0x2180, s7;
	[sflag:s17] =	ssyncadd.s32 $0xFFFFC000  }
0x7a: {  	[tilespmem:s23], [sflag:$0x3] =	stream.indirect.gather [hbm4b:s4+s19], $0x80, s8, s19, $0xb8;
	v63 =	vld [tilespmem:$0x0]  }
0x7b: {  	s7 =	sadd.s32 $0x21C0, s7  }
0x7c: {  	[tilespmem:s25], [sflag:$0x4] =	stream.indirect.gather [hbm4b:s4+s19], $0x80, s7, s19, $0xb8;
	v63 =	vld [tilespmem:$0x0]  }
0x7d: {  	_ =	swait.ge [sflag:s26], $0x2000  }
0x7e: {  	[sflag:s26] =	ssyncset.done $0x0  }
0x7f: {  	[sflag:s26] =	ssyncadd.s32 $0xFFFFE000  }
0x80: {  	_ =	swait.ge [sflag:s28], $0x2000  }
0x81: {  	[sflag:s28] =	ssyncset.done $0x0  }
0x82: {  	[sflag:s28] =	ssyncadd.s32 $0xFFFFE000  }
0x83: {  	[spmem:s2] =	stream.indirect.scatter.add.f32 [tilespmem:s16], [sflag:$0x5], $0x80, s0, s29, $0xb8;
	v63 =	vld [tilespmem:$0x0]  }
0x84: {  	_ =	swait.ge [sflag:s17], $0x4000  }
0x85: {  	[sflag:s17] =	ssyncset.done $0x0  }
0x86: {  	[sflag:s17] =	ssyncadd.s32 $0xFFFFC000  }
0x87: {  	_ =	swait.ge [sflag:s30], $0x2000  }
0x88: {  	[sflag:s30] =	ssyncset.done $0x0  }
0x89: {  	[sflag:s30] =	ssyncadd.s32 $0xFFFFE000  }
0x8a: {  	_ =	swait.ge [sflag:s31], $0x2000  }
0x8b: {  	[sflag:s31] =	ssyncset.done $0x0  }
0x8c: {  	[sflag:s31] =	ssyncadd.s32 $0xFFFFE000  }
0x8d: {  	[spmem:s2] =	stream.indirect.scatter.add.f32 [tilespmem:s23], [sflag:$0x5], $0x80, s1, s29, $0xb8;
	v63 =	vld [tilespmem:$0x0]  }
0x8e: {  	_ =	swait.ge [sflag:s17], $0x4000  }
0x8f: {  	[sflag:s17] =	ssyncset.done $0x0  }
0x90: {  	s6 =	simm.s32 $0x0;
	[sflag:s17] =	ssyncadd.s32 $0xFFFFC000  }
0x91: {  	[tilespmem:s6], [sflag:$0x5] =	stream.linear.gather [hbm4b:s12+s6], $0x2000, $0x38;
	v63 =	vld [tilespmem:$0x0]  }
0x92: {  	_ =	swait.ge [sflag:s17], $0x2000  }
0x93: {  	[sflag:s17] =	ssyncset.done $0x0  }
0x94: {  	[sflag:s17] =	ssyncadd.s32 $0xFFFFE000  }
0x95: {  	[tilespmem:s18], [sflag:$0x5] =	stream.linear.gather [hbm4b:s13+s6], $0x2000, $0x38;
	v63 =	vld [tilespmem:$0x0]  }
0x96: {  	_ =	swait.ge [sflag:s17], $0x2000  }
0x97: {  	[sflag:s17] =	ssyncset.done $0x0  }
0x98: {  	[sflag:s17] =	ssyncadd.s32 $0xFFFFE000  }
0x99: {  	[tilespmem:s16], [sflag:$0x1] =	stream.indirect.gather [hbm4b:s4+s19], $0x80, s18, s19, $0xb8;
	v63 =	vld [tilespmem:$0x0]  }
0x9a: {  	_ = 	snop  }
0x9b: {  	[tilespmem:s21], [sflag:$0x2] =	stream.indirect.gather [hbm4b:s4+s19], $0x80, s20, s19, $0xb8;
	v63 =	vld [tilespmem:$0x0]  }
0x9c: {  	_ = 	snop  }
0x9d: {  	[tilespmem:s23], [sflag:$0x3] =	stream.indirect.gather [hbm4b:s4+s19], $0x80, s22, s19, $0xb8;
	v63 =	vld [tilespmem:$0x0]  }
0x9e: {  	_ = 	snop  }
0x9f: {  	[tilespmem:s25], [sflag:$0x4] =	stream.indirect.gather [hbm4b:s4+s19], $0x80, s24, s19, $0xb8;
	v63 =	vld [tilespmem:$0x0]  }
0xa0: {  	_ =	swait.ge [sflag:s26], $0x2000  }
0xa1: {  	[sflag:s26] =	ssyncset.done $0x0  }
0xa2: {  	[sflag:s26] =	ssyncadd.s32 $0xFFFFE000  }
0xa3: {  	_ =	swait.ge [sflag:s28], $0x2000  }
0xa4: {  	[sflag:s28] =	ssyncset.done $0x0  }
0xa5: {  	s8 =	simm.s32 $0x0;
	[sflag:s28] =	ssyncadd.s32 $0xFFFFE000  }
0xa6: {  	[spmem:s2] =	stream.indirect.scatter.add.f32 [tilespmem:s16], [sflag:$0x5], $0x80, s8, s29, $0xb8;
	v63 =	vld [tilespmem:$0x0]  }
0xa7: {  	_ =	swait.ge [sflag:s17], $0x4000  }
0xa8: {  	[sflag:s17] =	ssyncset.done $0x0  }
0xa9: {  	s7 =	simm.s32 $0x2100;
	[sflag:s17] =	ssyncadd.s32 $0xFFFFC000  }
0xaa: {  	[tilespmem:s16], [sflag:$0x1] =	stream.indirect.gather [hbm4b:s4+s19], $0x80, s7, s19, $0xb8;
	v63 =	vld [tilespmem:$0x0]  }
0xab: {  	s8 =	simm.s32 $0x2140  }
0xac: {  	[tilespmem:s21], [sflag:$0x2] =	stream.indirect.gather [hbm4b:s4+s19], $0x80, s8, s19, $0xb8;
	v63 =	vld [tilespmem:$0x0]  }
0xad: {  	_ =	swait.ge [sflag:s30], $0x2000  }
0xae: {  	[sflag:s30] =	ssyncset.done $0x0  }
0xaf: {  	[sflag:s30] =	ssyncadd.s32 $0xFFFFE000  }
0xb0: {  	_ =	swait.ge [sflag:s31], $0x2000  }
0xb1: {  	[sflag:s31] =	ssyncset.done $0x0  }
0xb2: {  	s7 =	simm.s32 $0x80;
	[sflag:s31] =	ssyncadd.s32 $0xFFFFE000  }
0xb3: {  	[spmem:s2] =	stream.indirect.scatter.add.f32 [tilespmem:s23], [sflag:$0x5], $0x80, s7, s29, $0xb8;
	v63 =	vld [tilespmem:$0x0]  }
0xb4: {  	_ =	swait.ge [sflag:s17], $0x4000  }
0xb5: {  	s6 =	simm.s32 $0x400;
	[sflag:s17] =	ssyncset.done $0x0  }
0xb6: {  	s8 =	simm.s32 $0x2180;
	s7 =	simm.s32 $0x21C0;
	[sflag:s17] =	ssyncadd.s32 $0xFFFFC000  }
0xb7: {  	[tilespmem:s23], [sflag:$0x3] =	stream.indirect.gather [hbm4b:s4+s19], $0x80, s8, s19, $0xb8;
	v63 =	vld [tilespmem:$0x0]  }
.LBB2_6:
0xb8: {  	[tilespmem:s25], [sflag:$0x4] =	stream.indirect.gather [hbm4b:s4+s19], $0x80, s7, s19, $0xb8;
	v63 =	vld [tilespmem:$0x0]  }
0xb9: {  	s7 =	smov.u32 s6  }
0xba: {  	p0 =	sne.s32 s6, $0x7800;
	s6 =	sadd.s32 $0x400, s6;
	_ =	swait.ge [sflag:s26], $0x2000  }
0xbb: {  	[sflag:s26] =	ssyncset.done $0x0  }
0xbc: {  	[sflag:s26] =	ssyncadd.s32 $0xFFFFE000  }
0xbd: {  	_ =	swait.ge [sflag:s28], $0x2000  }
0xbe: {  	[sflag:s28] =	ssyncset.done $0x0  }
0xbf: {  	s7 =	sshra.s32 s7, $0x2;
	[sflag:s28] =	ssyncadd.s32 $0xFFFFE000  }
0xc0: {  	[spmem:s2] =	stream.indirect.scatter.add.f32 [tilespmem:s16], [sflag:$0x5], $0x80, s7, s29, $0xb8;
	v63 =	vld [tilespmem:$0x0]  }
0xc1: {  	_ =	swait.ge [sflag:s17], $0x4000  }
0xc2: {  	[sflag:s17] =	ssyncset.done $0x0  }
0xc3: {  	s8 =	sadd.s32 $0x2100, s7;
	[sflag:s17] =	ssyncadd.s32 $0xFFFFC000  }
0xc4: {  	[tilespmem:s16], [sflag:$0x1] =	stream.indirect.gather [hbm4b:s4+s19], $0x80, s8, s19, $0xb8;
	v63 =	vld [tilespmem:$0x0]  }
0xc5: {  	s8 =	sadd.s32 $0x2140, s7  }
0xc6: {  	[tilespmem:s21], [sflag:$0x2] =	stream.indirect.gather [hbm4b:s4+s19], $0x80, s8, s19, $0xb8;
	v63 =	vld [tilespmem:$0x0]  }
0xc7: {  	_ =	swait.ge [sflag:s30], $0x2000  }
0xc8: {  	[sflag:s30] =	ssyncset.done $0x0  }
0xc9: {  	[sflag:s30] =	ssyncadd.s32 $0xFFFFE000  }
0xca: {  	_ =	swait.ge [sflag:s31], $0x2000  }
0xcb: {  	[sflag:s31] =	ssyncset.done $0x0  }
0xcc: {  	s8 =	sadd.s32 $0x80, s7;
	[sflag:s31] =	ssyncadd.s32 $0xFFFFE000  }
0xcd: {  	[spmem:s2] =	stream.indirect.scatter.add.f32 [tilespmem:s23], [sflag:$0x5], $0x80, s8, s29, $0xb8;
	v63 =	vld [tilespmem:$0x0]  }
.Ltmp2:
0xce: {  	_ =	swait.ge [sflag:s17], $0x4000;
	(pc) =	sbr.rel @p0 .LBB2_6-.Ltmp2, $4  }
0xcf: {  	[sflag:s17] =	ssyncset.done $0x0  }
0xd0: {  	s8 =	sadd.s32 $0x2180, s7;
	[sflag:s17] =	ssyncadd.s32 $0xFFFFC000  }
0xd1: {  	[tilespmem:s23], [sflag:$0x3] =	stream.indirect.gather [hbm4b:s4+s19], $0x80, s8, s19, $0xb8;
	v63 =	vld [tilespmem:$0x0]  }
0xd2: {  	s7 =	sadd.s32 $0x21C0, s7  }
0xd3: {  	[tilespmem:s25], [sflag:$0x4] =	stream.indirect.gather [hbm4b:s4+s19], $0x80, s7, s19, $0xb8;
	v63 =	vld [tilespmem:$0x0]  }
0xd4: {  	_ =	swait.ge [sflag:s26], $0x2000  }
0xd5: {  	[sflag:s26] =	ssyncset.done $0x0  }
0xd6: {  	[sflag:s26] =	ssyncadd.s32 $0xFFFFE000  }
0xd7: {  	_ =	swait.ge [sflag:s28], $0x2000  }
0xd8: {  	[sflag:s28] =	ssyncset.done $0x0  }
0xd9: {  	[sflag:s28] =	ssyncadd.s32 $0xFFFFE000  }
0xda: {  	[spmem:s2] =	stream.indirect.scatter.add.f32 [tilespmem:s16], [sflag:$0x5], $0x80, s0, s29, $0xb8;
	v63 =	vld [tilespmem:$0x0]  }
0xdb: {  	_ =	swait.ge [sflag:s17], $0x4000  }
0xdc: {  	[sflag:s17] =	ssyncset.done $0x0  }
0xdd: {  	[sflag:s17] =	ssyncadd.s32 $0xFFFFC000  }
0xde: {  	_ =	swait.ge [sflag:s30], $0x2000  }
0xdf: {  	[sflag:s30] =	ssyncset.done $0x0  }
0xe0: {  	[sflag:s30] =	ssyncadd.s32 $0xFFFFE000  }
0xe1: {  	_ =	swait.ge [sflag:s31], $0x2000  }
0xe2: {  	[sflag:s31] =	ssyncset.done $0x0  }
0xe3: {  	[sflag:s31] =	ssyncadd.s32 $0xFFFFE000  }
0xe4: {  	[spmem:s2] =	stream.indirect.scatter.add.f32 [tilespmem:s23], [sflag:$0x5], $0x80, s1, s29, $0xb8;
	v63 =	vld [tilespmem:$0x0]  }
0xe5: {  	s6 =	stileid.u32;
	_ =	swait.ge [sflag:s17], $0x4000  }
0xe6: {  	s8 =	sshrl.u32 s5, $0x3;
	s3 =	sadd.s32 $0x1, s3;
	[sflag:s17] =	ssyncset.done $0x0  }
0xe7: {  	s6 =	sshll.u32 s6, $0x6;
	p0 =	sne.s32 s3, s15;
	[sflag:s17] =	ssyncadd.s32 $0xFFFFC000  }
.Ltmp3:
0xe8: {  	s6 =	sor.u32 $0x1C05, s6;
	[bflag:$0x0] =	sbarrier.arrive $0xFFFF;
	(pc) =	sbr.rel @p0 .LBB2_1-.Ltmp3, $4  }
0xe9: {  	[hbm:s14], [sflag:s6] =	dma.local [spmem:s8], $0x2800  }
0xea: {  	_ =	swait.ge [sflag:s17], $0x2800  }
0xeb: {  	[sflag:s17] =	ssyncset.done $0x0  }
0xec: {  	[sflag:s17] =	ssyncadd.s32 $0xFFFFD800  }
0xed: {  	_ =	sfence.sel $0x180000  }
0xee: {  	[bflag:$0x0] =	sbarrier.arrive $0xFFFF  }
0xef: {  	_ =	strace $0x9000004A  }
0xf0: {  	s0 =	stileid.u32;
	[bflag:$0x2] =	sbarrier.arrive $0xFFFF  }
0xf1: {  	p0 =	sne.s32 s0, $0x0;
	s0 =	rddreg [dreg:$0x2]  }
0xf2: {  	s0 =	sadd.s32 @!p0 $0x100000, s0  }
0xf3: {  	[sflag:s0] =	ssyncadd.tile.s32 @!p0 $0x1;
	_ =	shalt  }
.Lfunc_end2:
_tile_overlayer_lowered:
.L_overlay_start_2:
0xf4: {  	(tag) =	ssettag $0x2  }
0xf5: {  	s0 =	rddreg [dreg:$0x0];
	s2 =	stileid.u32  }
0xf6: {  	s1 =	rddreg [dreg:$0x1];
	p0 =	sne.s32 s2, $0x0  }
0xf7: {  	s3 =	rddreg [dreg:$0x2];
	[bflag:$0x3] =	sbarrier.arrive $0xFFFF;
	s2 =	simm.s32 @!p0 $0x1C05  }
0xf8: {  	[timem:s3], [sflag:s2] =	dma.local @!p0 [hbm:s0], s1  }
0xf9: {  	s0 =	simm.s32 @!p0 $0x5  }
0xfa: {  	_ =	swait.ge @!p0 [sflag:s0], s1  }
0xfb: {  	s1 =	ssub.s32 @!p0 $0x0, s1;
	[sflag:s0] =	ssyncset.done @!p0 $0x0  }
0xfc: {  	[sflag:s0] =	ssyncadd.s32 @!p0 s1  }
0xfd: {  	[bflag:$0x3] =	sbarrier.arrive $0xFFFF  }
0xfe: {  	_ =	shalt  }

// kernel: kernel.15.cloned.1.call-start
scs
__scs_entry_jumppad:
0x0: {  	(pc) =	sbr.rel $0x88, $3  }
0x1: {  	(tag) =	ssettag $0x0;
	lr =	simm.s32 $0x1  }
0x2: {  	[smem:$0x3F96] =	sst lr;
	_ =	strace $0xD0000000  }
0x3: {  	_ = 	snop  }
0x4: {  	_ = 	snop  }
0x5: {  	_ = 	snop  }
0x6: {  	_ = 	snop  }
0x7: {  	_ = 	snop  }
__scs_overlays_trampoline_lowered:
0x8: {  	[smem:$0x3FA5] =	sst s0  }
0x9: {  	[smem:$0x3FA6] =	sst s1  }
0xa: {  	[smem:$0x3FA7] =	sst s2  }
0xb: {  	[smem:$0x3FA8] =	sst s3  }
0xc: {  	[smem:$0x3FA9] =	sst s4  }
0xd: {  	[smem:$0x3FAA] =	sst s5  }
0xe: {  	[smem:$0x3FAB] =	sst s6  }
0xf: {  	[smem:$0x3FAC] =	sst s7  }
0x10: {  	[smem:$0x3FAD] =	sst s8  }
0x11: {  	[smem:$0x3FAE] =	sst s9;
	s0 =	simm.s32 @!p0 $0x0  }
0x12: {  	s1 =	sld [smem:$0x3F94];
	s0 =	simm.s32 @p0 $0x1  }
0x13: {  	[smem:$0x3FAF] =	sst s0;
	s0 =	simm.s32 @!p1 $0x0  }
0x14: {  	s2 =	sld [smem:$0x3F93];
	s0 =	simm.s32 @p1 $0x1  }
0x15: {  	[smem:$0x3FB0] =	sst s0;
	s0 =	simm.s32 @!p2 $0x0  }
0x16: {  	s3 =	sld [smem:$0x3FDB];
	s0 =	simm.s32 @p2 $0x1  }
0x17: {  	s4 =	simm.s32 $0x1BF5;
	[smem:$0x3FB2] =	sst s0  }
0x18: {  	s0 =	sld [smem:$0x3F95];
	_ =	swait.ge [sflag:s4], $0x0  }
0x19: {  	s7 =	sld [smem:$0x3F96]  }
0x1a: {  	s8 =	sadd.s32 $0xFFFFE003, lr  }
0x1b: {  	s9 =	sadd.s32 $0xFFFFFEF7, lr;
	s5 =	simm.s32 $0xFFFFFFFF;
	p2 =	slt.u32 s8, $0xFFFFF086  }
0x1c: {  	p1 =	slt.u32 s9, $0xF7A;
	s5 =	simm.s32 @!p2 $0x0  }
0x1d: {  	s5 =	simm.s32 @p1 $0x1;
	p0 =	seq.s32 s7, s2  }
0x1e: {  	s7 =	smul.u32 @!p0 $0xF7A, s2;
	p2 =	seq.s32 @!p0 s5, $0x0  }
0x1f: {  	s9 =	smul.u32 $0xF7A, s1;
	s8 =	simm.s32 @!p0 $0x1BF5;
	p2 =	por !p2, p0  }
0x20: {  	[sflag:s8] =	ssyncset.s32 @!p0 $0xFFFFF086;
	s6 =	sadd.s32 @!p0 s3, s7;
	s7 =	simm.s32 @!p0 $0x108  }
0x21: {  	s3 =	sadd.s32 s3, s9;
	s6 =	sadd.s32 @!p0 $0x88, s6;
	s7 =	simm.s32 @p2 $0x1082  }
0x22: {  	[simem:s7], [sflag:s8] =	dma.local @!p0 [hbm:s6], $0xF7A  }
0x23: {  	s9 =	sor.u32 $0xD0000000, s2;
	s6 =	simm.s32 $0x108;
	_ =	swait.ge @!p0 [sflag:s8], $0x0  }
0x24: {  	s3 =	sadd.s32 $0x88, s3;
	s6 =	simm.s32 @!p1 $0x1082;
	[sflag:s4] =	ssyncset.s32 $0xFFFFF086  }
0x25: {  	[simem:s6], [sflag:s4] =	dma.local [hbm:s3], $0xF7A  }
0x26: {  	[smem:$0x3F96] =	sst s1;
	(tag) =	ssettag s2;
	_ =	strace s9  }
0x27: {  	s1 =	sld [smem:$0x3FA6]  }
0x28: {  	s2 =	sld [smem:$0x3FA7]  }
0x29: {  	s4 =	sld [smem:$0x3FA9]  }
0x2a: {  	p0 =	seq.s32 s5, $0x0;
	s5 =	sld [smem:$0x3FAA]  }
0x2b: {  	s6 =	sld [smem:$0x3FAB]  }
0x2c: {  	s7 =	sld [smem:$0x3FAC]  }
0x2d: {  	s3 =	simm.s32 $0x108;
	s8 =	sld [smem:$0x3FAD]  }
0x2e: {  	s3 =	simm.s32 @!p0 $0x1082;
	s9 =	sld [smem:$0x3FAE]  }
0x2f: {  	lr =	sadd.s32 s0, s3;
	s0 =	sld [smem:$0x3FA5]  }
0x30: {  	s3 =	sld [smem:$0x3FA8]  }
0x31: {  	[smem:$0x3FB1] =	sst s10  }
0x32: {  	s10 =	sld [smem:$0x3FAF];
	_ =	sdelay $0x3  }
0x33: {  	p0 =	seq.s32 s10, $0x1;
	s10 =	sld [smem:$0x3FB1];
	_ =	sdelay $0x3  }
0x34: {  	[smem:$0x3FB1] =	sst s10  }
0x35: {  	s10 =	sld [smem:$0x3FB0];
	_ =	sdelay $0x3  }
0x36: {  	p1 =	seq.s32 s10, $0x1;
	s10 =	sld [smem:$0x3FB1];
	_ =	sdelay $0x3  }
0x37: {  	[smem:$0x3FB1] =	sst s10  }
0x38: {  	s10 =	sld [smem:$0x3FB2]  }
0x39: {  	_ = 	snop;
	(pc) =	sbr.ind lr, $3  }
0x3a: {  	_ = 	snop  }
0x3b: {  	_ = 	snop  }
0x3c: {  	p2 =	seq.s32 s10, $0x1;
	s10 =	sld [smem:$0x3FB1]  }
0x3d: {  	_ =	shalt  }
0x3e: {  	_ =	shalt  }
0x3f: {  	_ =	shalt  }
0x40: {  	_ =	shalt  }
0x41: {  	_ =	shalt  }
0x42: {  	_ =	shalt  }
0x43: {  	_ =	shalt  }
0x44: {  	_ =	shalt  }
0x45: {  	_ =	shalt  }
0x46: {  	_ =	shalt  }
0x47: {  	_ =	shalt  }
0x48: {  	_ =	shalt  }
0x49: {  	_ =	shalt  }
0x4a: {  	_ =	shalt  }
0x4b: {  	_ =	shalt  }
0x4c: {  	_ =	shalt  }
0x4d: {  	_ =	shalt  }
0x4e: {  	_ =	shalt  }
0x4f: {  	_ =	shalt  }
0x50: {  	_ =	shalt  }
0x51: {  	_ =	shalt  }
0x52: {  	_ =	shalt  }
0x53: {  	_ =	shalt  }
0x54: {  	_ =	shalt  }
0x55: {  	_ =	shalt  }
0x56: {  	_ =	shalt  }
0x57: {  	_ =	shalt  }
0x58: {  	_ =	shalt  }
0x59: {  	_ =	shalt  }
0x5a: {  	_ =	shalt  }
0x5b: {  	_ =	shalt  }
0x5c: {  	_ =	shalt  }
0x5d: {  	_ =	shalt  }
0x5e: {  	_ =	shalt  }
0x5f: {  	_ =	shalt  }
0x60: {  	_ =	shalt  }
0x61: {  	_ =	shalt  }
0x62: {  	_ =	shalt  }
0x63: {  	_ =	shalt  }
0x64: {  	_ =	shalt  }
0x65: {  	_ =	shalt  }
0x66: {  	_ =	shalt  }
0x67: {  	_ =	shalt  }
0x68: {  	_ =	shalt  }
0x69: {  	_ =	shalt  }
0x6a: {  	_ =	shalt  }
0x6b: {  	_ =	shalt  }
0x6c: {  	_ =	shalt  }
0x6d: {  	_ =	shalt  }
0x6e: {  	_ =	shalt  }
0x6f: {  	_ =	shalt  }
0x70: {  	_ =	shalt  }
0x71: {  	_ =	shalt  }
0x72: {  	_ =	shalt  }
0x73: {  	_ =	shalt  }
0x74: {  	_ =	shalt  }
0x75: {  	_ =	shalt  }
0x76: {  	_ =	shalt  }
0x77: {  	_ =	shalt  }
0x78: {  	_ =	shalt  }
0x79: {  	_ =	shalt  }
0x7a: {  	_ =	shalt  }
0x7b: {  	_ =	shalt  }
0x7c: {  	_ =	shalt  }
0x7d: {  	_ =	shalt  }
0x7e: {  	_ =	shalt  }
0x7f: {  	_ =	shalt  }
0x80: {  	_ =	shalt  }
0x81: {  	_ =	shalt  }
0x82: {  	_ =	shalt  }
0x83: {  	_ =	shalt  }
0x84: {  	_ =	shalt  }
0x85: {  	_ =	shalt  }
0x86: {  	_ =	shalt  }
0x87: {  	_ =	shalt  }
.Lfunc_end0:
.L_simem_size_0:
called_computation.2_lowered:
.L_overlay_start_0:
0x88: {  	s2 =	sld [smem:$0x3FD9]  }
0x89: {  	s3 =	sld [smem:$0x3FFE];
	_ =	sdelay $0x1  }
0x8a: {  	s1 =	srdreg.scid  }
0x8b: {  	s0 =	sand.u32 $0x1, s1  }
0x8c: {  	s16 =	sshll.u32 s0, $0xA;
	s2 =	sadd.s32 s3, s2  }
0x8d: {  	s2 =	sadd.s32 s2, s16  }
0x8e: {  	[smem:$0x3FBD] =	sst s2  }
0x8f: {  	_ = 	snop  }
0x90: {  	(tm) =	ssettm $0x1  }
0x91: {  	s17 =	sld [smem:$0x3FFB];
	_ =	sdelay $0x3  }
0x92: {  	_ =	strace s17  }
0x93: {  	s2 =	sld [smem:$0x3FFC];
	_ =	sdelay $0x3  }
0x94: {  	_ =	strace s2  }
0x95: {  	s2 =	sld [smem:$0x3FFD];
	_ =	sdelay $0x3  }
0x96: {  	_ =	strace s2  }
0x97: {  	_ =	strace $0x8FFFFFFF  }
0x98: {  	s18 =	sld [smem:$0x3FDB];
	_ =	sdelay $0x1  }
0x99: {  	s19 =	simm.s32 $_scs_section_size  }
0x9a: {  	s4 =	simm.s32 $_size__tile_overlayer_lowered;
	s5 =	simm.s32 $_tile_overlayer_lowered  }
0x9b: {  	s22 =	simm.s32 $0x1BFF;
	s21 =	sshll.u32 s5, $0x1;
	s2 =	sadd.s32 s19, s18  }
0x9c: {  	s6 =	simm.s32 $0x0;
	s20 =	sshll.u32 s4, $0x1;
	s4 =	sadd.s32 s21, s2  }
0x9d: {  	[timem:s6], [sflag:s22] =	dma.local [hbm:s4], s20  }
0x9e: {  	_ =	swait.ge [sflag:s22], s20  }
0x9f: {  	s3 =	ssub.s32 $0x0, s20;
	[sflag:s22] =	ssyncset.done $0x0  }
0xa0: {  	[sflag:s22] =	ssyncadd.s32 s3;
	_ =	sdelay $0x1  }
0xa1: {  	s23 =	simm.s32 $0x1B8B  }
0xa2: {  	_ =	swait.ge [sflag:s23], $0x1  }
0xa3: {  	[sflag:s23] =	ssyncset.done $0x0  }
0xa4: {  	s25 =	simm.s32 $0x1B8E;
	s24 =	sld [smem:$0x3FFE];
	[sflag:s23] =	ssyncadd.s32 $0xFFFFFFFF  }
0xa5: {  	s26 =	simm.s32 $execute0_lowered;
	[smem:$0x3FD2] =	sst s25  }
0xa6: {  	s4 =	sshll.u32 s26, $0x1;
	_ =	strace $0x8000004C;
	[dreg:$0x1] =	wrdreg $0xFFFFFFFF  }
0xa7: {  	s28 =	simm.s32 $_size_execute0_lowered;
	s2 =	sadd.s32 s2, s4;
	[dreg:$0x0] =	wrdreg $0x0  }
0xa8: {  	s4 =	sshll.u32 s28, $0x1;
	[dreg:$0x2] =	wrdreg s2  }
0xa9: {  	[dreg:$0x3] =	wrdreg s4  }
0xaa: {  	[dreg:$0x4] =	wrdreg $0xC0  }
0xab: {  	_ =	task [dreg:s6], $0x5FFFF  }
0xac: {  	[dreg:$0x1] =	wrdreg $0xFFFFFFFF  }
0xad: {  	[dreg:$0x0] =	wrdreg $0x60  }
0xae: {  	[dreg:$0x2] =	wrdreg s24  }
0xaf: {  	[dreg:$0x3] =	wrdreg $0xC0000  }
0xb0: {  	[dreg:$0x4] =	wrdreg $0x9  }
0xb1: {  	_ =	task.clear_ibuf [dreg:s6], $0x5FFFF;
	_ =	strace $0x9000004C  }
0xb2: {  	s29 =	simm.s32 $0x9;
	_ =	strace $0x8000004E  }
0xb3: {  	_ =	swait.ge [sflag:s29], $0x1  }
0xb4: {  	[sflag:s29] =	ssyncadd.s32 $0xFFFFFFFF  }
0xb5: {  	_ =	strace $0x9000004E  }
0xb6: {  	_ =	sfence  }
0xb7: {  	s30 =	sld [smem:$0x0];
	_ =	sdelay $0x2  }
0xb8: {  	s31 =	sshll.u32 s1, $0xD;
	s1 =	sshrl.u32 s1, $0x2  }
0xb9: {  	s3 =	sand.u32 $0x4000, s31;
	s1 =	sadd.s32 s1, s30  }
0xba: {  	s0 =	sor.u32 s3, s0;
	s1 =	sshll.u32 s1, $0x11  }
0xbb: {  	s0 =	sor.u32 s1, s0  }
0xbc: {  	s0 =	sadd.s32 $0x8F2B, s0  }
0xbd: {  	[sflag:s0] =	ssyncadd.remote.s32 $0x1  }
0xbe: {  	_ =	sfence.sel $0xFFFF  }
0xbf: {  	[dreg:$0x0] =	wrdreg $0xFFFFFFFF;
	(pc) =	sbr.abs _section_cstart, $3  }
0xc0: {  	[dreg:$0x1] =	wrdreg $0xFFFFFFFF  }
0xc1: {  	_ =	task.clear_ibuf [dreg:s6], $0x2FFFF;
	_ =	strace $0x9FFFFFFF  }
0xc2: {  	(tm) =	ssettm $0x7FFFFFFF  }
0xc3: {  	_ =	shalt  }
tec
execute0_lowered:
.L_overlay_start_1:
0x0: {  	(tag) =	ssettag $0x1  }
0x1: {  	s0 =	rddreg [dreg:$0x0]  }
0x2: {  	s2 =	rddreg [dreg:$0x1];
	s3 =	simm.s32 $0x0;
	s11 =	stileid.u32  }
0x3: {  	s1 =	srdreg.scid;
	s16 =	simm.s32 $0x4000;
	s17 =	simm.s32 $0x5  }
0x4: {  	s18 =	simm.s32 $0x2000;
	s19 =	simm.s32 $0x40;
	s20 =	simm.s32 $0x2040  }
0x5: {  	s21 =	simm.s32 $0x6000;
	s28 =	simm.s32 $0x2;
	s29 =	simm.s32 $0x80  }
0x6: {  	s30 =	simm.s32 $0x3;
	s31 =	simm.s32 $0x4;
	s5 =	smul.u32 $0x2800, s11  }
0x7: {  	[smem:$0x7FF] =	sst s3;
	s1 =	sand.u32 $0x1, s1;
	s6 =	smul.u32 $0x50000, s11  }
0x8: {  	s4 =	sadd.s32 $0x5600, s0;
	s7 =	sadd.s32 $0x2D600, s0;
	s13 =	sadd.s32 $0x3D600, s0  }
0x9: {  	s25 =	sshll.u32 s11, $0xB;
	_ =	strace $0x8000004D;
	s8 =	smul.u32 $0x28000, s1  }
0xa: {  	s9 =	ssub.s32 $0x2, s1;
	s1 =	sshll.u32 s1, $0xF;
	s6 =	sshrl.u32 s6, $0x2  }
0xb: {  	s10 =	sshrl.u32 s9, $0x1;
	s1 =	sor.u32 s25, s1;
	s25 =	simm.s32 $0xA000  }
0xc: {  	s8 =	sadd.s32 s5, s8;
	s5 =	sadd.s32 s6, s2;
	s22 =	ssub.s32 s9, s10  }
0xd: {  	s10 =	sadd.s32 s7, s1;
	s11 =	sadd.s32 s13, s1;
	s1 =	sor.u32 $0x400, s1  }
0xe: {  	s0 =	sadd.s32 s8, s0;
	s23 =	sadd.s32 $0x4000, s5;
	s24 =	sadd.s32 $0x8000, s5  }
0xf: {  	s26 =	sadd.s32 $0xC000, s5;
	s9 =	sadd.s32 $0x10000, s5;
	s12 =	sadd.s32 s7, s1  }
0x10: {  	s13 =	sadd.s32 s13, s1;
	s15 =	smax.u32 s22, $0x1;
	[dreg:$0x3] =	wrdreg s23  }
0x11: {  	s22 =	simm.s32 $0x2080;
	s1 =	simm.s32 $0x1F80;
	[dreg:$0x4] =	wrdreg s24  }
0x12: {  	[dreg:$0x5] =	wrdreg s26;
	s14 =	sadd.s32 $0x4D600, s0;
	s23 =	simm.s32 $0x8000  }
0x13: {  	v0 =	vimm.f32 $0.0e+00;
	s24 =	simm.s32 $0x20C0;
	s26 =	simm.s32 $0x1;
	s0 =	simm.s32 $0x1F00  }
.LBB2_1:
0x14: {  	s6 =	simm.s32 $0x0;
	s7 =	simm.s32 $0x200  }
.LBB2_2:
0x15: {  	p0 =	sne.s32 s7, $0xFE00;
	[tilespmem:s6+$0x4070] =	vst v0  }
0x16: {  	[tilespmem:s6+$0x4000] =	vst v0  }
0x17: {  	[tilespmem:s6+$0x4010] =	vst v0  }
.Ltmp0:
0x18: {  	[tilespmem:s6+$0x4020] =	vst v0;
	(pc) =	sbr.rel @p0 .LBB2_2-.Ltmp0, $4  }
0x19: {  	[tilespmem:s6+$0x4030] =	vst v0  }
0x1a: {  	[tilespmem:s6+$0x4040] =	vst v0  }
0x1b: {  	[tilespmem:s6+$0x4050] =	vst v0  }
0x1c: {  	[tilespmem:s6+$0x4060] =	vst v0;
	s6 =	sshra.s32 s7, $0x2;
	s7 =	sadd.s32 $0x200, s7  }
0x1d: {  	[tilespmem:s6+$0x4070] =	vst v0  }
0x1e: {  	[tilespmem:s6+$0x4000] =	vst v0  }
0x1f: {  	[tilespmem:s6+$0x4010] =	vst v0  }
0x20: {  	[tilespmem:s6+$0x4020] =	vst v0  }
0x21: {  	[tilespmem:s6+$0x4030] =	vst v0  }
0x22: {  	[tilespmem:s6+$0x4040] =	vst v0  }
0x23: {  	[tilespmem:s6+$0x4050] =	vst v0  }
0x24: {  	[tilespmem:s6+$0x4060] =	vst v0  }
0x25: {  	[spmem:s5] =	stream.linear.scatter [tilespmem:s16], [sflag:$0x5], $0x4000, $0x38;
	v63 =	vld [tilespmem:$0x0]  }
0x26: {  	_ =	swait.ge [sflag:s17], $0x4000  }
0x27: {  	[sflag:s17] =	ssyncset.done $0x0  }
0x28: {  	s8 =	rddreg [dreg:$0x3];
	[sflag:s17] =	ssyncadd.s32 $0xFFFFC000  }
0x29: {  	[spmem:s8] =	stream.linear.scatter [tilespmem:s16], [sflag:$0x5], $0x4000, $0x38;
	v63 =	vld [tilespmem:$0x0]  }
0x2a: {  	_ =	swait.ge [sflag:s17], $0x4000  }
0x2b: {  	[sflag:s17] =	ssyncset.done $0x0  }
0x2c: {  	s7 =	rddreg [dreg:$0x4];
	[sflag:s17] =	ssyncadd.s32 $0xFFFFC000  }
0x2d: {  	[spmem:s7] =	stream.linear.scatter [tilespmem:s16], [sflag:$0x5], $0x4000, $0x38;
	v63 =	vld [tilespmem:$0x0]  }
0x2e: {  	_ =	swait.ge [sflag:s17], $0x4000  }
0x2f: {  	[sflag:s17] =	ssyncset.done $0x0  }
0x30: {  	s8 =	rddreg [dreg:$0x5];
	[sflag:s17] =	ssyncadd.s32 $0xFFFFC000  }
0x31: {  	[spmem:s8] =	stream.linear.scatter [tilespmem:s16], [sflag:$0x5], $0x4000, $0x38;
	v63 =	vld [tilespmem:$0x0]  }
0x32: {  	_ =	swait.ge [sflag:s17], $0x4000  }
0x33: {  	[sflag:s17] =	ssyncset.done $0x0  }
0x34: {  	[sflag:s17] =	ssyncadd.s32 $0xFFFFC000  }
0x35: {  	[spmem:s9] =	stream.linear.scatter [tilespmem:s16], [sflag:$0x5], $0x4000, $0x38;
	v63 =	vld [tilespmem:$0x0]  }
0x36: {  	_ =	swait.ge [sflag:s17], $0x4000  }
0x37: {  	[sflag:s17] =	ssyncset.done $0x0  }
0x38: {  	[sflag:s17] =	ssyncadd.s32 $0xFFFFC000  }
0x39: {  	s7 =	simm.s32 $0x0;
	[bflag:$0x0] =	sbarrier.arrive $0xFFFF  }
0x3a: {  	[tilespmem:s7], [sflag:$0x5] =	stream.linear.gather [hbm4b:s10+s7], $0x2000, $0x38;
	v63 =	vld [tilespmem:$0x0]  }
0x3b: {  	_ =	swait.ge [sflag:s17], $0x2000  }
0x3c: {  	[sflag:s17] =	ssyncset.done $0x0  }
0x3d: {  	[sflag:s17] =	ssyncadd.s32 $0xFFFFE000  }
0x3e: {  	[tilespmem:s18], [sflag:$0x5] =	stream.linear.gather [hbm4b:s11+s7], $0x2000, $0x38;
	v63 =	vld [tilespmem:$0x0]  }
0x3f: {  	_ =	swait.ge [sflag:s17], $0x2000  }
0x40: {  	[sflag:s17] =	ssyncset.done $0x0  }
0x41: {  	[sflag:s17] =	ssyncadd.s32 $0xFFFFE000  }
0x42: {  	[tilespmem:s16], [sflag:$0x1] =	stream.indirect.gather [hbm4b:s4+s19], $0x80, s18, s19, $0xb8;
	v63 =	vld [tilespmem:$0x0]  }
0x43: {  	_ = 	snop  }
0x44: {  	[tilespmem:s21], [sflag:$0x2] =	stream.indirect.gather [hbm4b:s4+s19], $0x80, s20, s19, $0xb8;
	v63 =	vld [tilespmem:$0x0]  }
0x45: {  	_ = 	snop  }
0x46: {  	[tilespmem:s23], [sflag:$0x3] =	stream.indirect.gather [hbm4b:s4+s19], $0x80, s22, s19, $0xb8;
	v63 =	vld [tilespmem:$0x0]  }
0x47: {  	_ = 	snop  }
0x48: {  	[tilespmem:s25], [sflag:$0x4] =	stream.indirect.gather [hbm4b:s4+s19], $0x80, s24, s19, $0xb8;
	v63 =	vld [tilespmem:$0x0]  }
0x49: {  	_ =	swait.ge [sflag:s26], $0x2000  }
0x4a: {  	[sflag:s26] =	ssyncset.done $0x0  }
0x4b: {  	[sflag:s26] =	ssyncadd.s32 $0xFFFFE000  }
0x4c: {  	_ =	swait.ge [sflag:s28], $0x2000  }
0x4d: {  	[sflag:s28] =	ssyncset.done $0x0  }
0x4e: {  	s8 =	simm.s32 $0x0;
	[sflag:s28] =	ssyncadd.s32 $0xFFFFE000  }
0x4f: {  	[spmem:s2] =	stream.indirect.scatter.add.f32 [tilespmem:s16], [sflag:$0x5], $0x80, s8, s29, $0xb8;
	v63 =	vld [tilespmem:$0x0]  }
0x50: {  	_ =	swait.ge [sflag:s17], $0x4000  }
0x51: {  	[sflag:s17] =	ssyncset.done $0x0  }
0x52: {  	s7 =	simm.s32 $0x2100;
	[sflag:s17] =	ssyncadd.s32 $0xFFFFC000  }
0x53: {  	[tilespmem:s16], [sflag:$0x1] =	stream.indirect.gather [hbm4b:s4+s19], $0x80, s7, s19, $0xb8;
	v63 =	vld [tilespmem:$0x0]  }
0x54: {  	s8 =	simm.s32 $0x2140  }
0x55: {  	[tilespmem:s21], [sflag:$0x2] =	stream.indirect.gather [hbm4b:s4+s19], $0x80, s8, s19, $0xb8;
	v63 =	vld [tilespmem:$0x0]  }
0x56: {  	_ =	swait.ge [sflag:s30], $0x2000  }
0x57: {  	[sflag:s30] =	ssyncset.done $0x0  }
0x58: {  	[sflag:s30] =	ssyncadd.s32 $0xFFFFE000  }
0x59: {  	_ =	swait.ge [sflag:s31], $0x2000  }
0x5a: {  	[sflag:s31] =	ssyncset.done $0x0  }
0x5b: {  	s7 =	simm.s32 $0x80;
	[sflag:s31] =	ssyncadd.s32 $0xFFFFE000  }
0x5c: {  	[spmem:s2] =	stream.indirect.scatter.add.f32 [tilespmem:s23], [sflag:$0x5], $0x80, s7, s29, $0xb8;
	v63 =	vld [tilespmem:$0x0]  }
0x5d: {  	_ =	swait.ge [sflag:s17], $0x4000  }
0x5e: {  	s6 =	simm.s32 $0x400;
	[sflag:s17] =	ssyncset.done $0x0  }
0x5f: {  	s8 =	simm.s32 $0x2180;
	s7 =	simm.s32 $0x21C0;
	[sflag:s17] =	ssyncadd.s32 $0xFFFFC000  }
0x60: {  	[tilespmem:s23], [sflag:$0x3] =	stream.indirect.gather [hbm4b:s4+s19], $0x80, s8, s19, $0xb8;
	v63 =	vld [tilespmem:$0x0]  }
.LBB2_4:
0x61: {  	[tilespmem:s25], [sflag:$0x4] =	stream.indirect.gather [hbm4b:s4+s19], $0x80, s7, s19, $0xb8;
	v63 =	vld [tilespmem:$0x0]  }
0x62: {  	s7 =	smov.u32 s6  }
0x63: {  	p0 =	sne.s32 s6, $0x7800;
	s6 =	sadd.s32 $0x400, s6;
	_ =	swait.ge [sflag:s26], $0x2000  }
0x64: {  	[sflag:s26] =	ssyncset.done $0x0  }
0x65: {  	[sflag:s26] =	ssyncadd.s32 $0xFFFFE000  }
0x66: {  	_ =	swait.ge [sflag:s28], $0x2000  }
0x67: {  	[sflag:s28] =	ssyncset.done $0x0  }
0x68: {  	s7 =	sshra.s32 s7, $0x2;
	[sflag:s28] =	ssyncadd.s32 $0xFFFFE000  }
0x69: {  	[spmem:s2] =	stream.indirect.scatter.add.f32 [tilespmem:s16], [sflag:$0x5], $0x80, s7, s29, $0xb8;
	v63 =	vld [tilespmem:$0x0]  }
0x6a: {  	_ =	swait.ge [sflag:s17], $0x4000  }
0x6b: {  	[sflag:s17] =	ssyncset.done $0x0  }
0x6c: {  	s8 =	sadd.s32 $0x2100, s7;
	[sflag:s17] =	ssyncadd.s32 $0xFFFFC000  }
0x6d: {  	[tilespmem:s16], [sflag:$0x1] =	stream.indirect.gather [hbm4b:s4+s19], $0x80, s8, s19, $0xb8;
	v63 =	vld [tilespmem:$0x0]  }
0x6e: {  	s8 =	sadd.s32 $0x2140, s7  }
0x6f: {  	[tilespmem:s21], [sflag:$0x2] =	stream.indirect.gather [hbm4b:s4+s19], $0x80, s8, s19, $0xb8;
	v63 =	vld [tilespmem:$0x0]  }
0x70: {  	_ =	swait.ge [sflag:s30], $0x2000  }
0x71: {  	[sflag:s30] =	ssyncset.done $0x0  }
0x72: {  	[sflag:s30] =	ssyncadd.s32 $0xFFFFE000  }
0x73: {  	_ =	swait.ge [sflag:s31], $0x2000  }
0x74: {  	[sflag:s31] =	ssyncset.done $0x0  }
0x75: {  	s8 =	sadd.s32 $0x80, s7;
	[sflag:s31] =	ssyncadd.s32 $0xFFFFE000  }
0x76: {  	[spmem:s2] =	stream.indirect.scatter.add.f32 [tilespmem:s23], [sflag:$0x5], $0x80, s8, s29, $0xb8;
	v63 =	vld [tilespmem:$0x0]  }
.Ltmp1:
0x77: {  	_ =	swait.ge [sflag:s17], $0x4000;
	(pc) =	sbr.rel @p0 .LBB2_4-.Ltmp1, $4  }
0x78: {  	[sflag:s17] =	ssyncset.done $0x0  }
0x79: {  	s8 =	sadd.s32 $0x2180, s7;
	[sflag:s17] =	ssyncadd.s32 $0xFFFFC000  }
0x7a: {  	[tilespmem:s23], [sflag:$0x3] =	stream.indirect.gather [hbm4b:s4+s19], $0x80, s8, s19, $0xb8;
	v63 =	vld [tilespmem:$0x0]  }
0x7b: {  	s7 =	sadd.s32 $0x21C0, s7  }
0x7c: {  	[tilespmem:s25], [sflag:$0x4] =	stream.indirect.gather [hbm4b:s4+s19], $0x80, s7, s19, $0xb8;
	v63 =	vld [tilespmem:$0x0]  }
0x7d: {  	_ =	swait.ge [sflag:s26], $0x2000  }
0x7e: {  	[sflag:s26] =	ssyncset.done $0x0  }
0x7f: {  	[sflag:s26] =	ssyncadd.s32 $0xFFFFE000  }
0x80: {  	_ =	swait.ge [sflag:s28], $0x2000  }
0x81: {  	[sflag:s28] =	ssyncset.done $0x0  }
0x82: {  	[sflag:s28] =	ssyncadd.s32 $0xFFFFE000  }
0x83: {  	[spmem:s2] =	stream.indirect.scatter.add.f32 [tilespmem:s16], [sflag:$0x5], $0x80, s0, s29, $0xb8;
	v63 =	vld [tilespmem:$0x0]  }
0x84: {  	_ =	swait.ge [sflag:s17], $0x4000  }
0x85: {  	[sflag:s17] =	ssyncset.done $0x0  }
0x86: {  	[sflag:s17] =	ssyncadd.s32 $0xFFFFC000  }
0x87: {  	_ =	swait.ge [sflag:s30], $0x2000  }
0x88: {  	[sflag:s30] =	ssyncset.done $0x0  }
0x89: {  	[sflag:s30] =	ssyncadd.s32 $0xFFFFE000  }
0x8a: {  	_ =	swait.ge [sflag:s31], $0x2000  }
0x8b: {  	[sflag:s31] =	ssyncset.done $0x0  }
0x8c: {  	[sflag:s31] =	ssyncadd.s32 $0xFFFFE000  }
0x8d: {  	[spmem:s2] =	stream.indirect.scatter.add.f32 [tilespmem:s23], [sflag:$0x5], $0x80, s1, s29, $0xb8;
	v63 =	vld [tilespmem:$0x0]  }
0x8e: {  	_ =	swait.ge [sflag:s17], $0x4000  }
0x8f: {  	[sflag:s17] =	ssyncset.done $0x0  }
0x90: {  	s6 =	simm.s32 $0x0;
	[sflag:s17] =	ssyncadd.s32 $0xFFFFC000  }
0x91: {  	[tilespmem:s6], [sflag:$0x5] =	stream.linear.gather [hbm4b:s12+s6], $0x2000, $0x38;
	v63 =	vld [tilespmem:$0x0]  }
0x92: {  	_ =	swait.ge [sflag:s17], $0x2000  }
0x93: {  	[sflag:s17] =	ssyncset.done $0x0  }
0x94: {  	[sflag:s17] =	ssyncadd.s32 $0xFFFFE000  }
0x95: {  	[tilespmem:s18], [sflag:$0x5] =	stream.linear.gather [hbm4b:s13+s6], $0x2000, $0x38;
	v63 =	vld [tilespmem:$0x0]  }
0x96: {  	_ =	swait.ge [sflag:s17], $0x2000  }
0x97: {  	[sflag:s17] =	ssyncset.done $0x0  }
0x98: {  	[sflag:s17] =	ssyncadd.s32 $0xFFFFE000  }
0x99: {  	[tilespmem:s16], [sflag:$0x1] =	stream.indirect.gather [hbm4b:s4+s19], $0x80, s18, s19, $0xb8;
	v63 =	vld [tilespmem:$0x0]  }
0x9a: {  	_ = 	snop  }
0x9b: {  	[tilespmem:s21], [sflag:$0x2] =	stream.indirect.gather [hbm4b:s4+s19], $0x80, s20, s19, $0xb8;
	v63 =	vld [tilespmem:$0x0]  }
0x9c: {  	_ = 	snop  }
0x9d: {  	[tilespmem:s23], [sflag:$0x3] =	stream.indirect.gather [hbm4b:s4+s19], $0x80, s22, s19, $0xb8;
	v63 =	vld [tilespmem:$0x0]  }
0x9e: {  	_ = 	snop  }
0x9f: {  	[tilespmem:s25], [sflag:$0x4] =	stream.indirect.gather [hbm4b:s4+s19], $0x80, s24, s19, $0xb8;
	v63 =	vld [tilespmem:$0x0]  }
0xa0: {  	_ =	swait.ge [sflag:s26], $0x2000  }
0xa1: {  	[sflag:s26] =	ssyncset.done $0x0  }
0xa2: {  	[sflag:s26] =	ssyncadd.s32 $0xFFFFE000  }
0xa3: {  	_ =	swait.ge [sflag:s28], $0x2000  }
0xa4: {  	[sflag:s28] =	ssyncset.done $0x0  }
0xa5: {  	s8 =	simm.s32 $0x0;
	[sflag:s28] =	ssyncadd.s32 $0xFFFFE000  }
0xa6: {  	[spmem:s2] =	stream.indirect.scatter.add.f32 [tilespmem:s16], [sflag:$0x5], $0x80, s8, s29, $0xb8;
	v63 =	vld [tilespmem:$0x0]  }
0xa7: {  	_ =	swait.ge [sflag:s17], $0x4000  }
0xa8: {  	[sflag:s17] =	ssyncset.done $0x0  }
0xa9: {  	s7 =	simm.s32 $0x2100;
	[sflag:s17] =	ssyncadd.s32 $0xFFFFC000  }
0xaa: {  	[tilespmem:s16], [sflag:$0x1] =	stream.indirect.gather [hbm4b:s4+s19], $0x80, s7, s19, $0xb8;
	v63 =	vld [tilespmem:$0x0]  }
0xab: {  	s8 =	simm.s32 $0x2140  }
0xac: {  	[tilespmem:s21], [sflag:$0x2] =	stream.indirect.gather [hbm4b:s4+s19], $0x80, s8, s19, $0xb8;
	v63 =	vld [tilespmem:$0x0]  }
0xad: {  	_ =	swait.ge [sflag:s30], $0x2000  }
0xae: {  	[sflag:s30] =	ssyncset.done $0x0  }
0xaf: {  	[sflag:s30] =	ssyncadd.s32 $0xFFFFE000  }
0xb0: {  	_ =	swait.ge [sflag:s31], $0x2000  }
0xb1: {  	[sflag:s31] =	ssyncset.done $0x0  }
0xb2: {  	s7 =	simm.s32 $0x80;
	[sflag:s31] =	ssyncadd.s32 $0xFFFFE000  }
0xb3: {  	[spmem:s2] =	stream.indirect.scatter.add.f32 [tilespmem:s23], [sflag:$0x5], $0x80, s7, s29, $0xb8;
	v63 =	vld [tilespmem:$0x0]  }
0xb4: {  	_ =	swait.ge [sflag:s17], $0x4000  }
0xb5: {  	s6 =	simm.s32 $0x400;
	[sflag:s17] =	ssyncset.done $0x0  }
0xb6: {  	s8 =	simm.s32 $0x2180;
	s7 =	simm.s32 $0x21C0;
	[sflag:s17] =	ssyncadd.s32 $0xFFFFC000  }
0xb7: {  	[tilespmem:s23], [sflag:$0x3] =	stream.indirect.gather [hbm4b:s4+s19], $0x80, s8, s19, $0xb8;
	v63 =	vld [tilespmem:$0x0]  }
.LBB2_6:
0xb8: {  	[tilespmem:s25], [sflag:$0x4] =	stream.indirect.gather [hbm4b:s4+s19], $0x80, s7, s19, $0xb8;
	v63 =	vld [tilespmem:$0x0]  }
0xb9: {  	s7 =	smov.u32 s6  }
0xba: {  	p0 =	sne.s32 s6, $0x7800;
	s6 =	sadd.s32 $0x400, s6;
	_ =	swait.ge [sflag:s26], $0x2000  }
0xbb: {  	[sflag:s26] =	ssyncset.done $0x0  }
0xbc: {  	[sflag:s26] =	ssyncadd.s32 $0xFFFFE000  }
0xbd: {  	_ =	swait.ge [sflag:s28], $0x2000  }
0xbe: {  	[sflag:s28] =	ssyncset.done $0x0  }
0xbf: {  	s7 =	sshra.s32 s7, $0x2;
	[sflag:s28] =	ssyncadd.s32 $0xFFFFE000  }
0xc0: {  	[spmem:s2] =	stream.indirect.scatter.add.f32 [tilespmem:s16], [sflag:$0x5], $0x80, s7, s29, $0xb8;
	v63 =	vld [tilespmem:$0x0]  }
0xc1: {  	_ =	swait.ge [sflag:s17], $0x4000  }
0xc2: {  	[sflag:s17] =	ssyncset.done $0x0  }
0xc3: {  	s8 =	sadd.s32 $0x2100, s7;
	[sflag:s17] =	ssyncadd.s32 $0xFFFFC000  }
0xc4: {  	[tilespmem:s16], [sflag:$0x1] =	stream.indirect.gather [hbm4b:s4+s19], $0x80, s8, s19, $0xb8;
	v63 =	vld [tilespmem:$0x0]  }
0xc5: {  	s8 =	sadd.s32 $0x2140, s7  }
0xc6: {  	[tilespmem:s21], [sflag:$0x2] =	stream.indirect.gather [hbm4b:s4+s19], $0x80, s8, s19, $0xb8;
	v63 =	vld [tilespmem:$0x0]  }
0xc7: {  	_ =	swait.ge [sflag:s30], $0x2000  }
0xc8: {  	[sflag:s30] =	ssyncset.done $0x0  }
0xc9: {  	[sflag:s30] =	ssyncadd.s32 $0xFFFFE000  }
0xca: {  	_ =	swait.ge [sflag:s31], $0x2000  }
0xcb: {  	[sflag:s31] =	ssyncset.done $0x0  }
0xcc: {  	s8 =	sadd.s32 $0x80, s7;
	[sflag:s31] =	ssyncadd.s32 $0xFFFFE000  }
0xcd: {  	[spmem:s2] =	stream.indirect.scatter.add.f32 [tilespmem:s23], [sflag:$0x5], $0x80, s8, s29, $0xb8;
	v63 =	vld [tilespmem:$0x0]  }
.Ltmp2:
0xce: {  	_ =	swait.ge [sflag:s17], $0x4000;
	(pc) =	sbr.rel @p0 .LBB2_6-.Ltmp2, $4  }
0xcf: {  	[sflag:s17] =	ssyncset.done $0x0  }
0xd0: {  	s8 =	sadd.s32 $0x2180, s7;
	[sflag:s17] =	ssyncadd.s32 $0xFFFFC000  }
0xd1: {  	[tilespmem:s23], [sflag:$0x3] =	stream.indirect.gather [hbm4b:s4+s19], $0x80, s8, s19, $0xb8;
	v63 =	vld [tilespmem:$0x0]  }
0xd2: {  	s7 =	sadd.s32 $0x21C0, s7  }
0xd3: {  	[tilespmem:s25], [sflag:$0x4] =	stream.indirect.gather [hbm4b:s4+s19], $0x80, s7, s19, $0xb8;
	v63 =	vld [tilespmem:$0x0]  }
0xd4: {  	_ =	swait.ge [sflag:s26], $0x2000  }
0xd5: {  	[sflag:s26] =	ssyncset.done $0x0  }
0xd6: {  	[sflag:s26] =	ssyncadd.s32 $0xFFFFE000  }
0xd7: {  	_ =	swait.ge [sflag:s28], $0x2000  }
0xd8: {  	[sflag:s28] =	ssyncset.done $0x0  }
0xd9: {  	[sflag:s28] =	ssyncadd.s32 $0xFFFFE000  }
0xda: {  	[spmem:s2] =	stream.indirect.scatter.add.f32 [tilespmem:s16], [sflag:$0x5], $0x80, s0, s29, $0xb8;
	v63 =	vld [tilespmem:$0x0]  }
0xdb: {  	_ =	swait.ge [sflag:s17], $0x4000  }
0xdc: {  	[sflag:s17] =	ssyncset.done $0x0  }
0xdd: {  	[sflag:s17] =	ssyncadd.s32 $0xFFFFC000  }
0xde: {  	_ =	swait.ge [sflag:s30], $0x2000  }
0xdf: {  	[sflag:s30] =	ssyncset.done $0x0  }
0xe0: {  	[sflag:s30] =	ssyncadd.s32 $0xFFFFE000  }
0xe1: {  	_ =	swait.ge [sflag:s31], $0x2000  }
0xe2: {  	[sflag:s31] =	ssyncset.done $0x0  }
0xe3: {  	[sflag:s31] =	ssyncadd.s32 $0xFFFFE000  }
0xe4: {  	[spmem:s2] =	stream.indirect.scatter.add.f32 [tilespmem:s23], [sflag:$0x5], $0x80, s1, s29, $0xb8;
	v63 =	vld [tilespmem:$0x0]  }
0xe5: {  	s6 =	stileid.u32;
	_ =	swait.ge [sflag:s17], $0x4000  }
0xe6: {  	s8 =	sshrl.u32 s5, $0x3;
	s3 =	sadd.s32 $0x1, s3;
	[sflag:s17] =	ssyncset.done $0x0  }
0xe7: {  	s6 =	sshll.u32 s6, $0x6;
	p0 =	sne.s32 s3, s15;
	[sflag:s17] =	ssyncadd.s32 $0xFFFFC000  }
.Ltmp3:
0xe8: {  	s6 =	sor.u32 $0x1C05, s6;
	[bflag:$0x0] =	sbarrier.arrive $0xFFFF;
	(pc) =	sbr.rel @p0 .LBB2_1-.Ltmp3, $4  }
0xe9: {  	[hbm:s14], [sflag:s6] =	dma.local [spmem:s8], $0x2800  }
0xea: {  	_ =	swait.ge [sflag:s17], $0x2800  }
0xeb: {  	[sflag:s17] =	ssyncset.done $0x0  }
0xec: {  	[sflag:s17] =	ssyncadd.s32 $0xFFFFD800  }
0xed: {  	_ =	sfence.sel $0x180000  }
0xee: {  	[bflag:$0x0] =	sbarrier.arrive $0xFFFF  }
0xef: {  	_ =	strace $0x9000004D  }
0xf0: {  	s0 =	stileid.u32;
	[bflag:$0x2] =	sbarrier.arrive $0xFFFF  }
0xf1: {  	p0 =	sne.s32 s0, $0x0;
	s0 =	rddreg [dreg:$0x2]  }
0xf2: {  	s0 =	sadd.s32 @!p0 $0x100000, s0  }
0xf3: {  	[sflag:s0] =	ssyncadd.tile.s32 @!p0 $0x1;
	_ =	shalt  }
.Lfunc_end2:
_tile_overlayer_lowered:
.L_overlay_start_2:
0xf4: {  	(tag) =	ssettag $0x2  }
0xf5: {  	s0 =	rddreg [dreg:$0x0];
	s2 =	stileid.u32  }
0xf6: {  	s1 =	rddreg [dreg:$0x1];
	p0 =	sne.s32 s2, $0x0  }
0xf7: {  	s3 =	rddreg [dreg:$0x2];
	[bflag:$0x3] =	sbarrier.arrive $0xFFFF;
	s2 =	simm.s32 @!p0 $0x1C05  }
0xf8: {  	[timem:s3], [sflag:s2] =	dma.local @!p0 [hbm:s0], s1  }
0xf9: {  	s0 =	simm.s32 @!p0 $0x5  }
0xfa: {  	_ =	swait.ge @!p0 [sflag:s0], s1  }
0xfb: {  	s1 =	ssub.s32 @!p0 $0x0, s1;
	[sflag:s0] =	ssyncset.done @!p0 $0x0  }
0xfc: {  	[sflag:s0] =	ssyncadd.s32 @!p0 s1  }
0xfd: {  	[bflag:$0x3] =	sbarrier.arrive $0xFFFF  }
0xfe: {  	_ =	shalt  }

// kernel: kernel.18.cloned.1.call-start
scs
__scs_entry_jumppad:
0x0: {  	(pc) =	sbr.rel $0x88, $3  }
0x1: {  	(tag) =	ssettag $0x0;
	lr =	simm.s32 $0x1  }
0x2: {  	[smem:$0x3F96] =	sst lr;
	_ =	strace $0xD0000000  }
0x3: {  	_ = 	snop  }
0x4: {  	_ = 	snop  }
0x5: {  	_ = 	snop  }
0x6: {  	_ = 	snop  }
0x7: {  	_ = 	snop  }
__scs_overlays_trampoline_lowered:
0x8: {  	[smem:$0x3FA5] =	sst s0  }
0x9: {  	[smem:$0x3FA6] =	sst s1  }
0xa: {  	[smem:$0x3FA7] =	sst s2  }
0xb: {  	[smem:$0x3FA8] =	sst s3  }
0xc: {  	[smem:$0x3FA9] =	sst s4  }
0xd: {  	[smem:$0x3FAA] =	sst s5  }
0xe: {  	[smem:$0x3FAB] =	sst s6  }
0xf: {  	[smem:$0x3FAC] =	sst s7  }
0x10: {  	[smem:$0x3FAD] =	sst s8  }
0x11: {  	[smem:$0x3FAE] =	sst s9;
	s0 =	simm.s32 @!p0 $0x0  }
0x12: {  	s1 =	sld [smem:$0x3F94];
	s0 =	simm.s32 @p0 $0x1  }
0x13: {  	[smem:$0x3FAF] =	sst s0;
	s0 =	simm.s32 @!p1 $0x0  }
0x14: {  	s2 =	sld [smem:$0x3F93];
	s0 =	simm.s32 @p1 $0x1  }
0x15: {  	[smem:$0x3FB0] =	sst s0;
	s0 =	simm.s32 @!p2 $0x0  }
0x16: {  	s3 =	sld [smem:$0x3FDB];
	s0 =	simm.s32 @p2 $0x1  }
0x17: {  	s4 =	simm.s32 $0x1BF5;
	[smem:$0x3FB2] =	sst s0  }
0x18: {  	s0 =	sld [smem:$0x3F95];
	_ =	swait.ge [sflag:s4], $0x0  }
0x19: {  	s7 =	sld [smem:$0x3F96]  }
0x1a: {  	s8 =	sadd.s32 $0xFFFFE003, lr  }
0x1b: {  	s9 =	sadd.s32 $0xFFFFFEF7, lr;
	s5 =	simm.s32 $0xFFFFFFFF;
	p2 =	slt.u32 s8, $0xFFFFF086  }
0x1c: {  	p1 =	slt.u32 s9, $0xF7A;
	s5 =	simm.s32 @!p2 $0x0  }
0x1d: {  	s5 =	simm.s32 @p1 $0x1;
	p0 =	seq.s32 s7, s2  }
0x1e: {  	s7 =	smul.u32 @!p0 $0xF7A, s2;
	p2 =	seq.s32 @!p0 s5, $0x0  }
0x1f: {  	s9 =	smul.u32 $0xF7A, s1;
	s8 =	simm.s32 @!p0 $0x1BF5;
	p2 =	por !p2, p0  }
0x20: {  	[sflag:s8] =	ssyncset.s32 @!p0 $0xFFFFF086;
	s6 =	sadd.s32 @!p0 s3, s7;
	s7 =	simm.s32 @!p0 $0x108  }
0x21: {  	s3 =	sadd.s32 s3, s9;
	s6 =	sadd.s32 @!p0 $0x88, s6;
	s7 =	simm.s32 @p2 $0x1082  }
0x22: {  	[simem:s7], [sflag:s8] =	dma.local @!p0 [hbm:s6], $0xF7A  }
0x23: {  	s9 =	sor.u32 $0xD0000000, s2;
	s6 =	simm.s32 $0x108;
	_ =	swait.ge @!p0 [sflag:s8], $0x0  }
0x24: {  	s3 =	sadd.s32 $0x88, s3;
	s6 =	simm.s32 @!p1 $0x1082;
	[sflag:s4] =	ssyncset.s32 $0xFFFFF086  }
0x25: {  	[simem:s6], [sflag:s4] =	dma.local [hbm:s3], $0xF7A  }
0x26: {  	[smem:$0x3F96] =	sst s1;
	(tag) =	ssettag s2;
	_ =	strace s9  }
0x27: {  	s1 =	sld [smem:$0x3FA6]  }
0x28: {  	s2 =	sld [smem:$0x3FA7]  }
0x29: {  	s4 =	sld [smem:$0x3FA9]  }
0x2a: {  	p0 =	seq.s32 s5, $0x0;
	s5 =	sld [smem:$0x3FAA]  }
0x2b: {  	s6 =	sld [smem:$0x3FAB]  }
0x2c: {  	s7 =	sld [smem:$0x3FAC]  }
0x2d: {  	s3 =	simm.s32 $0x108;
	s8 =	sld [smem:$0x3FAD]  }
0x2e: {  	s3 =	simm.s32 @!p0 $0x1082;
	s9 =	sld [smem:$0x3FAE]  }
0x2f: {  	lr =	sadd.s32 s0, s3;
	s0 =	sld [smem:$0x3FA5]  }
0x30: {  	s3 =	sld [smem:$0x3FA8]  }
0x31: {  	[smem:$0x3FB1] =	sst s10  }
0x32: {  	s10 =	sld [smem:$0x3FAF];
	_ =	sdelay $0x3  }
0x33: {  	p0 =	seq.s32 s10, $0x1;
	s10 =	sld [smem:$0x3FB1];
	_ =	sdelay $0x3  }
0x34: {  	[smem:$0x3FB1] =	sst s10  }
0x35: {  	s10 =	sld [smem:$0x3FB0];
	_ =	sdelay $0x3  }
0x36: {  	p1 =	seq.s32 s10, $0x1;
	s10 =	sld [smem:$0x3FB1];
	_ =	sdelay $0x3  }
0x37: {  	[smem:$0x3FB1] =	sst s10  }
0x38: {  	s10 =	sld [smem:$0x3FB2]  }
0x39: {  	_ = 	snop;
	(pc) =	sbr.ind lr, $3  }
0x3a: {  	_ = 	snop  }
0x3b: {  	_ = 	snop  }
0x3c: {  	p2 =	seq.s32 s10, $0x1;
	s10 =	sld [smem:$0x3FB1]  }
0x3d: {  	_ =	shalt  }
0x3e: {  	_ =	shalt  }
0x3f: {  	_ =	shalt  }
0x40: {  	_ =	shalt  }
0x41: {  	_ =	shalt  }
0x42: {  	_ =	shalt  }
0x43: {  	_ =	shalt  }
0x44: {  	_ =	shalt  }
0x45: {  	_ =	shalt  }
0x46: {  	_ =	shalt  }
0x47: {  	_ =	shalt  }
0x48: {  	_ =	shalt  }
0x49: {  	_ =	shalt  }
0x4a: {  	_ =	shalt  }
0x4b: {  	_ =	shalt  }
0x4c: {  	_ =	shalt  }
0x4d: {  	_ =	shalt  }
0x4e: {  	_ =	shalt  }
0x4f: {  	_ =	shalt  }
0x50: {  	_ =	shalt  }
0x51: {  	_ =	shalt  }
0x52: {  	_ =	shalt  }
0x53: {  	_ =	shalt  }
0x54: {  	_ =	shalt  }
0x55: {  	_ =	shalt  }
0x56: {  	_ =	shalt  }
0x57: {  	_ =	shalt  }
0x58: {  	_ =	shalt  }
0x59: {  	_ =	shalt  }
0x5a: {  	_ =	shalt  }
0x5b: {  	_ =	shalt  }
0x5c: {  	_ =	shalt  }
0x5d: {  	_ =	shalt  }
0x5e: {  	_ =	shalt  }
0x5f: {  	_ =	shalt  }
0x60: {  	_ =	shalt  }
0x61: {  	_ =	shalt  }
0x62: {  	_ =	shalt  }
0x63: {  	_ =	shalt  }
0x64: {  	_ =	shalt  }
0x65: {  	_ =	shalt  }
0x66: {  	_ =	shalt  }
0x67: {  	_ =	shalt  }
0x68: {  	_ =	shalt  }
0x69: {  	_ =	shalt  }
0x6a: {  	_ =	shalt  }
0x6b: {  	_ =	shalt  }
0x6c: {  	_ =	shalt  }
0x6d: {  	_ =	shalt  }
0x6e: {  	_ =	shalt  }
0x6f: {  	_ =	shalt  }
0x70: {  	_ =	shalt  }
0x71: {  	_ =	shalt  }
0x72: {  	_ =	shalt  }
0x73: {  	_ =	shalt  }
0x74: {  	_ =	shalt  }
0x75: {  	_ =	shalt  }
0x76: {  	_ =	shalt  }
0x77: {  	_ =	shalt  }
0x78: {  	_ =	shalt  }
0x79: {  	_ =	shalt  }
0x7a: {  	_ =	shalt  }
0x7b: {  	_ =	shalt  }
0x7c: {  	_ =	shalt  }
0x7d: {  	_ =	shalt  }
0x7e: {  	_ =	shalt  }
0x7f: {  	_ =	shalt  }
0x80: {  	_ =	shalt  }
0x81: {  	_ =	shalt  }
0x82: {  	_ =	shalt  }
0x83: {  	_ =	shalt  }
0x84: {  	_ =	shalt  }
0x85: {  	_ =	shalt  }
0x86: {  	_ =	shalt  }
0x87: {  	_ =	shalt  }
.Lfunc_end0:
.L_simem_size_0:
called_computation.3_lowered:
.L_overlay_start_0:
0x88: {  	s2 =	sld [smem:$0x3FD9]  }
0x89: {  	s3 =	sld [smem:$0x3FFE];
	_ =	sdelay $0x1  }
0x8a: {  	s1 =	srdreg.scid  }
0x8b: {  	s0 =	sand.u32 $0x1, s1  }
0x8c: {  	s16 =	sshll.u32 s0, $0xA;
	s2 =	sadd.s32 s3, s2  }
0x8d: {  	s2 =	sadd.s32 s2, s16  }
0x8e: {  	[smem:$0x3FBD] =	sst s2  }
0x8f: {  	_ = 	snop  }
0x90: {  	(tm) =	ssettm $0x1  }
0x91: {  	s17 =	sld [smem:$0x3FFB];
	_ =	sdelay $0x3  }
0x92: {  	_ =	strace s17  }
0x93: {  	s2 =	sld [smem:$0x3FFC];
	_ =	sdelay $0x3  }
0x94: {  	_ =	strace s2  }
0x95: {  	s2 =	sld [smem:$0x3FFD];
	_ =	sdelay $0x3  }
0x96: {  	_ =	strace s2  }
0x97: {  	_ =	strace $0x8FFFFFFF  }
0x98: {  	s18 =	sld [smem:$0x3FDB];
	_ =	sdelay $0x1  }
0x99: {  	s19 =	simm.s32 $_scs_section_size  }
0x9a: {  	s4 =	simm.s32 $_size__tile_overlayer_lowered;
	s5 =	simm.s32 $_tile_overlayer_lowered  }
0x9b: {  	s22 =	simm.s32 $0x1BFF;
	s21 =	sshll.u32 s5, $0x1;
	s2 =	sadd.s32 s19, s18  }
0x9c: {  	s6 =	simm.s32 $0x0;
	s20 =	sshll.u32 s4, $0x1;
	s4 =	sadd.s32 s21, s2  }
0x9d: {  	[timem:s6], [sflag:s22] =	dma.local [hbm:s4], s20  }
0x9e: {  	_ =	swait.ge [sflag:s22], s20  }
0x9f: {  	s3 =	ssub.s32 $0x0, s20;
	[sflag:s22] =	ssyncset.done $0x0  }
0xa0: {  	[sflag:s22] =	ssyncadd.s32 s3;
	_ =	sdelay $0x1  }
0xa1: {  	s23 =	simm.s32 $0x1B8B  }
0xa2: {  	_ =	swait.ge [sflag:s23], $0x1  }
0xa3: {  	[sflag:s23] =	ssyncset.done $0x0  }
0xa4: {  	s25 =	simm.s32 $0x1B8E;
	s24 =	sld [smem:$0x3FFE];
	[sflag:s23] =	ssyncadd.s32 $0xFFFFFFFF  }
0xa5: {  	s26 =	simm.s32 $execute0_lowered;
	[smem:$0x3FD2] =	sst s25  }
0xa6: {  	s4 =	sshll.u32 s26, $0x1;
	_ =	strace $0x8000004F;
	[dreg:$0x1] =	wrdreg $0xFFFFFFFF  }
0xa7: {  	s28 =	simm.s32 $_size_execute0_lowered;
	s2 =	sadd.s32 s2, s4;
	[dreg:$0x0] =	wrdreg $0x0  }
0xa8: {  	s4 =	sshll.u32 s28, $0x1;
	[dreg:$0x2] =	wrdreg s2  }
0xa9: {  	[dreg:$0x3] =	wrdreg s4  }
0xaa: {  	[dreg:$0x4] =	wrdreg $0xC0  }
0xab: {  	_ =	task [dreg:s6], $0x5FFFF  }
0xac: {  	[dreg:$0x1] =	wrdreg $0xFFFFFFFF  }
0xad: {  	[dreg:$0x0] =	wrdreg $0x60  }
0xae: {  	[dreg:$0x2] =	wrdreg s24  }
0xaf: {  	[dreg:$0x3] =	wrdreg $0xC0000  }
0xb0: {  	[dreg:$0x4] =	wrdreg $0x9  }
0xb1: {  	_ =	task.clear_ibuf [dreg:s6], $0x5FFFF;
	_ =	strace $0x9000004F  }
0xb2: {  	s29 =	simm.s32 $0x9;
	_ =	strace $0x80000051  }
0xb3: {  	_ =	swait.ge [sflag:s29], $0x1  }
0xb4: {  	[sflag:s29] =	ssyncadd.s32 $0xFFFFFFFF  }
0xb5: {  	_ =	strace $0x90000051  }
0xb6: {  	_ =	sfence  }
0xb7: {  	s30 =	sld [smem:$0x0];
	_ =	sdelay $0x2  }
0xb8: {  	s31 =	sshll.u32 s1, $0xD;
	s1 =	sshrl.u32 s1, $0x2  }
0xb9: {  	s3 =	sand.u32 $0x4000, s31;
	s1 =	sadd.s32 s1, s30  }
0xba: {  	s0 =	sor.u32 s3, s0;
	s1 =	sshll.u32 s1, $0x11  }
0xbb: {  	s0 =	sor.u32 s1, s0  }
0xbc: {  	s0 =	sadd.s32 $0x8F2B, s0  }
0xbd: {  	[sflag:s0] =	ssyncadd.remote.s32 $0x1  }
0xbe: {  	_ =	sfence.sel $0xFFFF  }
0xbf: {  	[dreg:$0x0] =	wrdreg $0xFFFFFFFF;
	(pc) =	sbr.abs _section_cstart, $3  }
0xc0: {  	[dreg:$0x1] =	wrdreg $0xFFFFFFFF  }
0xc1: {  	_ =	task.clear_ibuf [dreg:s6], $0x2FFFF;
	_ =	strace $0x9FFFFFFF  }
0xc2: {  	(tm) =	ssettm $0x7FFFFFFF  }
0xc3: {  	_ =	shalt  }
tec
execute0_lowered:
.L_overlay_start_1:
0x0: {  	(tag) =	ssettag $0x1  }
0x1: {  	s0 =	rddreg [dreg:$0x0]  }
0x2: {  	s2 =	rddreg [dreg:$0x1];
	s3 =	simm.s32 $0x0;
	s11 =	stileid.u32  }
0x3: {  	s1 =	srdreg.scid;
	s16 =	simm.s32 $0x4000;
	s17 =	simm.s32 $0x5  }
0x4: {  	s18 =	simm.s32 $0x2000;
	s19 =	simm.s32 $0x40;
	s20 =	simm.s32 $0x2040  }
0x5: {  	s21 =	simm.s32 $0x6000;
	s28 =	simm.s32 $0x2;
	s29 =	simm.s32 $0x80  }
0x6: {  	s30 =	simm.s32 $0x3;
	s31 =	simm.s32 $0x4;
	s5 =	smul.u32 $0x2800, s11  }
0x7: {  	[smem:$0x7FF] =	sst s3;
	s1 =	sand.u32 $0x1, s1;
	s6 =	smul.u32 $0x50000, s11  }
0x8: {  	s4 =	sadd.s32 $0x9D600, s0;
	s7 =	sadd.s32 $0x2D600, s0;
	s13 =	sadd.s32 $0x3D600, s0  }
0x9: {  	s25 =	sshll.u32 s11, $0xB;
	_ =	strace $0x80000050;
	s8 =	smul.u32 $0x28000, s1  }
0xa: {  	s9 =	ssub.s32 $0x2, s1;
	s1 =	sshll.u32 s1, $0xF;
	s6 =	sshrl.u32 s6, $0x2  }
0xb: {  	s10 =	sshrl.u32 s9, $0x1;
	s1 =	sor.u32 s25, s1;
	s25 =	simm.s32 $0xA000  }
0xc: {  	s8 =	sadd.s32 s5, s8;
	s5 =	sadd.s32 s6, s2;
	s22 =	ssub.s32 s9, s10  }
0xd: {  	s10 =	sadd.s32 s7, s1;
	s11 =	sadd.s32 s13, s1;
	s1 =	sor.u32 $0x400, s1  }
0xe: {  	s0 =	sadd.s32 s8, s0;
	s23 =	sadd.s32 $0x4000, s5;
	s24 =	sadd.s32 $0x8000, s5  }
0xf: {  	s26 =	sadd.s32 $0xC000, s5;
	s9 =	sadd.s32 $0x10000, s5;
	s12 =	sadd.s32 s7, s1  }
0x10: {  	s13 =	sadd.s32 s13, s1;
	s15 =	smax.u32 s22, $0x1;
	[dreg:$0x3] =	wrdreg s23  }
0x11: {  	s22 =	simm.s32 $0x2080;
	s1 =	simm.s32 $0x1F80;
	[dreg:$0x4] =	wrdreg s24  }
0x12: {  	[dreg:$0x5] =	wrdreg s26;
	s14 =	sadd.s32 $0xC5600, s0;
	s23 =	simm.s32 $0x8000  }
0x13: {  	v0 =	vimm.f32 $0.0e+00;
	s24 =	simm.s32 $0x20C0;
	s26 =	simm.s32 $0x1;
	s0 =	simm.s32 $0x1F00  }
.LBB2_1:
0x14: {  	s6 =	simm.s32 $0x0;
	s7 =	simm.s32 $0x200  }
.LBB2_2:
0x15: {  	p0 =	sne.s32 s7, $0xFE00;
	[tilespmem:s6+$0x4070] =	vst v0  }
0x16: {  	[tilespmem:s6+$0x4000] =	vst v0  }
0x17: {  	[tilespmem:s6+$0x4010] =	vst v0  }
.Ltmp0:
0x18: {  	[tilespmem:s6+$0x4020] =	vst v0;
	(pc) =	sbr.rel @p0 .LBB2_2-.Ltmp0, $4  }
0x19: {  	[tilespmem:s6+$0x4030] =	vst v0  }
0x1a: {  	[tilespmem:s6+$0x4040] =	vst v0  }
0x1b: {  	[tilespmem:s6+$0x4050] =	vst v0  }
0x1c: {  	[tilespmem:s6+$0x4060] =	vst v0;
	s6 =	sshra.s32 s7, $0x2;
	s7 =	sadd.s32 $0x200, s7  }
0x1d: {  	[tilespmem:s6+$0x4070] =	vst v0  }
0x1e: {  	[tilespmem:s6+$0x4000] =	vst v0  }
0x1f: {  	[tilespmem:s6+$0x4010] =	vst v0  }
0x20: {  	[tilespmem:s6+$0x4020] =	vst v0  }
0x21: {  	[tilespmem:s6+$0x4030] =	vst v0  }
0x22: {  	[tilespmem:s6+$0x4040] =	vst v0  }
0x23: {  	[tilespmem:s6+$0x4050] =	vst v0  }
0x24: {  	[tilespmem:s6+$0x4060] =	vst v0  }
0x25: {  	[spmem:s5] =	stream.linear.scatter [tilespmem:s16], [sflag:$0x5], $0x4000, $0x38;
	v63 =	vld [tilespmem:$0x0]  }
0x26: {  	_ =	swait.ge [sflag:s17], $0x4000  }
0x27: {  	[sflag:s17] =	ssyncset.done $0x0  }
0x28: {  	s8 =	rddreg [dreg:$0x3];
	[sflag:s17] =	ssyncadd.s32 $0xFFFFC000  }
0x29: {  	[spmem:s8] =	stream.linear.scatter [tilespmem:s16], [sflag:$0x5], $0x4000, $0x38;
	v63 =	vld [tilespmem:$0x0]  }
0x2a: {  	_ =	swait.ge [sflag:s17], $0x4000  }
0x2b: {  	[sflag:s17] =	ssyncset.done $0x0  }
0x2c: {  	s7 =	rddreg [dreg:$0x4];
	[sflag:s17] =	ssyncadd.s32 $0xFFFFC000  }
0x2d: {  	[spmem:s7] =	stream.linear.scatter [tilespmem:s16], [sflag:$0x5], $0x4000, $0x38;
	v63 =	vld [tilespmem:$0x0]  }
0x2e: {  	_ =	swait.ge [sflag:s17], $0x4000  }
0x2f: {  	[sflag:s17] =	ssyncset.done $0x0  }
0x30: {  	s8 =	rddreg [dreg:$0x5];
	[sflag:s17] =	ssyncadd.s32 $0xFFFFC000  }
0x31: {  	[spmem:s8] =	stream.linear.scatter [tilespmem:s16], [sflag:$0x5], $0x4000, $0x38;
	v63 =	vld [tilespmem:$0x0]  }
0x32: {  	_ =	swait.ge [sflag:s17], $0x4000  }
0x33: {  	[sflag:s17] =	ssyncset.done $0x0  }
0x34: {  	[sflag:s17] =	ssyncadd.s32 $0xFFFFC000  }
0x35: {  	[spmem:s9] =	stream.linear.scatter [tilespmem:s16], [sflag:$0x5], $0x4000, $0x38;
	v63 =	vld [tilespmem:$0x0]  }
0x36: {  	_ =	swait.ge [sflag:s17], $0x4000  }
0x37: {  	[sflag:s17] =	ssyncset.done $0x0  }
0x38: {  	[sflag:s17] =	ssyncadd.s32 $0xFFFFC000  }
0x39: {  	s7 =	simm.s32 $0x0;
	[bflag:$0x0] =	sbarrier.arrive $0xFFFF  }
0x3a: {  	[tilespmem:s7], [sflag:$0x5] =	stream.linear.gather [hbm4b:s10+s7], $0x2000, $0x38;
	v63 =	vld [tilespmem:$0x0]  }
0x3b: {  	_ =	swait.ge [sflag:s17], $0x2000  }
0x3c: {  	[sflag:s17] =	ssyncset.done $0x0  }
0x3d: {  	[sflag:s17] =	ssyncadd.s32 $0xFFFFE000  }
0x3e: {  	[tilespmem:s18], [sflag:$0x5] =	stream.linear.gather [hbm4b:s11+s7], $0x2000, $0x38;
	v63 =	vld [tilespmem:$0x0]  }
0x3f: {  	_ =	swait.ge [sflag:s17], $0x2000  }
0x40: {  	[sflag:s17] =	ssyncset.done $0x0  }
0x41: {  	[sflag:s17] =	ssyncadd.s32 $0xFFFFE000  }
0x42: {  	[tilespmem:s16], [sflag:$0x1] =	stream.indirect.gather [hbm4b:s4+s19], $0x80, s18, s19, $0xb8;
	v63 =	vld [tilespmem:$0x0]  }
0x43: {  	_ = 	snop  }
0x44: {  	[tilespmem:s21], [sflag:$0x2] =	stream.indirect.gather [hbm4b:s4+s19], $0x80, s20, s19, $0xb8;
	v63 =	vld [tilespmem:$0x0]  }
0x45: {  	_ = 	snop  }
0x46: {  	[tilespmem:s23], [sflag:$0x3] =	stream.indirect.gather [hbm4b:s4+s19], $0x80, s22, s19, $0xb8;
	v63 =	vld [tilespmem:$0x0]  }
0x47: {  	_ = 	snop  }
0x48: {  	[tilespmem:s25], [sflag:$0x4] =	stream.indirect.gather [hbm4b:s4+s19], $0x80, s24, s19, $0xb8;
	v63 =	vld [tilespmem:$0x0]  }
0x49: {  	_ =	swait.ge [sflag:s26], $0x2000  }
0x4a: {  	[sflag:s26] =	ssyncset.done $0x0  }
0x4b: {  	[sflag:s26] =	ssyncadd.s32 $0xFFFFE000  }
0x4c: {  	_ =	swait.ge [sflag:s28], $0x2000  }
0x4d: {  	[sflag:s28] =	ssyncset.done $0x0  }
0x4e: {  	s8 =	simm.s32 $0x0;
	[sflag:s28] =	ssyncadd.s32 $0xFFFFE000  }
0x4f: {  	[spmem:s2] =	stream.indirect.scatter.add.f32 [tilespmem:s16], [sflag:$0x5], $0x80, s8, s29, $0xb8;
	v63 =	vld [tilespmem:$0x0]  }
0x50: {  	_ =	swait.ge [sflag:s17], $0x4000  }
0x51: {  	[sflag:s17] =	ssyncset.done $0x0  }
0x52: {  	s7 =	simm.s32 $0x2100;
	[sflag:s17] =	ssyncadd.s32 $0xFFFFC000  }
0x53: {  	[tilespmem:s16], [sflag:$0x1] =	stream.indirect.gather [hbm4b:s4+s19], $0x80, s7, s19, $0xb8;
	v63 =	vld [tilespmem:$0x0]  }
0x54: {  	s8 =	simm.s32 $0x2140  }
0x55: {  	[tilespmem:s21], [sflag:$0x2] =	stream.indirect.gather [hbm4b:s4+s19], $0x80, s8, s19, $0xb8;
	v63 =	vld [tilespmem:$0x0]  }
0x56: {  	_ =	swait.ge [sflag:s30], $0x2000  }
0x57: {  	[sflag:s30] =	ssyncset.done $0x0  }
0x58: {  	[sflag:s30] =	ssyncadd.s32 $0xFFFFE000  }
0x59: {  	_ =	swait.ge [sflag:s31], $0x2000  }
0x5a: {  	[sflag:s31] =	ssyncset.done $0x0  }
0x5b: {  	s7 =	simm.s32 $0x80;
	[sflag:s31] =	ssyncadd.s32 $0xFFFFE000  }
0x5c: {  	[spmem:s2] =	stream.indirect.scatter.add.f32 [tilespmem:s23], [sflag:$0x5], $0x80, s7, s29, $0xb8;
	v63 =	vld [tilespmem:$0x0]  }
0x5d: {  	_ =	swait.ge [sflag:s17], $0x4000  }
0x5e: {  	s6 =	simm.s32 $0x400;
	[sflag:s17] =	ssyncset.done $0x0  }
0x5f: {  	s8 =	simm.s32 $0x2180;
	s7 =	simm.s32 $0x21C0;
	[sflag:s17] =	ssyncadd.s32 $0xFFFFC000  }
0x60: {  	[tilespmem:s23], [sflag:$0x3] =	stream.indirect.gather [hbm4b:s4+s19], $0x80, s8, s19, $0xb8;
	v63 =	vld [tilespmem:$0x0]  }
.LBB2_4:
0x61: {  	[tilespmem:s25], [sflag:$0x4] =	stream.indirect.gather [hbm4b:s4+s19], $0x80, s7, s19, $0xb8;
	v63 =	vld [tilespmem:$0x0]  }
0x62: {  	s7 =	smov.u32 s6  }
0x63: {  	p0 =	sne.s32 s6, $0x7800;
	s6 =	sadd.s32 $0x400, s6;
	_ =	swait.ge [sflag:s26], $0x2000  }
0x64: {  	[sflag:s26] =	ssyncset.done $0x0  }
0x65: {  	[sflag:s26] =	ssyncadd.s32 $0xFFFFE000  }
0x66: {  	_ =	swait.ge [sflag:s28], $0x2000  }
0x67: {  	[sflag:s28] =	ssyncset.done $0x0  }
0x68: {  	s7 =	sshra.s32 s7, $0x2;
	[sflag:s28] =	ssyncadd.s32 $0xFFFFE000  }
0x69: {  	[spmem:s2] =	stream.indirect.scatter.add.f32 [tilespmem:s16], [sflag:$0x5], $0x80, s7, s29, $0xb8;
	v63 =	vld [tilespmem:$0x0]  }
0x6a: {  	_ =	swait.ge [sflag:s17], $0x4000  }
0x6b: {  	[sflag:s17] =	ssyncset.done $0x0  }
0x6c: {  	s8 =	sadd.s32 $0x2100, s7;
	[sflag:s17] =	ssyncadd.s32 $0xFFFFC000  }
0x6d: {  	[tilespmem:s16], [sflag:$0x1] =	stream.indirect.gather [hbm4b:s4+s19], $0x80, s8, s19, $0xb8;
	v63 =	vld [tilespmem:$0x0]  }
0x6e: {  	s8 =	sadd.s32 $0x2140, s7  }
0x6f: {  	[tilespmem:s21], [sflag:$0x2] =	stream.indirect.gather [hbm4b:s4+s19], $0x80, s8, s19, $0xb8;
	v63 =	vld [tilespmem:$0x0]  }
0x70: {  	_ =	swait.ge [sflag:s30], $0x2000  }
0x71: {  	[sflag:s30] =	ssyncset.done $0x0  }
0x72: {  	[sflag:s30] =	ssyncadd.s32 $0xFFFFE000  }
0x73: {  	_ =	swait.ge [sflag:s31], $0x2000  }
0x74: {  	[sflag:s31] =	ssyncset.done $0x0  }
0x75: {  	s8 =	sadd.s32 $0x80, s7;
	[sflag:s31] =	ssyncadd.s32 $0xFFFFE000  }
0x76: {  	[spmem:s2] =	stream.indirect.scatter.add.f32 [tilespmem:s23], [sflag:$0x5], $0x80, s8, s29, $0xb8;
	v63 =	vld [tilespmem:$0x0]  }
.Ltmp1:
0x77: {  	_ =	swait.ge [sflag:s17], $0x4000;
	(pc) =	sbr.rel @p0 .LBB2_4-.Ltmp1, $4  }
0x78: {  	[sflag:s17] =	ssyncset.done $0x0  }
0x79: {  	s8 =	sadd.s32 $0x2180, s7;
	[sflag:s17] =	ssyncadd.s32 $0xFFFFC000  }
0x7a: {  	[tilespmem:s23], [sflag:$0x3] =	stream.indirect.gather [hbm4b:s4+s19], $0x80, s8, s19, $0xb8;
	v63 =	vld [tilespmem:$0x0]  }
0x7b: {  	s7 =	sadd.s32 $0x21C0, s7  }
0x7c: {  	[tilespmem:s25], [sflag:$0x4] =	stream.indirect.gather [hbm4b:s4+s19], $0x80, s7, s19, $0xb8;
	v63 =	vld [tilespmem:$0x0]  }
0x7d: {  	_ =	swait.ge [sflag:s26], $0x2000  }
0x7e: {  	[sflag:s26] =	ssyncset.done $0x0  }
0x7f: {  	[sflag:s26] =	ssyncadd.s32 $0xFFFFE000  }
0x80: {  	_ =	swait.ge [sflag:s28], $0x2000  }
0x81: {  	[sflag:s28] =	ssyncset.done $0x0  }
0x82: {  	[sflag:s28] =	ssyncadd.s32 $0xFFFFE000  }
0x83: {  	[spmem:s2] =	stream.indirect.scatter.add.f32 [tilespmem:s16], [sflag:$0x5], $0x80, s0, s29, $0xb8;
	v63 =	vld [tilespmem:$0x0]  }
0x84: {  	_ =	swait.ge [sflag:s17], $0x4000  }
0x85: {  	[sflag:s17] =	ssyncset.done $0x0  }
0x86: {  	[sflag:s17] =	ssyncadd.s32 $0xFFFFC000  }
0x87: {  	_ =	swait.ge [sflag:s30], $0x2000  }
0x88: {  	[sflag:s30] =	ssyncset.done $0x0  }
0x89: {  	[sflag:s30] =	ssyncadd.s32 $0xFFFFE000  }
0x8a: {  	_ =	swait.ge [sflag:s31], $0x2000  }
0x8b: {  	[sflag:s31] =	ssyncset.done $0x0  }
0x8c: {  	[sflag:s31] =	ssyncadd.s32 $0xFFFFE000  }
0x8d: {  	[spmem:s2] =	stream.indirect.scatter.add.f32 [tilespmem:s23], [sflag:$0x5], $0x80, s1, s29, $0xb8;
	v63 =	vld [tilespmem:$0x0]  }
0x8e: {  	_ =	swait.ge [sflag:s17], $0x4000  }
0x8f: {  	[sflag:s17] =	ssyncset.done $0x0  }
0x90: {  	s6 =	simm.s32 $0x0;
	[sflag:s17] =	ssyncadd.s32 $0xFFFFC000  }
0x91: {  	[tilespmem:s6], [sflag:$0x5] =	stream.linear.gather [hbm4b:s12+s6], $0x2000, $0x38;
	v63 =	vld [tilespmem:$0x0]  }
0x92: {  	_ =	swait.ge [sflag:s17], $0x2000  }
0x93: {  	[sflag:s17] =	ssyncset.done $0x0  }
0x94: {  	[sflag:s17] =	ssyncadd.s32 $0xFFFFE000  }
0x95: {  	[tilespmem:s18], [sflag:$0x5] =	stream.linear.gather [hbm4b:s13+s6], $0x2000, $0x38;
	v63 =	vld [tilespmem:$0x0]  }
0x96: {  	_ =	swait.ge [sflag:s17], $0x2000  }
0x97: {  	[sflag:s17] =	ssyncset.done $0x0  }
0x98: {  	[sflag:s17] =	ssyncadd.s32 $0xFFFFE000  }
0x99: {  	[tilespmem:s16], [sflag:$0x1] =	stream.indirect.gather [hbm4b:s4+s19], $0x80, s18, s19, $0xb8;
	v63 =	vld [tilespmem:$0x0]  }
0x9a: {  	_ = 	snop  }
0x9b: {  	[tilespmem:s21], [sflag:$0x2] =	stream.indirect.gather [hbm4b:s4+s19], $0x80, s20, s19, $0xb8;
	v63 =	vld [tilespmem:$0x0]  }
0x9c: {  	_ = 	snop  }
0x9d: {  	[tilespmem:s23], [sflag:$0x3] =	stream.indirect.gather [hbm4b:s4+s19], $0x80, s22, s19, $0xb8;
	v63 =	vld [tilespmem:$0x0]  }
0x9e: {  	_ = 	snop  }
0x9f: {  	[tilespmem:s25], [sflag:$0x4] =	stream.indirect.gather [hbm4b:s4+s19], $0x80, s24, s19, $0xb8;
	v63 =	vld [tilespmem:$0x0]  }
0xa0: {  	_ =	swait.ge [sflag:s26], $0x2000  }
0xa1: {  	[sflag:s26] =	ssyncset.done $0x0  }
0xa2: {  	[sflag:s26] =	ssyncadd.s32 $0xFFFFE000  }
0xa3: {  	_ =	swait.ge [sflag:s28], $0x2000  }
0xa4: {  	[sflag:s28] =	ssyncset.done $0x0  }
0xa5: {  	s8 =	simm.s32 $0x0;
	[sflag:s28] =	ssyncadd.s32 $0xFFFFE000  }
0xa6: {  	[spmem:s2] =	stream.indirect.scatter.add.f32 [tilespmem:s16], [sflag:$0x5], $0x80, s8, s29, $0xb8;
	v63 =	vld [tilespmem:$0x0]  }
0xa7: {  	_ =	swait.ge [sflag:s17], $0x4000  }
0xa8: {  	[sflag:s17] =	ssyncset.done $0x0  }
0xa9: {  	s7 =	simm.s32 $0x2100;
	[sflag:s17] =	ssyncadd.s32 $0xFFFFC000  }
0xaa: {  	[tilespmem:s16], [sflag:$0x1] =	stream.indirect.gather [hbm4b:s4+s19], $0x80, s7, s19, $0xb8;
	v63 =	vld [tilespmem:$0x0]  }
0xab: {  	s8 =	simm.s32 $0x2140  }
0xac: {  	[tilespmem:s21], [sflag:$0x2] =	stream.indirect.gather [hbm4b:s4+s19], $0x80, s8, s19, $0xb8;
	v63 =	vld [tilespmem:$0x0]  }
0xad: {  	_ =	swait.ge [sflag:s30], $0x2000  }
0xae: {  	[sflag:s30] =	ssyncset.done $0x0  }
0xaf: {  	[sflag:s30] =	ssyncadd.s32 $0xFFFFE000  }
0xb0: {  	_ =	swait.ge [sflag:s31], $0x2000  }
0xb1: {  	[sflag:s31] =	ssyncset.done $0x0  }
0xb2: {  	s7 =	simm.s32 $0x80;
	[sflag:s31] =	ssyncadd.s32 $0xFFFFE000  }
0xb3: {  	[spmem:s2] =	stream.indirect.scatter.add.f32 [tilespmem:s23], [sflag:$0x5], $0x80, s7, s29, $0xb8;
	v63 =	vld [tilespmem:$0x0]  }
0xb4: {  	_ =	swait.ge [sflag:s17], $0x4000  }
0xb5: {  	s6 =	simm.s32 $0x400;
	[sflag:s17] =	ssyncset.done $0x0  }
0xb6: {  	s8 =	simm.s32 $0x2180;
	s7 =	simm.s32 $0x21C0;
	[sflag:s17] =	ssyncadd.s32 $0xFFFFC000  }
0xb7: {  	[tilespmem:s23], [sflag:$0x3] =	stream.indirect.gather [hbm4b:s4+s19], $0x80, s8, s19, $0xb8;
	v63 =	vld [tilespmem:$0x0]  }
.LBB2_6:
0xb8: {  	[tilespmem:s25], [sflag:$0x4] =	stream.indirect.gather [hbm4b:s4+s19], $0x80, s7, s19, $0xb8;
	v63 =	vld [tilespmem:$0x0]  }
0xb9: {  	s7 =	smov.u32 s6  }
0xba: {  	p0 =	sne.s32 s6, $0x7800;
	s6 =	sadd.s32 $0x400, s6;
	_ =	swait.ge [sflag:s26], $0x2000  }
0xbb: {  	[sflag:s26] =	ssyncset.done $0x0  }
0xbc: {  	[sflag:s26] =	ssyncadd.s32 $0xFFFFE000  }
0xbd: {  	_ =	swait.ge [sflag:s28], $0x2000  }
0xbe: {  	[sflag:s28] =	ssyncset.done $0x0  }
0xbf: {  	s7 =	sshra.s32 s7, $0x2;
	[sflag:s28] =	ssyncadd.s32 $0xFFFFE000  }
0xc0: {  	[spmem:s2] =	stream.indirect.scatter.add.f32 [tilespmem:s16], [sflag:$0x5], $0x80, s7, s29, $0xb8;
	v63 =	vld [tilespmem:$0x0]  }
0xc1: {  	_ =	swait.ge [sflag:s17], $0x4000  }
0xc2: {  	[sflag:s17] =	ssyncset.done $0x0  }
0xc3: {  	s8 =	sadd.s32 $0x2100, s7;
	[sflag:s17] =	ssyncadd.s32 $0xFFFFC000  }
0xc4: {  	[tilespmem:s16], [sflag:$0x1] =	stream.indirect.gather [hbm4b:s4+s19], $0x80, s8, s19, $0xb8;
	v63 =	vld [tilespmem:$0x0]  }
0xc5: {  	s8 =	sadd.s32 $0x2140, s7  }
0xc6: {  	[tilespmem:s21], [sflag:$0x2] =	stream.indirect.gather [hbm4b:s4+s19], $0x80, s8, s19, $0xb8;
	v63 =	vld [tilespmem:$0x0]  }
0xc7: {  	_ =	swait.ge [sflag:s30], $0x2000  }
0xc8: {  	[sflag:s30] =	ssyncset.done $0x0  }
0xc9: {  	[sflag:s30] =	ssyncadd.s32 $0xFFFFE000  }
0xca: {  	_ =	swait.ge [sflag:s31], $0x2000  }
0xcb: {  	[sflag:s31] =	ssyncset.done $0x0  }
0xcc: {  	s8 =	sadd.s32 $0x80, s7;
	[sflag:s31] =	ssyncadd.s32 $0xFFFFE000  }
0xcd: {  	[spmem:s2] =	stream.indirect.scatter.add.f32 [tilespmem:s23], [sflag:$0x5], $0x80, s8, s29, $0xb8;
	v63 =	vld [tilespmem:$0x0]  }
.Ltmp2:
0xce: {  	_ =	swait.ge [sflag:s17], $0x4000;
	(pc) =	sbr.rel @p0 .LBB2_6-.Ltmp2, $4  }
0xcf: {  	[sflag:s17] =	ssyncset.done $0x0  }
0xd0: {  	s8 =	sadd.s32 $0x2180, s7;
	[sflag:s17] =	ssyncadd.s32 $0xFFFFC000  }
0xd1: {  	[tilespmem:s23], [sflag:$0x3] =	stream.indirect.gather [hbm4b:s4+s19], $0x80, s8, s19, $0xb8;
	v63 =	vld [tilespmem:$0x0]  }
0xd2: {  	s7 =	sadd.s32 $0x21C0, s7  }
0xd3: {  	[tilespmem:s25], [sflag:$0x4] =	stream.indirect.gather [hbm4b:s4+s19], $0x80, s7, s19, $0xb8;
	v63 =	vld [tilespmem:$0x0]  }
0xd4: {  	_ =	swait.ge [sflag:s26], $0x2000  }
0xd5: {  	[sflag:s26] =	ssyncset.done $0x0  }
0xd6: {  	[sflag:s26] =	ssyncadd.s32 $0xFFFFE000  }
0xd7: {  	_ =	swait.ge [sflag:s28], $0x2000  }
0xd8: {  	[sflag:s28] =	ssyncset.done $0x0  }
0xd9: {  	[sflag:s28] =	ssyncadd.s32 $0xFFFFE000  }
0xda: {  	[spmem:s2] =	stream.indirect.scatter.add.f32 [tilespmem:s16], [sflag:$0x5], $0x80, s0, s29, $0xb8;
	v63 =	vld [tilespmem:$0x0]  }
0xdb: {  	_ =	swait.ge [sflag:s17], $0x4000  }
0xdc: {  	[sflag:s17] =	ssyncset.done $0x0  }
0xdd: {  	[sflag:s17] =	ssyncadd.s32 $0xFFFFC000  }
0xde: {  	_ =	swait.ge [sflag:s30], $0x2000  }
0xdf: {  	[sflag:s30] =	ssyncset.done $0x0  }
0xe0: {  	[sflag:s30] =	ssyncadd.s32 $0xFFFFE000  }
0xe1: {  	_ =	swait.ge [sflag:s31], $0x2000  }
0xe2: {  	[sflag:s31] =	ssyncset.done $0x0  }
0xe3: {  	[sflag:s31] =	ssyncadd.s32 $0xFFFFE000  }
0xe4: {  	[spmem:s2] =	stream.indirect.scatter.add.f32 [tilespmem:s23], [sflag:$0x5], $0x80, s1, s29, $0xb8;
	v63 =	vld [tilespmem:$0x0]  }
0xe5: {  	s6 =	stileid.u32;
	_ =	swait.ge [sflag:s17], $0x4000  }
0xe6: {  	s8 =	sshrl.u32 s5, $0x3;
	s3 =	sadd.s32 $0x1, s3;
	[sflag:s17] =	ssyncset.done $0x0  }
0xe7: {  	s6 =	sshll.u32 s6, $0x6;
	p0 =	sne.s32 s3, s15;
	[sflag:s17] =	ssyncadd.s32 $0xFFFFC000  }
.Ltmp3:
0xe8: {  	s6 =	sor.u32 $0x1C05, s6;
	[bflag:$0x0] =	sbarrier.arrive $0xFFFF;
	(pc) =	sbr.rel @p0 .LBB2_1-.Ltmp3, $4  }
0xe9: {  	[hbm:s14], [sflag:s6] =	dma.local [spmem:s8], $0x2800  }
0xea: {  	_ =	swait.ge [sflag:s17], $0x2800  }
0xeb: {  	[sflag:s17] =	ssyncset.done $0x0  }
0xec: {  	[sflag:s17] =	ssyncadd.s32 $0xFFFFD800  }
0xed: {  	_ =	sfence.sel $0x180000  }
0xee: {  	[bflag:$0x0] =	sbarrier.arrive $0xFFFF  }
0xef: {  	_ =	strace $0x90000050  }
0xf0: {  	s0 =	stileid.u32;
	[bflag:$0x2] =	sbarrier.arrive $0xFFFF  }
0xf1: {  	p0 =	sne.s32 s0, $0x0;
	s0 =	rddreg [dreg:$0x2]  }
0xf2: {  	s0 =	sadd.s32 @!p0 $0x100000, s0  }
0xf3: {  	[sflag:s0] =	ssyncadd.tile.s32 @!p0 $0x1;
	_ =	shalt  }
.Lfunc_end2:
_tile_overlayer_lowered:
.L_overlay_start_2:
0xf4: {  	(tag) =	ssettag $0x2  }
0xf5: {  	s0 =	rddreg [dreg:$0x0];
	s2 =	stileid.u32  }
0xf6: {  	s1 =	rddreg [dreg:$0x1];
	p0 =	sne.s32 s2, $0x0  }
0xf7: {  	s3 =	rddreg [dreg:$0x2];
	[bflag:$0x3] =	sbarrier.arrive $0xFFFF;
	s2 =	simm.s32 @!p0 $0x1C05  }
0xf8: {  	[timem:s3], [sflag:s2] =	dma.local @!p0 [hbm:s0], s1  }
0xf9: {  	s0 =	simm.s32 @!p0 $0x5  }
0xfa: {  	_ =	swait.ge @!p0 [sflag:s0], s1  }
0xfb: {  	s1 =	ssub.s32 @!p0 $0x0, s1;
	[sflag:s0] =	ssyncset.done @!p0 $0x0  }
0xfc: {  	[sflag:s0] =	ssyncadd.s32 @!p0 s1  }
0xfd: {  	[bflag:$0x3] =	sbarrier.arrive $0xFFFF  }
0xfe: {  	_ =	shalt  }

// kernel: kernel.9.cloned.1.call-start
scs
__scs_entry_jumppad:
0x0: {  	(pc) =	sbr.rel $0x88, $3  }
0x1: {  	(tag) =	ssettag $0x0;
	lr =	simm.s32 $0x1  }
0x2: {  	[smem:$0x3F96] =	sst lr;
	_ =	strace $0xD0000000  }
0x3: {  	_ = 	snop  }
0x4: {  	_ = 	snop  }
0x5: {  	_ = 	snop  }
0x6: {  	_ = 	snop  }
0x7: {  	_ = 	snop  }
__scs_overlays_trampoline_lowered:
0x8: {  	[smem:$0x3FA5] =	sst s0  }
0x9: {  	[smem:$0x3FA6] =	sst s1  }
0xa: {  	[smem:$0x3FA7] =	sst s2  }
0xb: {  	[smem:$0x3FA8] =	sst s3  }
0xc: {  	[smem:$0x3FA9] =	sst s4  }
0xd: {  	[smem:$0x3FAA] =	sst s5  }
0xe: {  	[smem:$0x3FAB] =	sst s6  }
0xf: {  	[smem:$0x3FAC] =	sst s7  }
0x10: {  	[smem:$0x3FAD] =	sst s8  }
0x11: {  	[smem:$0x3FAE] =	sst s9;
	s0 =	simm.s32 @!p0 $0x0  }
0x12: {  	s1 =	sld [smem:$0x3F94];
	s0 =	simm.s32 @p0 $0x1  }
0x13: {  	[smem:$0x3FAF] =	sst s0;
	s0 =	simm.s32 @!p1 $0x0  }
0x14: {  	s2 =	sld [smem:$0x3F93];
	s0 =	simm.s32 @p1 $0x1  }
0x15: {  	[smem:$0x3FB0] =	sst s0;
	s0 =	simm.s32 @!p2 $0x0  }
0x16: {  	s3 =	sld [smem:$0x3FDB];
	s0 =	simm.s32 @p2 $0x1  }
0x17: {  	s4 =	simm.s32 $0x1BF5;
	[smem:$0x3FB2] =	sst s0  }
0x18: {  	s0 =	sld [smem:$0x3F95];
	_ =	swait.ge [sflag:s4], $0x0  }
0x19: {  	s7 =	sld [smem:$0x3F96]  }
0x1a: {  	s8 =	sadd.s32 $0xFFFFE003, lr  }
0x1b: {  	s9 =	sadd.s32 $0xFFFFFEF7, lr;
	s5 =	simm.s32 $0xFFFFFFFF;
	p2 =	slt.u32 s8, $0xFFFFF086  }
0x1c: {  	p1 =	slt.u32 s9, $0xF7A;
	s5 =	simm.s32 @!p2 $0x0  }
0x1d: {  	s5 =	simm.s32 @p1 $0x1;
	p0 =	seq.s32 s7, s2  }
0x1e: {  	s7 =	smul.u32 @!p0 $0xF7A, s2;
	p2 =	seq.s32 @!p0 s5, $0x0  }
0x1f: {  	s9 =	smul.u32 $0xF7A, s1;
	s8 =	simm.s32 @!p0 $0x1BF5;
	p2 =	por !p2, p0  }
0x20: {  	[sflag:s8] =	ssyncset.s32 @!p0 $0xFFFFF086;
	s6 =	sadd.s32 @!p0 s3, s7;
	s7 =	simm.s32 @!p0 $0x108  }
0x21: {  	s3 =	sadd.s32 s3, s9;
	s6 =	sadd.s32 @!p0 $0x88, s6;
	s7 =	simm.s32 @p2 $0x1082  }
0x22: {  	[simem:s7], [sflag:s8] =	dma.local @!p0 [hbm:s6], $0xF7A  }
0x23: {  	s9 =	sor.u32 $0xD0000000, s2;
	s6 =	simm.s32 $0x108;
	_ =	swait.ge @!p0 [sflag:s8], $0x0  }
0x24: {  	s3 =	sadd.s32 $0x88, s3;
	s6 =	simm.s32 @!p1 $0x1082;
	[sflag:s4] =	ssyncset.s32 $0xFFFFF086  }
0x25: {  	[simem:s6], [sflag:s4] =	dma.local [hbm:s3], $0xF7A  }
0x26: {  	[smem:$0x3F96] =	sst s1;
	(tag) =	ssettag s2;
	_ =	strace s9  }
0x27: {  	s1 =	sld [smem:$0x3FA6]  }
0x28: {  	s2 =	sld [smem:$0x3FA7]  }
0x29: {  	s4 =	sld [smem:$0x3FA9]  }
0x2a: {  	p0 =	seq.s32 s5, $0x0;
	s5 =	sld [smem:$0x3FAA]  }
0x2b: {  	s6 =	sld [smem:$0x3FAB]  }
0x2c: {  	s7 =	sld [smem:$0x3FAC]  }
0x2d: {  	s3 =	simm.s32 $0x108;
	s8 =	sld [smem:$0x3FAD]  }
0x2e: {  	s3 =	simm.s32 @!p0 $0x1082;
	s9 =	sld [smem:$0x3FAE]  }
0x2f: {  	lr =	sadd.s32 s0, s3;
	s0 =	sld [smem:$0x3FA5]  }
0x30: {  	s3 =	sld [smem:$0x3FA8]  }
0x31: {  	[smem:$0x3FB1] =	sst s10  }
0x32: {  	s10 =	sld [smem:$0x3FAF];
	_ =	sdelay $0x3  }
0x33: {  	p0 =	seq.s32 s10, $0x1;
	s10 =	sld [smem:$0x3FB1];
	_ =	sdelay $0x3  }
0x34: {  	[smem:$0x3FB1] =	sst s10  }
0x35: {  	s10 =	sld [smem:$0x3FB0];
	_ =	sdelay $0x3  }
0x36: {  	p1 =	seq.s32 s10, $0x1;
	s10 =	sld [smem:$0x3FB1];
	_ =	sdelay $0x3  }
0x37: {  	[smem:$0x3FB1] =	sst s10  }
0x38: {  	s10 =	sld [smem:$0x3FB2]  }
0x39: {  	_ = 	snop;
	(pc) =	sbr.ind lr, $3  }
0x3a: {  	_ = 	snop  }
0x3b: {  	_ = 	snop  }
0x3c: {  	p2 =	seq.s32 s10, $0x1;
	s10 =	sld [smem:$0x3FB1]  }
0x3d: {  	_ =	shalt  }
0x3e: {  	_ =	shalt  }
0x3f: {  	_ =	shalt  }
0x40: {  	_ =	shalt  }
0x41: {  	_ =	shalt  }
0x42: {  	_ =	shalt  }
0x43: {  	_ =	shalt  }
0x44: {  	_ =	shalt  }
0x45: {  	_ =	shalt  }
0x46: {  	_ =	shalt  }
0x47: {  	_ =	shalt  }
0x48: {  	_ =	shalt  }
0x49: {  	_ =	shalt  }
0x4a: {  	_ =	shalt  }
0x4b: {  	_ =	shalt  }
0x4c: {  	_ =	shalt  }
0x4d: {  	_ =	shalt  }
0x4e: {  	_ =	shalt  }
0x4f: {  	_ =	shalt  }
0x50: {  	_ =	shalt  }
0x51: {  	_ =	shalt  }
0x52: {  	_ =	shalt  }
0x53: {  	_ =	shalt  }
0x54: {  	_ =	shalt  }
0x55: {  	_ =	shalt  }
0x56: {  	_ =	shalt  }
0x57: {  	_ =	shalt  }
0x58: {  	_ =	shalt  }
0x59: {  	_ =	shalt  }
0x5a: {  	_ =	shalt  }
0x5b: {  	_ =	shalt  }
0x5c: {  	_ =	shalt  }
0x5d: {  	_ =	shalt  }
0x5e: {  	_ =	shalt  }
0x5f: {  	_ =	shalt  }
0x60: {  	_ =	shalt  }
0x61: {  	_ =	shalt  }
0x62: {  	_ =	shalt  }
0x63: {  	_ =	shalt  }
0x64: {  	_ =	shalt  }
0x65: {  	_ =	shalt  }
0x66: {  	_ =	shalt  }
0x67: {  	_ =	shalt  }
0x68: {  	_ =	shalt  }
0x69: {  	_ =	shalt  }
0x6a: {  	_ =	shalt  }
0x6b: {  	_ =	shalt  }
0x6c: {  	_ =	shalt  }
0x6d: {  	_ =	shalt  }
0x6e: {  	_ =	shalt  }
0x6f: {  	_ =	shalt  }
0x70: {  	_ =	shalt  }
0x71: {  	_ =	shalt  }
0x72: {  	_ =	shalt  }
0x73: {  	_ =	shalt  }
0x74: {  	_ =	shalt  }
0x75: {  	_ =	shalt  }
0x76: {  	_ =	shalt  }
0x77: {  	_ =	shalt  }
0x78: {  	_ =	shalt  }
0x79: {  	_ =	shalt  }
0x7a: {  	_ =	shalt  }
0x7b: {  	_ =	shalt  }
0x7c: {  	_ =	shalt  }
0x7d: {  	_ =	shalt  }
0x7e: {  	_ =	shalt  }
0x7f: {  	_ =	shalt  }
0x80: {  	_ =	shalt  }
0x81: {  	_ =	shalt  }
0x82: {  	_ =	shalt  }
0x83: {  	_ =	shalt  }
0x84: {  	_ =	shalt  }
0x85: {  	_ =	shalt  }
0x86: {  	_ =	shalt  }
0x87: {  	_ =	shalt  }
.Lfunc_end0:
.L_simem_size_0:
called_computation_lowered:
.L_overlay_start_0:
0x88: {  	s2 =	sld [smem:$0x3FD9]  }
0x89: {  	s3 =	sld [smem:$0x3FFE];
	_ =	sdelay $0x1  }
0x8a: {  	s1 =	srdreg.scid  }
0x8b: {  	s0 =	sand.u32 $0x1, s1  }
0x8c: {  	s16 =	sshll.u32 s0, $0xA;
	s2 =	sadd.s32 s3, s2  }
0x8d: {  	s2 =	sadd.s32 s2, s16  }
0x8e: {  	[smem:$0x3FBD] =	sst s2  }
0x8f: {  	_ = 	snop  }
0x90: {  	(tm) =	ssettm $0x1  }
0x91: {  	s17 =	sld [smem:$0x3FFB];
	_ =	sdelay $0x3  }
0x92: {  	_ =	strace s17  }
0x93: {  	s2 =	sld [smem:$0x3FFC];
	_ =	sdelay $0x3  }
0x94: {  	_ =	strace s2  }
0x95: {  	s2 =	sld [smem:$0x3FFD];
	_ =	sdelay $0x3  }
0x96: {  	_ =	strace s2  }
0x97: {  	_ =	strace $0x8FFFFFFF  }
0x98: {  	s18 =	sld [smem:$0x3FDB];
	_ =	sdelay $0x1  }
0x99: {  	s19 =	simm.s32 $_scs_section_size  }
0x9a: {  	s4 =	simm.s32 $_size__tile_overlayer_lowered;
	s5 =	simm.s32 $_tile_overlayer_lowered  }
0x9b: {  	s22 =	simm.s32 $0x1BFF;
	s21 =	sshll.u32 s5, $0x1;
	s2 =	sadd.s32 s19, s18  }
0x9c: {  	s6 =	simm.s32 $0x0;
	s20 =	sshll.u32 s4, $0x1;
	s4 =	sadd.s32 s21, s2  }
0x9d: {  	[timem:s6], [sflag:s22] =	dma.local [hbm:s4], s20  }
0x9e: {  	_ =	swait.ge [sflag:s22], s20  }
0x9f: {  	s3 =	ssub.s32 $0x0, s20;
	[sflag:s22] =	ssyncset.done $0x0  }
0xa0: {  	[sflag:s22] =	ssyncadd.s32 s3;
	_ =	sdelay $0x1  }
0xa1: {  	s23 =	simm.s32 $0x1B8B  }
0xa2: {  	_ =	swait.ge [sflag:s23], $0x1  }
0xa3: {  	[sflag:s23] =	ssyncset.done $0x0  }
0xa4: {  	s25 =	simm.s32 $0x1B8E;
	s24 =	sld [smem:$0x3FFE];
	[sflag:s23] =	ssyncadd.s32 $0xFFFFFFFF  }
0xa5: {  	s26 =	simm.s32 $execute0_lowered;
	[smem:$0x3FD2] =	sst s25  }
0xa6: {  	s4 =	sshll.u32 s26, $0x1;
	_ =	strace $0x80000046;
	[dreg:$0x1] =	wrdreg $0xFFFFFFFF  }
0xa7: {  	s28 =	simm.s32 $_size_execute0_lowered;
	s2 =	sadd.s32 s2, s4;
	[dreg:$0x0] =	wrdreg $0x0  }
0xa8: {  	s4 =	sshll.u32 s28, $0x1;
	[dreg:$0x2] =	wrdreg s2  }
0xa9: {  	[dreg:$0x3] =	wrdreg s4  }
0xaa: {  	[dreg:$0x4] =	wrdreg $0xC0  }
0xab: {  	_ =	task [dreg:s6], $0x5FFFF  }
0xac: {  	[dreg:$0x1] =	wrdreg $0xFFFFFFFF  }
0xad: {  	[dreg:$0x0] =	wrdreg $0x60  }
0xae: {  	[dreg:$0x2] =	wrdreg s24  }
0xaf: {  	[dreg:$0x3] =	wrdreg $0xC0000  }
0xb0: {  	[dreg:$0x4] =	wrdreg $0x9  }
0xb1: {  	_ =	task.clear_ibuf [dreg:s6], $0x5FFFF;
	_ =	strace $0x90000046  }
0xb2: {  	s29 =	simm.s32 $0x9;
	_ =	strace $0x80000048  }
0xb3: {  	_ =	swait.ge [sflag:s29], $0x1  }
0xb4: {  	[sflag:s29] =	ssyncadd.s32 $0xFFFFFFFF  }
0xb5: {  	_ =	strace $0x90000048  }
0xb6: {  	_ =	sfence  }
0xb7: {  	s30 =	sld [smem:$0x0];
	_ =	sdelay $0x2  }
0xb8: {  	s31 =	sshll.u32 s1, $0xD;
	s1 =	sshrl.u32 s1, $0x2  }
0xb9: {  	s3 =	sand.u32 $0x4000, s31;
	s1 =	sadd.s32 s1, s30  }
0xba: {  	s0 =	sor.u32 s3, s0;
	s1 =	sshll.u32 s1, $0x11  }
0xbb: {  	s0 =	sor.u32 s1, s0  }
0xbc: {  	s0 =	sadd.s32 $0x8F2B, s0  }
0xbd: {  	[sflag:s0] =	ssyncadd.remote.s32 $0x1  }
0xbe: {  	_ =	sfence.sel $0xFFFF  }
0xbf: {  	[dreg:$0x0] =	wrdreg $0xFFFFFFFF;
	(pc) =	sbr.abs _section_cstart, $3  }
0xc0: {  	[dreg:$0x1] =	wrdreg $0xFFFFFFFF  }
0xc1: {  	_ =	task.clear_ibuf [dreg:s6], $0x2FFFF;
	_ =	strace $0x9FFFFFFF  }
0xc2: {  	(tm) =	ssettm $0x7FFFFFFF  }
0xc3: {  	_ =	shalt  }
tec
execute0_lowered:
.L_overlay_start_1:
0x0: {  	(tag) =	ssettag $0x1  }
0x1: {  	s0 =	rddreg [dreg:$0x0]  }
0x2: {  	s2 =	rddreg [dreg:$0x1];
	s3 =	simm.s32 $0x0;
	s11 =	stileid.u32  }
0x3: {  	s1 =	srdreg.scid;
	s16 =	simm.s32 $0x4000;
	s17 =	simm.s32 $0x5  }
0x4: {  	s18 =	simm.s32 $0x2000;
	s19 =	simm.s32 $0x40;
	s20 =	simm.s32 $0x2040  }
0x5: {  	s21 =	simm.s32 $0x6000;
	s28 =	simm.s32 $0x2;
	s29 =	simm.s32 $0x80  }
0x6: {  	s30 =	simm.s32 $0x3;
	s31 =	simm.s32 $0x4;
	s5 =	smul.u32 $0x2800, s11  }
0x7: {  	[smem:$0x7FF] =	sst s3;
	s1 =	sand.u32 $0x1, s1;
	s6 =	smul.u32 $0x50000, s11  }
0x8: {  	s4 =	sadd.s32 $0x5600, s0;
	s7 =	sadd.s32 $0x2D600, s0;
	s13 =	sadd.s32 $0x3D600, s0  }
0x9: {  	s25 =	sshll.u32 s11, $0xB;
	_ =	strace $0x80000047;
	s8 =	smul.u32 $0x28000, s1  }
0xa: {  	s9 =	ssub.s32 $0x2, s1;
	s1 =	sshll.u32 s1, $0xF;
	s6 =	sshrl.u32 s6, $0x2  }
0xb: {  	s10 =	sshrl.u32 s9, $0x1;
	s1 =	sor.u32 s25, s1;
	s25 =	simm.s32 $0xA000  }
0xc: {  	s8 =	sadd.s32 s5, s8;
	s5 =	sadd.s32 s6, s2;
	s22 =	ssub.s32 s9, s10  }
0xd: {  	s10 =	sadd.s32 s7, s1;
	s11 =	sadd.s32 s13, s1;
	s1 =	sor.u32 $0x400, s1  }
0xe: {  	s0 =	sadd.s32 s8, s0;
	s23 =	sadd.s32 $0x4000, s5;
	s24 =	sadd.s32 $0x8000, s5  }
0xf: {  	s26 =	sadd.s32 $0xC000, s5;
	s9 =	sadd.s32 $0x10000, s5;
	s12 =	sadd.s32 s7, s1  }
0x10: {  	s13 =	sadd.s32 s13, s1;
	s15 =	smax.u32 s22, $0x1;
	[dreg:$0x3] =	wrdreg s23  }
0x11: {  	s22 =	simm.s32 $0x2080;
	s1 =	simm.s32 $0x1F80;
	[dreg:$0x4] =	wrdreg s24  }
0x12: {  	[dreg:$0x5] =	wrdreg s26;
	s14 =	sadd.s32 $0x4D600, s0;
	s23 =	simm.s32 $0x8000  }
0x13: {  	v0 =	vimm.f32 $0.0e+00;
	s24 =	simm.s32 $0x20C0;
	s26 =	simm.s32 $0x1;
	s0 =	simm.s32 $0x1F00  }
.LBB2_1:
0x14: {  	s6 =	simm.s32 $0x0;
	s7 =	simm.s32 $0x200  }
.LBB2_2:
0x15: {  	p0 =	sne.s32 s7, $0xFE00;
	[tilespmem:s6+$0x4070] =	vst v0  }
0x16: {  	[tilespmem:s6+$0x4000] =	vst v0  }
0x17: {  	[tilespmem:s6+$0x4010] =	vst v0  }
.Ltmp0:
0x18: {  	[tilespmem:s6+$0x4020] =	vst v0;
	(pc) =	sbr.rel @p0 .LBB2_2-.Ltmp0, $4  }
0x19: {  	[tilespmem:s6+$0x4030] =	vst v0  }
0x1a: {  	[tilespmem:s6+$0x4040] =	vst v0  }
0x1b: {  	[tilespmem:s6+$0x4050] =	vst v0  }
0x1c: {  	[tilespmem:s6+$0x4060] =	vst v0;
	s6 =	sshra.s32 s7, $0x2;
	s7 =	sadd.s32 $0x200, s7  }
0x1d: {  	[tilespmem:s6+$0x4070] =	vst v0  }
0x1e: {  	[tilespmem:s6+$0x4000] =	vst v0  }
0x1f: {  	[tilespmem:s6+$0x4010] =	vst v0  }
0x20: {  	[tilespmem:s6+$0x4020] =	vst v0  }
0x21: {  	[tilespmem:s6+$0x4030] =	vst v0  }
0x22: {  	[tilespmem:s6+$0x4040] =	vst v0  }
0x23: {  	[tilespmem:s6+$0x4050] =	vst v0  }
0x24: {  	[tilespmem:s6+$0x4060] =	vst v0  }
0x25: {  	[spmem:s5] =	stream.linear.scatter [tilespmem:s16], [sflag:$0x5], $0x4000, $0x38;
	v63 =	vld [tilespmem:$0x0]  }
0x26: {  	_ =	swait.ge [sflag:s17], $0x4000  }
0x27: {  	[sflag:s17] =	ssyncset.done $0x0  }
0x28: {  	s8 =	rddreg [dreg:$0x3];
	[sflag:s17] =	ssyncadd.s32 $0xFFFFC000  }
0x29: {  	[spmem:s8] =	stream.linear.scatter [tilespmem:s16], [sflag:$0x5], $0x4000, $0x38;
	v63 =	vld [tilespmem:$0x0]  }
0x2a: {  	_ =	swait.ge [sflag:s17], $0x4000  }
0x2b: {  	[sflag:s17] =	ssyncset.done $0x0  }
0x2c: {  	s7 =	rddreg [dreg:$0x4];
	[sflag:s17] =	ssyncadd.s32 $0xFFFFC000  }
0x2d: {  	[spmem:s7] =	stream.linear.scatter [tilespmem:s16], [sflag:$0x5], $0x4000, $0x38;
	v63 =	vld [tilespmem:$0x0]  }
0x2e: {  	_ =	swait.ge [sflag:s17], $0x4000  }
0x2f: {  	[sflag:s17] =	ssyncset.done $0x0  }
0x30: {  	s8 =	rddreg [dreg:$0x5];
	[sflag:s17] =	ssyncadd.s32 $0xFFFFC000  }
0x31: {  	[spmem:s8] =	stream.linear.scatter [tilespmem:s16], [sflag:$0x5], $0x4000, $0x38;
	v63 =	vld [tilespmem:$0x0]  }
0x32: {  	_ =	swait.ge [sflag:s17], $0x4000  }
0x33: {  	[sflag:s17] =	ssyncset.done $0x0  }
0x34: {  	[sflag:s17] =	ssyncadd.s32 $0xFFFFC000  }
0x35: {  	[spmem:s9] =	stream.linear.scatter [tilespmem:s16], [sflag:$0x5], $0x4000, $0x38;
	v63 =	vld [tilespmem:$0x0]  }
0x36: {  	_ =	swait.ge [sflag:s17], $0x4000  }
0x37: {  	[sflag:s17] =	ssyncset.done $0x0  }
0x38: {  	[sflag:s17] =	ssyncadd.s32 $0xFFFFC000  }
0x39: {  	s7 =	simm.s32 $0x0;
	[bflag:$0x0] =	sbarrier.arrive $0xFFFF  }
0x3a: {  	[tilespmem:s7], [sflag:$0x5] =	stream.linear.gather [hbm4b:s10+s7], $0x2000, $0x38;
	v63 =	vld [tilespmem:$0x0]  }
0x3b: {  	_ =	swait.ge [sflag:s17], $0x2000  }
0x3c: {  	[sflag:s17] =	ssyncset.done $0x0  }
0x3d: {  	[sflag:s17] =	ssyncadd.s32 $0xFFFFE000  }
0x3e: {  	[tilespmem:s18], [sflag:$0x5] =	stream.linear.gather [hbm4b:s11+s7], $0x2000, $0x38;
	v63 =	vld [tilespmem:$0x0]  }
0x3f: {  	_ =	swait.ge [sflag:s17], $0x2000  }
0x40: {  	[sflag:s17] =	ssyncset.done $0x0  }
0x41: {  	[sflag:s17] =	ssyncadd.s32 $0xFFFFE000  }
0x42: {  	[tilespmem:s16], [sflag:$0x1] =	stream.indirect.gather [hbm4b:s4+s19], $0x80, s18, s19, $0xb8;
	v63 =	vld [tilespmem:$0x0]  }
0x43: {  	_ = 	snop  }
0x44: {  	[tilespmem:s21], [sflag:$0x2] =	stream.indirect.gather [hbm4b:s4+s19], $0x80, s20, s19, $0xb8;
	v63 =	vld [tilespmem:$0x0]  }
0x45: {  	_ = 	snop  }
0x46: {  	[tilespmem:s23], [sflag:$0x3] =	stream.indirect.gather [hbm4b:s4+s19], $0x80, s22, s19, $0xb8;
	v63 =	vld [tilespmem:$0x0]  }
0x47: {  	_ = 	snop  }
0x48: {  	[tilespmem:s25], [sflag:$0x4] =	stream.indirect.gather [hbm4b:s4+s19], $0x80, s24, s19, $0xb8;
	v63 =	vld [tilespmem:$0x0]  }
0x49: {  	_ =	swait.ge [sflag:s26], $0x2000  }
0x4a: {  	[sflag:s26] =	ssyncset.done $0x0  }
0x4b: {  	[sflag:s26] =	ssyncadd.s32 $0xFFFFE000  }
0x4c: {  	_ =	swait.ge [sflag:s28], $0x2000  }
0x4d: {  	[sflag:s28] =	ssyncset.done $0x0  }
0x4e: {  	s8 =	simm.s32 $0x0;
	[sflag:s28] =	ssyncadd.s32 $0xFFFFE000  }
0x4f: {  	[spmem:s2] =	stream.indirect.scatter.add.f32 [tilespmem:s16], [sflag:$0x5], $0x80, s8, s29, $0xb8;
	v63 =	vld [tilespmem:$0x0]  }
0x50: {  	_ =	swait.ge [sflag:s17], $0x4000  }
0x51: {  	[sflag:s17] =	ssyncset.done $0x0  }
0x52: {  	s7 =	simm.s32 $0x2100;
	[sflag:s17] =	ssyncadd.s32 $0xFFFFC000  }
0x53: {  	[tilespmem:s16], [sflag:$0x1] =	stream.indirect.gather [hbm4b:s4+s19], $0x80, s7, s19, $0xb8;
	v63 =	vld [tilespmem:$0x0]  }
0x54: {  	s8 =	simm.s32 $0x2140  }
0x55: {  	[tilespmem:s21], [sflag:$0x2] =	stream.indirect.gather [hbm4b:s4+s19], $0x80, s8, s19, $0xb8;
	v63 =	vld [tilespmem:$0x0]  }
0x56: {  	_ =	swait.ge [sflag:s30], $0x2000  }
0x57: {  	[sflag:s30] =	ssyncset.done $0x0  }
0x58: {  	[sflag:s30] =	ssyncadd.s32 $0xFFFFE000  }
0x59: {  	_ =	swait.ge [sflag:s31], $0x2000  }
0x5a: {  	[sflag:s31] =	ssyncset.done $0x0  }
0x5b: {  	s7 =	simm.s32 $0x80;
	[sflag:s31] =	ssyncadd.s32 $0xFFFFE000  }
0x5c: {  	[spmem:s2] =	stream.indirect.scatter.add.f32 [tilespmem:s23], [sflag:$0x5], $0x80, s7, s29, $0xb8;
	v63 =	vld [tilespmem:$0x0]  }
0x5d: {  	_ =	swait.ge [sflag:s17], $0x4000  }
0x5e: {  	s6 =	simm.s32 $0x400;
	[sflag:s17] =	ssyncset.done $0x0  }
0x5f: {  	s8 =	simm.s32 $0x2180;
	s7 =	simm.s32 $0x21C0;
	[sflag:s17] =	ssyncadd.s32 $0xFFFFC000  }
0x60: {  	[tilespmem:s23], [sflag:$0x3] =	stream.indirect.gather [hbm4b:s4+s19], $0x80, s8, s19, $0xb8;
	v63 =	vld [tilespmem:$0x0]  }
.LBB2_4:
0x61: {  	[tilespmem:s25], [sflag:$0x4] =	stream.indirect.gather [hbm4b:s4+s19], $0x80, s7, s19, $0xb8;
	v63 =	vld [tilespmem:$0x0]  }
0x62: {  	s7 =	smov.u32 s6  }
0x63: {  	p0 =	sne.s32 s6, $0x7800;
	s6 =	sadd.s32 $0x400, s6;
	_ =	swait.ge [sflag:s26], $0x2000  }
0x64: {  	[sflag:s26] =	ssyncset.done $0x0  }
0x65: {  	[sflag:s26] =	ssyncadd.s32 $0xFFFFE000  }
0x66: {  	_ =	swait.ge [sflag:s28], $0x2000  }
0x67: {  	[sflag:s28] =	ssyncset.done $0x0  }
0x68: {  	s7 =	sshra.s32 s7, $0x2;
	[sflag:s28] =	ssyncadd.s32 $0xFFFFE000  }
0x69: {  	[spmem:s2] =	stream.indirect.scatter.add.f32 [tilespmem:s16], [sflag:$0x5], $0x80, s7, s29, $0xb8;
	v63 =	vld [tilespmem:$0x0]  }
0x6a: {  	_ =	swait.ge [sflag:s17], $0x4000  }
0x6b: {  	[sflag:s17] =	ssyncset.done $0x0  }
0x6c: {  	s8 =	sadd.s32 $0x2100, s7;
	[sflag:s17] =	ssyncadd.s32 $0xFFFFC000  }
0x6d: {  	[tilespmem:s16], [sflag:$0x1] =	stream.indirect.gather [hbm4b:s4+s19], $0x80, s8, s19, $0xb8;
	v63 =	vld [tilespmem:$0x0]  }
0x6e: {  	s8 =	sadd.s32 $0x2140, s7  }
0x6f: {  	[tilespmem:s21], [sflag:$0x2] =	stream.indirect.gather [hbm4b:s4+s19], $0x80, s8, s19, $0xb8;
	v63 =	vld [tilespmem:$0x0]  }
0x70: {  	_ =	swait.ge [sflag:s30], $0x2000  }
0x71: {  	[sflag:s30] =	ssyncset.done $0x0  }
0x72: {  	[sflag:s30] =	ssyncadd.s32 $0xFFFFE000  }
0x73: {  	_ =	swait.ge [sflag:s31], $0x2000  }
0x74: {  	[sflag:s31] =	ssyncset.done $0x0  }
0x75: {  	s8 =	sadd.s32 $0x80, s7;
	[sflag:s31] =	ssyncadd.s32 $0xFFFFE000  }
0x76: {  	[spmem:s2] =	stream.indirect.scatter.add.f32 [tilespmem:s23], [sflag:$0x5], $0x80, s8, s29, $0xb8;
	v63 =	vld [tilespmem:$0x0]  }
.Ltmp1:
0x77: {  	_ =	swait.ge [sflag:s17], $0x4000;
	(pc) =	sbr.rel @p0 .LBB2_4-.Ltmp1, $4  }
0x78: {  	[sflag:s17] =	ssyncset.done $0x0  }
0x79: {  	s8 =	sadd.s32 $0x2180, s7;
	[sflag:s17] =	ssyncadd.s32 $0xFFFFC000  }
0x7a: {  	[tilespmem:s23], [sflag:$0x3] =	stream.indirect.gather [hbm4b:s4+s19], $0x80, s8, s19, $0xb8;
	v63 =	vld [tilespmem:$0x0]  }
0x7b: {  	s7 =	sadd.s32 $0x21C0, s7  }
0x7c: {  	[tilespmem:s25], [sflag:$0x4] =	stream.indirect.gather [hbm4b:s4+s19], $0x80, s7, s19, $0xb8;
	v63 =	vld [tilespmem:$0x0]  }
0x7d: {  	_ =	swait.ge [sflag:s26], $0x2000  }
0x7e: {  	[sflag:s26] =	ssyncset.done $0x0  }
0x7f: {  	[sflag:s26] =	ssyncadd.s32 $0xFFFFE000  }
0x80: {  	_ =	swait.ge [sflag:s28], $0x2000  }
0x81: {  	[sflag:s28] =	ssyncset.done $0x0  }
0x82: {  	[sflag:s28] =	ssyncadd.s32 $0xFFFFE000  }
0x83: {  	[spmem:s2] =	stream.indirect.scatter.add.f32 [tilespmem:s16], [sflag:$0x5], $0x80, s0, s29, $0xb8;
	v63 =	vld [tilespmem:$0x0]  }
0x84: {  	_ =	swait.ge [sflag:s17], $0x4000  }
0x85: {  	[sflag:s17] =	ssyncset.done $0x0  }
0x86: {  	[sflag:s17] =	ssyncadd.s32 $0xFFFFC000  }
0x87: {  	_ =	swait.ge [sflag:s30], $0x2000  }
0x88: {  	[sflag:s30] =	ssyncset.done $0x0  }
0x89: {  	[sflag:s30] =	ssyncadd.s32 $0xFFFFE000  }
0x8a: {  	_ =	swait.ge [sflag:s31], $0x2000  }
0x8b: {  	[sflag:s31] =	ssyncset.done $0x0  }
0x8c: {  	[sflag:s31] =	ssyncadd.s32 $0xFFFFE000  }
0x8d: {  	[spmem:s2] =	stream.indirect.scatter.add.f32 [tilespmem:s23], [sflag:$0x5], $0x80, s1, s29, $0xb8;
	v63 =	vld [tilespmem:$0x0]  }
0x8e: {  	_ =	swait.ge [sflag:s17], $0x4000  }
0x8f: {  	[sflag:s17] =	ssyncset.done $0x0  }
0x90: {  	s6 =	simm.s32 $0x0;
	[sflag:s17] =	ssyncadd.s32 $0xFFFFC000  }
0x91: {  	[tilespmem:s6], [sflag:$0x5] =	stream.linear.gather [hbm4b:s12+s6], $0x2000, $0x38;
	v63 =	vld [tilespmem:$0x0]  }
0x92: {  	_ =	swait.ge [sflag:s17], $0x2000  }
0x93: {  	[sflag:s17] =	ssyncset.done $0x0  }
0x94: {  	[sflag:s17] =	ssyncadd.s32 $0xFFFFE000  }
0x95: {  	[tilespmem:s18], [sflag:$0x5] =	stream.linear.gather [hbm4b:s13+s6], $0x2000, $0x38;
	v63 =	vld [tilespmem:$0x0]  }
0x96: {  	_ =	swait.ge [sflag:s17], $0x2000  }
0x97: {  	[sflag:s17] =	ssyncset.done $0x0  }
0x98: {  	[sflag:s17] =	ssyncadd.s32 $0xFFFFE000  }
0x99: {  	[tilespmem:s16], [sflag:$0x1] =	stream.indirect.gather [hbm4b:s4+s19], $0x80, s18, s19, $0xb8;
	v63 =	vld [tilespmem:$0x0]  }
0x9a: {  	_ = 	snop  }
0x9b: {  	[tilespmem:s21], [sflag:$0x2] =	stream.indirect.gather [hbm4b:s4+s19], $0x80, s20, s19, $0xb8;
	v63 =	vld [tilespmem:$0x0]  }
0x9c: {  	_ = 	snop  }
0x9d: {  	[tilespmem:s23], [sflag:$0x3] =	stream.indirect.gather [hbm4b:s4+s19], $0x80, s22, s19, $0xb8;
	v63 =	vld [tilespmem:$0x0]  }
0x9e: {  	_ = 	snop  }
0x9f: {  	[tilespmem:s25], [sflag:$0x4] =	stream.indirect.gather [hbm4b:s4+s19], $0x80, s24, s19, $0xb8;
	v63 =	vld [tilespmem:$0x0]  }
0xa0: {  	_ =	swait.ge [sflag:s26], $0x2000  }
0xa1: {  	[sflag:s26] =	ssyncset.done $0x0  }
0xa2: {  	[sflag:s26] =	ssyncadd.s32 $0xFFFFE000  }
0xa3: {  	_ =	swait.ge [sflag:s28], $0x2000  }
0xa4: {  	[sflag:s28] =	ssyncset.done $0x0  }
0xa5: {  	s8 =	simm.s32 $0x0;
	[sflag:s28] =	ssyncadd.s32 $0xFFFFE000  }
0xa6: {  	[spmem:s2] =	stream.indirect.scatter.add.f32 [tilespmem:s16], [sflag:$0x5], $0x80, s8, s29, $0xb8;
	v63 =	vld [tilespmem:$0x0]  }
0xa7: {  	_ =	swait.ge [sflag:s17], $0x4000  }
0xa8: {  	[sflag:s17] =	ssyncset.done $0x0  }
0xa9: {  	s7 =	simm.s32 $0x2100;
	[sflag:s17] =	ssyncadd.s32 $0xFFFFC000  }
0xaa: {  	[tilespmem:s16], [sflag:$0x1] =	stream.indirect.gather [hbm4b:s4+s19], $0x80, s7, s19, $0xb8;
	v63 =	vld [tilespmem:$0x0]  }
0xab: {  	s8 =	simm.s32 $0x2140  }
0xac: {  	[tilespmem:s21], [sflag:$0x2] =	stream.indirect.gather [hbm4b:s4+s19], $0x80, s8, s19, $0xb8;
	v63 =	vld [tilespmem:$0x0]  }
0xad: {  	_ =	swait.ge [sflag:s30], $0x2000  }
0xae: {  	[sflag:s30] =	ssyncset.done $0x0  }
0xaf: {  	[sflag:s30] =	ssyncadd.s32 $0xFFFFE000  }
0xb0: {  	_ =	swait.ge [sflag:s31], $0x2000  }
0xb1: {  	[sflag:s31] =	ssyncset.done $0x0  }
0xb2: {  	s7 =	simm.s32 $0x80;
	[sflag:s31] =	ssyncadd.s32 $0xFFFFE000  }
0xb3: {  	[spmem:s2] =	stream.indirect.scatter.add.f32 [tilespmem:s23], [sflag:$0x5], $0x80, s7, s29, $0xb8;
	v63 =	vld [tilespmem:$0x0]  }
0xb4: {  	_ =	swait.ge [sflag:s17], $0x4000  }
0xb5: {  	s6 =	simm.s32 $0x400;
	[sflag:s17] =	ssyncset.done $0x0  }
0xb6: {  	s8 =	simm.s32 $0x2180;
	s7 =	simm.s32 $0x21C0;
	[sflag:s17] =	ssyncadd.s32 $0xFFFFC000  }
0xb7: {  	[tilespmem:s23], [sflag:$0x3] =	stream.indirect.gather [hbm4b:s4+s19], $0x80, s8, s19, $0xb8;
	v63 =	vld [tilespmem:$0x0]  }
.LBB2_6:
0xb8: {  	[tilespmem:s25], [sflag:$0x4] =	stream.indirect.gather [hbm4b:s4+s19], $0x80, s7, s19, $0xb8;
	v63 =	vld [tilespmem:$0x0]  }
0xb9: {  	s7 =	smov.u32 s6  }
0xba: {  	p0 =	sne.s32 s6, $0x7800;
	s6 =	sadd.s32 $0x400, s6;
	_ =	swait.ge [sflag:s26], $0x2000  }
0xbb: {  	[sflag:s26] =	ssyncset.done $0x0  }
0xbc: {  	[sflag:s26] =	ssyncadd.s32 $0xFFFFE000  }
0xbd: {  	_ =	swait.ge [sflag:s28], $0x2000  }
0xbe: {  	[sflag:s28] =	ssyncset.done $0x0  }
0xbf: {  	s7 =	sshra.s32 s7, $0x2;
	[sflag:s28] =	ssyncadd.s32 $0xFFFFE000  }
0xc0: {  	[spmem:s2] =	stream.indirect.scatter.add.f32 [tilespmem:s16], [sflag:$0x5], $0x80, s7, s29, $0xb8;
	v63 =	vld [tilespmem:$0x0]  }
0xc1: {  	_ =	swait.ge [sflag:s17], $0x4000  }
0xc2: {  	[sflag:s17] =	ssyncset.done $0x0  }
0xc3: {  	s8 =	sadd.s32 $0x2100, s7;
	[sflag:s17] =	ssyncadd.s32 $0xFFFFC000  }
0xc4: {  	[tilespmem:s16], [sflag:$0x1] =	stream.indirect.gather [hbm4b:s4+s19], $0x80, s8, s19, $0xb8;
	v63 =	vld [tilespmem:$0x0]  }
0xc5: {  	s8 =	sadd.s32 $0x2140, s7  }
0xc6: {  	[tilespmem:s21], [sflag:$0x2] =	stream.indirect.gather [hbm4b:s4+s19], $0x80, s8, s19, $0xb8;
	v63 =	vld [tilespmem:$0x0]  }
0xc7: {  	_ =	swait.ge [sflag:s30], $0x2000  }
0xc8: {  	[sflag:s30] =	ssyncset.done $0x0  }
0xc9: {  	[sflag:s30] =	ssyncadd.s32 $0xFFFFE000  }
0xca: {  	_ =	swait.ge [sflag:s31], $0x2000  }
0xcb: {  	[sflag:s31] =	ssyncset.done $0x0  }
0xcc: {  	s8 =	sadd.s32 $0x80, s7;
	[sflag:s31] =	ssyncadd.s32 $0xFFFFE000  }
0xcd: {  	[spmem:s2] =	stream.indirect.scatter.add.f32 [tilespmem:s23], [sflag:$0x5], $0x80, s8, s29, $0xb8;
	v63 =	vld [tilespmem:$0x0]  }
.Ltmp2:
0xce: {  	_ =	swait.ge [sflag:s17], $0x4000;
	(pc) =	sbr.rel @p0 .LBB2_6-.Ltmp2, $4  }
0xcf: {  	[sflag:s17] =	ssyncset.done $0x0  }
0xd0: {  	s8 =	sadd.s32 $0x2180, s7;
	[sflag:s17] =	ssyncadd.s32 $0xFFFFC000  }
0xd1: {  	[tilespmem:s23], [sflag:$0x3] =	stream.indirect.gather [hbm4b:s4+s19], $0x80, s8, s19, $0xb8;
	v63 =	vld [tilespmem:$0x0]  }
0xd2: {  	s7 =	sadd.s32 $0x21C0, s7  }
0xd3: {  	[tilespmem:s25], [sflag:$0x4] =	stream.indirect.gather [hbm4b:s4+s19], $0x80, s7, s19, $0xb8;
	v63 =	vld [tilespmem:$0x0]  }
0xd4: {  	_ =	swait.ge [sflag:s26], $0x2000  }
0xd5: {  	[sflag:s26] =	ssyncset.done $0x0  }
0xd6: {  	[sflag:s26] =	ssyncadd.s32 $0xFFFFE000  }
0xd7: {  	_ =	swait.ge [sflag:s28], $0x2000  }
0xd8: {  	[sflag:s28] =	ssyncset.done $0x0  }
0xd9: {  	[sflag:s28] =	ssyncadd.s32 $0xFFFFE000  }
0xda: {  	[spmem:s2] =	stream.indirect.scatter.add.f32 [tilespmem:s16], [sflag:$0x5], $0x80, s0, s29, $0xb8;
	v63 =	vld [tilespmem:$0x0]  }
0xdb: {  	_ =	swait.ge [sflag:s17], $0x4000  }
0xdc: {  	[sflag:s17] =	ssyncset.done $0x0  }
0xdd: {  	[sflag:s17] =	ssyncadd.s32 $0xFFFFC000  }
0xde: {  	_ =	swait.ge [sflag:s30], $0x2000  }
0xdf: {  	[sflag:s30] =	ssyncset.done $0x0  }
0xe0: {  	[sflag:s30] =	ssyncadd.s32 $0xFFFFE000  }
0xe1: {  	_ =	swait.ge [sflag:s31], $0x2000  }
0xe2: {  	[sflag:s31] =	ssyncset.done $0x0  }
0xe3: {  	[sflag:s31] =	ssyncadd.s32 $0xFFFFE000  }
0xe4: {  	[spmem:s2] =	stream.indirect.scatter.add.f32 [tilespmem:s23], [sflag:$0x5], $0x80, s1, s29, $0xb8;
	v63 =	vld [tilespmem:$0x0]  }
0xe5: {  	s6 =	stileid.u32;
	_ =	swait.ge [sflag:s17], $0x4000  }
0xe6: {  	s8 =	sshrl.u32 s5, $0x3;
	s3 =	sadd.s32 $0x1, s3;
	[sflag:s17] =	ssyncset.done $0x0  }
0xe7: {  	s6 =	sshll.u32 s6, $0x6;
	p0 =	sne.s32 s3, s15;
	[sflag:s17] =	ssyncadd.s32 $0xFFFFC000  }
.Ltmp3:
0xe8: {  	s6 =	sor.u32 $0x1C05, s6;
	[bflag:$0x0] =	sbarrier.arrive $0xFFFF;
	(pc) =	sbr.rel @p0 .LBB2_1-.Ltmp3, $4  }
0xe9: {  	[hbm:s14], [sflag:s6] =	dma.local [spmem:s8], $0x2800  }
0xea: {  	_ =	swait.ge [sflag:s17], $0x2800  }
0xeb: {  	[sflag:s17] =	ssyncset.done $0x0  }
0xec: {  	[sflag:s17] =	ssyncadd.s32 $0xFFFFD800  }
0xed: {  	_ =	sfence.sel $0x180000  }
0xee: {  	[bflag:$0x0] =	sbarrier.arrive $0xFFFF  }
0xef: {  	_ =	strace $0x90000047  }
0xf0: {  	s0 =	stileid.u32;
	[bflag:$0x2] =	sbarrier.arrive $0xFFFF  }
0xf1: {  	p0 =	sne.s32 s0, $0x0;
	s0 =	rddreg [dreg:$0x2]  }
0xf2: {  	s0 =	sadd.s32 @!p0 $0x100000, s0  }
0xf3: {  	[sflag:s0] =	ssyncadd.tile.s32 @!p0 $0x1;
	_ =	shalt  }
.Lfunc_end2:
_tile_overlayer_lowered:
.L_overlay_start_2:
0xf4: {  	(tag) =	ssettag $0x2  }
0xf5: {  	s0 =	rddreg [dreg:$0x0];
	s2 =	stileid.u32  }
0xf6: {  	s1 =	rddreg [dreg:$0x1];
	p0 =	sne.s32 s2, $0x0  }
0xf7: {  	s3 =	rddreg [dreg:$0x2];
	[bflag:$0x3] =	sbarrier.arrive $0xFFFF;
	s2 =	simm.s32 @!p0 $0x1C05  }
0xf8: {  	[timem:s3], [sflag:s2] =	dma.local @!p0 [hbm:s0], s1  }
0xf9: {  	s0 =	simm.s32 @!p0 $0x5  }
0xfa: {  	_ =	swait.ge @!p0 [sflag:s0], s1  }
0xfb: {  	s1 =	ssub.s32 @!p0 $0x0, s1;
	[sflag:s0] =	ssyncset.done @!p0 $0x0  }
0xfc: {  	[sflag:s0] =	ssyncadd.s32 @!p0 s1  }
0xfd: {  	[bflag:$0x3] =	sbarrier.arrive $0xFFFF  }
0xfe: {  	_ =	shalt  }

</sc_bundles>
